<compile_context>
chip_gen: v7x
topology: tpu7x:2x2x1
jax: 0.10.2.dev20260603
libtpu: 0.0.44.dev20260713+nightly
codegen_flags: <defaults>
</compile_context>

<pallas_src>
import jax
import jax.numpy as jnp
from jax import lax
from jax.experimental import pallas as pl
from jax.experimental.pallas import tpu as pltpu, tpu_sc as plsc

N = 10000
NP = 10240
E = 320000
IN_DIM = 128
HID = 128
NCLS = 64
H0 = 2
NEG_SLOPE = 0.2

EPB = 128
EB = 2560
E_PAD = EB * EPB
BPT0 = EB // 16
BPT1 = EB // 32
RPT = NP // 16
SB = 16
BR = 256
EPS = 1e-9



def _tc_prep0(x, W0, al0, ar0):

    def body(x_ref, w_ref, al_ref, ar_ref, feat_ref, el_ref, er_ref):
        feat = jnp.dot(x_ref[...], w_ref[...], preferred_element_type=jnp.float32)
        fh = feat.reshape(BR, H0, HID).transpose(1, 0, 2)
        el_ref[...] = jnp.sum(fh * al_ref[...][:, None, :], axis=-1)
        er_ref[...] = jnp.sum(fh * ar_ref[...][:, None, :], axis=-1)
        feat_ref[...] = fh

    return pl.pallas_call(
        body,
        grid=(NP // BR,),
        in_specs=[
            pl.BlockSpec((BR, IN_DIM), lambda i: (i, 0)),
            pl.BlockSpec((IN_DIM, H0 * HID), lambda i: (0, 0)),
            pl.BlockSpec((H0, HID), lambda i: (0, 0)),
            pl.BlockSpec((H0, HID), lambda i: (0, 0)),
        ],
        out_specs=[
            pl.BlockSpec((H0, BR, HID), lambda i: (0, i, 0)),
            pl.BlockSpec((H0, BR), lambda i: (0, i)),
            pl.BlockSpec((H0, BR), lambda i: (0, i)),
        ],
        out_shape=[
            jax.ShapeDtypeStruct((H0, NP, HID), jnp.float32),
            jax.ShapeDtypeStruct((H0, NP), jnp.float32),
            jax.ShapeDtypeStruct((H0, NP), jnp.float32),
        ],
    )(x, W0, al0, ar0)


def _tc_mid(acc0, den0, b0, W1, al1, ar1):

    def body(acc_ref, den_ref, b_ref, w_ref, al_ref, ar_ref,
             f_ref, el_ref, er_ref):
        den = den_ref[...]
        hv = acc_ref[...] / (den[:, :, None] + EPS) + b_ref[...][:, None, :]
        hv = jnp.where(hv > 0, hv, jnp.exp(hv) - 1.0)
        hflat = hv.transpose(1, 0, 2).reshape(BR, H0 * HID)
        f1 = jnp.dot(hflat, w_ref[...], preferred_element_type=jnp.float32)
        el_ref[...] = jnp.sum(f1 * al_ref[...], axis=-1)
        er_ref[...] = jnp.sum(f1 * ar_ref[...], axis=-1)
        f_ref[...] = jnp.concatenate(
            [f1, jnp.zeros((BR, HID - NCLS), jnp.float32)], axis=1)

    return pl.pallas_call(
        body,
        grid=(NP // BR,),
        in_specs=[
            pl.BlockSpec((H0, BR, HID), lambda i: (0, i, 0)),
            pl.BlockSpec((H0, BR), lambda i: (0, i)),
            pl.BlockSpec((H0, HID), lambda i: (0, 0)),
            pl.BlockSpec((H0 * HID, NCLS), lambda i: (0, 0)),
            pl.BlockSpec((1, NCLS), lambda i: (0, 0)),
            pl.BlockSpec((1, NCLS), lambda i: (0, 0)),
        ],
        out_specs=[
            pl.BlockSpec((BR, HID), lambda i: (i, 0)),
            pl.BlockSpec((BR,), lambda i: (i,)),
            pl.BlockSpec((BR,), lambda i: (i,)),
        ],
        out_shape=[
            jax.ShapeDtypeStruct((NP, HID), jnp.float32),
            jax.ShapeDtypeStruct((NP,), jnp.float32),
            jax.ShapeDtypeStruct((NP,), jnp.float32),
        ],
    )(acc0, den0, b0, W1, al1, ar1)


def _tc_final(acc1, den1, b1):

    def body(acc_ref, den_ref, b_ref, out_ref):
        acc = acc_ref[0, :, :NCLS] + acc_ref[1, :, :NCLS]
        den = den_ref[0] + den_ref[1]
        o = acc / (den[:, None] + EPS) + b_ref[...][None, :]
        out_ref[...] = jnp.where(o > 0, o, jnp.exp(o) - 1.0)

    return pl.pallas_call(
        body,
        grid=(NP // BR,),
        in_specs=[
            pl.BlockSpec((2, BR, HID), lambda i: (0, i, 0)),
            pl.BlockSpec((2, BR), lambda i: (0, i)),
            pl.BlockSpec((NCLS,), lambda i: (0,)),
        ],
        out_specs=pl.BlockSpec((BR, NCLS), lambda i: (i, 0)),
        out_shape=jax.ShapeDtypeStruct((NP, NCLS), jnp.float32),
    )(acc1, den1, b1)



def _zero_2d(ref, rows, cols):
    def zb(i, _):
        ref[i // (cols // 16), pl.ds((i % (cols // 16)) * 16, 16)] = (
            jnp.zeros((16,), jnp.float32))
        return 0
    lax.fori_loop(0, rows * cols // 16, zb, 0)


def _zero_1d(ref, n):
    def zb(i, _):
        ref[pl.ds(i * 16, 16)] = jnp.zeros((16,), jnp.float32)
        return 0
    lax.fori_loop(0, n // 16, zb, 0)


def _score_body(bpt, head_split):

    def body(src_hbm, dst_hbm, el_hbm, er_hbm,
             s_hbm, g_hbm, den_hbm,
             el_v, er_v, src_v, dst_v, s_sb, g_sb, zb_v, den_s):
        c = lax.axis_index("c")
        s = lax.axis_index("s")
        _zero_1d(zb_v, EPB)
        for k in range(RPT // EPB):
            pltpu.sync_copy(zb_v, den_s.at[pl.ds(s * RPT + k * EPB, EPB)])
        if head_split:
            pltpu.sync_copy(el_hbm.at[pl.ds(c * NP, NP)], el_v)
            pltpu.sync_copy(er_hbm.at[pl.ds(c * NP, NP)], er_v)
            base = s * bpt
            off = c * NP
            orow = c * EB + base
        else:
            pltpu.sync_copy(el_hbm, el_v)
            pltpu.sync_copy(er_hbm, er_v)
            base = (c * 16 + s) * bpt
            off = 0
            orow = base
        plsc.subcore_barrier()

        def outer(sb, _):
            pltpu.sync_copy(src_hbm.at[pl.ds(base + sb * SB, SB)], src_v)
            pltpu.sync_copy(dst_hbm.at[pl.ds(base + sb * SB, SB)], dst_v)

            def blk(b, _):
                def grp(j, _):
                    s16 = src_v[b, pl.ds(j * 16, 16)]
                    d16 = dst_v[b, pl.ds(j * 16, 16)]
                    ev = (plsc.load_gather(el_v, [s16])
                          + plsc.load_gather(er_v, [d16]))
                    ev = jnp.where(ev > 0, ev, NEG_SLOPE * ev)
                    s_sb[b, pl.ds(j * 16, 16)] = jnp.exp(ev)
                    g_sb[b, pl.ds(j * 16, 16)] = s16 + off
                    return 0

                lax.fori_loop(0, EPB // 16, grp, 0, unroll=True)
                pltpu.sync_copy(s_sb.at[b], den_s.at[dst_v.at[b]], add=True)
                return 0

            lax.fori_loop(0, SB, blk, 0)
            pltpu.sync_copy(s_sb, s_hbm.at[pl.ds(orow + sb * SB, SB)])
            pltpu.sync_copy(g_sb, g_hbm.at[pl.ds(orow + sb * SB, SB)])
            return 0

        lax.fori_loop(0, bpt // SB, outer, 0)
        plsc.subcore_barrier()
        pltpu.sync_copy(den_s.at[pl.ds(s * RPT, RPT)],
                        den_hbm.at[pl.ds(c * NP + s * RPT, RPT)])

    return body


def _sc_score(src2d, dst2d, el, er, *, bpt, head_split):
    mesh = plsc.VectorSubcoreMesh(core_axis_name="c", subcore_axis_name="s",
                                  num_cores=2, num_subcores=16)
    f32 = jnp.float32
    nrow = 2 * EB if head_split else EB
    kfn = pl.kernel(
        _score_body(bpt, head_split),
        out_type=(jax.ShapeDtypeStruct((nrow, EPB), f32),
                  jax.ShapeDtypeStruct((nrow, EPB), jnp.int32),
                  jax.ShapeDtypeStruct((2 * NP,), f32)),
        mesh=mesh,
        compiler_params=pltpu.CompilerParams(needs_layout_passes=False),
        scratch_types=[
            pltpu.VMEM((NP,), f32),
            pltpu.VMEM((NP,), f32),
            pltpu.VMEM((SB, EPB), jnp.int32),
            pltpu.VMEM((SB, EPB), jnp.int32),
            pltpu.VMEM((SB, EPB), f32),
            pltpu.VMEM((SB, EPB), jnp.int32),
            pltpu.VMEM((EPB,), f32),
            pltpu.VMEM_SHARED((NP,), f32),
        ],
    )
    return kfn(src2d, dst2d, el, er)


def _spmm_body(bpt, head_split):

    def body(s_hbm, g_hbm, dst_hbm, feat_hbm, acc_hbm,
             s_sb, g_sb, dst_v, rows0, rows1, acc_s,
             sem0, sem1, csem0, csem1):
        c = lax.axis_index("c")
        s = lax.axis_index("s")
        _zero_2d(rows0, EPB, HID)
        for k in range(RPT // EPB):
            pltpu.sync_copy(rows0, acc_s.at[pl.ds(s * RPT + k * EPB, EPB)])
        if head_split:
            base = s * bpt
            orow = c * EB + base
        else:
            base = (c * 16 + s) * bpt
            orow = base
        plsc.subcore_barrier()

        def scale(rows_v, b):
            b16 = jnp.zeros((16,), jnp.int32) + b

            def edge(j):
                sj = plsc.load_gather(
                    s_sb, [b16, jnp.zeros((16,), jnp.int32) + j])
                for k in range(HID // 16):
                    rows_v[j, pl.ds(k * 16, 16)] = (
                        rows_v[j, pl.ds(k * 16, 16)] * sj)

            plsc.parallel_loop(0, EPB, unroll=16)(edge)

        def outer(sb, _):
            pltpu.sync_copy(s_hbm.at[pl.ds(orow + sb * SB, SB)], s_sb)
            pltpu.sync_copy(g_hbm.at[pl.ds(orow + sb * SB, SB)], g_sb)
            pltpu.sync_copy(dst_hbm.at[pl.ds(base + sb * SB, SB)], dst_v)
            pltpu.async_copy(feat_hbm.at[g_sb.at[0]], rows0, sem0)

            def pair(k, _):
                b0 = 2 * k
                pltpu.async_copy(feat_hbm.at[g_sb.at[b0 + 1]], rows1, sem1)
                pltpu.make_async_copy(
                    feat_hbm.at[g_sb.at[b0]], rows0, sem0).wait()
                scale(rows0, b0)
                pltpu.sync_copy(rows0, acc_s.at[dst_v.at[b0]], add=True)

                @pl.when(k < SB // 2 - 1)
                def _():
                    pltpu.async_copy(
                        feat_hbm.at[g_sb.at[b0 + 2]], rows0, sem0)

                pltpu.make_async_copy(
                    feat_hbm.at[g_sb.at[b0 + 1]], rows1, sem1).wait()
                scale(rows1, b0 + 1)
                pltpu.sync_copy(rows1, acc_s.at[dst_v.at[b0 + 1]], add=True)
                return 0

            lax.fori_loop(0, SB // 2, pair, 0)
            return 0

        lax.fori_loop(0, bpt // SB, outer, 0)
        plsc.subcore_barrier()
        for k in range(RPT // EPB):
            r0 = s * RPT + k * EPB
            pltpu.sync_copy(acc_s.at[pl.ds(r0, EPB)],
                            acc_hbm.at[c].at[pl.ds(r0, EPB)])

    return body


def _sc_spmm(sflat, gflat, dst2d, feat, *, bpt, head_split):
    mesh = plsc.VectorSubcoreMesh(core_axis_name="c", subcore_axis_name="s",
                                  num_cores=2, num_subcores=16)
    f32 = jnp.float32
    kfn = pl.kernel(
        _spmm_body(bpt, head_split),
        out_type=jax.ShapeDtypeStruct((2, NP, HID), f32),
        mesh=mesh,
        compiler_params=pltpu.CompilerParams(needs_layout_passes=False),
        scratch_types=[
            pltpu.VMEM((SB, EPB), f32),
            pltpu.VMEM((SB, EPB), jnp.int32),
            pltpu.VMEM((SB, EPB), jnp.int32),
            pltpu.VMEM((EPB, HID), f32),
            pltpu.VMEM((EPB, HID), f32),
            pltpu.VMEM_SHARED((NP, HID), f32),
            pltpu.SemaphoreType.DMA,
            pltpu.SemaphoreType.DMA,
            pltpu.SemaphoreType.DMA,
            pltpu.SemaphoreType.DMA,
        ],
    )
    return kfn(sflat, gflat, dst2d, feat)



def kernel(inputs, edge_index, W0, attn_l0, attn_r0, b0,
           W1, attn_l1, attn_r1, b1):
    x = jnp.zeros((NP, IN_DIM), jnp.float32).at[:N].set(inputs)
    src = edge_index[0].astype(jnp.int32)
    dst = edge_index[1].astype(jnp.int32)
    pad = jnp.full((E_PAD - E,), N, jnp.int32)
    src2d = jnp.concatenate([src, pad]).reshape(EB, EPB)
    dst2d = jnp.concatenate([dst, pad]).reshape(EB, EPB)

    feat0, el0, er0 = _tc_prep0(x, W0, attn_l0, attn_r0)
    s0, g0, den0 = _sc_score(src2d, dst2d,
                             el0.reshape(H0 * NP), er0.reshape(H0 * NP),
                             bpt=BPT0, head_split=True)
    acc0 = _sc_spmm(s0, g0, dst2d, feat0.reshape(H0 * NP, HID),
                    bpt=BPT0, head_split=True)
    feat1, el1, er1 = _tc_mid(acc0, den0.reshape(H0, NP), b0.reshape(H0, HID),
                              W1, attn_l1, attn_r1)
    s1, g1, den1 = _sc_score(src2d, dst2d, el1, er1,
                             bpt=BPT1, head_split=False)
    acc1 = _sc_spmm(s1, g1, dst2d, feat1, bpt=BPT1, head_split=False)
    logits = _tc_final(acc1, den1.reshape(2, NP), b1)
    return logits[:N]

# --- scband reference (transcript-rebuilt; emitter-appended) ---
"""Pipeline reference for scband-gat-10814727651681 (READ-ONLY COPY).

The authoritative reference and input builder live on the scoring server;
editing this copy changes nothing except your own understanding.
"""

import jax, jax.numpy as jnp
import numpy as np

N = 10000
E = 320000
IN_DIM = 128
HID = 128
NCLS = 64
H0 = 2
H1 = 1
NEG_SLOPE = 0.2


def setup_inputs(seed: int = 0) -> dict:
    key = jax.random.key(seed)
    ks = jax.random.split(key, 12)
    inputs = jax.random.normal(ks[0], (N, IN_DIM), dtype=jnp.float32)
    edge_index = jax.random.randint(ks[1], (2, E), 0, N, dtype=jnp.int64)
    # layer 0 params (GATConv: fc, attn_l, attn_r, bias)
    W0 = jax.random.normal(ks[2], (IN_DIM, H0 * HID), dtype=jnp.float32) * (1.0 / np.sqrt(IN_DIM))
    attn_l0 = jax.random.normal(ks[3], (H0, HID), dtype=jnp.float32) * 0.1
    attn_r0 = jax.random.normal(ks[4], (H0, HID), dtype=jnp.float32) * 0.1
    b0 = jnp.zeros((H0 * HID,), dtype=jnp.float32)
    # final layer params
    W1 = jax.random.normal(ks[5], (H0 * HID, H1 * NCLS), dtype=jnp.float32) * (1.0 / np.sqrt(H0 * HID))
    attn_l1 = jax.random.normal(ks[6], (H1, NCLS), dtype=jnp.float32) * 0.1
    attn_r1 = jax.random.normal(ks[7], (H1, NCLS), dtype=jnp.float32) * 0.1
    b1 = jnp.zeros((H1 * NCLS,), dtype=jnp.float32)
    return {"inputs": inputs, "edge_index": edge_index,
            "W0": W0, "attn_l0": attn_l0, "attn_r0": attn_r0, "b0": b0,
            "W1": W1, "attn_l1": attn_l1, "attn_r1": attn_r1, "b1": b1}


def _gat_conv(x, src, dst, W, attn_l, attn_r, bias, num_heads, out_feats):
    n = x.shape[0]
    feat = (x @ W).reshape(n, num_heads, out_feats)
    el = jnp.sum(feat * attn_l[None, :, :], axis=-1)  # [N, H]
    er = jnp.sum(feat * attn_r[None, :, :], axis=-1)  # [N, H]
    e = el[src] + er[dst]                              # [E, H] gather
    e = jax.nn.leaky_relu(e, NEG_SLOPE)
    # edge softmax over incoming edges of each dst node
    e_max = jax.ops.segment_max(e, dst, num_segments=n)
    e_exp = jnp.exp(e - e_max[dst])
    denom = jax.ops.segment_sum(e_exp, dst, num_segments=n)
    alpha = e_exp / (denom[dst] + 1e-9)                # [E, H]
    msg = feat[src] * alpha[:, :, None]                # [E, H, D] gather
    out = jax.ops.segment_sum(msg, dst, num_segments=n)  # scatter-add -> [N, H, D]
    out = out + bias.reshape(1, num_heads, out_feats)
    return jax.nn.elu(out)


def reference(inputs, edge_index, W0, attn_l0, attn_r0, b0, W1, attn_l1, attn_r1, b1):
    src = edge_index[0]
    dst = edge_index[1]
    h = _gat_conv(inputs, src, dst, W0, attn_l0, attn_r0, b0, H0, HID)
    h = h.reshape(N, H0 * HID)  # flatten(1)
    out = _gat_conv(h, src, dst, W1, attn_l1, attn_r1, b1, H1, NCLS)
    logits = out.mean(axis=1)   # mean over heads -> [N, NCLS]
    return logits

if __name__ == "__main__":
    import jax
    _d = setup_inputs()
    print(jax.jit(kernel)(*tuple(_d.values())))

</pallas_src>

<mosaic_0001>
#map = affine_map<(d0, d1) -> (0, 0)>
#map1 = affine_map<(d0, d1) -> (0, 0, 0)>
module attributes {stable_mosaic.version = 14 : i64} {
  func.func @body(%arg0: i32, %arg1: i32, %arg2: memref<5120x128xf32, #tpu.memory_space<hbm>>, %arg3: memref<5120x128xi32, #tpu.memory_space<hbm>>, %arg4: memref<2560x128xi32, #tpu.memory_space<hbm>>, %arg5: memref<20480x128xf32, #tpu.memory_space<hbm>>, %arg6: memref<2x10240x128xf32, #tpu.memory_space<hbm>>, %arg7: memref<16x128xf32, #tpu.memory_space<vmem>>, %arg8: memref<16x128xi32, #tpu.memory_space<vmem>>, %arg9: memref<16x128xi32, #tpu.memory_space<vmem>>, %arg10: memref<128x128xf32, #tpu.memory_space<vmem>>, %arg11: memref<128x128xf32, #tpu.memory_space<vmem>>, %arg12: memref<10240x128xf32, #tpu.memory_space<vmem_shared>>, %arg13: memref<!tpu.dma_semaphore, #tpu.memory_space<semaphore_mem>>, %arg14: memref<!tpu.dma_semaphore, #tpu.memory_space<semaphore_mem>>, %arg15: memref<!tpu.dma_semaphore, #tpu.memory_space<semaphore_mem>>, %arg16: memref<!tpu.dma_semaphore, #tpu.memory_space<semaphore_mem>>) attributes {dimension_semantics = [#tpu.dimension_semantics<core_parallel>, #tpu.dimension_semantics<subcore_parallel>], iteration_bounds = array<i64: 2, 16>, scalar_prefetch = 0 : i64, scratch_operands = 10 : i64, tpu.core_type = #tpu.core_type<sc_vector_subcore>, window_params = [{transform_indices = #map}, {transform_indices = #map}, {transform_indices = #map}, {transform_indices = #map}, {transform_indices = #map1}]} {
    %scan3A = arith.constant 0 : i32
    %scan3A_0 = arith.constant 0 : i32
    %scan3A_1 = arith.constant 1024 : i32
    %scan3A_2 = arith.addi %scan3A_0, %scan3A_1 : i32
    %scan3A_3 = arith.constant 1 : i32
    %scan3A_4 = scf.for %scan3A_57 = %scan3A_0 to %scan3A_2 step %scan3A_3 iter_args(%scan3A_58 = %scan3A) -> (i32)  : i32 {
      %broadcast_in_dim3A = arith.constant 0.000000e+00 : f32
      %broadcast_in_dim3A_59 = vector.broadcast %broadcast_in_dim3A : f32 to vector<16xf32>
      %jit3A = arith.constant 8 : i32
      %div3A = arith.divsi %scan3A_57, %jit3A : i32
      %sign3A = arith.constant 0 : i32
      %sign3A_60 = arith.cmpi sgt, %scan3A_57, %sign3A : i32
      %sign3A_61 = arith.extui %sign3A_60 : i1 to i32
      %sign3A_62 = arith.constant 0 : i32
      %sign3A_63 = arith.cmpi slt, %scan3A_57, %sign3A_62 : i32
      %sign3A_64 = arith.extui %sign3A_63 : i1 to i32
      %sign3A_65 = arith.subi %sign3A_61, %sign3A_64 : i32
      %sign3A_66 = arith.constant 0 : i32
      %sign3A_67 = arith.cmpi sgt, %jit3A, %sign3A_66 : i32
      %sign3A_68 = arith.extui %sign3A_67 : i1 to i32
      %sign3A_69 = arith.constant 0 : i32
      %sign3A_70 = arith.cmpi slt, %jit3A, %sign3A_69 : i32
      %sign3A_71 = arith.extui %sign3A_70 : i1 to i32
      %sign3A_72 = arith.subi %sign3A_68, %sign3A_71 : i32
      %ne3A = arith.cmpi ne, %sign3A_65, %sign3A_72 : i32
      %rem3A = arith.remsi %scan3A_57, %jit3A : i32
      %ne3A_73 = arith.constant 0 : i32
      %ne3A_74 = arith.cmpi ne, %rem3A, %ne3A_73 : i32
      %and3A = arith.andi %ne3A, %ne3A_74 : i1
      %sub3A = arith.constant 1 : i32
      %sub3A_75 = arith.subi %div3A, %sub3A : i32
      %select_n3A = arith.select %and3A, %sub3A_75, %div3A : i32
      %jit3A_76 = arith.constant 8 : i32
      %eq3A = arith.constant 0 : i32
      %eq3A_77 = arith.cmpi eq, %jit3A_76, %eq3A : i32
      %jit3A_78 = arith.constant 1 : i32
      %select_n3A_79 = arith.select %eq3A_77, %jit3A_78, %jit3A_76 : i32
      %rem3A_80 = arith.remsi %scan3A_57, %select_n3A_79 : i32
      %ne3A_81 = arith.constant 0 : i32
      %ne3A_82 = arith.cmpi ne, %rem3A_80, %ne3A_81 : i32
      %lt3A = arith.constant 0 : i32
      %lt3A_83 = arith.cmpi slt, %rem3A_80, %lt3A : i32
      %lt3A_84 = arith.constant 0 : i32
      %lt3A_85 = arith.cmpi slt, %select_n3A_79, %lt3A_84 : i32
      %ne3A_86 = arith.xori %lt3A_83, %lt3A_85 : i1
      %and3A_87 = arith.andi %ne3A_86, %ne3A_82 : i1
      %add3A_88 = arith.addi %rem3A_80, %select_n3A_79 : i32
      %select_n3A_89 = arith.select %and3A_87, %add3A_88, %rem3A_80 : i32
      %mul3A_90 = arith.constant 16 : i32
      %mul3A_91 = arith.muli %select_n3A_89, %mul3A_90 : i32
      %swap3A = arith.index_cast %select_n3A : i32 to index
      %swap3A_92 = arith.index_cast %mul3A_91 : i32 to index
      %swap3A_93 = tpu.vector_load %arg10[%swap3A, %swap3A_92] {strides = array<i32>} : memref<128x128xf32, #tpu.memory_space<vmem>>, vector<16xf32>,
      tpu.vector_store %arg10[%swap3A, %swap3A_92], %broadcast_in_dim3A_59 {strides = array<i32>} : memref<128x128xf32, #tpu.memory_space<vmem>>, vector<16xf32>,
      %scan3A_94 = arith.constant 0 : i32
      scf.yield %scan3A_94 : i32
    }
    %scan3A_5 = arith.constant 1024 : i32
    %mul3A = arith.constant 640 : i32
    %mul3A_6 = arith.muli %arg1, %mul3A : i32
    %add3A = arith.constant 0 : i32
    %add3A_7 = arith.addi %mul3A_6, %add3A : i32
    "tpu.region"() ({
      %run_scoped3A = tpu.sem_alloc : memref<!tpu.dma_semaphore, #tpu.memory_space<semaphore_mem>>
      %dma_start3A = arith.constant 0 : i32
      %dma_start3A_57 = tpu.memref_slice %arg12[%add3A_7, %dma_start3A] : memref<10240x128xf32, #tpu.memory_space<vmem_shared>> -> memref<128x128xf32, #tpu.memory_space<vmem_shared>>
      %dma_start3A_58 = arith.constant 0 : i32
      %dma_start3A_59 = tpu.memref_slice %arg12[%add3A_7, %dma_start3A_58] : memref<10240x128xf32, #tpu.memory_space<vmem_shared>> -> memref<128x128xf32, #tpu.memory_space<vmem_shared>>
      tpu.enqueue_dma source(%arg10 : memref<128x128xf32, #tpu.memory_space<vmem>>) target(%dma_start3A_59 : memref<128x128xf32, #tpu.memory_space<vmem_shared>>) target_semaphore(%run_scoped3A : memref<!tpu.dma_semaphore, #tpu.memory_space<semaphore_mem>>)
      %dma_wait3A = arith.constant 0 : i32
      %dma_wait3A_60 = tpu.memref_slice %arg12[%add3A_7, %dma_wait3A] : memref<10240x128xf32, #tpu.memory_space<vmem_shared>> -> memref<128x128xf32, #tpu.memory_space<vmem_shared>>
      %dma_wait3A_61 = arith.constant 0 : i32
      %dma_wait3A_62 = tpu.memref_slice %arg12[%add3A_7, %dma_wait3A_61] : memref<10240x128xf32, #tpu.memory_space<vmem_shared>> -> memref<128x128xf32, #tpu.memory_space<vmem_shared>>
      tpu.wait_dma2 semaphore(%run_scoped3A : memref<!tpu.dma_semaphore, #tpu.memory_space<semaphore_mem>>) src(%arg10 : memref<128x128xf32, #tpu.memory_space<vmem>>) dst(%dma_wait3A_62 : memref<128x128xf32, #tpu.memory_space<vmem_shared>>)
      tpu.yield
    }) : () -> ()
    %mul3A_8 = arith.constant 640 : i32
    %mul3A_9 = arith.muli %arg1, %mul3A_8 : i32
    %add3A_10 = arith.constant 128 : i32
    %add3A_11 = arith.addi %mul3A_9, %add3A_10 : i32
    "tpu.region"() ({
      %run_scoped3A = tpu.sem_alloc : memref<!tpu.dma_semaphore, #tpu.memory_space<semaphore_mem>>
      %dma_start3A = arith.constant 0 : i32
      %dma_start3A_57 = tpu.memref_slice %arg12[%add3A_11, %dma_start3A] : memref<10240x128xf32, #tpu.memory_space<vmem_shared>> -> memref<128x128xf32, #tpu.memory_space<vmem_shared>>
      %dma_start3A_58 = arith.constant 0 : i32
      %dma_start3A_59 = tpu.memref_slice %arg12[%add3A_11, %dma_start3A_58] : memref<10240x128xf32, #tpu.memory_space<vmem_shared>> -> memref<128x128xf32, #tpu.memory_space<vmem_shared>>
      tpu.enqueue_dma source(%arg10 : memref<128x128xf32, #tpu.memory_space<vmem>>) target(%dma_start3A_59 : memref<128x128xf32, #tpu.memory_space<vmem_shared>>) target_semaphore(%run_scoped3A : memref<!tpu.dma_semaphore, #tpu.memory_space<semaphore_mem>>)
      %dma_wait3A = arith.constant 0 : i32
      %dma_wait3A_60 = tpu.memref_slice %arg12[%add3A_11, %dma_wait3A] : memref<10240x128xf32, #tpu.memory_space<vmem_shared>> -> memref<128x128xf32, #tpu.memory_space<vmem_shared>>
      %dma_wait3A_61 = arith.constant 0 : i32
      %dma_wait3A_62 = tpu.memref_slice %arg12[%add3A_11, %dma_wait3A_61] : memref<10240x128xf32, #tpu.memory_space<vmem_shared>> -> memref<128x128xf32, #tpu.memory_space<vmem_shared>>
      tpu.wait_dma2 semaphore(%run_scoped3A : memref<!tpu.dma_semaphore, #tpu.memory_space<semaphore_mem>>) src(%arg10 : memref<128x128xf32, #tpu.memory_space<vmem>>) dst(%dma_wait3A_62 : memref<128x128xf32, #tpu.memory_space<vmem_shared>>)
      tpu.yield
    }) : () -> ()
    %mul3A_12 = arith.constant 640 : i32
    %mul3A_13 = arith.muli %arg1, %mul3A_12 : i32
    %add3A_14 = arith.constant 256 : i32
    %add3A_15 = arith.addi %mul3A_13, %add3A_14 : i32
    "tpu.region"() ({
      %run_scoped3A = tpu.sem_alloc : memref<!tpu.dma_semaphore, #tpu.memory_space<semaphore_mem>>
      %dma_start3A = arith.constant 0 : i32
      %dma_start3A_57 = tpu.memref_slice %arg12[%add3A_15, %dma_start3A] : memref<10240x128xf32, #tpu.memory_space<vmem_shared>> -> memref<128x128xf32, #tpu.memory_space<vmem_shared>>
      %dma_start3A_58 = arith.constant 0 : i32
      %dma_start3A_59 = tpu.memref_slice %arg12[%add3A_15, %dma_start3A_58] : memref<10240x128xf32, #tpu.memory_space<vmem_shared>> -> memref<128x128xf32, #tpu.memory_space<vmem_shared>>
      tpu.enqueue_dma source(%arg10 : memref<128x128xf32, #tpu.memory_space<vmem>>) target(%dma_start3A_59 : memref<128x128xf32, #tpu.memory_space<vmem_shared>>) target_semaphore(%run_scoped3A : memref<!tpu.dma_semaphore, #tpu.memory_space<semaphore_mem>>)
      %dma_wait3A = arith.constant 0 : i32
      %dma_wait3A_60 = tpu.memref_slice %arg12[%add3A_15, %dma_wait3A] : memref<10240x128xf32, #tpu.memory_space<vmem_shared>> -> memref<128x128xf32, #tpu.memory_space<vmem_shared>>
      %dma_wait3A_61 = arith.constant 0 : i32
      %dma_wait3A_62 = tpu.memref_slice %arg12[%add3A_15, %dma_wait3A_61] : memref<10240x128xf32, #tpu.memory_space<vmem_shared>> -> memref<128x128xf32, #tpu.memory_space<vmem_shared>>
      tpu.wait_dma2 semaphore(%run_scoped3A : memref<!tpu.dma_semaphore, #tpu.memory_space<semaphore_mem>>) src(%arg10 : memref<128x128xf32, #tpu.memory_space<vmem>>) dst(%dma_wait3A_62 : memref<128x128xf32, #tpu.memory_space<vmem_shared>>)
      tpu.yield
    }) : () -> ()
    %mul3A_16 = arith.constant 640 : i32
    %mul3A_17 = arith.muli %arg1, %mul3A_16 : i32
    %add3A_18 = arith.constant 384 : i32
    %add3A_19 = arith.addi %mul3A_17, %add3A_18 : i32
    "tpu.region"() ({
      %run_scoped3A = tpu.sem_alloc : memref<!tpu.dma_semaphore, #tpu.memory_space<semaphore_mem>>
      %dma_start3A = arith.constant 0 : i32
      %dma_start3A_57 = tpu.memref_slice %arg12[%add3A_19, %dma_start3A] : memref<10240x128xf32, #tpu.memory_space<vmem_shared>> -> memref<128x128xf32, #tpu.memory_space<vmem_shared>>
      %dma_start3A_58 = arith.constant 0 : i32
      %dma_start3A_59 = tpu.memref_slice %arg12[%add3A_19, %dma_start3A_58] : memref<10240x128xf32, #tpu.memory_space<vmem_shared>> -> memref<128x128xf32, #tpu.memory_space<vmem_shared>>
      tpu.enqueue_dma source(%arg10 : memref<128x128xf32, #tpu.memory_space<vmem>>) target(%dma_start3A_59 : memref<128x128xf32, #tpu.memory_space<vmem_shared>>) target_semaphore(%run_scoped3A : memref<!tpu.dma_semaphore, #tpu.memory_space<semaphore_mem>>)
      %dma_wait3A = arith.constant 0 : i32
      %dma_wait3A_60 = tpu.memref_slice %arg12[%add3A_19, %dma_wait3A] : memref<10240x128xf32, #tpu.memory_space<vmem_shared>> -> memref<128x128xf32, #tpu.memory_space<vmem_shared>>
      %dma_wait3A_61 = arith.constant 0 : i32
      %dma_wait3A_62 = tpu.memref_slice %arg12[%add3A_19, %dma_wait3A_61] : memref<10240x128xf32, #tpu.memory_space<vmem_shared>> -> memref<128x128xf32, #tpu.memory_space<vmem_shared>>
      tpu.wait_dma2 semaphore(%run_scoped3A : memref<!tpu.dma_semaphore, #tpu.memory_space<semaphore_mem>>) src(%arg10 : memref<128x128xf32, #tpu.memory_space<vmem>>) dst(%dma_wait3A_62 : memref<128x128xf32, #tpu.memory_space<vmem_shared>>)
      tpu.yield
    }) : () -> ()
    %mul3A_20 = arith.constant 640 : i32
    %mul3A_21 = arith.muli %arg1, %mul3A_20 : i32
    %add3A_22 = arith.constant 512 : i32
    %add3A_23 = arith.addi %mul3A_21, %add3A_22 : i32
    "tpu.region"() ({
      %run_scoped3A = tpu.sem_alloc : memref<!tpu.dma_semaphore, #tpu.memory_space<semaphore_mem>>
      %dma_start3A = arith.constant 0 : i32
      %dma_start3A_57 = tpu.memref_slice %arg12[%add3A_23, %dma_start3A] : memref<10240x128xf32, #tpu.memory_space<vmem_shared>> -> memref<128x128xf32, #tpu.memory_space<vmem_shared>>
      %dma_start3A_58 = arith.constant 0 : i32
      %dma_start3A_59 = tpu.memref_slice %arg12[%add3A_23, %dma_start3A_58] : memref<10240x128xf32, #tpu.memory_space<vmem_shared>> -> memref<128x128xf32, #tpu.memory_space<vmem_shared>>
      tpu.enqueue_dma source(%arg10 : memref<128x128xf32, #tpu.memory_space<vmem>>) target(%dma_start3A_59 : memref<128x128xf32, #tpu.memory_space<vmem_shared>>) target_semaphore(%run_scoped3A : memref<!tpu.dma_semaphore, #tpu.memory_space<semaphore_mem>>)
      %dma_wait3A = arith.constant 0 : i32
      %dma_wait3A_60 = tpu.memref_slice %arg12[%add3A_23, %dma_wait3A] : memref<10240x128xf32, #tpu.memory_space<vmem_shared>> -> memref<128x128xf32, #tpu.memory_space<vmem_shared>>
      %dma_wait3A_61 = arith.constant 0 : i32
      %dma_wait3A_62 = tpu.memref_slice %arg12[%add3A_23, %dma_wait3A_61] : memref<10240x128xf32, #tpu.memory_space<vmem_shared>> -> memref<128x128xf32, #tpu.memory_space<vmem_shared>>
      tpu.wait_dma2 semaphore(%run_scoped3A : memref<!tpu.dma_semaphore, #tpu.memory_space<semaphore_mem>>) src(%arg10 : memref<128x128xf32, #tpu.memory_space<vmem>>) dst(%dma_wait3A_62 : memref<128x128xf32, #tpu.memory_space<vmem_shared>>)
      tpu.yield
    }) : () -> ()
    %mul3A_24 = arith.constant 160 : i32
    %mul3A_25 = arith.muli %arg1, %mul3A_24 : i32
    %mul3A_26 = arith.constant 2560 : i32
    %mul3A_27 = arith.muli %arg0, %mul3A_26 : i32
    %add3A_28 = arith.addi %mul3A_27, %mul3A_25 : i32
    %barrier3A = arith.constant 0 : index
    tpu.barrier barrier_id(%barrier3A)
    %scan3A_29 = arith.constant 0 : i32
    %scan3A_30 = arith.constant 0 : i32
    %scan3A_31 = arith.constant 10 : i32
    %scan3A_32 = arith.addi %scan3A_30, %scan3A_31 : i32
    %scan3A_33 = arith.constant 1 : i32
    %scan3A_34 = scf.for %scan3A_57 = %scan3A_30 to %scan3A_32 step %scan3A_33 iter_args(%scan3A_58 = %scan3A_29) -> (i32)  : i32 {
      %mul3A_59 = arith.constant 16 : i32
      %mul3A_60 = arith.muli %scan3A_57, %mul3A_59 : i32
      %add3A_61 = arith.addi %add3A_28, %mul3A_60 : i32
      "tpu.region"() ({
        %run_scoped3A = tpu.sem_alloc : memref<!tpu.dma_semaphore, #tpu.memory_space<semaphore_mem>>
        %dma_start3A_82 = arith.constant 0 : i32
        %dma_start3A_83 = tpu.memref_slice %arg2[%add3A_61, %dma_start3A_82] : memref<5120x128xf32, #tpu.memory_space<hbm>> -> memref<16x128xf32, #tpu.memory_space<hbm>>
        %dma_start3A_84 = arith.constant 0 : i32
        %dma_start3A_85 = tpu.memref_slice %arg2[%add3A_61, %dma_start3A_84] : memref<5120x128xf32, #tpu.memory_space<hbm>> -> memref<16x128xf32, #tpu.memory_space<hbm>>
        tpu.enqueue_dma source(%dma_start3A_85 : memref<16x128xf32, #tpu.memory_space<hbm>>) target(%arg7 : memref<16x128xf32, #tpu.memory_space<vmem>>) target_semaphore(%run_scoped3A : memref<!tpu.dma_semaphore, #tpu.memory_space<semaphore_mem>>)
        %dma_wait3A = arith.constant 0 : i32
        %dma_wait3A_86 = tpu.memref_slice %arg2[%add3A_61, %dma_wait3A] : memref<5120x128xf32, #tpu.memory_space<hbm>> -> memref<16x128xf32, #tpu.memory_space<hbm>>
        %dma_wait3A_87 = arith.constant 0 : i32
        %dma_wait3A_88 = tpu.memref_slice %arg2[%add3A_61, %dma_wait3A_87] : memref<5120x128xf32, #tpu.memory_space<hbm>> -> memref<16x128xf32, #tpu.memory_space<hbm>>
        tpu.wait_dma2 semaphore(%run_scoped3A : memref<!tpu.dma_semaphore, #tpu.memory_space<semaphore_mem>>) src(%dma_wait3A_88 : memref<16x128xf32, #tpu.memory_space<hbm>>) dst(%arg7 : memref<16x128xf32, #tpu.memory_space<vmem>>)
        tpu.yield
      }) : () -> ()
      %mul3A_62 = arith.constant 16 : i32
      %mul3A_63 = arith.muli %scan3A_57, %mul3A_62 : i32
      %add3A_64 = arith.addi %add3A_28, %mul3A_63 : i32
      "tpu.region"() ({
        %run_scoped3A = tpu.sem_alloc : memref<!tpu.dma_semaphore, #tpu.memory_space<semaphore_mem>>
        %dma_start3A_82 = arith.constant 0 : i32
        %dma_start3A_83 = tpu.memref_slice %arg3[%add3A_64, %dma_start3A_82] : memref<5120x128xi32, #tpu.memory_space<hbm>> -> memref<16x128xi32, #tpu.memory_space<hbm>>
        %dma_start3A_84 = arith.constant 0 : i32
        %dma_start3A_85 = tpu.memref_slice %arg3[%add3A_64, %dma_start3A_84] : memref<5120x128xi32, #tpu.memory_space<hbm>> -> memref<16x128xi32, #tpu.memory_space<hbm>>
        tpu.enqueue_dma source(%dma_start3A_85 : memref<16x128xi32, #tpu.memory_space<hbm>>) target(%arg8 : memref<16x128xi32, #tpu.memory_space<vmem>>) target_semaphore(%run_scoped3A : memref<!tpu.dma_semaphore, #tpu.memory_space<semaphore_mem>>)
        %dma_wait3A = arith.constant 0 : i32
        %dma_wait3A_86 = tpu.memref_slice %arg3[%add3A_64, %dma_wait3A] : memref<5120x128xi32, #tpu.memory_space<hbm>> -> memref<16x128xi32, #tpu.memory_space<hbm>>
        %dma_wait3A_87 = arith.constant 0 : i32
        %dma_wait3A_88 = tpu.memref_slice %arg3[%add3A_64, %dma_wait3A_87] : memref<5120x128xi32, #tpu.memory_space<hbm>> -> memref<16x128xi32, #tpu.memory_space<hbm>>
        tpu.wait_dma2 semaphore(%run_scoped3A : memref<!tpu.dma_semaphore, #tpu.memory_space<semaphore_mem>>) src(%dma_wait3A_88 : memref<16x128xi32, #tpu.memory_space<hbm>>) dst(%arg8 : memref<16x128xi32, #tpu.memory_space<vmem>>)
        tpu.yield
      }) : () -> ()
      %mul3A_65 = arith.constant 16 : i32
      %mul3A_66 = arith.muli %scan3A_57, %mul3A_65 : i32
      %add3A_67 = arith.addi %mul3A_25, %mul3A_66 : i32
      "tpu.region"() ({
        %run_scoped3A = tpu.sem_alloc : memref<!tpu.dma_semaphore, #tpu.memory_space<semaphore_mem>>
        %dma_start3A_82 = arith.constant 0 : i32
        %dma_start3A_83 = tpu.memref_slice %arg4[%add3A_67, %dma_start3A_82] : memref<2560x128xi32, #tpu.memory_space<hbm>> -> memref<16x128xi32, #tpu.memory_space<hbm>>
        %dma_start3A_84 = arith.constant 0 : i32
        %dma_start3A_85 = tpu.memref_slice %arg4[%add3A_67, %dma_start3A_84] : memref<2560x128xi32, #tpu.memory_space<hbm>> -> memref<16x128xi32, #tpu.memory_space<hbm>>
        tpu.enqueue_dma source(%dma_start3A_85 : memref<16x128xi32, #tpu.memory_space<hbm>>) target(%arg9 : memref<16x128xi32, #tpu.memory_space<vmem>>) target_semaphore(%run_scoped3A : memref<!tpu.dma_semaphore, #tpu.memory_space<semaphore_mem>>)
        %dma_wait3A = arith.constant 0 : i32
        %dma_wait3A_86 = tpu.memref_slice %arg4[%add3A_67, %dma_wait3A] : memref<2560x128xi32, #tpu.memory_space<hbm>> -> memref<16x128xi32, #tpu.memory_space<hbm>>
        %dma_wait3A_87 = arith.constant 0 : i32
        %dma_wait3A_88 = tpu.memref_slice %arg4[%add3A_67, %dma_wait3A_87] : memref<2560x128xi32, #tpu.memory_space<hbm>> -> memref<16x128xi32, #tpu.memory_space<hbm>>
        tpu.wait_dma2 semaphore(%run_scoped3A : memref<!tpu.dma_semaphore, #tpu.memory_space<semaphore_mem>>) src(%dma_wait3A_88 : memref<16x128xi32, #tpu.memory_space<hbm>>) dst(%arg9 : memref<16x128xi32, #tpu.memory_space<vmem>>)
        tpu.yield
      }) : () -> ()
      %dma_start3A = arith.constant 0 : i32
      %dma_start3A_68 = arith.constant 0 : i32
      %dma_start3A_69 = tpu.memref_slice %arg8[%dma_start3A, %dma_start3A_68] : memref<16x128xi32, #tpu.memory_space<vmem>> -> memref<1x128xi32, #tpu.memory_space<vmem>>
      %dma_start3A_70 = tpu.memref_squeeze %dma_start3A_69 : memref<1x128xi32, #tpu.memory_space<vmem>> -> memref<128xi32, #tpu.memory_space<vmem>>
      %dma_start3A_71 = arith.constant 0 : i32
      %dma_start3A_72 = arith.constant 0 : i32
      %dma_start3A_73 = tpu.memref_slice %arg5[%dma_start3A_71, %dma_start3A_72] : memref<20480x128xf32, #tpu.memory_space<hbm>> -> memref<20480x128xf32, #tpu.memory_space<hbm>>
      tpu.enqueue_indirect_dma source(%dma_start3A_73 : memref<20480x128xf32, #tpu.memory_space<hbm>>) target(%arg10 : memref<128x128xf32, #tpu.memory_space<vmem>>) offsets(%dma_start3A_70 : memref<128xi32, #tpu.memory_space<vmem>>) semaphore(%arg13 : memref<!tpu.dma_semaphore, #tpu.memory_space<semaphore_mem>>)
      %scan3A_74 = arith.constant 0 : i32
      %scan3A_75 = arith.constant 0 : i32
      %scan3A_76 = arith.constant 8 : i32
      %scan3A_77 = arith.addi %scan3A_75, %scan3A_76 : i32
      %scan3A_78 = arith.constant 1 : i32
      %scan3A_79 = scf.for %scan3A_82 = %scan3A_75 to %scan3A_77 step %scan3A_78 iter_args(%scan3A_83 = %scan3A_74) -> (i32)  : i32 {
        %mul3A_84 = arith.constant 2 : i32
        %mul3A_85 = arith.muli %mul3A_84, %scan3A_82 : i32
        %add3A_86 = arith.constant 1 : i32
        %add3A_87 = arith.addi %mul3A_85, %add3A_86 : i32
        %dma_start3A_88 = arith.constant 0 : i32
        %dma_start3A_89 = tpu.memref_slice %arg8[%add3A_87, %dma_start3A_88] : memref<16x128xi32, #tpu.memory_space<vmem>> -> memref<1x128xi32, #tpu.memory_space<vmem>>
        %dma_start3A_90 = tpu.memref_squeeze %dma_start3A_89 : memref<1x128xi32, #tpu.memory_space<vmem>> -> memref<128xi32, #tpu.memory_space<vmem>>
        %dma_start3A_91 = arith.constant 0 : i32
        %dma_start3A_92 = arith.constant 0 : i32
        %dma_start3A_93 = tpu.memref_slice %arg5[%dma_start3A_91, %dma_start3A_92] : memref<20480x128xf32, #tpu.memory_space<hbm>> -> memref<20480x128xf32, #tpu.memory_space<hbm>>
        tpu.enqueue_indirect_dma source(%dma_start3A_93 : memref<20480x128xf32, #tpu.memory_space<hbm>>) target(%arg11 : memref<128x128xf32, #tpu.memory_space<vmem>>) offsets(%dma_start3A_90 : memref<128xi32, #tpu.memory_space<vmem>>) semaphore(%arg14 : memref<!tpu.dma_semaphore, #tpu.memory_space<semaphore_mem>>)
        %dma_wait3A = arith.constant 0 : i32
        %dma_wait3A_94 = tpu.memref_slice %arg8[%mul3A_85, %dma_wait3A] : memref<16x128xi32, #tpu.memory_space<vmem>> -> memref<1x128xi32, #tpu.memory_space<vmem>>
        %dma_wait3A_95 = tpu.memref_squeeze %dma_wait3A_94 : memref<1x128xi32, #tpu.memory_space<vmem>> -> memref<128xi32, #tpu.memory_space<vmem>>
        %dma_wait3A_96 = arith.constant 0 : i32
        %dma_wait3A_97 = arith.constant 0 : i32
        %dma_wait3A_98 = tpu.memref_slice %arg5[%dma_wait3A_96, %dma_wait3A_97] : memref<20480x128xf32, #tpu.memory_space<hbm>> -> memref<20480x128xf32, #tpu.memory_space<hbm>>
        tpu.wait_indirect_dma semaphore(%arg13 : memref<!tpu.dma_semaphore, #tpu.memory_space<semaphore_mem>>) src(%dma_wait3A_98 : memref<20480x128xf32, #tpu.memory_space<hbm>>) dst(%arg10 : memref<128x128xf32, #tpu.memory_space<vmem>>)
        %broadcast_in_dim3A = arith.constant 0 : i32
        %broadcast_in_dim3A_99 = vector.broadcast %broadcast_in_dim3A : i32 to vector<16xi32>
        %add3A_100 = vector.broadcast %mul3A_85 : i32 to vector<16xi32>
        %add3A_101 = arith.addi %broadcast_in_dim3A_99, %add3A_100 : vector<16xi32>
        %parallel_loop3A = arith.constant 0 : i32
        %parallel_loop3A_102 = arith.constant 128 : i32
        %parallel_loop3A_103 = arith.constant 1 : i32
        scf.for %parallel_loop3A_126 = %parallel_loop3A to %parallel_loop3A_102 step %parallel_loop3A_103  : i32 {
          %parallel_loop3A_127 = arith.constant 0 : i32
          %parallel_loop3A_128 = vector.broadcast %parallel_loop3A_127 : i32 to vector<16xi32>
          %parallel_loop3A_129 = vector.broadcast %parallel_loop3A_126 : i32 to vector<16xi32>
          %parallel_loop3A_130 = arith.addi %parallel_loop3A_128, %parallel_loop3A_129 : vector<16xi32>
          %parallel_loop3A_131 = tpu.vector_load_idx %arg7[%add3A_101, %parallel_loop3A_130] : memref<16x128xf32, #tpu.memory_space<vmem>>[vector<16xi32>, vector<16xi32>], vector<16xf32>,
          %parallel_loop3A_132 = arith.index_cast %parallel_loop3A_126 : i32 to index
          %parallel_loop3A_133 = arith.constant 0 : index
          %parallel_loop3A_134 = tpu.vector_load %arg10[%parallel_loop3A_132, %parallel_loop3A_133] {strides = array<i32>} : memref<128x128xf32, #tpu.memory_space<vmem>>, vector<16xf32>,
          %parallel_loop3A_135 = arith.mulf %parallel_loop3A_134, %parallel_loop3A_131 : vector<16xf32>
          %parallel_loop3A_136 = arith.index_cast %parallel_loop3A_126 : i32 to index
          %parallel_loop3A_137 = arith.constant 0 : index
          %parallel_loop3A_138 = tpu.vector_load %arg10[%parallel_loop3A_136, %parallel_loop3A_137] {strides = array<i32>} : memref<128x128xf32, #tpu.memory_space<vmem>>, vector<16xf32>,
          tpu.vector_store %arg10[%parallel_loop3A_136, %parallel_loop3A_137], %parallel_loop3A_135 {strides = array<i32>} : memref<128x128xf32, #tpu.memory_space<vmem>>, vector<16xf32>,
          %parallel_loop3A_139 = arith.index_cast %parallel_loop3A_126 : i32 to index
          %parallel_loop3A_140 = arith.constant 16 : index
          %parallel_loop3A_141 = tpu.vector_load %arg10[%parallel_loop3A_139, %parallel_loop3A_140] {strides = array<i32>} : memref<128x128xf32, #tpu.memory_space<vmem>>, vector<16xf32>,
          %parallel_loop3A_142 = arith.mulf %parallel_loop3A_141, %parallel_loop3A_131 : vector<16xf32>
          %parallel_loop3A_143 = arith.index_cast %parallel_loop3A_126 : i32 to index
          %parallel_loop3A_144 = arith.constant 16 : index
          %parallel_loop3A_145 = tpu.vector_load %arg10[%parallel_loop3A_143, %parallel_loop3A_144] {strides = array<i32>} : memref<128x128xf32, #tpu.memory_space<vmem>>, vector<16xf32>,
          tpu.vector_store %arg10[%parallel_loop3A_143, %parallel_loop3A_144], %parallel_loop3A_142 {strides = array<i32>} : memref<128x128xf32, #tpu.memory_space<vmem>>, vector<16xf32>,
          %parallel_loop3A_146 = arith.index_cast %parallel_loop3A_126 : i32 to index
          %parallel_loop3A_147 = arith.constant 32 : index
          %parallel_loop3A_148 = tpu.vector_load %arg10[%parallel_loop3A_146, %parallel_loop3A_147] {strides = array<i32>} : memref<128x128xf32, #tpu.memory_space<vmem>>, vector<16xf32>,
          %parallel_loop3A_149 = arith.mulf %parallel_loop3A_148, %parallel_loop3A_131 : vector<16xf32>
          %parallel_loop3A_150 = arith.index_cast %parallel_loop3A_126 : i32 to index
          %parallel_loop3A_151 = arith.constant 32 : index
          %parallel_loop3A_152 = tpu.vector_load %arg10[%parallel_loop3A_150, %parallel_loop3A_151] {strides = array<i32>} : memref<128x128xf32, #tpu.memory_space<vmem>>, vector<16xf32>,
          tpu.vector_store %arg10[%parallel_loop3A_150, %parallel_loop3A_151], %parallel_loop3A_149 {strides = array<i32>} : memref<128x128xf32, #tpu.memory_space<vmem>>, vector<16xf32>,
          %parallel_loop3A_153 = arith.index_cast %parallel_loop3A_126 : i32 to index
          %parallel_loop3A_154 = arith.constant 48 : index
          %parallel_loop3A_155 = tpu.vector_load %arg10[%parallel_loop3A_153, %parallel_loop3A_154] {strides = array<i32>} : memref<128x128xf32, #tpu.memory_space<vmem>>, vector<16xf32>,
          %parallel_loop3A_156 = arith.mulf %parallel_loop3A_155, %parallel_loop3A_131 : vector<16xf32>
          %parallel_loop3A_157 = arith.index_cast %parallel_loop3A_126 : i32 to index
          %parallel_loop3A_158 = arith.constant 48 : index
          %parallel_loop3A_159 = tpu.vector_load %arg10[%parallel_loop3A_157, %parallel_loop3A_158] {strides = array<i32>} : memref<128x128xf32, #tpu.memory_space<vmem>>, vector<16xf32>,
          tpu.vector_store %arg10[%parallel_loop3A_157, %parallel_loop3A_158], %parallel_loop3A_156 {strides = array<i32>} : memref<128x128xf32, #tpu.memory_space<vmem>>, vector<16xf32>,
          %parallel_loop3A_160 = arith.index_cast %parallel_loop3A_126 : i32 to index
          %parallel_loop3A_161 = arith.constant 64 : index
          %parallel_loop3A_162 = tpu.vector_load %arg10[%parallel_loop3A_160, %parallel_loop3A_161] {strides = array<i32>} : memref<128x128xf32, #tpu.memory_space<vmem>>, vector<16xf32>,
          %parallel_loop3A_163 = arith.mulf %parallel_loop3A_162, %parallel_loop3A_131 : vector<16xf32>
          %parallel_loop3A_164 = arith.index_cast %parallel_loop3A_126 : i32 to index
          %parallel_loop3A_165 = arith.constant 64 : index
          %parallel_loop3A_166 = tpu.vector_load %arg10[%parallel_loop3A_164, %parallel_loop3A_165] {strides = array<i32>} : memref<128x128xf32, #tpu.memory_space<vmem>>, vector<16xf32>,
          tpu.vector_store %arg10[%parallel_loop3A_164, %parallel_loop3A_165], %parallel_loop3A_163 {strides = array<i32>} : memref<128x128xf32, #tpu.memory_space<vmem>>, vector<16xf32>,
          %parallel_loop3A_167 = arith.index_cast %parallel_loop3A_126 : i32 to index
          %parallel_loop3A_168 = arith.constant 80 : index
          %parallel_loop3A_169 = tpu.vector_load %arg10[%parallel_loop3A_167, %parallel_loop3A_168] {strides = array<i32>} : memref<128x128xf32, #tpu.memory_space<vmem>>, vector<16xf32>,
          %parallel_loop3A_170 = arith.mulf %parallel_loop3A_169, %parallel_loop3A_131 : vector<16xf32>
          %parallel_loop3A_171 = arith.index_cast %parallel_loop3A_126 : i32 to index
          %parallel_loop3A_172 = arith.constant 80 : index
          %parallel_loop3A_173 = tpu.vector_load %arg10[%parallel_loop3A_171, %parallel_loop3A_172] {strides = array<i32>} : memref<128x128xf32, #tpu.memory_space<vmem>>, vector<16xf32>,
          tpu.vector_store %arg10[%parallel_loop3A_171, %parallel_loop3A_172], %parallel_loop3A_170 {strides = array<i32>} : memref<128x128xf32, #tpu.memory_space<vmem>>, vector<16xf32>,
          %parallel_loop3A_174 = arith.index_cast %parallel_loop3A_126 : i32 to index
          %parallel_loop3A_175 = arith.constant 96 : index
          %parallel_loop3A_176 = tpu.vector_load %arg10[%parallel_loop3A_174, %parallel_loop3A_175] {strides = array<i32>} : memref<128x128xf32, #tpu.memory_space<vmem>>, vector<16xf32>,
          %parallel_loop3A_177 = arith.mulf %parallel_loop3A_176, %parallel_loop3A_131 : vector<16xf32>
          %parallel_loop3A_178 = arith.index_cast %parallel_loop3A_126 : i32 to index
          %parallel_loop3A_179 = arith.constant 96 : index
          %parallel_loop3A_180 = tpu.vector_load %arg10[%parallel_loop3A_178, %parallel_loop3A_179] {strides = array<i32>} : memref<128x128xf32, #tpu.memory_space<vmem>>, vector<16xf32>,
          tpu.vector_store %arg10[%parallel_loop3A_178, %parallel_loop3A_179], %parallel_loop3A_177 {strides = array<i32>} : memref<128x128xf32, #tpu.memory_space<vmem>>, vector<16xf32>,
          %parallel_loop3A_181 = arith.index_cast %parallel_loop3A_126 : i32 to index
          %parallel_loop3A_182 = arith.constant 112 : index
          %parallel_loop3A_183 = tpu.vector_load %arg10[%parallel_loop3A_181, %parallel_loop3A_182] {strides = array<i32>} : memref<128x128xf32, #tpu.memory_space<vmem>>, vector<16xf32>,
          %parallel_loop3A_184 = arith.mulf %parallel_loop3A_183, %parallel_loop3A_131 : vector<16xf32>
          %parallel_loop3A_185 = arith.index_cast %parallel_loop3A_126 : i32 to index
          %parallel_loop3A_186 = arith.constant 112 : index
          %parallel_loop3A_187 = tpu.vector_load %arg10[%parallel_loop3A_185, %parallel_loop3A_186] {strides = array<i32>} : memref<128x128xf32, #tpu.memory_space<vmem>>, vector<16xf32>,
          tpu.vector_store %arg10[%parallel_loop3A_185, %parallel_loop3A_186], %parallel_loop3A_184 {strides = array<i32>} : memref<128x128xf32, #tpu.memory_space<vmem>>, vector<16xf32>,
        } {sc.loop_unroll_factor = 16 : i64, sc.parallel_access}
        "tpu.region"() ({
          %run_scoped3A = tpu.sem_alloc : memref<!tpu.dma_semaphore, #tpu.memory_space<semaphore_mem>>
          %dma_start3A_126 = arith.constant 0 : i32
          %dma_start3A_127 = tpu.memref_slice %arg9[%mul3A_85, %dma_start3A_126] : memref<16x128xi32, #tpu.memory_space<vmem>> -> memref<1x128xi32, #tpu.memory_space<vmem>>
          %dma_start3A_128 = tpu.memref_squeeze %dma_start3A_127 : memref<1x128xi32, #tpu.memory_space<vmem>> -> memref<128xi32, #tpu.memory_space<vmem>>
          %dma_start3A_129 = arith.constant 0 : i32
          %dma_start3A_130 = arith.constant 0 : i32
          %dma_start3A_131 = tpu.memref_slice %arg12[%dma_start3A_129, %dma_start3A_130] : memref<10240x128xf32, #tpu.memory_space<vmem_shared>> -> memref<10240x128xf32, #tpu.memory_space<vmem_shared>>
          tpu.enqueue_indirect_dma source(%arg10 : memref<128x128xf32, #tpu.memory_space<vmem>>) target(%dma_start3A_131 : memref<10240x128xf32, #tpu.memory_space<vmem_shared>>) offsets(%dma_start3A_128 : memref<128xi32, #tpu.memory_space<vmem>>) semaphore(%run_scoped3A : memref<!tpu.dma_semaphore, #tpu.memory_space<semaphore_mem>>) {add = true}
          %dma_wait3A_132 = arith.constant 0 : i32
          %dma_wait3A_133 = tpu.memref_slice %arg9[%mul3A_85, %dma_wait3A_132] : memref<16x128xi32, #tpu.memory_space<vmem>> -> memref<1x128xi32, #tpu.memory_space<vmem>>
          %dma_wait3A_134 = tpu.memref_squeeze %dma_wait3A_133 : memref<1x128xi32, #tpu.memory_space<vmem>> -> memref<128xi32, #tpu.memory_space<vmem>>
          %dma_wait3A_135 = arith.constant 0 : i32
          %dma_wait3A_136 = arith.constant 0 : i32
          %dma_wait3A_137 = tpu.memref_slice %arg12[%dma_wait3A_135, %dma_wait3A_136] : memref<10240x128xf32, #tpu.memory_space<vmem_shared>> -> memref<10240x128xf32, #tpu.memory_space<vmem_shared>>
          tpu.wait_indirect_dma semaphore(%run_scoped3A : memref<!tpu.dma_semaphore, #tpu.memory_space<semaphore_mem>>) src(%arg10 : memref<128x128xf32, #tpu.memory_space<vmem>>) dst(%dma_wait3A_137 : memref<10240x128xf32, #tpu.memory_space<vmem_shared>>)
          tpu.yield
        }) : () -> ()
        %lt3A = arith.constant 7 : i32
        %lt3A_104 = arith.cmpi slt, %scan3A_82, %lt3A : i32
        %convert_element_type3A = arith.extui %lt3A_104 : i1 to i32
        %cond3A = arith.constant 0 : i32
        %cond3A_105 = arith.cmpi ne, %convert_element_type3A, %cond3A : i32
        scf.if %cond3A_105 {
          %add3A_126 = arith.constant 2 : i32
          %add3A_127 = arith.addi %mul3A_85, %add3A_126 : i32
          %dma_start3A_128 = arith.constant 0 : i32
          %dma_start3A_129 = tpu.memref_slice %arg8[%add3A_127, %dma_start3A_128] : memref<16x128xi32, #tpu.memory_space<vmem>> -> memref<1x128xi32, #tpu.memory_space<vmem>>
          %dma_start3A_130 = tpu.memref_squeeze %dma_start3A_129 : memref<1x128xi32, #tpu.memory_space<vmem>> -> memref<128xi32, #tpu.memory_space<vmem>>
          %dma_start3A_131 = arith.constant 0 : i32
          %dma_start3A_132 = arith.constant 0 : i32
          %dma_start3A_133 = tpu.memref_slice %arg5[%dma_start3A_131, %dma_start3A_132] : memref<20480x128xf32, #tpu.memory_space<hbm>> -> memref<20480x128xf32, #tpu.memory_space<hbm>>
          tpu.enqueue_indirect_dma source(%dma_start3A_133 : memref<20480x128xf32, #tpu.memory_space<hbm>>) target(%arg10 : memref<128x128xf32, #tpu.memory_space<vmem>>) offsets(%dma_start3A_130 : memref<128xi32, #tpu.memory_space<vmem>>) semaphore(%arg13 : memref<!tpu.dma_semaphore, #tpu.memory_space<semaphore_mem>>)
        } else {
        }
        %add3A_106 = arith.constant 1 : i32
        %add3A_107 = arith.addi %mul3A_85, %add3A_106 : i32
        %dma_wait3A_108 = arith.constant 0 : i32
        %dma_wait3A_109 = tpu.memref_slice %arg8[%add3A_107, %dma_wait3A_108] : memref<16x128xi32, #tpu.memory_space<vmem>> -> memref<1x128xi32, #tpu.memory_space<vmem>>
        %dma_wait3A_110 = tpu.memref_squeeze %dma_wait3A_109 : memref<1x128xi32, #tpu.memory_space<vmem>> -> memref<128xi32, #tpu.memory_space<vmem>>
        %dma_wait3A_111 = arith.constant 0 : i32
        %dma_wait3A_112 = arith.constant 0 : i32
        %dma_wait3A_113 = tpu.memref_slice %arg5[%dma_wait3A_111, %dma_wait3A_112] : memref<20480x128xf32, #tpu.memory_space<hbm>> -> memref<20480x128xf32, #tpu.memory_space<hbm>>
        tpu.wait_indirect_dma semaphore(%arg14 : memref<!tpu.dma_semaphore, #tpu.memory_space<semaphore_mem>>) src(%dma_wait3A_113 : memref<20480x128xf32, #tpu.memory_space<hbm>>) dst(%arg11 : memref<128x128xf32, #tpu.memory_space<vmem>>)
        %add3A_114 = arith.constant 1 : i32
        %add3A_115 = arith.addi %mul3A_85, %add3A_114 : i32
        %broadcast_in_dim3A_116 = arith.constant 0 : i32
        %broadcast_in_dim3A_117 = vector.broadcast %broadcast_in_dim3A_116 : i32 to vector<16xi32>
        %add3A_118 = vector.broadcast %add3A_115 : i32 to vector<16xi32>
        %add3A_119 = arith.addi %broadcast_in_dim3A_117, %add3A_118 : vector<16xi32>
        %parallel_loop3A_120 = arith.constant 0 : i32
        %parallel_loop3A_121 = arith.constant 128 : i32
        %parallel_loop3A_122 = arith.constant 1 : i32
        scf.for %parallel_loop3A_126 = %parallel_loop3A_120 to %parallel_loop3A_121 step %parallel_loop3A_122  : i32 {
          %parallel_loop3A_127 = arith.constant 0 : i32
          %parallel_loop3A_128 = vector.broadcast %parallel_loop3A_127 : i32 to vector<16xi32>
          %parallel_loop3A_129 = vector.broadcast %parallel_loop3A_126 : i32 to vector<16xi32>
          %parallel_loop3A_130 = arith.addi %parallel_loop3A_128, %parallel_loop3A_129 : vector<16xi32>
          %parallel_loop3A_131 = tpu.vector_load_idx %arg7[%add3A_119, %parallel_loop3A_130] : memref<16x128xf32, #tpu.memory_space<vmem>>[vector<16xi32>, vector<16xi32>], vector<16xf32>,
          %parallel_loop3A_132 = arith.index_cast %parallel_loop3A_126 : i32 to index
          %parallel_loop3A_133 = arith.constant 0 : index
          %parallel_loop3A_134 = tpu.vector_load %arg11[%parallel_loop3A_132, %parallel_loop3A_133] {strides = array<i32>} : memref<128x128xf32, #tpu.memory_space<vmem>>, vector<16xf32>,
          %parallel_loop3A_135 = arith.mulf %parallel_loop3A_134, %parallel_loop3A_131 : vector<16xf32>
          %parallel_loop3A_136 = arith.index_cast %parallel_loop3A_126 : i32 to index
          %parallel_loop3A_137 = arith.constant 0 : index
          %parallel_loop3A_138 = tpu.vector_load %arg11[%parallel_loop3A_136, %parallel_loop3A_137] {strides = array<i32>} : memref<128x128xf32, #tpu.memory_space<vmem>>, vector<16xf32>,
          tpu.vector_store %arg11[%parallel_loop3A_136, %parallel_loop3A_137], %parallel_loop3A_135 {strides = array<i32>} : memref<128x128xf32, #tpu.memory_space<vmem>>, vector<16xf32>,
          %parallel_loop3A_139 = arith.index_cast %parallel_loop3A_126 : i32 to index
          %parallel_loop3A_140 = arith.constant 16 : index
          %parallel_loop3A_141 = tpu.vector_load %arg11[%parallel_loop3A_139, %parallel_loop3A_140] {strides = array<i32>} : memref<128x128xf32, #tpu.memory_space<vmem>>, vector<16xf32>,
          %parallel_loop3A_142 = arith.mulf %parallel_loop3A_141, %parallel_loop3A_131 : vector<16xf32>
          %parallel_loop3A_143 = arith.index_cast %parallel_loop3A_126 : i32 to index
          %parallel_loop3A_144 = arith.constant 16 : index
          %parallel_loop3A_145 = tpu.vector_load %arg11[%parallel_loop3A_143, %parallel_loop3A_144] {strides = array<i32>} : memref<128x128xf32, #tpu.memory_space<vmem>>, vector<16xf32>,
          tpu.vector_store %arg11[%parallel_loop3A_143, %parallel_loop3A_144], %parallel_loop3A_142 {strides = array<i32>} : memref<128x128xf32, #tpu.memory_space<vmem>>, vector<16xf32>,
          %parallel_loop3A_146 = arith.index_cast %parallel_loop3A_126 : i32 to index
          %parallel_loop3A_147 = arith.constant 32 : index
          %parallel_loop3A_148 = tpu.vector_load %arg11[%parallel_loop3A_146, %parallel_loop3A_147] {strides = array<i32>} : memref<128x128xf32, #tpu.memory_space<vmem>>, vector<16xf32>,
          %parallel_loop3A_149 = arith.mulf %parallel_loop3A_148, %parallel_loop3A_131 : vector<16xf32>
          %parallel_loop3A_150 = arith.index_cast %parallel_loop3A_126 : i32 to index
          %parallel_loop3A_151 = arith.constant 32 : index
          %parallel_loop3A_152 = tpu.vector_load %arg11[%parallel_loop3A_150, %parallel_loop3A_151] {strides = array<i32>} : memref<128x128xf32, #tpu.memory_space<vmem>>, vector<16xf32>,
          tpu.vector_store %arg11[%parallel_loop3A_150, %parallel_loop3A_151], %parallel_loop3A_149 {strides = array<i32>} : memref<128x128xf32, #tpu.memory_space<vmem>>, vector<16xf32>,
          %parallel_loop3A_153 = arith.index_cast %parallel_loop3A_126 : i32 to index
          %parallel_loop3A_154 = arith.constant 48 : index
          %parallel_loop3A_155 = tpu.vector_load %arg11[%parallel_loop3A_153, %parallel_loop3A_154] {strides = array<i32>} : memref<128x128xf32, #tpu.memory_space<vmem>>, vector<16xf32>,
          %parallel_loop3A_156 = arith.mulf %parallel_loop3A_155, %parallel_loop3A_131 : vector<16xf32>
          %parallel_loop3A_157 = arith.index_cast %parallel_loop3A_126 : i32 to index
          %parallel_loop3A_158 = arith.constant 48 : index
          %parallel_loop3A_159 = tpu.vector_load %arg11[%parallel_loop3A_157, %parallel_loop3A_158] {strides = array<i32>} : memref<128x128xf32, #tpu.memory_space<vmem>>, vector<16xf32>,
          tpu.vector_store %arg11[%parallel_loop3A_157, %parallel_loop3A_158], %parallel_loop3A_156 {strides = array<i32>} : memref<128x128xf32, #tpu.memory_space<vmem>>, vector<16xf32>,
          %parallel_loop3A_160 = arith.index_cast %parallel_loop3A_126 : i32 to index
          %parallel_loop3A_161 = arith.constant 64 : index
          %parallel_loop3A_162 = tpu.vector_load %arg11[%parallel_loop3A_160, %parallel_loop3A_161] {strides = array<i32>} : memref<128x128xf32, #tpu.memory_space<vmem>>, vector<16xf32>,
          %parallel_loop3A_163 = arith.mulf %parallel_loop3A_162, %parallel_loop3A_131 : vector<16xf32>
          %parallel_loop3A_164 = arith.index_cast %parallel_loop3A_126 : i32 to index
          %parallel_loop3A_165 = arith.constant 64 : index
          %parallel_loop3A_166 = tpu.vector_load %arg11[%parallel_loop3A_164, %parallel_loop3A_165] {strides = array<i32>} : memref<128x128xf32, #tpu.memory_space<vmem>>, vector<16xf32>,
          tpu.vector_store %arg11[%parallel_loop3A_164, %parallel_loop3A_165], %parallel_loop3A_163 {strides = array<i32>} : memref<128x128xf32, #tpu.memory_space<vmem>>, vector<16xf32>,
          %parallel_loop3A_167 = arith.index_cast %parallel_loop3A_126 : i32 to index
          %parallel_loop3A_168 = arith.constant 80 : index
          %parallel_loop3A_169 = tpu.vector_load %arg11[%parallel_loop3A_167, %parallel_loop3A_168] {strides = array<i32>} : memref<128x128xf32, #tpu.memory_space<vmem>>, vector<16xf32>,
          %parallel_loop3A_170 = arith.mulf %parallel_loop3A_169, %parallel_loop3A_131 : vector<16xf32>
          %parallel_loop3A_171 = arith.index_cast %parallel_loop3A_126 : i32 to index
          %parallel_loop3A_172 = arith.constant 80 : index
          %parallel_loop3A_173 = tpu.vector_load %arg11[%parallel_loop3A_171, %parallel_loop3A_172] {strides = array<i32>} : memref<128x128xf32, #tpu.memory_space<vmem>>, vector<16xf32>,
          tpu.vector_store %arg11[%parallel_loop3A_171, %parallel_loop3A_172], %parallel_loop3A_170 {strides = array<i32>} : memref<128x128xf32, #tpu.memory_space<vmem>>, vector<16xf32>,
          %parallel_loop3A_174 = arith.index_cast %parallel_loop3A_126 : i32 to index
          %parallel_loop3A_175 = arith.constant 96 : index
          %parallel_loop3A_176 = tpu.vector_load %arg11[%parallel_loop3A_174, %parallel_loop3A_175] {strides = array<i32>} : memref<128x128xf32, #tpu.memory_space<vmem>>, vector<16xf32>,
          %parallel_loop3A_177 = arith.mulf %parallel_loop3A_176, %parallel_loop3A_131 : vector<16xf32>
          %parallel_loop3A_178 = arith.index_cast %parallel_loop3A_126 : i32 to index
          %parallel_loop3A_179 = arith.constant 96 : index
          %parallel_loop3A_180 = tpu.vector_load %arg11[%parallel_loop3A_178, %parallel_loop3A_179] {strides = array<i32>} : memref<128x128xf32, #tpu.memory_space<vmem>>, vector<16xf32>,
          tpu.vector_store %arg11[%parallel_loop3A_178, %parallel_loop3A_179], %parallel_loop3A_177 {strides = array<i32>} : memref<128x128xf32, #tpu.memory_space<vmem>>, vector<16xf32>,
          %parallel_loop3A_181 = arith.index_cast %parallel_loop3A_126 : i32 to index
          %parallel_loop3A_182 = arith.constant 112 : index
          %parallel_loop3A_183 = tpu.vector_load %arg11[%parallel_loop3A_181, %parallel_loop3A_182] {strides = array<i32>} : memref<128x128xf32, #tpu.memory_space<vmem>>, vector<16xf32>,
          %parallel_loop3A_184 = arith.mulf %parallel_loop3A_183, %parallel_loop3A_131 : vector<16xf32>
          %parallel_loop3A_185 = arith.index_cast %parallel_loop3A_126 : i32 to index
          %parallel_loop3A_186 = arith.constant 112 : index
          %parallel_loop3A_187 = tpu.vector_load %arg11[%parallel_loop3A_185, %parallel_loop3A_186] {strides = array<i32>} : memref<128x128xf32, #tpu.memory_space<vmem>>, vector<16xf32>,
          tpu.vector_store %arg11[%parallel_loop3A_185, %parallel_loop3A_186], %parallel_loop3A_184 {strides = array<i32>} : memref<128x128xf32, #tpu.memory_space<vmem>>, vector<16xf32>,
        } {sc.loop_unroll_factor = 16 : i64, sc.parallel_access}
        %add3A_123 = arith.constant 1 : i32
        %add3A_124 = arith.addi %mul3A_85, %add3A_123 : i32
        "tpu.region"() ({
          %run_scoped3A = tpu.sem_alloc : memref<!tpu.dma_semaphore, #tpu.memory_space<semaphore_mem>>
          %dma_start3A_126 = arith.constant 0 : i32
          %dma_start3A_127 = tpu.memref_slice %arg9[%add3A_124, %dma_start3A_126] : memref<16x128xi32, #tpu.memory_space<vmem>> -> memref<1x128xi32, #tpu.memory_space<vmem>>
          %dma_start3A_128 = tpu.memref_squeeze %dma_start3A_127 : memref<1x128xi32, #tpu.memory_space<vmem>> -> memref<128xi32, #tpu.memory_space<vmem>>
          %dma_start3A_129 = arith.constant 0 : i32
          %dma_start3A_130 = arith.constant 0 : i32
          %dma_start3A_131 = tpu.memref_slice %arg12[%dma_start3A_129, %dma_start3A_130] : memref<10240x128xf32, #tpu.memory_space<vmem_shared>> -> memref<10240x128xf32, #tpu.memory_space<vmem_shared>>
          tpu.enqueue_indirect_dma source(%arg11 : memref<128x128xf32, #tpu.memory_space<vmem>>) target(%dma_start3A_131 : memref<10240x128xf32, #tpu.memory_space<vmem_shared>>) offsets(%dma_start3A_128 : memref<128xi32, #tpu.memory_space<vmem>>) semaphore(%run_scoped3A : memref<!tpu.dma_semaphore, #tpu.memory_space<semaphore_mem>>) {add = true}
          %dma_wait3A_132 = arith.constant 0 : i32
          %dma_wait3A_133 = tpu.memref_slice %arg9[%add3A_124, %dma_wait3A_132] : memref<16x128xi32, #tpu.memory_space<vmem>> -> memref<1x128xi32, #tpu.memory_space<vmem>>
          %dma_wait3A_134 = tpu.memref_squeeze %dma_wait3A_133 : memref<1x128xi32, #tpu.memory_space<vmem>> -> memref<128xi32, #tpu.memory_space<vmem>>
          %dma_wait3A_135 = arith.constant 0 : i32
          %dma_wait3A_136 = arith.constant 0 : i32
          %dma_wait3A_137 = tpu.memref_slice %arg12[%dma_wait3A_135, %dma_wait3A_136] : memref<10240x128xf32, #tpu.memory_space<vmem_shared>> -> memref<10240x128xf32, #tpu.memory_space<vmem_shared>>
          tpu.wait_indirect_dma semaphore(%run_scoped3A : memref<!tpu.dma_semaphore, #tpu.memory_space<semaphore_mem>>) src(%arg11 : memref<128x128xf32, #tpu.memory_space<vmem>>) dst(%dma_wait3A_137 : memref<10240x128xf32, #tpu.memory_space<vmem_shared>>)
          tpu.yield
        }) : () -> ()
        %scan3A_125 = arith.constant 0 : i32
        scf.yield %scan3A_125 : i32
      }
      %scan3A_80 = arith.constant 8 : i32
      %scan3A_81 = arith.constant 0 : i32
      scf.yield %scan3A_81 : i32
    }
    %scan3A_35 = arith.constant 10 : i32
    %barrier3A_36 = arith.constant 0 : index
    tpu.barrier barrier_id(%barrier3A_36)
    %mul3A_37 = arith.constant 640 : i32
    %mul3A_38 = arith.muli %arg1, %mul3A_37 : i32
    %add3A_39 = arith.constant 0 : i32
    %add3A_40 = arith.addi %mul3A_38, %add3A_39 : i32
    "tpu.region"() ({
      %run_scoped3A = tpu.sem_alloc : memref<!tpu.dma_semaphore, #tpu.memory_space<semaphore_mem>>
      %dma_start3A = arith.constant 0 : i32
      %dma_start3A_57 = arith.constant 0 : i32
      %dma_start3A_58 = tpu.memref_slice %arg6[%arg0, %dma_start3A, %dma_start3A_57] : memref<2x10240x128xf32, #tpu.memory_space<hbm>> -> memref<1x10240x128xf32, #tpu.memory_space<hbm>>
      %dma_start3A_59 = tpu.memref_squeeze %dma_start3A_58 : memref<1x10240x128xf32, #tpu.memory_space<hbm>> -> memref<10240x128xf32, #tpu.memory_space<hbm>>
      %dma_start3A_60 = arith.constant 0 : i32
      %dma_start3A_61 = tpu.memref_slice %dma_start3A_59[%add3A_40, %dma_start3A_60] : memref<10240x128xf32, #tpu.memory_space<hbm>> -> memref<128x128xf32, #tpu.memory_space<hbm>>
      %dma_start3A_62 = arith.constant 0 : i32
      %dma_start3A_63 = tpu.memref_slice %arg12[%add3A_40, %dma_start3A_62] : memref<10240x128xf32, #tpu.memory_space<vmem_shared>> -> memref<128x128xf32, #tpu.memory_space<vmem_shared>>
      tpu.enqueue_dma source(%dma_start3A_63 : memref<128x128xf32, #tpu.memory_space<vmem_shared>>) target(%dma_start3A_61 : memref<128x128xf32, #tpu.memory_space<hbm>>) target_semaphore(%run_scoped3A : memref<!tpu.dma_semaphore, #tpu.memory_space<semaphore_mem>>)
      %dma_wait3A = arith.constant 0 : i32
      %dma_wait3A_64 = arith.constant 0 : i32
      %dma_wait3A_65 = tpu.memref_slice %arg6[%arg0, %dma_wait3A, %dma_wait3A_64] : memref<2x10240x128xf32, #tpu.memory_space<hbm>> -> memref<1x10240x128xf32, #tpu.memory_space<hbm>>
      %dma_wait3A_66 = tpu.memref_squeeze %dma_wait3A_65 : memref<1x10240x128xf32, #tpu.memory_space<hbm>> -> memref<10240x128xf32, #tpu.memory_space<hbm>>
      %dma_wait3A_67 = arith.constant 0 : i32
      %dma_wait3A_68 = tpu.memref_slice %dma_wait3A_66[%add3A_40, %dma_wait3A_67] : memref<10240x128xf32, #tpu.memory_space<hbm>> -> memref<128x128xf32, #tpu.memory_space<hbm>>
      %dma_wait3A_69 = arith.constant 0 : i32
      %dma_wait3A_70 = tpu.memref_slice %arg12[%add3A_40, %dma_wait3A_69] : memref<10240x128xf32, #tpu.memory_space<vmem_shared>> -> memref<128x128xf32, #tpu.memory_space<vmem_shared>>
      tpu.wait_dma2 semaphore(%run_scoped3A : memref<!tpu.dma_semaphore, #tpu.memory_space<semaphore_mem>>) src(%dma_wait3A_70 : memref<128x128xf32, #tpu.memory_space<vmem_shared>>) dst(%dma_wait3A_68 : memref<128x128xf32, #tpu.memory_space<hbm>>)
      tpu.yield
    }) : () -> ()
    %mul3A_41 = arith.constant 640 : i32
    %mul3A_42 = arith.muli %arg1, %mul3A_41 : i32
    %add3A_43 = arith.constant 128 : i32
    %add3A_44 = arith.addi %mul3A_42, %add3A_43 : i32
    "tpu.region"() ({
      %run_scoped3A = tpu.sem_alloc : memref<!tpu.dma_semaphore, #tpu.memory_space<semaphore_mem>>
      %dma_start3A = arith.constant 0 : i32
      %dma_start3A_57 = arith.constant 0 : i32
      %dma_start3A_58 = tpu.memref_slice %arg6[%arg0, %dma_start3A, %dma_start3A_57] : memref<2x10240x128xf32, #tpu.memory_space<hbm>> -> memref<1x10240x128xf32, #tpu.memory_space<hbm>>
      %dma_start3A_59 = tpu.memref_squeeze %dma_start3A_58 : memref<1x10240x128xf32, #tpu.memory_space<hbm>> -> memref<10240x128xf32, #tpu.memory_space<hbm>>
      %dma_start3A_60 = arith.constant 0 : i32
      %dma_start3A_61 = tpu.memref_slice %dma_start3A_59[%add3A_44, %dma_start3A_60] : memref<10240x128xf32, #tpu.memory_space<hbm>> -> memref<128x128xf32, #tpu.memory_space<hbm>>
      %dma_start3A_62 = arith.constant 0 : i32
      %dma_start3A_63 = tpu.memref_slice %arg12[%add3A_44, %dma_start3A_62] : memref<10240x128xf32, #tpu.memory_space<vmem_shared>> -> memref<128x128xf32, #tpu.memory_space<vmem_shared>>
      tpu.enqueue_dma source(%dma_start3A_63 : memref<128x128xf32, #tpu.memory_space<vmem_shared>>) target(%dma_start3A_61 : memref<128x128xf32, #tpu.memory_space<hbm>>) target_semaphore(%run_scoped3A : memref<!tpu.dma_semaphore, #tpu.memory_space<semaphore_mem>>)
      %dma_wait3A = arith.constant 0 : i32
      %dma_wait3A_64 = arith.constant 0 : i32
      %dma_wait3A_65 = tpu.memref_slice %arg6[%arg0, %dma_wait3A, %dma_wait3A_64] : memref<2x10240x128xf32, #tpu.memory_space<hbm>> -> memref<1x10240x128xf32, #tpu.memory_space<hbm>>
      %dma_wait3A_66 = tpu.memref_squeeze %dma_wait3A_65 : memref<1x10240x128xf32, #tpu.memory_space<hbm>> -> memref<10240x128xf32, #tpu.memory_space<hbm>>
      %dma_wait3A_67 = arith.constant 0 : i32
      %dma_wait3A_68 = tpu.memref_slice %dma_wait3A_66[%add3A_44, %dma_wait3A_67] : memref<10240x128xf32, #tpu.memory_space<hbm>> -> memref<128x128xf32, #tpu.memory_space<hbm>>
      %dma_wait3A_69 = arith.constant 0 : i32
      %dma_wait3A_70 = tpu.memref_slice %arg12[%add3A_44, %dma_wait3A_69] : memref<10240x128xf32, #tpu.memory_space<vmem_shared>> -> memref<128x128xf32, #tpu.memory_space<vmem_shared>>
      tpu.wait_dma2 semaphore(%run_scoped3A : memref<!tpu.dma_semaphore, #tpu.memory_space<semaphore_mem>>) src(%dma_wait3A_70 : memref<128x128xf32, #tpu.memory_space<vmem_shared>>) dst(%dma_wait3A_68 : memref<128x128xf32, #tpu.memory_space<hbm>>)
      tpu.yield
    }) : () -> ()
    %mul3A_45 = arith.constant 640 : i32
    %mul3A_46 = arith.muli %arg1, %mul3A_45 : i32
    %add3A_47 = arith.constant 256 : i32
    %add3A_48 = arith.addi %mul3A_46, %add3A_47 : i32
    "tpu.region"() ({
      %run_scoped3A = tpu.sem_alloc : memref<!tpu.dma_semaphore, #tpu.memory_space<semaphore_mem>>
      %dma_start3A = arith.constant 0 : i32
      %dma_start3A_57 = arith.constant 0 : i32
      %dma_start3A_58 = tpu.memref_slice %arg6[%arg0, %dma_start3A, %dma_start3A_57] : memref<2x10240x128xf32, #tpu.memory_space<hbm>> -> memref<1x10240x128xf32, #tpu.memory_space<hbm>>
      %dma_start3A_59 = tpu.memref_squeeze %dma_start3A_58 : memref<1x10240x128xf32, #tpu.memory_space<hbm>> -> memref<10240x128xf32, #tpu.memory_space<hbm>>
      %dma_start3A_60 = arith.constant 0 : i32
      %dma_start3A_61 = tpu.memref_slice %dma_start3A_59[%add3A_48, %dma_start3A_60] : memref<10240x128xf32, #tpu.memory_space<hbm>> -> memref<128x128xf32, #tpu.memory_space<hbm>>
      %dma_start3A_62 = arith.constant 0 : i32
      %dma_start3A_63 = tpu.memref_slice %arg12[%add3A_48, %dma_start3A_62] : memref<10240x128xf32, #tpu.memory_space<vmem_shared>> -> memref<128x128xf32, #tpu.memory_space<vmem_shared>>
      tpu.enqueue_dma source(%dma_start3A_63 : memref<128x128xf32, #tpu.memory_space<vmem_shared>>) target(%dma_start3A_61 : memref<128x128xf32, #tpu.memory_space<hbm>>) target_semaphore(%run_scoped3A : memref<!tpu.dma_semaphore, #tpu.memory_space<semaphore_mem>>)
      %dma_wait3A = arith.constant 0 : i32
      %dma_wait3A_64 = arith.constant 0 : i32
      %dma_wait3A_65 = tpu.memref_slice %arg6[%arg0, %dma_wait3A, %dma_wait3A_64] : memref<2x10240x128xf32, #tpu.memory_space<hbm>> -> memref<1x10240x128xf32, #tpu.memory_space<hbm>>
      %dma_wait3A_66 = tpu.memref_squeeze %dma_wait3A_65 : memref<1x10240x128xf32, #tpu.memory_space<hbm>> -> memref<10240x128xf32, #tpu.memory_space<hbm>>
      %dma_wait3A_67 = arith.constant 0 : i32
      %dma_wait3A_68 = tpu.memref_slice %dma_wait3A_66[%add3A_48, %dma_wait3A_67] : memref<10240x128xf32, #tpu.memory_space<hbm>> -> memref<128x128xf32, #tpu.memory_space<hbm>>
      %dma_wait3A_69 = arith.constant 0 : i32
      %dma_wait3A_70 = tpu.memref_slice %arg12[%add3A_48, %dma_wait3A_69] : memref<10240x128xf32, #tpu.memory_space<vmem_shared>> -> memref<128x128xf32, #tpu.memory_space<vmem_shared>>
      tpu.wait_dma2 semaphore(%run_scoped3A : memref<!tpu.dma_semaphore, #tpu.memory_space<semaphore_mem>>) src(%dma_wait3A_70 : memref<128x128xf32, #tpu.memory_space<vmem_shared>>) dst(%dma_wait3A_68 : memref<128x128xf32, #tpu.memory_space<hbm>>)
      tpu.yield
    }) : () -> ()
    %mul3A_49 = arith.constant 640 : i32
    %mul3A_50 = arith.muli %arg1, %mul3A_49 : i32
    %add3A_51 = arith.constant 384 : i32
    %add3A_52 = arith.addi %mul3A_50, %add3A_51 : i32
    "tpu.region"() ({
      %run_scoped3A = tpu.sem_alloc : memref<!tpu.dma_semaphore, #tpu.memory_space<semaphore_mem>>
      %dma_start3A = arith.constant 0 : i32
      %dma_start3A_57 = arith.constant 0 : i32
      %dma_start3A_58 = tpu.memref_slice %arg6[%arg0, %dma_start3A, %dma_start3A_57] : memref<2x10240x128xf32, #tpu.memory_space<hbm>> -> memref<1x10240x128xf32, #tpu.memory_space<hbm>>
      %dma_start3A_59 = tpu.memref_squeeze %dma_start3A_58 : memref<1x10240x128xf32, #tpu.memory_space<hbm>> -> memref<10240x128xf32, #tpu.memory_space<hbm>>
      %dma_start3A_60 = arith.constant 0 : i32
      %dma_start3A_61 = tpu.memref_slice %dma_start3A_59[%add3A_52, %dma_start3A_60] : memref<10240x128xf32, #tpu.memory_space<hbm>> -> memref<128x128xf32, #tpu.memory_space<hbm>>
      %dma_start3A_62 = arith.constant 0 : i32
      %dma_start3A_63 = tpu.memref_slice %arg12[%add3A_52, %dma_start3A_62] : memref<10240x128xf32, #tpu.memory_space<vmem_shared>> -> memref<128x128xf32, #tpu.memory_space<vmem_shared>>
      tpu.enqueue_dma source(%dma_start3A_63 : memref<128x128xf32, #tpu.memory_space<vmem_shared>>) target(%dma_start3A_61 : memref<128x128xf32, #tpu.memory_space<hbm>>) target_semaphore(%run_scoped3A : memref<!tpu.dma_semaphore, #tpu.memory_space<semaphore_mem>>)
      %dma_wait3A = arith.constant 0 : i32
      %dma_wait3A_64 = arith.constant 0 : i32
      %dma_wait3A_65 = tpu.memref_slice %arg6[%arg0, %dma_wait3A, %dma_wait3A_64] : memref<2x10240x128xf32, #tpu.memory_space<hbm>> -> memref<1x10240x128xf32, #tpu.memory_space<hbm>>
      %dma_wait3A_66 = tpu.memref_squeeze %dma_wait3A_65 : memref<1x10240x128xf32, #tpu.memory_space<hbm>> -> memref<10240x128xf32, #tpu.memory_space<hbm>>
      %dma_wait3A_67 = arith.constant 0 : i32
      %dma_wait3A_68 = tpu.memref_slice %dma_wait3A_66[%add3A_52, %dma_wait3A_67] : memref<10240x128xf32, #tpu.memory_space<hbm>> -> memref<128x128xf32, #tpu.memory_space<hbm>>
      %dma_wait3A_69 = arith.constant 0 : i32
      %dma_wait3A_70 = tpu.memref_slice %arg12[%add3A_52, %dma_wait3A_69] : memref<10240x128xf32, #tpu.memory_space<vmem_shared>> -> memref<128x128xf32, #tpu.memory_space<vmem_shared>>
      tpu.wait_dma2 semaphore(%run_scoped3A : memref<!tpu.dma_semaphore, #tpu.memory_space<semaphore_mem>>) src(%dma_wait3A_70 : memref<128x128xf32, #tpu.memory_space<vmem_shared>>) dst(%dma_wait3A_68 : memref<128x128xf32, #tpu.memory_space<hbm>>)
      tpu.yield
    }) : () -> ()
    %mul3A_53 = arith.constant 640 : i32
    %mul3A_54 = arith.muli %arg1, %mul3A_53 : i32
    %add3A_55 = arith.constant 512 : i32
    %add3A_56 = arith.addi %mul3A_54, %add3A_55 : i32
    "tpu.region"() ({
      %run_scoped3A = tpu.sem_alloc : memref<!tpu.dma_semaphore, #tpu.memory_space<semaphore_mem>>
      %dma_start3A = arith.constant 0 : i32
      %dma_start3A_57 = arith.constant 0 : i32
      %dma_start3A_58 = tpu.memref_slice %arg6[%arg0, %dma_start3A, %dma_start3A_57] : memref<2x10240x128xf32, #tpu.memory_space<hbm>> -> memref<1x10240x128xf32, #tpu.memory_space<hbm>>
      %dma_start3A_59 = tpu.memref_squeeze %dma_start3A_58 : memref<1x10240x128xf32, #tpu.memory_space<hbm>> -> memref<10240x128xf32, #tpu.memory_space<hbm>>
      %dma_start3A_60 = arith.constant 0 : i32
      %dma_start3A_61 = tpu.memref_slice %dma_start3A_59[%add3A_56, %dma_start3A_60] : memref<10240x128xf32, #tpu.memory_space<hbm>> -> memref<128x128xf32, #tpu.memory_space<hbm>>
      %dma_start3A_62 = arith.constant 0 : i32
      %dma_start3A_63 = tpu.memref_slice %arg12[%add3A_56, %dma_start3A_62] : memref<10240x128xf32, #tpu.memory_space<vmem_shared>> -> memref<128x128xf32, #tpu.memory_space<vmem_shared>>
      tpu.enqueue_dma source(%dma_start3A_63 : memref<128x128xf32, #tpu.memory_space<vmem_shared>>) target(%dma_start3A_61 : memref<128x128xf32, #tpu.memory_space<hbm>>) target_semaphore(%run_scoped3A : memref<!tpu.dma_semaphore, #tpu.memory_space<semaphore_mem>>)
      %dma_wait3A = arith.constant 0 : i32
      %dma_wait3A_64 = arith.constant 0 : i32
      %dma_wait3A_65 = tpu.memref_slice %arg6[%arg0, %dma_wait3A, %dma_wait3A_64] : memref<2x10240x128xf32, #tpu.memory_space<hbm>> -> memref<1x10240x128xf32, #tpu.memory_space<hbm>>
      %dma_wait3A_66 = tpu.memref_squeeze %dma_wait3A_65 : memref<1x10240x128xf32, #tpu.memory_space<hbm>> -> memref<10240x128xf32, #tpu.memory_space<hbm>>
      %dma_wait3A_67 = arith.constant 0 : i32
      %dma_wait3A_68 = tpu.memref_slice %dma_wait3A_66[%add3A_56, %dma_wait3A_67] : memref<10240x128xf32, #tpu.memory_space<hbm>> -> memref<128x128xf32, #tpu.memory_space<hbm>>
      %dma_wait3A_69 = arith.constant 0 : i32
      %dma_wait3A_70 = tpu.memref_slice %arg12[%add3A_56, %dma_wait3A_69] : memref<10240x128xf32, #tpu.memory_space<vmem_shared>> -> memref<128x128xf32, #tpu.memory_space<vmem_shared>>
      tpu.wait_dma2 semaphore(%run_scoped3A : memref<!tpu.dma_semaphore, #tpu.memory_space<semaphore_mem>>) src(%dma_wait3A_70 : memref<128x128xf32, #tpu.memory_space<vmem_shared>>) dst(%dma_wait3A_68 : memref<128x128xf32, #tpu.memory_space<hbm>>)
      tpu.yield
    }) : () -> ()
    return
  }
}

#map = affine_map<(d0, d1) -> (0, 0)>
#map1 = affine_map<(d0, d1) -> (0)>
module attributes {stable_mosaic.version = 14 : i64} {
  func.func @body(%arg0: i32, %arg1: i32, %arg2: memref<2560x128xi32, #tpu.memory_space<hbm>>, %arg3: memref<2560x128xi32, #tpu.memory_space<hbm>>, %arg4: memref<20480xf32, #tpu.memory_space<hbm>>, %arg5: memref<20480xf32, #tpu.memory_space<hbm>>, %arg6: memref<5120x128xf32, #tpu.memory_space<hbm>>, %arg7: memref<5120x128xi32, #tpu.memory_space<hbm>>, %arg8: memref<20480xf32, #tpu.memory_space<hbm>>, %arg9: memref<10240xf32, #tpu.memory_space<vmem>>, %arg10: memref<10240xf32, #tpu.memory_space<vmem>>, %arg11: memref<16x128xi32, #tpu.memory_space<vmem>>, %arg12: memref<16x128xi32, #tpu.memory_space<vmem>>, %arg13: memref<16x128xf32, #tpu.memory_space<vmem>>, %arg14: memref<16x128xi32, #tpu.memory_space<vmem>>, %arg15: memref<128xf32, #tpu.memory_space<vmem>>, %arg16: memref<10240xf32, #tpu.memory_space<vmem_shared>>) attributes {dimension_semantics = [#tpu.dimension_semantics<core_parallel>, #tpu.dimension_semantics<subcore_parallel>], iteration_bounds = array<i64: 2, 16>, scalar_prefetch = 0 : i64, scratch_operands = 8 : i64, tpu.core_type = #tpu.core_type<sc_vector_subcore>, window_params = [{transform_indices = #map}, {transform_indices = #map}, {transform_indices = #map1}, {transform_indices = #map1}, {transform_indices = #map}, {transform_indices = #map}, {transform_indices = #map1}]} {
    %scan3A = arith.constant 0 : i32
    %scan3A_0 = arith.constant 0 : i32
    %scan3A_1 = arith.constant 8 : i32
    %scan3A_2 = arith.addi %scan3A_0, %scan3A_1 : i32
    %scan3A_3 = arith.constant 1 : i32
    %scan3A_4 = scf.for %scan3A_50 = %scan3A_0 to %scan3A_2 step %scan3A_3 iter_args(%scan3A_51 = %scan3A) -> (i32)  : i32 {
      %broadcast_in_dim3A = arith.constant 0.000000e+00 : f32
      %broadcast_in_dim3A_52 = vector.broadcast %broadcast_in_dim3A : f32 to vector<16xf32>
      %mul3A_53 = arith.constant 16 : i32
      %mul3A_54 = arith.muli %scan3A_50, %mul3A_53 : i32
      %swap3A = arith.index_cast %mul3A_54 : i32 to index
      %swap3A_55 = tpu.vector_load %arg15[%swap3A] {strides = array<i32>} : memref<128xf32, #tpu.memory_space<vmem>>, vector<16xf32>,
      tpu.vector_store %arg15[%swap3A], %broadcast_in_dim3A_52 {strides = array<i32>} : memref<128xf32, #tpu.memory_space<vmem>>, vector<16xf32>,
      %scan3A_56 = arith.constant 0 : i32
      scf.yield %scan3A_56 : i32
    }
    %scan3A_5 = arith.constant 8 : i32
    %mul3A = arith.constant 640 : i32
    %mul3A_6 = arith.muli %arg1, %mul3A : i32
    %add3A = arith.constant 0 : i32
    %add3A_7 = arith.addi %mul3A_6, %add3A : i32
    "tpu.region"() ({
      %run_scoped3A = tpu.sem_alloc : memref<!tpu.dma_semaphore, #tpu.memory_space<semaphore_mem>>
      %dma_start3A = tpu.memref_slice %arg16[%add3A_7] : memref<10240xf32, #tpu.memory_space<vmem_shared>> -> memref<128xf32, #tpu.memory_space<vmem_shared>>
      %dma_start3A_50 = tpu.memref_slice %arg16[%add3A_7] : memref<10240xf32, #tpu.memory_space<vmem_shared>> -> memref<128xf32, #tpu.memory_space<vmem_shared>>
      tpu.enqueue_dma source(%arg15 : memref<128xf32, #tpu.memory_space<vmem>>) target(%dma_start3A_50 : memref<128xf32, #tpu.memory_space<vmem_shared>>) target_semaphore(%run_scoped3A : memref<!tpu.dma_semaphore, #tpu.memory_space<semaphore_mem>>)
      %dma_wait3A = tpu.memref_slice %arg16[%add3A_7] : memref<10240xf32, #tpu.memory_space<vmem_shared>> -> memref<128xf32, #tpu.memory_space<vmem_shared>>
      %dma_wait3A_51 = tpu.memref_slice %arg16[%add3A_7] : memref<10240xf32, #tpu.memory_space<vmem_shared>> -> memref<128xf32, #tpu.memory_space<vmem_shared>>
      tpu.wait_dma2 semaphore(%run_scoped3A : memref<!tpu.dma_semaphore, #tpu.memory_space<semaphore_mem>>) src(%arg15 : memref<128xf32, #tpu.memory_space<vmem>>) dst(%dma_wait3A_51 : memref<128xf32, #tpu.memory_space<vmem_shared>>)
      tpu.yield
    }) : () -> ()
    %mul3A_8 = arith.constant 640 : i32
    %mul3A_9 = arith.muli %arg1, %mul3A_8 : i32
    %add3A_10 = arith.constant 128 : i32
    %add3A_11 = arith.addi %mul3A_9, %add3A_10 : i32
    "tpu.region"() ({
      %run_scoped3A = tpu.sem_alloc : memref<!tpu.dma_semaphore, #tpu.memory_space<semaphore_mem>>
      %dma_start3A = tpu.memref_slice %arg16[%add3A_11] : memref<10240xf32, #tpu.memory_space<vmem_shared>> -> memref<128xf32, #tpu.memory_space<vmem_shared>>
      %dma_start3A_50 = tpu.memref_slice %arg16[%add3A_11] : memref<10240xf32, #tpu.memory_space<vmem_shared>> -> memref<128xf32, #tpu.memory_space<vmem_shared>>
      tpu.enqueue_dma source(%arg15 : memref<128xf32, #tpu.memory_space<vmem>>) target(%dma_start3A_50 : memref<128xf32, #tpu.memory_space<vmem_shared>>) target_semaphore(%run_scoped3A : memref<!tpu.dma_semaphore, #tpu.memory_space<semaphore_mem>>)
      %dma_wait3A = tpu.memref_slice %arg16[%add3A_11] : memref<10240xf32, #tpu.memory_space<vmem_shared>> -> memref<128xf32, #tpu.memory_space<vmem_shared>>
      %dma_wait3A_51 = tpu.memref_slice %arg16[%add3A_11] : memref<10240xf32, #tpu.memory_space<vmem_shared>> -> memref<128xf32, #tpu.memory_space<vmem_shared>>
      tpu.wait_dma2 semaphore(%run_scoped3A : memref<!tpu.dma_semaphore, #tpu.memory_space<semaphore_mem>>) src(%arg15 : memref<128xf32, #tpu.memory_space<vmem>>) dst(%dma_wait3A_51 : memref<128xf32, #tpu.memory_space<vmem_shared>>)
      tpu.yield
    }) : () -> ()
    %mul3A_12 = arith.constant 640 : i32
    %mul3A_13 = arith.muli %arg1, %mul3A_12 : i32
    %add3A_14 = arith.constant 256 : i32
    %add3A_15 = arith.addi %mul3A_13, %add3A_14 : i32
    "tpu.region"() ({
      %run_scoped3A = tpu.sem_alloc : memref<!tpu.dma_semaphore, #tpu.memory_space<semaphore_mem>>
      %dma_start3A = tpu.memref_slice %arg16[%add3A_15] : memref<10240xf32, #tpu.memory_space<vmem_shared>> -> memref<128xf32, #tpu.memory_space<vmem_shared>>
      %dma_start3A_50 = tpu.memref_slice %arg16[%add3A_15] : memref<10240xf32, #tpu.memory_space<vmem_shared>> -> memref<128xf32, #tpu.memory_space<vmem_shared>>
      tpu.enqueue_dma source(%arg15 : memref<128xf32, #tpu.memory_space<vmem>>) target(%dma_start3A_50 : memref<128xf32, #tpu.memory_space<vmem_shared>>) target_semaphore(%run_scoped3A : memref<!tpu.dma_semaphore, #tpu.memory_space<semaphore_mem>>)
      %dma_wait3A = tpu.memref_slice %arg16[%add3A_15] : memref<10240xf32, #tpu.memory_space<vmem_shared>> -> memref<128xf32, #tpu.memory_space<vmem_shared>>
      %dma_wait3A_51 = tpu.memref_slice %arg16[%add3A_15] : memref<10240xf32, #tpu.memory_space<vmem_shared>> -> memref<128xf32, #tpu.memory_space<vmem_shared>>
      tpu.wait_dma2 semaphore(%run_scoped3A : memref<!tpu.dma_semaphore, #tpu.memory_space<semaphore_mem>>) src(%arg15 : memref<128xf32, #tpu.memory_space<vmem>>) dst(%dma_wait3A_51 : memref<128xf32, #tpu.memory_space<vmem_shared>>)
      tpu.yield
    }) : () -> ()
    %mul3A_16 = arith.constant 640 : i32
    %mul3A_17 = arith.muli %arg1, %mul3A_16 : i32
    %add3A_18 = arith.constant 384 : i32
    %add3A_19 = arith.addi %mul3A_17, %add3A_18 : i32
    "tpu.region"() ({
      %run_scoped3A = tpu.sem_alloc : memref<!tpu.dma_semaphore, #tpu.memory_space<semaphore_mem>>
      %dma_start3A = tpu.memref_slice %arg16[%add3A_19] : memref<10240xf32, #tpu.memory_space<vmem_shared>> -> memref<128xf32, #tpu.memory_space<vmem_shared>>
      %dma_start3A_50 = tpu.memref_slice %arg16[%add3A_19] : memref<10240xf32, #tpu.memory_space<vmem_shared>> -> memref<128xf32, #tpu.memory_space<vmem_shared>>
      tpu.enqueue_dma source(%arg15 : memref<128xf32, #tpu.memory_space<vmem>>) target(%dma_start3A_50 : memref<128xf32, #tpu.memory_space<vmem_shared>>) target_semaphore(%run_scoped3A : memref<!tpu.dma_semaphore, #tpu.memory_space<semaphore_mem>>)
      %dma_wait3A = tpu.memref_slice %arg16[%add3A_19] : memref<10240xf32, #tpu.memory_space<vmem_shared>> -> memref<128xf32, #tpu.memory_space<vmem_shared>>
      %dma_wait3A_51 = tpu.memref_slice %arg16[%add3A_19] : memref<10240xf32, #tpu.memory_space<vmem_shared>> -> memref<128xf32, #tpu.memory_space<vmem_shared>>
      tpu.wait_dma2 semaphore(%run_scoped3A : memref<!tpu.dma_semaphore, #tpu.memory_space<semaphore_mem>>) src(%arg15 : memref<128xf32, #tpu.memory_space<vmem>>) dst(%dma_wait3A_51 : memref<128xf32, #tpu.memory_space<vmem_shared>>)
      tpu.yield
    }) : () -> ()
    %mul3A_20 = arith.constant 640 : i32
    %mul3A_21 = arith.muli %arg1, %mul3A_20 : i32
    %add3A_22 = arith.constant 512 : i32
    %add3A_23 = arith.addi %mul3A_21, %add3A_22 : i32
    "tpu.region"() ({
      %run_scoped3A = tpu.sem_alloc : memref<!tpu.dma_semaphore, #tpu.memory_space<semaphore_mem>>
      %dma_start3A = tpu.memref_slice %arg16[%add3A_23] : memref<10240xf32, #tpu.memory_space<vmem_shared>> -> memref<128xf32, #tpu.memory_space<vmem_shared>>
      %dma_start3A_50 = tpu.memref_slice %arg16[%add3A_23] : memref<10240xf32, #tpu.memory_space<vmem_shared>> -> memref<128xf32, #tpu.memory_space<vmem_shared>>
      tpu.enqueue_dma source(%arg15 : memref<128xf32, #tpu.memory_space<vmem>>) target(%dma_start3A_50 : memref<128xf32, #tpu.memory_space<vmem_shared>>) target_semaphore(%run_scoped3A : memref<!tpu.dma_semaphore, #tpu.memory_space<semaphore_mem>>)
      %dma_wait3A = tpu.memref_slice %arg16[%add3A_23] : memref<10240xf32, #tpu.memory_space<vmem_shared>> -> memref<128xf32, #tpu.memory_space<vmem_shared>>
      %dma_wait3A_51 = tpu.memref_slice %arg16[%add3A_23] : memref<10240xf32, #tpu.memory_space<vmem_shared>> -> memref<128xf32, #tpu.memory_space<vmem_shared>>
      tpu.wait_dma2 semaphore(%run_scoped3A : memref<!tpu.dma_semaphore, #tpu.memory_space<semaphore_mem>>) src(%arg15 : memref<128xf32, #tpu.memory_space<vmem>>) dst(%dma_wait3A_51 : memref<128xf32, #tpu.memory_space<vmem_shared>>)
      tpu.yield
    }) : () -> ()
    %mul3A_24 = arith.constant 10240 : i32
    %mul3A_25 = arith.muli %arg0, %mul3A_24 : i32
    "tpu.region"() ({
      %run_scoped3A = tpu.sem_alloc : memref<!tpu.dma_semaphore, #tpu.memory_space<semaphore_mem>>
      %dma_start3A = tpu.memref_slice %arg4[%mul3A_25] : memref<20480xf32, #tpu.memory_space<hbm>> -> memref<10240xf32, #tpu.memory_space<hbm>>
      %dma_start3A_50 = tpu.memref_slice %arg4[%mul3A_25] : memref<20480xf32, #tpu.memory_space<hbm>> -> memref<10240xf32, #tpu.memory_space<hbm>>
      tpu.enqueue_dma source(%dma_start3A_50 : memref<10240xf32, #tpu.memory_space<hbm>>) target(%arg9 : memref<10240xf32, #tpu.memory_space<vmem>>) target_semaphore(%run_scoped3A : memref<!tpu.dma_semaphore, #tpu.memory_space<semaphore_mem>>)
      %dma_wait3A = tpu.memref_slice %arg4[%mul3A_25] : memref<20480xf32, #tpu.memory_space<hbm>> -> memref<10240xf32, #tpu.memory_space<hbm>>
      %dma_wait3A_51 = tpu.memref_slice %arg4[%mul3A_25] : memref<20480xf32, #tpu.memory_space<hbm>> -> memref<10240xf32, #tpu.memory_space<hbm>>
      tpu.wait_dma2 semaphore(%run_scoped3A : memref<!tpu.dma_semaphore, #tpu.memory_space<semaphore_mem>>) src(%dma_wait3A_51 : memref<10240xf32, #tpu.memory_space<hbm>>) dst(%arg9 : memref<10240xf32, #tpu.memory_space<vmem>>)
      tpu.yield
    }) : () -> ()
    %mul3A_26 = arith.constant 10240 : i32
    %mul3A_27 = arith.muli %arg0, %mul3A_26 : i32
    "tpu.region"() ({
      %run_scoped3A = tpu.sem_alloc : memref<!tpu.dma_semaphore, #tpu.memory_space<semaphore_mem>>
      %dma_start3A = tpu.memref_slice %arg5[%mul3A_27] : memref<20480xf32, #tpu.memory_space<hbm>> -> memref<10240xf32, #tpu.memory_space<hbm>>
      %dma_start3A_50 = tpu.memref_slice %arg5[%mul3A_27] : memref<20480xf32, #tpu.memory_space<hbm>> -> memref<10240xf32, #tpu.memory_space<hbm>>
      tpu.enqueue_dma source(%dma_start3A_50 : memref<10240xf32, #tpu.memory_space<hbm>>) target(%arg10 : memref<10240xf32, #tpu.memory_space<vmem>>) target_semaphore(%run_scoped3A : memref<!tpu.dma_semaphore, #tpu.memory_space<semaphore_mem>>)
      %dma_wait3A = tpu.memref_slice %arg5[%mul3A_27] : memref<20480xf32, #tpu.memory_space<hbm>> -> memref<10240xf32, #tpu.memory_space<hbm>>
      %dma_wait3A_51 = tpu.memref_slice %arg5[%mul3A_27] : memref<20480xf32, #tpu.memory_space<hbm>> -> memref<10240xf32, #tpu.memory_space<hbm>>
      tpu.wait_dma2 semaphore(%run_scoped3A : memref<!tpu.dma_semaphore, #tpu.memory_space<semaphore_mem>>) src(%dma_wait3A_51 : memref<10240xf32, #tpu.memory_space<hbm>>) dst(%arg10 : memref<10240xf32, #tpu.memory_space<vmem>>)
      tpu.yield
    }) : () -> ()
    %mul3A_28 = arith.constant 160 : i32
    %mul3A_29 = arith.muli %arg1, %mul3A_28 : i32
    %mul3A_30 = arith.constant 10240 : i32
    %mul3A_31 = arith.muli %arg0, %mul3A_30 : i32
    %mul3A_32 = arith.constant 2560 : i32
    %mul3A_33 = arith.muli %arg0, %mul3A_32 : i32
    %add3A_34 = arith.addi %mul3A_33, %mul3A_29 : i32
    %barrier3A = arith.constant 0 : index
    tpu.barrier barrier_id(%barrier3A)
    %scan3A_35 = arith.constant 0 : i32
    %scan3A_36 = arith.constant 0 : i32
    %scan3A_37 = arith.constant 10 : i32
    %scan3A_38 = arith.addi %scan3A_36, %scan3A_37 : i32
    %scan3A_39 = arith.constant 1 : i32
    %scan3A_40 = scf.for %scan3A_50 = %scan3A_36 to %scan3A_38 step %scan3A_39 iter_args(%scan3A_51 = %scan3A_35) -> (i32)  : i32 {
      %mul3A_52 = arith.constant 16 : i32
      %mul3A_53 = arith.muli %scan3A_50, %mul3A_52 : i32
      %add3A_54 = arith.addi %mul3A_29, %mul3A_53 : i32
      "tpu.region"() ({
        %run_scoped3A = tpu.sem_alloc : memref<!tpu.dma_semaphore, #tpu.memory_space<semaphore_mem>>
        %dma_start3A = arith.constant 0 : i32
        %dma_start3A_72 = tpu.memref_slice %arg2[%add3A_54, %dma_start3A] : memref<2560x128xi32, #tpu.memory_space<hbm>> -> memref<16x128xi32, #tpu.memory_space<hbm>>
        %dma_start3A_73 = arith.constant 0 : i32
        %dma_start3A_74 = tpu.memref_slice %arg2[%add3A_54, %dma_start3A_73] : memref<2560x128xi32, #tpu.memory_space<hbm>> -> memref<16x128xi32, #tpu.memory_space<hbm>>
        tpu.enqueue_dma source(%dma_start3A_74 : memref<16x128xi32, #tpu.memory_space<hbm>>) target(%arg11 : memref<16x128xi32, #tpu.memory_space<vmem>>) target_semaphore(%run_scoped3A : memref<!tpu.dma_semaphore, #tpu.memory_space<semaphore_mem>>)
        %dma_wait3A = arith.constant 0 : i32
        %dma_wait3A_75 = tpu.memref_slice %arg2[%add3A_54, %dma_wait3A] : memref<2560x128xi32, #tpu.memory_space<hbm>> -> memref<16x128xi32, #tpu.memory_space<hbm>>
        %dma_wait3A_76 = arith.constant 0 : i32
        %dma_wait3A_77 = tpu.memref_slice %arg2[%add3A_54, %dma_wait3A_76] : memref<2560x128xi32, #tpu.memory_space<hbm>> -> memref<16x128xi32, #tpu.memory_space<hbm>>
        tpu.wait_dma2 semaphore(%run_scoped3A : memref<!tpu.dma_semaphore, #tpu.memory_space<semaphore_mem>>) src(%dma_wait3A_77 : memref<16x128xi32, #tpu.memory_space<hbm>>) dst(%arg11 : memref<16x128xi32, #tpu.memory_space<vmem>>)
        tpu.yield
      }) : () -> ()
      %mul3A_55 = arith.constant 16 : i32
      %mul3A_56 = arith.muli %scan3A_50, %mul3A_55 : i32
      %add3A_57 = arith.addi %mul3A_29, %mul3A_56 : i32
      "tpu.region"() ({
        %run_scoped3A = tpu.sem_alloc : memref<!tpu.dma_semaphore, #tpu.memory_space<semaphore_mem>>
        %dma_start3A = arith.constant 0 : i32
        %dma_start3A_72 = tpu.memref_slice %arg3[%add3A_57, %dma_start3A] : memref<2560x128xi32, #tpu.memory_space<hbm>> -> memref<16x128xi32, #tpu.memory_space<hbm>>
        %dma_start3A_73 = arith.constant 0 : i32
        %dma_start3A_74 = tpu.memref_slice %arg3[%add3A_57, %dma_start3A_73] : memref<2560x128xi32, #tpu.memory_space<hbm>> -> memref<16x128xi32, #tpu.memory_space<hbm>>
        tpu.enqueue_dma source(%dma_start3A_74 : memref<16x128xi32, #tpu.memory_space<hbm>>) target(%arg12 : memref<16x128xi32, #tpu.memory_space<vmem>>) target_semaphore(%run_scoped3A : memref<!tpu.dma_semaphore, #tpu.memory_space<semaphore_mem>>)
        %dma_wait3A = arith.constant 0 : i32
        %dma_wait3A_75 = tpu.memref_slice %arg3[%add3A_57, %dma_wait3A] : memref<2560x128xi32, #tpu.memory_space<hbm>> -> memref<16x128xi32, #tpu.memory_space<hbm>>
        %dma_wait3A_76 = arith.constant 0 : i32
        %dma_wait3A_77 = tpu.memref_slice %arg3[%add3A_57, %dma_wait3A_76] : memref<2560x128xi32, #tpu.memory_space<hbm>> -> memref<16x128xi32, #tpu.memory_space<hbm>>
        tpu.wait_dma2 semaphore(%run_scoped3A : memref<!tpu.dma_semaphore, #tpu.memory_space<semaphore_mem>>) src(%dma_wait3A_77 : memref<16x128xi32, #tpu.memory_space<hbm>>) dst(%arg12 : memref<16x128xi32, #tpu.memory_space<vmem>>)
        tpu.yield
      }) : () -> ()
      %scan3A_58 = arith.constant 0 : i32
      %scan3A_59 = arith.constant 0 : i32
      %scan3A_60 = arith.constant 16 : i32
      %scan3A_61 = arith.addi %scan3A_59, %scan3A_60 : i32
      %scan3A_62 = arith.constant 1 : i32
      %scan3A_63 = scf.for %scan3A_72 = %scan3A_59 to %scan3A_61 step %scan3A_62 iter_args(%scan3A_73 = %scan3A_58) -> (i32)  : i32 {
        %scan3A_74 = arith.constant 0 : i32
        %scan3A_75 = arith.constant 0 : i32
        %mul3A_76 = arith.constant 16 : i32
        %mul3A_77 = arith.muli %scan3A_75, %mul3A_76 : i32
        %get3A = arith.index_cast %scan3A_72 : i32 to index
        %get3A_78 = arith.index_cast %mul3A_77 : i32 to index
        %get3A_79 = tpu.vector_load %arg11[%get3A, %get3A_78] {strides = array<i32>} : memref<16x128xi32, #tpu.memory_space<vmem>>, vector<16xi32>,
        %mul3A_80 = arith.constant 16 : i32
        %mul3A_81 = arith.muli %scan3A_75, %mul3A_80 : i32
        %get3A_82 = arith.index_cast %scan3A_72 : i32 to index
        %get3A_83 = arith.index_cast %mul3A_81 : i32 to index
        %get3A_84 = tpu.vector_load %arg12[%get3A_82, %get3A_83] {strides = array<i32>} : memref<16x128xi32, #tpu.memory_space<vmem>>, vector<16xi32>,
        %gather3A = tpu.vector_load_idx %arg9[%get3A_79] : memref<10240xf32, #tpu.memory_space<vmem>>[vector<16xi32>], vector<16xf32>,
        %gather3A_85 = tpu.vector_load_idx %arg10[%get3A_84] : memref<10240xf32, #tpu.memory_space<vmem>>[vector<16xi32>], vector<16xf32>,
        %add3A_86 = arith.addf %gather3A, %gather3A_85 : vector<16xf32>
        %gt3A = arith.constant 0.000000e+00 : f32
        %gt3A_87 = vector.broadcast %gt3A : f32 to vector<16xf32>
        %gt3A_88 = arith.cmpf ogt, %add3A_86, %gt3A_87 : vector<16xf32>
        %mul3A_89 = arith.constant 2.000000e-01 : f32
        %mul3A_90 = vector.broadcast %mul3A_89 : f32 to vector<16xf32>
        %mul3A_91 = arith.mulf %mul3A_90, %add3A_86 : vector<16xf32>
        %select_n3A = arith.select %gt3A_88, %add3A_86, %mul3A_91 : vector<16xi1>, vector<16xf32>
        %exp3A = math.exp %select_n3A : vector<16xf32>
        %mul3A_92 = arith.constant 16 : i32
        %mul3A_93 = arith.muli %scan3A_75, %mul3A_92 : i32
        %swap3A = arith.index_cast %scan3A_72 : i32 to index
        %swap3A_94 = arith.index_cast %mul3A_93 : i32 to index
        %swap3A_95 = tpu.vector_load %arg13[%swap3A, %swap3A_94] {strides = array<i32>} : memref<16x128xf32, #tpu.memory_space<vmem>>, vector<16xf32>,
        tpu.vector_store %arg13[%swap3A, %swap3A_94], %exp3A {strides = array<i32>} : memref<16x128xf32, #tpu.memory_space<vmem>>, vector<16xf32>,
        %add3A_96 = vector.broadcast %mul3A_31 : i32 to vector<16xi32>
        %add3A_97 = arith.addi %get3A_79, %add3A_96 : vector<16xi32>
        %mul3A_98 = arith.constant 16 : i32
        %mul3A_99 = arith.muli %scan3A_75, %mul3A_98 : i32
        %swap3A_100 = arith.index_cast %scan3A_72 : i32 to index
        %swap3A_101 = arith.index_cast %mul3A_99 : i32 to index
        %swap3A_102 = tpu.vector_load %arg14[%swap3A_100, %swap3A_101] {strides = array<i32>} : memref<16x128xi32, #tpu.memory_space<vmem>>, vector<16xi32>,
        tpu.vector_store %arg14[%swap3A_100, %swap3A_101], %add3A_97 {strides = array<i32>} : memref<16x128xi32, #tpu.memory_space<vmem>>, vector<16xi32>,
        %scan3A_103 = arith.constant 0 : i32
        %scan3A_104 = arith.constant 1 : i32
        %mul3A_105 = arith.constant 16 : i32
        %mul3A_106 = arith.muli %scan3A_104, %mul3A_105 : i32
        %get3A_107 = arith.index_cast %scan3A_72 : i32 to index
        %get3A_108 = arith.index_cast %mul3A_106 : i32 to index
        %get3A_109 = tpu.vector_load %arg11[%get3A_107, %get3A_108] {strides = array<i32>} : memref<16x128xi32, #tpu.memory_space<vmem>>, vector<16xi32>,
        %mul3A_110 = arith.constant 16 : i32
        %mul3A_111 = arith.muli %scan3A_104, %mul3A_110 : i32
        %get3A_112 = arith.index_cast %scan3A_72 : i32 to index
        %get3A_113 = arith.index_cast %mul3A_111 : i32 to index
        %get3A_114 = tpu.vector_load %arg12[%get3A_112, %get3A_113] {strides = array<i32>} : memref<16x128xi32, #tpu.memory_space<vmem>>, vector<16xi32>,
        %gather3A_115 = tpu.vector_load_idx %arg9[%get3A_109] : memref<10240xf32, #tpu.memory_space<vmem>>[vector<16xi32>], vector<16xf32>,
        %gather3A_116 = tpu.vector_load_idx %arg10[%get3A_114] : memref<10240xf32, #tpu.memory_space<vmem>>[vector<16xi32>], vector<16xf32>,
        %add3A_117 = arith.addf %gather3A_115, %gather3A_116 : vector<16xf32>
        %gt3A_118 = arith.constant 0.000000e+00 : f32
        %gt3A_119 = vector.broadcast %gt3A_118 : f32 to vector<16xf32>
        %gt3A_120 = arith.cmpf ogt, %add3A_117, %gt3A_119 : vector<16xf32>
        %mul3A_121 = arith.constant 2.000000e-01 : f32
        %mul3A_122 = vector.broadcast %mul3A_121 : f32 to vector<16xf32>
        %mul3A_123 = arith.mulf %mul3A_122, %add3A_117 : vector<16xf32>
        %select_n3A_124 = arith.select %gt3A_120, %add3A_117, %mul3A_123 : vector<16xi1>, vector<16xf32>
        %exp3A_125 = math.exp %select_n3A_124 : vector<16xf32>
        %mul3A_126 = arith.constant 16 : i32
        %mul3A_127 = arith.muli %scan3A_104, %mul3A_126 : i32
        %swap3A_128 = arith.index_cast %scan3A_72 : i32 to index
        %swap3A_129 = arith.index_cast %mul3A_127 : i32 to index
        %swap3A_130 = tpu.vector_load %arg13[%swap3A_128, %swap3A_129] {strides = array<i32>} : memref<16x128xf32, #tpu.memory_space<vmem>>, vector<16xf32>,
        tpu.vector_store %arg13[%swap3A_128, %swap3A_129], %exp3A_125 {strides = array<i32>} : memref<16x128xf32, #tpu.memory_space<vmem>>, vector<16xf32>,
        %add3A_131 = vector.broadcast %mul3A_31 : i32 to vector<16xi32>
        %add3A_132 = arith.addi %get3A_109, %add3A_131 : vector<16xi32>
        %mul3A_133 = arith.constant 16 : i32
        %mul3A_134 = arith.muli %scan3A_104, %mul3A_133 : i32
        %swap3A_135 = arith.index_cast %scan3A_72 : i32 to index
        %swap3A_136 = arith.index_cast %mul3A_134 : i32 to index
        %swap3A_137 = tpu.vector_load %arg14[%swap3A_135, %swap3A_136] {strides = array<i32>} : memref<16x128xi32, #tpu.memory_space<vmem>>, vector<16xi32>,
        tpu.vector_store %arg14[%swap3A_135, %swap3A_136], %add3A_132 {strides = array<i32>} : memref<16x128xi32, #tpu.memory_space<vmem>>, vector<16xi32>,
        %scan3A_138 = arith.constant 0 : i32
        %scan3A_139 = arith.constant 2 : i32
        %mul3A_140 = arith.constant 16 : i32
        %mul3A_141 = arith.muli %scan3A_139, %mul3A_140 : i32
        %get3A_142 = arith.index_cast %scan3A_72 : i32 to index
        %get3A_143 = arith.index_cast %mul3A_141 : i32 to index
        %get3A_144 = tpu.vector_load %arg11[%get3A_142, %get3A_143] {strides = array<i32>} : memref<16x128xi32, #tpu.memory_space<vmem>>, vector<16xi32>,
        %mul3A_145 = arith.constant 16 : i32
        %mul3A_146 = arith.muli %scan3A_139, %mul3A_145 : i32
        %get3A_147 = arith.index_cast %scan3A_72 : i32 to index
        %get3A_148 = arith.index_cast %mul3A_146 : i32 to index
        %get3A_149 = tpu.vector_load %arg12[%get3A_147, %get3A_148] {strides = array<i32>} : memref<16x128xi32, #tpu.memory_space<vmem>>, vector<16xi32>,
        %gather3A_150 = tpu.vector_load_idx %arg9[%get3A_144] : memref<10240xf32, #tpu.memory_space<vmem>>[vector<16xi32>], vector<16xf32>,
        %gather3A_151 = tpu.vector_load_idx %arg10[%get3A_149] : memref<10240xf32, #tpu.memory_space<vmem>>[vector<16xi32>], vector<16xf32>,
        %add3A_152 = arith.addf %gather3A_150, %gather3A_151 : vector<16xf32>
        %gt3A_153 = arith.constant 0.000000e+00 : f32
        %gt3A_154 = vector.broadcast %gt3A_153 : f32 to vector<16xf32>
        %gt3A_155 = arith.cmpf ogt, %add3A_152, %gt3A_154 : vector<16xf32>
        %mul3A_156 = arith.constant 2.000000e-01 : f32
        %mul3A_157 = vector.broadcast %mul3A_156 : f32 to vector<16xf32>
        %mul3A_158 = arith.mulf %mul3A_157, %add3A_152 : vector<16xf32>
        %select_n3A_159 = arith.select %gt3A_155, %add3A_152, %mul3A_158 : vector<16xi1>, vector<16xf32>
        %exp3A_160 = math.exp %select_n3A_159 : vector<16xf32>
        %mul3A_161 = arith.constant 16 : i32
        %mul3A_162 = arith.muli %scan3A_139, %mul3A_161 : i32
        %swap3A_163 = arith.index_cast %scan3A_72 : i32 to index
        %swap3A_164 = arith.index_cast %mul3A_162 : i32 to index
        %swap3A_165 = tpu.vector_load %arg13[%swap3A_163, %swap3A_164] {strides = array<i32>} : memref<16x128xf32, #tpu.memory_space<vmem>>, vector<16xf32>,
        tpu.vector_store %arg13[%swap3A_163, %swap3A_164], %exp3A_160 {strides = array<i32>} : memref<16x128xf32, #tpu.memory_space<vmem>>, vector<16xf32>,
        %add3A_166 = vector.broadcast %mul3A_31 : i32 to vector<16xi32>
        %add3A_167 = arith.addi %get3A_144, %add3A_166 : vector<16xi32>
        %mul3A_168 = arith.constant 16 : i32
        %mul3A_169 = arith.muli %scan3A_139, %mul3A_168 : i32
        %swap3A_170 = arith.index_cast %scan3A_72 : i32 to index
        %swap3A_171 = arith.index_cast %mul3A_169 : i32 to index
        %swap3A_172 = tpu.vector_load %arg14[%swap3A_170, %swap3A_171] {strides = array<i32>} : memref<16x128xi32, #tpu.memory_space<vmem>>, vector<16xi32>,
        tpu.vector_store %arg14[%swap3A_170, %swap3A_171], %add3A_167 {strides = array<i32>} : memref<16x128xi32, #tpu.memory_space<vmem>>, vector<16xi32>,
        %scan3A_173 = arith.constant 0 : i32
        %scan3A_174 = arith.constant 3 : i32
        %mul3A_175 = arith.constant 16 : i32
        %mul3A_176 = arith.muli %scan3A_174, %mul3A_175 : i32
        %get3A_177 = arith.index_cast %scan3A_72 : i32 to index
        %get3A_178 = arith.index_cast %mul3A_176 : i32 to index
        %get3A_179 = tpu.vector_load %arg11[%get3A_177, %get3A_178] {strides = array<i32>} : memref<16x128xi32, #tpu.memory_space<vmem>>, vector<16xi32>,
        %mul3A_180 = arith.constant 16 : i32
        %mul3A_181 = arith.muli %scan3A_174, %mul3A_180 : i32
        %get3A_182 = arith.index_cast %scan3A_72 : i32 to index
        %get3A_183 = arith.index_cast %mul3A_181 : i32 to index
        %get3A_184 = tpu.vector_load %arg12[%get3A_182, %get3A_183] {strides = array<i32>} : memref<16x128xi32, #tpu.memory_space<vmem>>, vector<16xi32>,
        %gather3A_185 = tpu.vector_load_idx %arg9[%get3A_179] : memref<10240xf32, #tpu.memory_space<vmem>>[vector<16xi32>], vector<16xf32>,
        %gather3A_186 = tpu.vector_load_idx %arg10[%get3A_184] : memref<10240xf32, #tpu.memory_space<vmem>>[vector<16xi32>], vector<16xf32>,
        %add3A_187 = arith.addf %gather3A_185, %gather3A_186 : vector<16xf32>
        %gt3A_188 = arith.constant 0.000000e+00 : f32
        %gt3A_189 = vector.broadcast %gt3A_188 : f32 to vector<16xf32>
        %gt3A_190 = arith.cmpf ogt, %add3A_187, %gt3A_189 : vector<16xf32>
        %mul3A_191 = arith.constant 2.000000e-01 : f32
        %mul3A_192 = vector.broadcast %mul3A_191 : f32 to vector<16xf32>
        %mul3A_193 = arith.mulf %mul3A_192, %add3A_187 : vector<16xf32>
        %select_n3A_194 = arith.select %gt3A_190, %add3A_187, %mul3A_193 : vector<16xi1>, vector<16xf32>
        %exp3A_195 = math.exp %select_n3A_194 : vector<16xf32>
        %mul3A_196 = arith.constant 16 : i32
        %mul3A_197 = arith.muli %scan3A_174, %mul3A_196 : i32
        %swap3A_198 = arith.index_cast %scan3A_72 : i32 to index
        %swap3A_199 = arith.index_cast %mul3A_197 : i32 to index
        %swap3A_200 = tpu.vector_load %arg13[%swap3A_198, %swap3A_199] {strides = array<i32>} : memref<16x128xf32, #tpu.memory_space<vmem>>, vector<16xf32>,
        tpu.vector_store %arg13[%swap3A_198, %swap3A_199], %exp3A_195 {strides = array<i32>} : memref<16x128xf32, #tpu.memory_space<vmem>>, vector<16xf32>,
        %add3A_201 = vector.broadcast %mul3A_31 : i32 to vector<16xi32>
        %add3A_202 = arith.addi %get3A_179, %add3A_201 : vector<16xi32>
        %mul3A_203 = arith.constant 16 : i32
        %mul3A_204 = arith.muli %scan3A_174, %mul3A_203 : i32
        %swap3A_205 = arith.index_cast %scan3A_72 : i32 to index
        %swap3A_206 = arith.index_cast %mul3A_204 : i32 to index
        %swap3A_207 = tpu.vector_load %arg14[%swap3A_205, %swap3A_206] {strides = array<i32>} : memref<16x128xi32, #tpu.memory_space<vmem>>, vector<16xi32>,
        tpu.vector_store %arg14[%swap3A_205, %swap3A_206], %add3A_202 {strides = array<i32>} : memref<16x128xi32, #tpu.memory_space<vmem>>, vector<16xi32>,
        %scan3A_208 = arith.constant 0 : i32
        %scan3A_209 = arith.constant 4 : i32
        %mul3A_210 = arith.constant 16 : i32
        %mul3A_211 = arith.muli %scan3A_209, %mul3A_210 : i32
        %get3A_212 = arith.index_cast %scan3A_72 : i32 to index
        %get3A_213 = arith.index_cast %mul3A_211 : i32 to index
        %get3A_214 = tpu.vector_load %arg11[%get3A_212, %get3A_213] {strides = array<i32>} : memref<16x128xi32, #tpu.memory_space<vmem>>, vector<16xi32>,
        %mul3A_215 = arith.constant 16 : i32
        %mul3A_216 = arith.muli %scan3A_209, %mul3A_215 : i32
        %get3A_217 = arith.index_cast %scan3A_72 : i32 to index
        %get3A_218 = arith.index_cast %mul3A_216 : i32 to index
        %get3A_219 = tpu.vector_load %arg12[%get3A_217, %get3A_218] {strides = array<i32>} : memref<16x128xi32, #tpu.memory_space<vmem>>, vector<16xi32>,
        %gather3A_220 = tpu.vector_load_idx %arg9[%get3A_214] : memref<10240xf32, #tpu.memory_space<vmem>>[vector<16xi32>], vector<16xf32>,
        %gather3A_221 = tpu.vector_load_idx %arg10[%get3A_219] : memref<10240xf32, #tpu.memory_space<vmem>>[vector<16xi32>], vector<16xf32>,
        %add3A_222 = arith.addf %gather3A_220, %gather3A_221 : vector<16xf32>
        %gt3A_223 = arith.constant 0.000000e+00 : f32
        %gt3A_224 = vector.broadcast %gt3A_223 : f32 to vector<16xf32>
        %gt3A_225 = arith.cmpf ogt, %add3A_222, %gt3A_224 : vector<16xf32>
        %mul3A_226 = arith.constant 2.000000e-01 : f32
        %mul3A_227 = vector.broadcast %mul3A_226 : f32 to vector<16xf32>
        %mul3A_228 = arith.mulf %mul3A_227, %add3A_222 : vector<16xf32>
        %select_n3A_229 = arith.select %gt3A_225, %add3A_222, %mul3A_228 : vector<16xi1>, vector<16xf32>
        %exp3A_230 = math.exp %select_n3A_229 : vector<16xf32>
        %mul3A_231 = arith.constant 16 : i32
        %mul3A_232 = arith.muli %scan3A_209, %mul3A_231 : i32
        %swap3A_233 = arith.index_cast %scan3A_72 : i32 to index
        %swap3A_234 = arith.index_cast %mul3A_232 : i32 to index
        %swap3A_235 = tpu.vector_load %arg13[%swap3A_233, %swap3A_234] {strides = array<i32>} : memref<16x128xf32, #tpu.memory_space<vmem>>, vector<16xf32>,
        tpu.vector_store %arg13[%swap3A_233, %swap3A_234], %exp3A_230 {strides = array<i32>} : memref<16x128xf32, #tpu.memory_space<vmem>>, vector<16xf32>,
        %add3A_236 = vector.broadcast %mul3A_31 : i32 to vector<16xi32>
        %add3A_237 = arith.addi %get3A_214, %add3A_236 : vector<16xi32>
        %mul3A_238 = arith.constant 16 : i32
        %mul3A_239 = arith.muli %scan3A_209, %mul3A_238 : i32
        %swap3A_240 = arith.index_cast %scan3A_72 : i32 to index
        %swap3A_241 = arith.index_cast %mul3A_239 : i32 to index
        %swap3A_242 = tpu.vector_load %arg14[%swap3A_240, %swap3A_241] {strides = array<i32>} : memref<16x128xi32, #tpu.memory_space<vmem>>, vector<16xi32>,
        tpu.vector_store %arg14[%swap3A_240, %swap3A_241], %add3A_237 {strides = array<i32>} : memref<16x128xi32, #tpu.memory_space<vmem>>, vector<16xi32>,
        %scan3A_243 = arith.constant 0 : i32
        %scan3A_244 = arith.constant 5 : i32
        %mul3A_245 = arith.constant 16 : i32
        %mul3A_246 = arith.muli %scan3A_244, %mul3A_245 : i32
        %get3A_247 = arith.index_cast %scan3A_72 : i32 to index
        %get3A_248 = arith.index_cast %mul3A_246 : i32 to index
        %get3A_249 = tpu.vector_load %arg11[%get3A_247, %get3A_248] {strides = array<i32>} : memref<16x128xi32, #tpu.memory_space<vmem>>, vector<16xi32>,
        %mul3A_250 = arith.constant 16 : i32
        %mul3A_251 = arith.muli %scan3A_244, %mul3A_250 : i32
        %get3A_252 = arith.index_cast %scan3A_72 : i32 to index
        %get3A_253 = arith.index_cast %mul3A_251 : i32 to index
        %get3A_254 = tpu.vector_load %arg12[%get3A_252, %get3A_253] {strides = array<i32>} : memref<16x128xi32, #tpu.memory_space<vmem>>, vector<16xi32>,
        %gather3A_255 = tpu.vector_load_idx %arg9[%get3A_249] : memref<10240xf32, #tpu.memory_space<vmem>>[vector<16xi32>], vector<16xf32>,
        %gather3A_256 = tpu.vector_load_idx %arg10[%get3A_254] : memref<10240xf32, #tpu.memory_space<vmem>>[vector<16xi32>], vector<16xf32>,
        %add3A_257 = arith.addf %gather3A_255, %gather3A_256 : vector<16xf32>
        %gt3A_258 = arith.constant 0.000000e+00 : f32
        %gt3A_259 = vector.broadcast %gt3A_258 : f32 to vector<16xf32>
        %gt3A_260 = arith.cmpf ogt, %add3A_257, %gt3A_259 : vector<16xf32>
        %mul3A_261 = arith.constant 2.000000e-01 : f32
        %mul3A_262 = vector.broadcast %mul3A_261 : f32 to vector<16xf32>
        %mul3A_263 = arith.mulf %mul3A_262, %add3A_257 : vector<16xf32>
        %select_n3A_264 = arith.select %gt3A_260, %add3A_257, %mul3A_263 : vector<16xi1>, vector<16xf32>
        %exp3A_265 = math.exp %select_n3A_264 : vector<16xf32>
        %mul3A_266 = arith.constant 16 : i32
        %mul3A_267 = arith.muli %scan3A_244, %mul3A_266 : i32
        %swap3A_268 = arith.index_cast %scan3A_72 : i32 to index
        %swap3A_269 = arith.index_cast %mul3A_267 : i32 to index
        %swap3A_270 = tpu.vector_load %arg13[%swap3A_268, %swap3A_269] {strides = array<i32>} : memref<16x128xf32, #tpu.memory_space<vmem>>, vector<16xf32>,
        tpu.vector_store %arg13[%swap3A_268, %swap3A_269], %exp3A_265 {strides = array<i32>} : memref<16x128xf32, #tpu.memory_space<vmem>>, vector<16xf32>,
        %add3A_271 = vector.broadcast %mul3A_31 : i32 to vector<16xi32>
        %add3A_272 = arith.addi %get3A_249, %add3A_271 : vector<16xi32>
        %mul3A_273 = arith.constant 16 : i32
        %mul3A_274 = arith.muli %scan3A_244, %mul3A_273 : i32
        %swap3A_275 = arith.index_cast %scan3A_72 : i32 to index
        %swap3A_276 = arith.index_cast %mul3A_274 : i32 to index
        %swap3A_277 = tpu.vector_load %arg14[%swap3A_275, %swap3A_276] {strides = array<i32>} : memref<16x128xi32, #tpu.memory_space<vmem>>, vector<16xi32>,
        tpu.vector_store %arg14[%swap3A_275, %swap3A_276], %add3A_272 {strides = array<i32>} : memref<16x128xi32, #tpu.memory_space<vmem>>, vector<16xi32>,
        %scan3A_278 = arith.constant 0 : i32
        %scan3A_279 = arith.constant 6 : i32
        %mul3A_280 = arith.constant 16 : i32
        %mul3A_281 = arith.muli %scan3A_279, %mul3A_280 : i32
        %get3A_282 = arith.index_cast %scan3A_72 : i32 to index
        %get3A_283 = arith.index_cast %mul3A_281 : i32 to index
        %get3A_284 = tpu.vector_load %arg11[%get3A_282, %get3A_283] {strides = array<i32>} : memref<16x128xi32, #tpu.memory_space<vmem>>, vector<16xi32>,
        %mul3A_285 = arith.constant 16 : i32
        %mul3A_286 = arith.muli %scan3A_279, %mul3A_285 : i32
        %get3A_287 = arith.index_cast %scan3A_72 : i32 to index
        %get3A_288 = arith.index_cast %mul3A_286 : i32 to index
        %get3A_289 = tpu.vector_load %arg12[%get3A_287, %get3A_288] {strides = array<i32>} : memref<16x128xi32, #tpu.memory_space<vmem>>, vector<16xi32>,
        %gather3A_290 = tpu.vector_load_idx %arg9[%get3A_284] : memref<10240xf32, #tpu.memory_space<vmem>>[vector<16xi32>], vector<16xf32>,
        %gather3A_291 = tpu.vector_load_idx %arg10[%get3A_289] : memref<10240xf32, #tpu.memory_space<vmem>>[vector<16xi32>], vector<16xf32>,
        %add3A_292 = arith.addf %gather3A_290, %gather3A_291 : vector<16xf32>
        %gt3A_293 = arith.constant 0.000000e+00 : f32
        %gt3A_294 = vector.broadcast %gt3A_293 : f32 to vector<16xf32>
        %gt3A_295 = arith.cmpf ogt, %add3A_292, %gt3A_294 : vector<16xf32>
        %mul3A_296 = arith.constant 2.000000e-01 : f32
        %mul3A_297 = vector.broadcast %mul3A_296 : f32 to vector<16xf32>
        %mul3A_298 = arith.mulf %mul3A_297, %add3A_292 : vector<16xf32>
        %select_n3A_299 = arith.select %gt3A_295, %add3A_292, %mul3A_298 : vector<16xi1>, vector<16xf32>
        %exp3A_300 = math.exp %select_n3A_299 : vector<16xf32>
        %mul3A_301 = arith.constant 16 : i32
        %mul3A_302 = arith.muli %scan3A_279, %mul3A_301 : i32
        %swap3A_303 = arith.index_cast %scan3A_72 : i32 to index
        %swap3A_304 = arith.index_cast %mul3A_302 : i32 to index
        %swap3A_305 = tpu.vector_load %arg13[%swap3A_303, %swap3A_304] {strides = array<i32>} : memref<16x128xf32, #tpu.memory_space<vmem>>, vector<16xf32>,
        tpu.vector_store %arg13[%swap3A_303, %swap3A_304], %exp3A_300 {strides = array<i32>} : memref<16x128xf32, #tpu.memory_space<vmem>>, vector<16xf32>,
        %add3A_306 = vector.broadcast %mul3A_31 : i32 to vector<16xi32>
        %add3A_307 = arith.addi %get3A_284, %add3A_306 : vector<16xi32>
        %mul3A_308 = arith.constant 16 : i32
        %mul3A_309 = arith.muli %scan3A_279, %mul3A_308 : i32
        %swap3A_310 = arith.index_cast %scan3A_72 : i32 to index
        %swap3A_311 = arith.index_cast %mul3A_309 : i32 to index
        %swap3A_312 = tpu.vector_load %arg14[%swap3A_310, %swap3A_311] {strides = array<i32>} : memref<16x128xi32, #tpu.memory_space<vmem>>, vector<16xi32>,
        tpu.vector_store %arg14[%swap3A_310, %swap3A_311], %add3A_307 {strides = array<i32>} : memref<16x128xi32, #tpu.memory_space<vmem>>, vector<16xi32>,
        %scan3A_313 = arith.constant 0 : i32
        %scan3A_314 = arith.constant 7 : i32
        %mul3A_315 = arith.constant 16 : i32
        %mul3A_316 = arith.muli %scan3A_314, %mul3A_315 : i32
        %get3A_317 = arith.index_cast %scan3A_72 : i32 to index
        %get3A_318 = arith.index_cast %mul3A_316 : i32 to index
        %get3A_319 = tpu.vector_load %arg11[%get3A_317, %get3A_318] {strides = array<i32>} : memref<16x128xi32, #tpu.memory_space<vmem>>, vector<16xi32>,
        %mul3A_320 = arith.constant 16 : i32
        %mul3A_321 = arith.muli %scan3A_314, %mul3A_320 : i32
        %get3A_322 = arith.index_cast %scan3A_72 : i32 to index
        %get3A_323 = arith.index_cast %mul3A_321 : i32 to index
        %get3A_324 = tpu.vector_load %arg12[%get3A_322, %get3A_323] {strides = array<i32>} : memref<16x128xi32, #tpu.memory_space<vmem>>, vector<16xi32>,
        %gather3A_325 = tpu.vector_load_idx %arg9[%get3A_319] : memref<10240xf32, #tpu.memory_space<vmem>>[vector<16xi32>], vector<16xf32>,
        %gather3A_326 = tpu.vector_load_idx %arg10[%get3A_324] : memref<10240xf32, #tpu.memory_space<vmem>>[vector<16xi32>], vector<16xf32>,
        %add3A_327 = arith.addf %gather3A_325, %gather3A_326 : vector<16xf32>
        %gt3A_328 = arith.constant 0.000000e+00 : f32
        %gt3A_329 = vector.broadcast %gt3A_328 : f32 to vector<16xf32>
        %gt3A_330 = arith.cmpf ogt, %add3A_327, %gt3A_329 : vector<16xf32>
        %mul3A_331 = arith.constant 2.000000e-01 : f32
        %mul3A_332 = vector.broadcast %mul3A_331 : f32 to vector<16xf32>
        %mul3A_333 = arith.mulf %mul3A_332, %add3A_327 : vector<16xf32>
        %select_n3A_334 = arith.select %gt3A_330, %add3A_327, %mul3A_333 : vector<16xi1>, vector<16xf32>
        %exp3A_335 = math.exp %select_n3A_334 : vector<16xf32>
        %mul3A_336 = arith.constant 16 : i32
        %mul3A_337 = arith.muli %scan3A_314, %mul3A_336 : i32
        %swap3A_338 = arith.index_cast %scan3A_72 : i32 to index
        %swap3A_339 = arith.index_cast %mul3A_337 : i32 to index
        %swap3A_340 = tpu.vector_load %arg13[%swap3A_338, %swap3A_339] {strides = array<i32>} : memref<16x128xf32, #tpu.memory_space<vmem>>, vector<16xf32>,
        tpu.vector_store %arg13[%swap3A_338, %swap3A_339], %exp3A_335 {strides = array<i32>} : memref<16x128xf32, #tpu.memory_space<vmem>>, vector<16xf32>,
        %add3A_341 = vector.broadcast %mul3A_31 : i32 to vector<16xi32>
        %add3A_342 = arith.addi %get3A_319, %add3A_341 : vector<16xi32>
        %mul3A_343 = arith.constant 16 : i32
        %mul3A_344 = arith.muli %scan3A_314, %mul3A_343 : i32
        %swap3A_345 = arith.index_cast %scan3A_72 : i32 to index
        %swap3A_346 = arith.index_cast %mul3A_344 : i32 to index
        %swap3A_347 = tpu.vector_load %arg14[%swap3A_345, %swap3A_346] {strides = array<i32>} : memref<16x128xi32, #tpu.memory_space<vmem>>, vector<16xi32>,
        tpu.vector_store %arg14[%swap3A_345, %swap3A_346], %add3A_342 {strides = array<i32>} : memref<16x128xi32, #tpu.memory_space<vmem>>, vector<16xi32>,
        %scan3A_348 = arith.constant 0 : i32
        %scan3A_349 = arith.constant 8 : i32
        "tpu.region"() ({
          %run_scoped3A = tpu.sem_alloc : memref<!tpu.dma_semaphore, #tpu.memory_space<semaphore_mem>>
          %dma_start3A = arith.constant 0 : i32
          %dma_start3A_351 = tpu.memref_slice %arg13[%scan3A_72, %dma_start3A] : memref<16x128xf32, #tpu.memory_space<vmem>> -> memref<1x128xf32, #tpu.memory_space<vmem>>
          %dma_start3A_352 = tpu.memref_squeeze %dma_start3A_351 : memref<1x128xf32, #tpu.memory_space<vmem>> -> memref<128xf32, #tpu.memory_space<vmem>>
          %dma_start3A_353 = arith.constant 0 : i32
          %dma_start3A_354 = tpu.memref_slice %arg12[%scan3A_72, %dma_start3A_353] : memref<16x128xi32, #tpu.memory_space<vmem>> -> memref<1x128xi32, #tpu.memory_space<vmem>>
          %dma_start3A_355 = tpu.memref_squeeze %dma_start3A_354 : memref<1x128xi32, #tpu.memory_space<vmem>> -> memref<128xi32, #tpu.memory_space<vmem>>
          %dma_start3A_356 = arith.constant 0 : i32
          %dma_start3A_357 = tpu.memref_slice %arg16[%dma_start3A_356] : memref<10240xf32, #tpu.memory_space<vmem_shared>> -> memref<10240xf32, #tpu.memory_space<vmem_shared>>
          tpu.enqueue_indirect_dma source(%dma_start3A_352 : memref<128xf32, #tpu.memory_space<vmem>>) target(%dma_start3A_357 : memref<10240xf32, #tpu.memory_space<vmem_shared>>) offsets(%dma_start3A_355 : memref<128xi32, #tpu.memory_space<vmem>>) semaphore(%run_scoped3A : memref<!tpu.dma_semaphore, #tpu.memory_space<semaphore_mem>>) {add = true}
          %dma_wait3A = arith.constant 0 : i32
          %dma_wait3A_358 = tpu.memref_slice %arg13[%scan3A_72, %dma_wait3A] : memref<16x128xf32, #tpu.memory_space<vmem>> -> memref<1x128xf32, #tpu.memory_space<vmem>>
          %dma_wait3A_359 = tpu.memref_squeeze %dma_wait3A_358 : memref<1x128xf32, #tpu.memory_space<vmem>> -> memref<128xf32, #tpu.memory_space<vmem>>
          %dma_wait3A_360 = arith.constant 0 : i32
          %dma_wait3A_361 = tpu.memref_slice %arg12[%scan3A_72, %dma_wait3A_360] : memref<16x128xi32, #tpu.memory_space<vmem>> -> memref<1x128xi32, #tpu.memory_space<vmem>>
          %dma_wait3A_362 = tpu.memref_squeeze %dma_wait3A_361 : memref<1x128xi32, #tpu.memory_space<vmem>> -> memref<128xi32, #tpu.memory_space<vmem>>
          %dma_wait3A_363 = arith.constant 0 : i32
          %dma_wait3A_364 = tpu.memref_slice %arg16[%dma_wait3A_363] : memref<10240xf32, #tpu.memory_space<vmem_shared>> -> memref<10240xf32, #tpu.memory_space<vmem_shared>>
          tpu.wait_indirect_dma semaphore(%run_scoped3A : memref<!tpu.dma_semaphore, #tpu.memory_space<semaphore_mem>>) src(%dma_wait3A_359 : memref<128xf32, #tpu.memory_space<vmem>>) dst(%dma_wait3A_364 : memref<10240xf32, #tpu.memory_space<vmem_shared>>)
          tpu.yield
        }) : () -> ()
        %scan3A_350 = arith.constant 0 : i32
        scf.yield %scan3A_350 : i32
      }
      %scan3A_64 = arith.constant 16 : i32
      %mul3A_65 = arith.constant 16 : i32
      %mul3A_66 = arith.muli %scan3A_50, %mul3A_65 : i32
      %add3A_67 = arith.addi %add3A_34, %mul3A_66 : i32
      "tpu.region"() ({
        %run_scoped3A = tpu.sem_alloc : memref<!tpu.dma_semaphore, #tpu.memory_space<semaphore_mem>>
        %dma_start3A = arith.constant 0 : i32
        %dma_start3A_72 = tpu.memref_slice %arg6[%add3A_67, %dma_start3A] : memref<5120x128xf32, #tpu.memory_space<hbm>> -> memref<16x128xf32, #tpu.memory_space<hbm>>
        %dma_start3A_73 = arith.constant 0 : i32
        %dma_start3A_74 = tpu.memref_slice %arg6[%add3A_67, %dma_start3A_73] : memref<5120x128xf32, #tpu.memory_space<hbm>> -> memref<16x128xf32, #tpu.memory_space<hbm>>
        tpu.enqueue_dma source(%arg13 : memref<16x128xf32, #tpu.memory_space<vmem>>) target(%dma_start3A_74 : memref<16x128xf32, #tpu.memory_space<hbm>>) target_semaphore(%run_scoped3A : memref<!tpu.dma_semaphore, #tpu.memory_space<semaphore_mem>>)
        %dma_wait3A = arith.constant 0 : i32
        %dma_wait3A_75 = tpu.memref_slice %arg6[%add3A_67, %dma_wait3A] : memref<5120x128xf32, #tpu.memory_space<hbm>> -> memref<16x128xf32, #tpu.memory_space<hbm>>
        %dma_wait3A_76 = arith.constant 0 : i32
        %dma_wait3A_77 = tpu.memref_slice %arg6[%add3A_67, %dma_wait3A_76] : memref<5120x128xf32, #tpu.memory_space<hbm>> -> memref<16x128xf32, #tpu.memory_space<hbm>>
        tpu.wait_dma2 semaphore(%run_scoped3A : memref<!tpu.dma_semaphore, #tpu.memory_space<semaphore_mem>>) src(%arg13 : memref<16x128xf32, #tpu.memory_space<vmem>>) dst(%dma_wait3A_77 : memref<16x128xf32, #tpu.memory_space<hbm>>)
        tpu.yield
      }) : () -> ()
      %mul3A_68 = arith.constant 16 : i32
      %mul3A_69 = arith.muli %scan3A_50, %mul3A_68 : i32
      %add3A_70 = arith.addi %add3A_34, %mul3A_69 : i32
      "tpu.region"() ({
        %run_scoped3A = tpu.sem_alloc : memref<!tpu.dma_semaphore, #tpu.memory_space<semaphore_mem>>
        %dma_start3A = arith.constant 0 : i32
        %dma_start3A_72 = tpu.memref_slice %arg7[%add3A_70, %dma_start3A] : memref<5120x128xi32, #tpu.memory_space<hbm>> -> memref<16x128xi32, #tpu.memory_space<hbm>>
        %dma_start3A_73 = arith.constant 0 : i32
        %dma_start3A_74 = tpu.memref_slice %arg7[%add3A_70, %dma_start3A_73] : memref<5120x128xi32, #tpu.memory_space<hbm>> -> memref<16x128xi32, #tpu.memory_space<hbm>>
        tpu.enqueue_dma source(%arg14 : memref<16x128xi32, #tpu.memory_space<vmem>>) target(%dma_start3A_74 : memref<16x128xi32, #tpu.memory_space<hbm>>) target_semaphore(%run_scoped3A : memref<!tpu.dma_semaphore, #tpu.memory_space<semaphore_mem>>)
        %dma_wait3A = arith.constant 0 : i32
        %dma_wait3A_75 = tpu.memref_slice %arg7[%add3A_70, %dma_wait3A] : memref<5120x128xi32, #tpu.memory_space<hbm>> -> memref<16x128xi32, #tpu.memory_space<hbm>>
        %dma_wait3A_76 = arith.constant 0 : i32
        %dma_wait3A_77 = tpu.memref_slice %arg7[%add3A_70, %dma_wait3A_76] : memref<5120x128xi32, #tpu.memory_space<hbm>> -> memref<16x128xi32, #tpu.memory_space<hbm>>
        tpu.wait_dma2 semaphore(%run_scoped3A : memref<!tpu.dma_semaphore, #tpu.memory_space<semaphore_mem>>) src(%arg14 : memref<16x128xi32, #tpu.memory_space<vmem>>) dst(%dma_wait3A_77 : memref<16x128xi32, #tpu.memory_space<hbm>>)
        tpu.yield
      }) : () -> ()
      %scan3A_71 = arith.constant 0 : i32
      scf.yield %scan3A_71 : i32
    }
    %scan3A_41 = arith.constant 10 : i32
    %barrier3A_42 = arith.constant 0 : index
    tpu.barrier barrier_id(%barrier3A_42)
    %mul3A_43 = arith.constant 640 : i32
    %mul3A_44 = arith.muli %arg1, %mul3A_43 : i32
    %mul3A_45 = arith.constant 10240 : i32
    %mul3A_46 = arith.muli %arg0, %mul3A_45 : i32
    %mul3A_47 = arith.constant 640 : i32
    %mul3A_48 = arith.muli %arg1, %mul3A_47 : i32
    %add3A_49 = arith.addi %mul3A_46, %mul3A_48 : i32
    "tpu.region"() ({
      %run_scoped3A = tpu.sem_alloc : memref<!tpu.dma_semaphore, #tpu.memory_space<semaphore_mem>>
      %dma_start3A = tpu.memref_slice %arg8[%add3A_49] : memref<20480xf32, #tpu.memory_space<hbm>> -> memref<640xf32, #tpu.memory_space<hbm>>
      %dma_start3A_50 = tpu.memref_slice %arg16[%mul3A_44] : memref<10240xf32, #tpu.memory_space<vmem_shared>> -> memref<640xf32, #tpu.memory_space<vmem_shared>>
      tpu.enqueue_dma source(%dma_start3A_50 : memref<640xf32, #tpu.memory_space<vmem_shared>>) target(%dma_start3A : memref<640xf32, #tpu.memory_space<hbm>>) target_semaphore(%run_scoped3A : memref<!tpu.dma_semaphore, #tpu.memory_space<semaphore_mem>>)
      %dma_wait3A = tpu.memref_slice %arg8[%add3A_49] : memref<20480xf32, #tpu.memory_space<hbm>> -> memref<640xf32, #tpu.memory_space<hbm>>
      %dma_wait3A_51 = tpu.memref_slice %arg16[%mul3A_44] : memref<10240xf32, #tpu.memory_space<vmem_shared>> -> memref<640xf32, #tpu.memory_space<vmem_shared>>
      tpu.wait_dma2 semaphore(%run_scoped3A : memref<!tpu.dma_semaphore, #tpu.memory_space<semaphore_mem>>) src(%dma_wait3A_51 : memref<640xf32, #tpu.memory_space<vmem_shared>>) dst(%dma_wait3A : memref<640xf32, #tpu.memory_space<hbm>>)
      tpu.yield
    }) : () -> ()
    return
  }
}

#map = affine_map<(d0, d1) -> (0, 0)>
#map1 = affine_map<(d0, d1) -> (0)>
module attributes {stable_mosaic.version = 14 : i64} {
  func.func @body(%arg0: i32, %arg1: i32, %arg2: memref<2560x128xi32, #tpu.memory_space<hbm>>, %arg3: memref<2560x128xi32, #tpu.memory_space<hbm>>, %arg4: memref<10240xf32, #tpu.memory_space<hbm>>, %arg5: memref<10240xf32, #tpu.memory_space<hbm>>, %arg6: memref<2560x128xf32, #tpu.memory_space<hbm>>, %arg7: memref<2560x128xi32, #tpu.memory_space<hbm>>, %arg8: memref<20480xf32, #tpu.memory_space<hbm>>, %arg9: memref<10240xf32, #tpu.memory_space<vmem>>, %arg10: memref<10240xf32, #tpu.memory_space<vmem>>, %arg11: memref<16x128xi32, #tpu.memory_space<vmem>>, %arg12: memref<16x128xi32, #tpu.memory_space<vmem>>, %arg13: memref<16x128xf32, #tpu.memory_space<vmem>>, %arg14: memref<16x128xi32, #tpu.memory_space<vmem>>, %arg15: memref<128xf32, #tpu.memory_space<vmem>>, %arg16: memref<10240xf32, #tpu.memory_space<vmem_shared>>) attributes {dimension_semantics = [#tpu.dimension_semantics<core_parallel>, #tpu.dimension_semantics<subcore_parallel>], iteration_bounds = array<i64: 2, 16>, scalar_prefetch = 0 : i64, scratch_operands = 8 : i64, tpu.core_type = #tpu.core_type<sc_vector_subcore>, window_params = [{transform_indices = #map}, {transform_indices = #map}, {transform_indices = #map1}, {transform_indices = #map1}, {transform_indices = #map}, {transform_indices = #map}, {transform_indices = #map1}]} {
    %scan3A = arith.constant 0 : i32
    %scan3A_0 = arith.constant 0 : i32
    %scan3A_1 = arith.constant 8 : i32
    %scan3A_2 = arith.addi %scan3A_0, %scan3A_1 : i32
    %scan3A_3 = arith.constant 1 : i32
    %scan3A_4 = scf.for %scan3A_44 = %scan3A_0 to %scan3A_2 step %scan3A_3 iter_args(%scan3A_45 = %scan3A) -> (i32)  : i32 {
      %broadcast_in_dim3A = arith.constant 0.000000e+00 : f32
      %broadcast_in_dim3A_46 = vector.broadcast %broadcast_in_dim3A : f32 to vector<16xf32>
      %mul3A_47 = arith.constant 16 : i32
      %mul3A_48 = arith.muli %scan3A_44, %mul3A_47 : i32
      %swap3A = arith.index_cast %mul3A_48 : i32 to index
      %swap3A_49 = tpu.vector_load %arg15[%swap3A] {strides = array<i32>} : memref<128xf32, #tpu.memory_space<vmem>>, vector<16xf32>,
      tpu.vector_store %arg15[%swap3A], %broadcast_in_dim3A_46 {strides = array<i32>} : memref<128xf32, #tpu.memory_space<vmem>>, vector<16xf32>,
      %scan3A_50 = arith.constant 0 : i32
      scf.yield %scan3A_50 : i32
    }
    %scan3A_5 = arith.constant 8 : i32
    %mul3A = arith.constant 640 : i32
    %mul3A_6 = arith.muli %arg1, %mul3A : i32
    %add3A = arith.constant 0 : i32
    %add3A_7 = arith.addi %mul3A_6, %add3A : i32
    "tpu.region"() ({
      %run_scoped3A = tpu.sem_alloc : memref<!tpu.dma_semaphore, #tpu.memory_space<semaphore_mem>>
      %dma_start3A = tpu.memref_slice %arg16[%add3A_7] : memref<10240xf32, #tpu.memory_space<vmem_shared>> -> memref<128xf32, #tpu.memory_space<vmem_shared>>
      %dma_start3A_44 = tpu.memref_slice %arg16[%add3A_7] : memref<10240xf32, #tpu.memory_space<vmem_shared>> -> memref<128xf32, #tpu.memory_space<vmem_shared>>
      tpu.enqueue_dma source(%arg15 : memref<128xf32, #tpu.memory_space<vmem>>) target(%dma_start3A_44 : memref<128xf32, #tpu.memory_space<vmem_shared>>) target_semaphore(%run_scoped3A : memref<!tpu.dma_semaphore, #tpu.memory_space<semaphore_mem>>)
      %dma_wait3A = tpu.memref_slice %arg16[%add3A_7] : memref<10240xf32, #tpu.memory_space<vmem_shared>> -> memref<128xf32, #tpu.memory_space<vmem_shared>>
      %dma_wait3A_45 = tpu.memref_slice %arg16[%add3A_7] : memref<10240xf32, #tpu.memory_space<vmem_shared>> -> memref<128xf32, #tpu.memory_space<vmem_shared>>
      tpu.wait_dma2 semaphore(%run_scoped3A : memref<!tpu.dma_semaphore, #tpu.memory_space<semaphore_mem>>) src(%arg15 : memref<128xf32, #tpu.memory_space<vmem>>) dst(%dma_wait3A_45 : memref<128xf32, #tpu.memory_space<vmem_shared>>)
      tpu.yield
    }) : () -> ()
    %mul3A_8 = arith.constant 640 : i32
    %mul3A_9 = arith.muli %arg1, %mul3A_8 : i32
    %add3A_10 = arith.constant 128 : i32
    %add3A_11 = arith.addi %mul3A_9, %add3A_10 : i32
    "tpu.region"() ({
      %run_scoped3A = tpu.sem_alloc : memref<!tpu.dma_semaphore, #tpu.memory_space<semaphore_mem>>
      %dma_start3A = tpu.memref_slice %arg16[%add3A_11] : memref<10240xf32, #tpu.memory_space<vmem_shared>> -> memref<128xf32, #tpu.memory_space<vmem_shared>>
      %dma_start3A_44 = tpu.memref_slice %arg16[%add3A_11] : memref<10240xf32, #tpu.memory_space<vmem_shared>> -> memref<128xf32, #tpu.memory_space<vmem_shared>>
      tpu.enqueue_dma source(%arg15 : memref<128xf32, #tpu.memory_space<vmem>>) target(%dma_start3A_44 : memref<128xf32, #tpu.memory_space<vmem_shared>>) target_semaphore(%run_scoped3A : memref<!tpu.dma_semaphore, #tpu.memory_space<semaphore_mem>>)
      %dma_wait3A = tpu.memref_slice %arg16[%add3A_11] : memref<10240xf32, #tpu.memory_space<vmem_shared>> -> memref<128xf32, #tpu.memory_space<vmem_shared>>
      %dma_wait3A_45 = tpu.memref_slice %arg16[%add3A_11] : memref<10240xf32, #tpu.memory_space<vmem_shared>> -> memref<128xf32, #tpu.memory_space<vmem_shared>>
      tpu.wait_dma2 semaphore(%run_scoped3A : memref<!tpu.dma_semaphore, #tpu.memory_space<semaphore_mem>>) src(%arg15 : memref<128xf32, #tpu.memory_space<vmem>>) dst(%dma_wait3A_45 : memref<128xf32, #tpu.memory_space<vmem_shared>>)
      tpu.yield
    }) : () -> ()
    %mul3A_12 = arith.constant 640 : i32
    %mul3A_13 = arith.muli %arg1, %mul3A_12 : i32
    %add3A_14 = arith.constant 256 : i32
    %add3A_15 = arith.addi %mul3A_13, %add3A_14 : i32
    "tpu.region"() ({
      %run_scoped3A = tpu.sem_alloc : memref<!tpu.dma_semaphore, #tpu.memory_space<semaphore_mem>>
      %dma_start3A = tpu.memref_slice %arg16[%add3A_15] : memref<10240xf32, #tpu.memory_space<vmem_shared>> -> memref<128xf32, #tpu.memory_space<vmem_shared>>
      %dma_start3A_44 = tpu.memref_slice %arg16[%add3A_15] : memref<10240xf32, #tpu.memory_space<vmem_shared>> -> memref<128xf32, #tpu.memory_space<vmem_shared>>
      tpu.enqueue_dma source(%arg15 : memref<128xf32, #tpu.memory_space<vmem>>) target(%dma_start3A_44 : memref<128xf32, #tpu.memory_space<vmem_shared>>) target_semaphore(%run_scoped3A : memref<!tpu.dma_semaphore, #tpu.memory_space<semaphore_mem>>)
      %dma_wait3A = tpu.memref_slice %arg16[%add3A_15] : memref<10240xf32, #tpu.memory_space<vmem_shared>> -> memref<128xf32, #tpu.memory_space<vmem_shared>>
      %dma_wait3A_45 = tpu.memref_slice %arg16[%add3A_15] : memref<10240xf32, #tpu.memory_space<vmem_shared>> -> memref<128xf32, #tpu.memory_space<vmem_shared>>
      tpu.wait_dma2 semaphore(%run_scoped3A : memref<!tpu.dma_semaphore, #tpu.memory_space<semaphore_mem>>) src(%arg15 : memref<128xf32, #tpu.memory_space<vmem>>) dst(%dma_wait3A_45 : memref<128xf32, #tpu.memory_space<vmem_shared>>)
      tpu.yield
    }) : () -> ()
    %mul3A_16 = arith.constant 640 : i32
    %mul3A_17 = arith.muli %arg1, %mul3A_16 : i32
    %add3A_18 = arith.constant 384 : i32
    %add3A_19 = arith.addi %mul3A_17, %add3A_18 : i32
    "tpu.region"() ({
      %run_scoped3A = tpu.sem_alloc : memref<!tpu.dma_semaphore, #tpu.memory_space<semaphore_mem>>
      %dma_start3A = tpu.memref_slice %arg16[%add3A_19] : memref<10240xf32, #tpu.memory_space<vmem_shared>> -> memref<128xf32, #tpu.memory_space<vmem_shared>>
      %dma_start3A_44 = tpu.memref_slice %arg16[%add3A_19] : memref<10240xf32, #tpu.memory_space<vmem_shared>> -> memref<128xf32, #tpu.memory_space<vmem_shared>>
      tpu.enqueue_dma source(%arg15 : memref<128xf32, #tpu.memory_space<vmem>>) target(%dma_start3A_44 : memref<128xf32, #tpu.memory_space<vmem_shared>>) target_semaphore(%run_scoped3A : memref<!tpu.dma_semaphore, #tpu.memory_space<semaphore_mem>>)
      %dma_wait3A = tpu.memref_slice %arg16[%add3A_19] : memref<10240xf32, #tpu.memory_space<vmem_shared>> -> memref<128xf32, #tpu.memory_space<vmem_shared>>
      %dma_wait3A_45 = tpu.memref_slice %arg16[%add3A_19] : memref<10240xf32, #tpu.memory_space<vmem_shared>> -> memref<128xf32, #tpu.memory_space<vmem_shared>>
      tpu.wait_dma2 semaphore(%run_scoped3A : memref<!tpu.dma_semaphore, #tpu.memory_space<semaphore_mem>>) src(%arg15 : memref<128xf32, #tpu.memory_space<vmem>>) dst(%dma_wait3A_45 : memref<128xf32, #tpu.memory_space<vmem_shared>>)
      tpu.yield
    }) : () -> ()
    %mul3A_20 = arith.constant 640 : i32
    %mul3A_21 = arith.muli %arg1, %mul3A_20 : i32
    %add3A_22 = arith.constant 512 : i32
    %add3A_23 = arith.addi %mul3A_21, %add3A_22 : i32
    "tpu.region"() ({
      %run_scoped3A = tpu.sem_alloc : memref<!tpu.dma_semaphore, #tpu.memory_space<semaphore_mem>>
      %dma_start3A = tpu.memref_slice %arg16[%add3A_23] : memref<10240xf32, #tpu.memory_space<vmem_shared>> -> memref<128xf32, #tpu.memory_space<vmem_shared>>
      %dma_start3A_44 = tpu.memref_slice %arg16[%add3A_23] : memref<10240xf32, #tpu.memory_space<vmem_shared>> -> memref<128xf32, #tpu.memory_space<vmem_shared>>
      tpu.enqueue_dma source(%arg15 : memref<128xf32, #tpu.memory_space<vmem>>) target(%dma_start3A_44 : memref<128xf32, #tpu.memory_space<vmem_shared>>) target_semaphore(%run_scoped3A : memref<!tpu.dma_semaphore, #tpu.memory_space<semaphore_mem>>)
      %dma_wait3A = tpu.memref_slice %arg16[%add3A_23] : memref<10240xf32, #tpu.memory_space<vmem_shared>> -> memref<128xf32, #tpu.memory_space<vmem_shared>>
      %dma_wait3A_45 = tpu.memref_slice %arg16[%add3A_23] : memref<10240xf32, #tpu.memory_space<vmem_shared>> -> memref<128xf32, #tpu.memory_space<vmem_shared>>
      tpu.wait_dma2 semaphore(%run_scoped3A : memref<!tpu.dma_semaphore, #tpu.memory_space<semaphore_mem>>) src(%arg15 : memref<128xf32, #tpu.memory_space<vmem>>) dst(%dma_wait3A_45 : memref<128xf32, #tpu.memory_space<vmem_shared>>)
      tpu.yield
    }) : () -> ()
    "tpu.region"() ({
      %run_scoped3A = tpu.sem_alloc : memref<!tpu.dma_semaphore, #tpu.memory_space<semaphore_mem>>
      tpu.enqueue_dma source(%arg4 : memref<10240xf32, #tpu.memory_space<hbm>>) target(%arg9 : memref<10240xf32, #tpu.memory_space<vmem>>) target_semaphore(%run_scoped3A : memref<!tpu.dma_semaphore, #tpu.memory_space<semaphore_mem>>)
      tpu.wait_dma2 semaphore(%run_scoped3A : memref<!tpu.dma_semaphore, #tpu.memory_space<semaphore_mem>>) src(%arg4 : memref<10240xf32, #tpu.memory_space<hbm>>) dst(%arg9 : memref<10240xf32, #tpu.memory_space<vmem>>)
      tpu.yield
    }) : () -> ()
    "tpu.region"() ({
      %run_scoped3A = tpu.sem_alloc : memref<!tpu.dma_semaphore, #tpu.memory_space<semaphore_mem>>
      tpu.enqueue_dma source(%arg5 : memref<10240xf32, #tpu.memory_space<hbm>>) target(%arg10 : memref<10240xf32, #tpu.memory_space<vmem>>) target_semaphore(%run_scoped3A : memref<!tpu.dma_semaphore, #tpu.memory_space<semaphore_mem>>)
      tpu.wait_dma2 semaphore(%run_scoped3A : memref<!tpu.dma_semaphore, #tpu.memory_space<semaphore_mem>>) src(%arg5 : memref<10240xf32, #tpu.memory_space<hbm>>) dst(%arg10 : memref<10240xf32, #tpu.memory_space<vmem>>)
      tpu.yield
    }) : () -> ()
    %mul3A_24 = arith.constant 16 : i32
    %mul3A_25 = arith.muli %arg0, %mul3A_24 : i32
    %add3A_26 = arith.addi %mul3A_25, %arg1 : i32
    %mul3A_27 = arith.constant 80 : i32
    %mul3A_28 = arith.muli %add3A_26, %mul3A_27 : i32
    %barrier3A = arith.constant 0 : index
    tpu.barrier barrier_id(%barrier3A)
    %scan3A_29 = arith.constant 0 : i32
    %scan3A_30 = arith.constant 0 : i32
    %scan3A_31 = arith.constant 5 : i32
    %scan3A_32 = arith.addi %scan3A_30, %scan3A_31 : i32
    %scan3A_33 = arith.constant 1 : i32
    %scan3A_34 = scf.for %scan3A_44 = %scan3A_30 to %scan3A_32 step %scan3A_33 iter_args(%scan3A_45 = %scan3A_29) -> (i32)  : i32 {
      %mul3A_46 = arith.constant 16 : i32
      %mul3A_47 = arith.muli %scan3A_44, %mul3A_46 : i32
      %add3A_48 = arith.addi %mul3A_28, %mul3A_47 : i32
      "tpu.region"() ({
        %run_scoped3A = tpu.sem_alloc : memref<!tpu.dma_semaphore, #tpu.memory_space<semaphore_mem>>
        %dma_start3A = arith.constant 0 : i32
        %dma_start3A_66 = tpu.memref_slice %arg2[%add3A_48, %dma_start3A] : memref<2560x128xi32, #tpu.memory_space<hbm>> -> memref<16x128xi32, #tpu.memory_space<hbm>>
        %dma_start3A_67 = arith.constant 0 : i32
        %dma_start3A_68 = tpu.memref_slice %arg2[%add3A_48, %dma_start3A_67] : memref<2560x128xi32, #tpu.memory_space<hbm>> -> memref<16x128xi32, #tpu.memory_space<hbm>>
        tpu.enqueue_dma source(%dma_start3A_68 : memref<16x128xi32, #tpu.memory_space<hbm>>) target(%arg11 : memref<16x128xi32, #tpu.memory_space<vmem>>) target_semaphore(%run_scoped3A : memref<!tpu.dma_semaphore, #tpu.memory_space<semaphore_mem>>)
        %dma_wait3A = arith.constant 0 : i32
        %dma_wait3A_69 = tpu.memref_slice %arg2[%add3A_48, %dma_wait3A] : memref<2560x128xi32, #tpu.memory_space<hbm>> -> memref<16x128xi32, #tpu.memory_space<hbm>>
        %dma_wait3A_70 = arith.constant 0 : i32
        %dma_wait3A_71 = tpu.memref_slice %arg2[%add3A_48, %dma_wait3A_70] : memref<2560x128xi32, #tpu.memory_space<hbm>> -> memref<16x128xi32, #tpu.memory_space<hbm>>
        tpu.wait_dma2 semaphore(%run_scoped3A : memref<!tpu.dma_semaphore, #tpu.memory_space<semaphore_mem>>) src(%dma_wait3A_71 : memref<16x128xi32, #tpu.memory_space<hbm>>) dst(%arg11 : memref<16x128xi32, #tpu.memory_space<vmem>>)
        tpu.yield
      }) : () -> ()
      %mul3A_49 = arith.constant 16 : i32
      %mul3A_50 = arith.muli %scan3A_44, %mul3A_49 : i32
      %add3A_51 = arith.addi %mul3A_28, %mul3A_50 : i32
      "tpu.region"() ({
        %run_scoped3A = tpu.sem_alloc : memref<!tpu.dma_semaphore, #tpu.memory_space<semaphore_mem>>
        %dma_start3A = arith.constant 0 : i32
        %dma_start3A_66 = tpu.memref_slice %arg3[%add3A_51, %dma_start3A] : memref<2560x128xi32, #tpu.memory_space<hbm>> -> memref<16x128xi32, #tpu.memory_space<hbm>>
        %dma_start3A_67 = arith.constant 0 : i32
        %dma_start3A_68 = tpu.memref_slice %arg3[%add3A_51, %dma_start3A_67] : memref<2560x128xi32, #tpu.memory_space<hbm>> -> memref<16x128xi32, #tpu.memory_space<hbm>>
        tpu.enqueue_dma source(%dma_start3A_68 : memref<16x128xi32, #tpu.memory_space<hbm>>) target(%arg12 : memref<16x128xi32, #tpu.memory_space<vmem>>) target_semaphore(%run_scoped3A : memref<!tpu.dma_semaphore, #tpu.memory_space<semaphore_mem>>)
        %dma_wait3A = arith.constant 0 : i32
        %dma_wait3A_69 = tpu.memref_slice %arg3[%add3A_51, %dma_wait3A] : memref<2560x128xi32, #tpu.memory_space<hbm>> -> memref<16x128xi32, #tpu.memory_space<hbm>>
        %dma_wait3A_70 = arith.constant 0 : i32
        %dma_wait3A_71 = tpu.memref_slice %arg3[%add3A_51, %dma_wait3A_70] : memref<2560x128xi32, #tpu.memory_space<hbm>> -> memref<16x128xi32, #tpu.memory_space<hbm>>
        tpu.wait_dma2 semaphore(%run_scoped3A : memref<!tpu.dma_semaphore, #tpu.memory_space<semaphore_mem>>) src(%dma_wait3A_71 : memref<16x128xi32, #tpu.memory_space<hbm>>) dst(%arg12 : memref<16x128xi32, #tpu.memory_space<vmem>>)
        tpu.yield
      }) : () -> ()
      %scan3A_52 = arith.constant 0 : i32
      %scan3A_53 = arith.constant 0 : i32
      %scan3A_54 = arith.constant 16 : i32
      %scan3A_55 = arith.addi %scan3A_53, %scan3A_54 : i32
      %scan3A_56 = arith.constant 1 : i32
      %scan3A_57 = scf.for %scan3A_66 = %scan3A_53 to %scan3A_55 step %scan3A_56 iter_args(%scan3A_67 = %scan3A_52) -> (i32)  : i32 {
        %scan3A_68 = arith.constant 0 : i32
        %scan3A_69 = arith.constant 0 : i32
        %mul3A_70 = arith.constant 16 : i32
        %mul3A_71 = arith.muli %scan3A_69, %mul3A_70 : i32
        %get3A = arith.index_cast %scan3A_66 : i32 to index
        %get3A_72 = arith.index_cast %mul3A_71 : i32 to index
        %get3A_73 = tpu.vector_load %arg11[%get3A, %get3A_72] {strides = array<i32>} : memref<16x128xi32, #tpu.memory_space<vmem>>, vector<16xi32>,
        %mul3A_74 = arith.constant 16 : i32
        %mul3A_75 = arith.muli %scan3A_69, %mul3A_74 : i32
        %get3A_76 = arith.index_cast %scan3A_66 : i32 to index
        %get3A_77 = arith.index_cast %mul3A_75 : i32 to index
        %get3A_78 = tpu.vector_load %arg12[%get3A_76, %get3A_77] {strides = array<i32>} : memref<16x128xi32, #tpu.memory_space<vmem>>, vector<16xi32>,
        %gather3A = tpu.vector_load_idx %arg9[%get3A_73] : memref<10240xf32, #tpu.memory_space<vmem>>[vector<16xi32>], vector<16xf32>,
        %gather3A_79 = tpu.vector_load_idx %arg10[%get3A_78] : memref<10240xf32, #tpu.memory_space<vmem>>[vector<16xi32>], vector<16xf32>,
        %add3A_80 = arith.addf %gather3A, %gather3A_79 : vector<16xf32>
        %gt3A = arith.constant 0.000000e+00 : f32
        %gt3A_81 = vector.broadcast %gt3A : f32 to vector<16xf32>
        %gt3A_82 = arith.cmpf ogt, %add3A_80, %gt3A_81 : vector<16xf32>
        %mul3A_83 = arith.constant 2.000000e-01 : f32
        %mul3A_84 = vector.broadcast %mul3A_83 : f32 to vector<16xf32>
        %mul3A_85 = arith.mulf %mul3A_84, %add3A_80 : vector<16xf32>
        %select_n3A = arith.select %gt3A_82, %add3A_80, %mul3A_85 : vector<16xi1>, vector<16xf32>
        %exp3A = math.exp %select_n3A : vector<16xf32>
        %mul3A_86 = arith.constant 16 : i32
        %mul3A_87 = arith.muli %scan3A_69, %mul3A_86 : i32
        %swap3A = arith.index_cast %scan3A_66 : i32 to index
        %swap3A_88 = arith.index_cast %mul3A_87 : i32 to index
        %swap3A_89 = tpu.vector_load %arg13[%swap3A, %swap3A_88] {strides = array<i32>} : memref<16x128xf32, #tpu.memory_space<vmem>>, vector<16xf32>,
        tpu.vector_store %arg13[%swap3A, %swap3A_88], %exp3A {strides = array<i32>} : memref<16x128xf32, #tpu.memory_space<vmem>>, vector<16xf32>,
        %add3A_90 = arith.constant 0 : i32
        %add3A_91 = vector.broadcast %add3A_90 : i32 to vector<16xi32>
        %add3A_92 = arith.addi %get3A_73, %add3A_91 : vector<16xi32>
        %mul3A_93 = arith.constant 16 : i32
        %mul3A_94 = arith.muli %scan3A_69, %mul3A_93 : i32
        %swap3A_95 = arith.index_cast %scan3A_66 : i32 to index
        %swap3A_96 = arith.index_cast %mul3A_94 : i32 to index
        %swap3A_97 = tpu.vector_load %arg14[%swap3A_95, %swap3A_96] {strides = array<i32>} : memref<16x128xi32, #tpu.memory_space<vmem>>, vector<16xi32>,
        tpu.vector_store %arg14[%swap3A_95, %swap3A_96], %add3A_92 {strides = array<i32>} : memref<16x128xi32, #tpu.memory_space<vmem>>, vector<16xi32>,
        %scan3A_98 = arith.constant 0 : i32
        %scan3A_99 = arith.constant 1 : i32
        %mul3A_100 = arith.constant 16 : i32
        %mul3A_101 = arith.muli %scan3A_99, %mul3A_100 : i32
        %get3A_102 = arith.index_cast %scan3A_66 : i32 to index
        %get3A_103 = arith.index_cast %mul3A_101 : i32 to index
        %get3A_104 = tpu.vector_load %arg11[%get3A_102, %get3A_103] {strides = array<i32>} : memref<16x128xi32, #tpu.memory_space<vmem>>, vector<16xi32>,
        %mul3A_105 = arith.constant 16 : i32
        %mul3A_106 = arith.muli %scan3A_99, %mul3A_105 : i32
        %get3A_107 = arith.index_cast %scan3A_66 : i32 to index
        %get3A_108 = arith.index_cast %mul3A_106 : i32 to index
        %get3A_109 = tpu.vector_load %arg12[%get3A_107, %get3A_108] {strides = array<i32>} : memref<16x128xi32, #tpu.memory_space<vmem>>, vector<16xi32>,
        %gather3A_110 = tpu.vector_load_idx %arg9[%get3A_104] : memref<10240xf32, #tpu.memory_space<vmem>>[vector<16xi32>], vector<16xf32>,
        %gather3A_111 = tpu.vector_load_idx %arg10[%get3A_109] : memref<10240xf32, #tpu.memory_space<vmem>>[vector<16xi32>], vector<16xf32>,
        %add3A_112 = arith.addf %gather3A_110, %gather3A_111 : vector<16xf32>
        %gt3A_113 = arith.constant 0.000000e+00 : f32
        %gt3A_114 = vector.broadcast %gt3A_113 : f32 to vector<16xf32>
        %gt3A_115 = arith.cmpf ogt, %add3A_112, %gt3A_114 : vector<16xf32>
        %mul3A_116 = arith.constant 2.000000e-01 : f32
        %mul3A_117 = vector.broadcast %mul3A_116 : f32 to vector<16xf32>
        %mul3A_118 = arith.mulf %mul3A_117, %add3A_112 : vector<16xf32>
        %select_n3A_119 = arith.select %gt3A_115, %add3A_112, %mul3A_118 : vector<16xi1>, vector<16xf32>
        %exp3A_120 = math.exp %select_n3A_119 : vector<16xf32>
        %mul3A_121 = arith.constant 16 : i32
        %mul3A_122 = arith.muli %scan3A_99, %mul3A_121 : i32
        %swap3A_123 = arith.index_cast %scan3A_66 : i32 to index
        %swap3A_124 = arith.index_cast %mul3A_122 : i32 to index
        %swap3A_125 = tpu.vector_load %arg13[%swap3A_123, %swap3A_124] {strides = array<i32>} : memref<16x128xf32, #tpu.memory_space<vmem>>, vector<16xf32>,
        tpu.vector_store %arg13[%swap3A_123, %swap3A_124], %exp3A_120 {strides = array<i32>} : memref<16x128xf32, #tpu.memory_space<vmem>>, vector<16xf32>,
        %add3A_126 = arith.constant 0 : i32
        %add3A_127 = vector.broadcast %add3A_126 : i32 to vector<16xi32>
        %add3A_128 = arith.addi %get3A_104, %add3A_127 : vector<16xi32>
        %mul3A_129 = arith.constant 16 : i32
        %mul3A_130 = arith.muli %scan3A_99, %mul3A_129 : i32
        %swap3A_131 = arith.index_cast %scan3A_66 : i32 to index
        %swap3A_132 = arith.index_cast %mul3A_130 : i32 to index
        %swap3A_133 = tpu.vector_load %arg14[%swap3A_131, %swap3A_132] {strides = array<i32>} : memref<16x128xi32, #tpu.memory_space<vmem>>, vector<16xi32>,
        tpu.vector_store %arg14[%swap3A_131, %swap3A_132], %add3A_128 {strides = array<i32>} : memref<16x128xi32, #tpu.memory_space<vmem>>, vector<16xi32>,
        %scan3A_134 = arith.constant 0 : i32
        %scan3A_135 = arith.constant 2 : i32
        %mul3A_136 = arith.constant 16 : i32
        %mul3A_137 = arith.muli %scan3A_135, %mul3A_136 : i32
        %get3A_138 = arith.index_cast %scan3A_66 : i32 to index
        %get3A_139 = arith.index_cast %mul3A_137 : i32 to index
        %get3A_140 = tpu.vector_load %arg11[%get3A_138, %get3A_139] {strides = array<i32>} : memref<16x128xi32, #tpu.memory_space<vmem>>, vector<16xi32>,
        %mul3A_141 = arith.constant 16 : i32
        %mul3A_142 = arith.muli %scan3A_135, %mul3A_141 : i32
        %get3A_143 = arith.index_cast %scan3A_66 : i32 to index
        %get3A_144 = arith.index_cast %mul3A_142 : i32 to index
        %get3A_145 = tpu.vector_load %arg12[%get3A_143, %get3A_144] {strides = array<i32>} : memref<16x128xi32, #tpu.memory_space<vmem>>, vector<16xi32>,
        %gather3A_146 = tpu.vector_load_idx %arg9[%get3A_140] : memref<10240xf32, #tpu.memory_space<vmem>>[vector<16xi32>], vector<16xf32>,
        %gather3A_147 = tpu.vector_load_idx %arg10[%get3A_145] : memref<10240xf32, #tpu.memory_space<vmem>>[vector<16xi32>], vector<16xf32>,
        %add3A_148 = arith.addf %gather3A_146, %gather3A_147 : vector<16xf32>
        %gt3A_149 = arith.constant 0.000000e+00 : f32
        %gt3A_150 = vector.broadcast %gt3A_149 : f32 to vector<16xf32>
        %gt3A_151 = arith.cmpf ogt, %add3A_148, %gt3A_150 : vector<16xf32>
        %mul3A_152 = arith.constant 2.000000e-01 : f32
        %mul3A_153 = vector.broadcast %mul3A_152 : f32 to vector<16xf32>
        %mul3A_154 = arith.mulf %mul3A_153, %add3A_148 : vector<16xf32>
        %select_n3A_155 = arith.select %gt3A_151, %add3A_148, %mul3A_154 : vector<16xi1>, vector<16xf32>
        %exp3A_156 = math.exp %select_n3A_155 : vector<16xf32>
        %mul3A_157 = arith.constant 16 : i32
        %mul3A_158 = arith.muli %scan3A_135, %mul3A_157 : i32
        %swap3A_159 = arith.index_cast %scan3A_66 : i32 to index
        %swap3A_160 = arith.index_cast %mul3A_158 : i32 to index
        %swap3A_161 = tpu.vector_load %arg13[%swap3A_159, %swap3A_160] {strides = array<i32>} : memref<16x128xf32, #tpu.memory_space<vmem>>, vector<16xf32>,
        tpu.vector_store %arg13[%swap3A_159, %swap3A_160], %exp3A_156 {strides = array<i32>} : memref<16x128xf32, #tpu.memory_space<vmem>>, vector<16xf32>,
        %add3A_162 = arith.constant 0 : i32
        %add3A_163 = vector.broadcast %add3A_162 : i32 to vector<16xi32>
        %add3A_164 = arith.addi %get3A_140, %add3A_163 : vector<16xi32>
        %mul3A_165 = arith.constant 16 : i32
        %mul3A_166 = arith.muli %scan3A_135, %mul3A_165 : i32
        %swap3A_167 = arith.index_cast %scan3A_66 : i32 to index
        %swap3A_168 = arith.index_cast %mul3A_166 : i32 to index
        %swap3A_169 = tpu.vector_load %arg14[%swap3A_167, %swap3A_168] {strides = array<i32>} : memref<16x128xi32, #tpu.memory_space<vmem>>, vector<16xi32>,
        tpu.vector_store %arg14[%swap3A_167, %swap3A_168], %add3A_164 {strides = array<i32>} : memref<16x128xi32, #tpu.memory_space<vmem>>, vector<16xi32>,
        %scan3A_170 = arith.constant 0 : i32
        %scan3A_171 = arith.constant 3 : i32
        %mul3A_172 = arith.constant 16 : i32
        %mul3A_173 = arith.muli %scan3A_171, %mul3A_172 : i32
        %get3A_174 = arith.index_cast %scan3A_66 : i32 to index
        %get3A_175 = arith.index_cast %mul3A_173 : i32 to index
        %get3A_176 = tpu.vector_load %arg11[%get3A_174, %get3A_175] {strides = array<i32>} : memref<16x128xi32, #tpu.memory_space<vmem>>, vector<16xi32>,
        %mul3A_177 = arith.constant 16 : i32
        %mul3A_178 = arith.muli %scan3A_171, %mul3A_177 : i32
        %get3A_179 = arith.index_cast %scan3A_66 : i32 to index
        %get3A_180 = arith.index_cast %mul3A_178 : i32 to index
        %get3A_181 = tpu.vector_load %arg12[%get3A_179, %get3A_180] {strides = array<i32>} : memref<16x128xi32, #tpu.memory_space<vmem>>, vector<16xi32>,
        %gather3A_182 = tpu.vector_load_idx %arg9[%get3A_176] : memref<10240xf32, #tpu.memory_space<vmem>>[vector<16xi32>], vector<16xf32>,
        %gather3A_183 = tpu.vector_load_idx %arg10[%get3A_181] : memref<10240xf32, #tpu.memory_space<vmem>>[vector<16xi32>], vector<16xf32>,
        %add3A_184 = arith.addf %gather3A_182, %gather3A_183 : vector<16xf32>
        %gt3A_185 = arith.constant 0.000000e+00 : f32
        %gt3A_186 = vector.broadcast %gt3A_185 : f32 to vector<16xf32>
        %gt3A_187 = arith.cmpf ogt, %add3A_184, %gt3A_186 : vector<16xf32>
        %mul3A_188 = arith.constant 2.000000e-01 : f32
        %mul3A_189 = vector.broadcast %mul3A_188 : f32 to vector<16xf32>
        %mul3A_190 = arith.mulf %mul3A_189, %add3A_184 : vector<16xf32>
        %select_n3A_191 = arith.select %gt3A_187, %add3A_184, %mul3A_190 : vector<16xi1>, vector<16xf32>
        %exp3A_192 = math.exp %select_n3A_191 : vector<16xf32>
        %mul3A_193 = arith.constant 16 : i32
        %mul3A_194 = arith.muli %scan3A_171, %mul3A_193 : i32
        %swap3A_195 = arith.index_cast %scan3A_66 : i32 to index
        %swap3A_196 = arith.index_cast %mul3A_194 : i32 to index
        %swap3A_197 = tpu.vector_load %arg13[%swap3A_195, %swap3A_196] {strides = array<i32>} : memref<16x128xf32, #tpu.memory_space<vmem>>, vector<16xf32>,
        tpu.vector_store %arg13[%swap3A_195, %swap3A_196], %exp3A_192 {strides = array<i32>} : memref<16x128xf32, #tpu.memory_space<vmem>>, vector<16xf32>,
        %add3A_198 = arith.constant 0 : i32
        %add3A_199 = vector.broadcast %add3A_198 : i32 to vector<16xi32>
        %add3A_200 = arith.addi %get3A_176, %add3A_199 : vector<16xi32>
        %mul3A_201 = arith.constant 16 : i32
        %mul3A_202 = arith.muli %scan3A_171, %mul3A_201 : i32
        %swap3A_203 = arith.index_cast %scan3A_66 : i32 to index
        %swap3A_204 = arith.index_cast %mul3A_202 : i32 to index
        %swap3A_205 = tpu.vector_load %arg14[%swap3A_203, %swap3A_204] {strides = array<i32>} : memref<16x128xi32, #tpu.memory_space<vmem>>, vector<16xi32>,
        tpu.vector_store %arg14[%swap3A_203, %swap3A_204], %add3A_200 {strides = array<i32>} : memref<16x128xi32, #tpu.memory_space<vmem>>, vector<16xi32>,
        %scan3A_206 = arith.constant 0 : i32
        %scan3A_207 = arith.constant 4 : i32
        %mul3A_208 = arith.constant 16 : i32
        %mul3A_209 = arith.muli %scan3A_207, %mul3A_208 : i32
        %get3A_210 = arith.index_cast %scan3A_66 : i32 to index
        %get3A_211 = arith.index_cast %mul3A_209 : i32 to index
        %get3A_212 = tpu.vector_load %arg11[%get3A_210, %get3A_211] {strides = array<i32>} : memref<16x128xi32, #tpu.memory_space<vmem>>, vector<16xi32>,
        %mul3A_213 = arith.constant 16 : i32
        %mul3A_214 = arith.muli %scan3A_207, %mul3A_213 : i32
        %get3A_215 = arith.index_cast %scan3A_66 : i32 to index
        %get3A_216 = arith.index_cast %mul3A_214 : i32 to index
        %get3A_217 = tpu.vector_load %arg12[%get3A_215, %get3A_216] {strides = array<i32>} : memref<16x128xi32, #tpu.memory_space<vmem>>, vector<16xi32>,
        %gather3A_218 = tpu.vector_load_idx %arg9[%get3A_212] : memref<10240xf32, #tpu.memory_space<vmem>>[vector<16xi32>], vector<16xf32>,
        %gather3A_219 = tpu.vector_load_idx %arg10[%get3A_217] : memref<10240xf32, #tpu.memory_space<vmem>>[vector<16xi32>], vector<16xf32>,
        %add3A_220 = arith.addf %gather3A_218, %gather3A_219 : vector<16xf32>
        %gt3A_221 = arith.constant 0.000000e+00 : f32
        %gt3A_222 = vector.broadcast %gt3A_221 : f32 to vector<16xf32>
        %gt3A_223 = arith.cmpf ogt, %add3A_220, %gt3A_222 : vector<16xf32>
        %mul3A_224 = arith.constant 2.000000e-01 : f32
        %mul3A_225 = vector.broadcast %mul3A_224 : f32 to vector<16xf32>
        %mul3A_226 = arith.mulf %mul3A_225, %add3A_220 : vector<16xf32>
        %select_n3A_227 = arith.select %gt3A_223, %add3A_220, %mul3A_226 : vector<16xi1>, vector<16xf32>
        %exp3A_228 = math.exp %select_n3A_227 : vector<16xf32>
        %mul3A_229 = arith.constant 16 : i32
        %mul3A_230 = arith.muli %scan3A_207, %mul3A_229 : i32
        %swap3A_231 = arith.index_cast %scan3A_66 : i32 to index
        %swap3A_232 = arith.index_cast %mul3A_230 : i32 to index
        %swap3A_233 = tpu.vector_load %arg13[%swap3A_231, %swap3A_232] {strides = array<i32>} : memref<16x128xf32, #tpu.memory_space<vmem>>, vector<16xf32>,
        tpu.vector_store %arg13[%swap3A_231, %swap3A_232], %exp3A_228 {strides = array<i32>} : memref<16x128xf32, #tpu.memory_space<vmem>>, vector<16xf32>,
        %add3A_234 = arith.constant 0 : i32
        %add3A_235 = vector.broadcast %add3A_234 : i32 to vector<16xi32>
        %add3A_236 = arith.addi %get3A_212, %add3A_235 : vector<16xi32>
        %mul3A_237 = arith.constant 16 : i32
        %mul3A_238 = arith.muli %scan3A_207, %mul3A_237 : i32
        %swap3A_239 = arith.index_cast %scan3A_66 : i32 to index
        %swap3A_240 = arith.index_cast %mul3A_238 : i32 to index
        %swap3A_241 = tpu.vector_load %arg14[%swap3A_239, %swap3A_240] {strides = array<i32>} : memref<16x128xi32, #tpu.memory_space<vmem>>, vector<16xi32>,
        tpu.vector_store %arg14[%swap3A_239, %swap3A_240], %add3A_236 {strides = array<i32>} : memref<16x128xi32, #tpu.memory_space<vmem>>, vector<16xi32>,
        %scan3A_242 = arith.constant 0 : i32
        %scan3A_243 = arith.constant 5 : i32
        %mul3A_244 = arith.constant 16 : i32
        %mul3A_245 = arith.muli %scan3A_243, %mul3A_244 : i32
        %get3A_246 = arith.index_cast %scan3A_66 : i32 to index
        %get3A_247 = arith.index_cast %mul3A_245 : i32 to index
        %get3A_248 = tpu.vector_load %arg11[%get3A_246, %get3A_247] {strides = array<i32>} : memref<16x128xi32, #tpu.memory_space<vmem>>, vector<16xi32>,
        %mul3A_249 = arith.constant 16 : i32
        %mul3A_250 = arith.muli %scan3A_243, %mul3A_249 : i32
        %get3A_251 = arith.index_cast %scan3A_66 : i32 to index
        %get3A_252 = arith.index_cast %mul3A_250 : i32 to index
        %get3A_253 = tpu.vector_load %arg12[%get3A_251, %get3A_252] {strides = array<i32>} : memref<16x128xi32, #tpu.memory_space<vmem>>, vector<16xi32>,
        %gather3A_254 = tpu.vector_load_idx %arg9[%get3A_248] : memref<10240xf32, #tpu.memory_space<vmem>>[vector<16xi32>], vector<16xf32>,
        %gather3A_255 = tpu.vector_load_idx %arg10[%get3A_253] : memref<10240xf32, #tpu.memory_space<vmem>>[vector<16xi32>], vector<16xf32>,
        %add3A_256 = arith.addf %gather3A_254, %gather3A_255 : vector<16xf32>
        %gt3A_257 = arith.constant 0.000000e+00 : f32
        %gt3A_258 = vector.broadcast %gt3A_257 : f32 to vector<16xf32>
        %gt3A_259 = arith.cmpf ogt, %add3A_256, %gt3A_258 : vector<16xf32>
        %mul3A_260 = arith.constant 2.000000e-01 : f32
        %mul3A_261 = vector.broadcast %mul3A_260 : f32 to vector<16xf32>
        %mul3A_262 = arith.mulf %mul3A_261, %add3A_256 : vector<16xf32>
        %select_n3A_263 = arith.select %gt3A_259, %add3A_256, %mul3A_262 : vector<16xi1>, vector<16xf32>
        %exp3A_264 = math.exp %select_n3A_263 : vector<16xf32>
        %mul3A_265 = arith.constant 16 : i32
        %mul3A_266 = arith.muli %scan3A_243, %mul3A_265 : i32
        %swap3A_267 = arith.index_cast %scan3A_66 : i32 to index
        %swap3A_268 = arith.index_cast %mul3A_266 : i32 to index
        %swap3A_269 = tpu.vector_load %arg13[%swap3A_267, %swap3A_268] {strides = array<i32>} : memref<16x128xf32, #tpu.memory_space<vmem>>, vector<16xf32>,
        tpu.vector_store %arg13[%swap3A_267, %swap3A_268], %exp3A_264 {strides = array<i32>} : memref<16x128xf32, #tpu.memory_space<vmem>>, vector<16xf32>,
        %add3A_270 = arith.constant 0 : i32
        %add3A_271 = vector.broadcast %add3A_270 : i32 to vector<16xi32>
        %add3A_272 = arith.addi %get3A_248, %add3A_271 : vector<16xi32>
        %mul3A_273 = arith.constant 16 : i32
        %mul3A_274 = arith.muli %scan3A_243, %mul3A_273 : i32
        %swap3A_275 = arith.index_cast %scan3A_66 : i32 to index
        %swap3A_276 = arith.index_cast %mul3A_274 : i32 to index
        %swap3A_277 = tpu.vector_load %arg14[%swap3A_275, %swap3A_276] {strides = array<i32>} : memref<16x128xi32, #tpu.memory_space<vmem>>, vector<16xi32>,
        tpu.vector_store %arg14[%swap3A_275, %swap3A_276], %add3A_272 {strides = array<i32>} : memref<16x128xi32, #tpu.memory_space<vmem>>, vector<16xi32>,
        %scan3A_278 = arith.constant 0 : i32
        %scan3A_279 = arith.constant 6 : i32
        %mul3A_280 = arith.constant 16 : i32
        %mul3A_281 = arith.muli %scan3A_279, %mul3A_280 : i32
        %get3A_282 = arith.index_cast %scan3A_66 : i32 to index
        %get3A_283 = arith.index_cast %mul3A_281 : i32 to index
        %get3A_284 = tpu.vector_load %arg11[%get3A_282, %get3A_283] {strides = array<i32>} : memref<16x128xi32, #tpu.memory_space<vmem>>, vector<16xi32>,
        %mul3A_285 = arith.constant 16 : i32
        %mul3A_286 = arith.muli %scan3A_279, %mul3A_285 : i32
        %get3A_287 = arith.index_cast %scan3A_66 : i32 to index
        %get3A_288 = arith.index_cast %mul3A_286 : i32 to index
        %get3A_289 = tpu.vector_load %arg12[%get3A_287, %get3A_288] {strides = array<i32>} : memref<16x128xi32, #tpu.memory_space<vmem>>, vector<16xi32>,
        %gather3A_290 = tpu.vector_load_idx %arg9[%get3A_284] : memref<10240xf32, #tpu.memory_space<vmem>>[vector<16xi32>], vector<16xf32>,
        %gather3A_291 = tpu.vector_load_idx %arg10[%get3A_289] : memref<10240xf32, #tpu.memory_space<vmem>>[vector<16xi32>], vector<16xf32>,
        %add3A_292 = arith.addf %gather3A_290, %gather3A_291 : vector<16xf32>
        %gt3A_293 = arith.constant 0.000000e+00 : f32
        %gt3A_294 = vector.broadcast %gt3A_293 : f32 to vector<16xf32>
        %gt3A_295 = arith.cmpf ogt, %add3A_292, %gt3A_294 : vector<16xf32>
        %mul3A_296 = arith.constant 2.000000e-01 : f32
        %mul3A_297 = vector.broadcast %mul3A_296 : f32 to vector<16xf32>
        %mul3A_298 = arith.mulf %mul3A_297, %add3A_292 : vector<16xf32>
        %select_n3A_299 = arith.select %gt3A_295, %add3A_292, %mul3A_298 : vector<16xi1>, vector<16xf32>
        %exp3A_300 = math.exp %select_n3A_299 : vector<16xf32>
        %mul3A_301 = arith.constant 16 : i32
        %mul3A_302 = arith.muli %scan3A_279, %mul3A_301 : i32
        %swap3A_303 = arith.index_cast %scan3A_66 : i32 to index
        %swap3A_304 = arith.index_cast %mul3A_302 : i32 to index
        %swap3A_305 = tpu.vector_load %arg13[%swap3A_303, %swap3A_304] {strides = array<i32>} : memref<16x128xf32, #tpu.memory_space<vmem>>, vector<16xf32>,
        tpu.vector_store %arg13[%swap3A_303, %swap3A_304], %exp3A_300 {strides = array<i32>} : memref<16x128xf32, #tpu.memory_space<vmem>>, vector<16xf32>,
        %add3A_306 = arith.constant 0 : i32
        %add3A_307 = vector.broadcast %add3A_306 : i32 to vector<16xi32>
        %add3A_308 = arith.addi %get3A_284, %add3A_307 : vector<16xi32>
        %mul3A_309 = arith.constant 16 : i32
        %mul3A_310 = arith.muli %scan3A_279, %mul3A_309 : i32
        %swap3A_311 = arith.index_cast %scan3A_66 : i32 to index
        %swap3A_312 = arith.index_cast %mul3A_310 : i32 to index
        %swap3A_313 = tpu.vector_load %arg14[%swap3A_311, %swap3A_312] {strides = array<i32>} : memref<16x128xi32, #tpu.memory_space<vmem>>, vector<16xi32>,
        tpu.vector_store %arg14[%swap3A_311, %swap3A_312], %add3A_308 {strides = array<i32>} : memref<16x128xi32, #tpu.memory_space<vmem>>, vector<16xi32>,
        %scan3A_314 = arith.constant 0 : i32
        %scan3A_315 = arith.constant 7 : i32
        %mul3A_316 = arith.constant 16 : i32
        %mul3A_317 = arith.muli %scan3A_315, %mul3A_316 : i32
        %get3A_318 = arith.index_cast %scan3A_66 : i32 to index
        %get3A_319 = arith.index_cast %mul3A_317 : i32 to index
        %get3A_320 = tpu.vector_load %arg11[%get3A_318, %get3A_319] {strides = array<i32>} : memref<16x128xi32, #tpu.memory_space<vmem>>, vector<16xi32>,
        %mul3A_321 = arith.constant 16 : i32
        %mul3A_322 = arith.muli %scan3A_315, %mul3A_321 : i32
        %get3A_323 = arith.index_cast %scan3A_66 : i32 to index
        %get3A_324 = arith.index_cast %mul3A_322 : i32 to index
        %get3A_325 = tpu.vector_load %arg12[%get3A_323, %get3A_324] {strides = array<i32>} : memref<16x128xi32, #tpu.memory_space<vmem>>, vector<16xi32>,
        %gather3A_326 = tpu.vector_load_idx %arg9[%get3A_320] : memref<10240xf32, #tpu.memory_space<vmem>>[vector<16xi32>], vector<16xf32>,
        %gather3A_327 = tpu.vector_load_idx %arg10[%get3A_325] : memref<10240xf32, #tpu.memory_space<vmem>>[vector<16xi32>], vector<16xf32>,
        %add3A_328 = arith.addf %gather3A_326, %gather3A_327 : vector<16xf32>
        %gt3A_329 = arith.constant 0.000000e+00 : f32
        %gt3A_330 = vector.broadcast %gt3A_329 : f32 to vector<16xf32>
        %gt3A_331 = arith.cmpf ogt, %add3A_328, %gt3A_330 : vector<16xf32>
        %mul3A_332 = arith.constant 2.000000e-01 : f32
        %mul3A_333 = vector.broadcast %mul3A_332 : f32 to vector<16xf32>
        %mul3A_334 = arith.mulf %mul3A_333, %add3A_328 : vector<16xf32>
        %select_n3A_335 = arith.select %gt3A_331, %add3A_328, %mul3A_334 : vector<16xi1>, vector<16xf32>
        %exp3A_336 = math.exp %select_n3A_335 : vector<16xf32>
        %mul3A_337 = arith.constant 16 : i32
        %mul3A_338 = arith.muli %scan3A_315, %mul3A_337 : i32
        %swap3A_339 = arith.index_cast %scan3A_66 : i32 to index
        %swap3A_340 = arith.index_cast %mul3A_338 : i32 to index
        %swap3A_341 = tpu.vector_load %arg13[%swap3A_339, %swap3A_340] {strides = array<i32>} : memref<16x128xf32, #tpu.memory_space<vmem>>, vector<16xf32>,
        tpu.vector_store %arg13[%swap3A_339, %swap3A_340], %exp3A_336 {strides = array<i32>} : memref<16x128xf32, #tpu.memory_space<vmem>>, vector<16xf32>,
        %add3A_342 = arith.constant 0 : i32
        %add3A_343 = vector.broadcast %add3A_342 : i32 to vector<16xi32>
        %add3A_344 = arith.addi %get3A_320, %add3A_343 : vector<16xi32>
        %mul3A_345 = arith.constant 16 : i32
        %mul3A_346 = arith.muli %scan3A_315, %mul3A_345 : i32
        %swap3A_347 = arith.index_cast %scan3A_66 : i32 to index
        %swap3A_348 = arith.index_cast %mul3A_346 : i32 to index
        %swap3A_349 = tpu.vector_load %arg14[%swap3A_347, %swap3A_348] {strides = array<i32>} : memref<16x128xi32, #tpu.memory_space<vmem>>, vector<16xi32>,
        tpu.vector_store %arg14[%swap3A_347, %swap3A_348], %add3A_344 {strides = array<i32>} : memref<16x128xi32, #tpu.memory_space<vmem>>, vector<16xi32>,
        %scan3A_350 = arith.constant 0 : i32
        %scan3A_351 = arith.constant 8 : i32
        "tpu.region"() ({
          %run_scoped3A = tpu.sem_alloc : memref<!tpu.dma_semaphore, #tpu.memory_space<semaphore_mem>>
          %dma_start3A = arith.constant 0 : i32
          %dma_start3A_353 = tpu.memref_slice %arg13[%scan3A_66, %dma_start3A] : memref<16x128xf32, #tpu.memory_space<vmem>> -> memref<1x128xf32, #tpu.memory_space<vmem>>
          %dma_start3A_354 = tpu.memref_squeeze %dma_start3A_353 : memref<1x128xf32, #tpu.memory_space<vmem>> -> memref<128xf32, #tpu.memory_space<vmem>>
          %dma_start3A_355 = arith.constant 0 : i32
          %dma_start3A_356 = tpu.memref_slice %arg12[%scan3A_66, %dma_start3A_355] : memref<16x128xi32, #tpu.memory_space<vmem>> -> memref<1x128xi32, #tpu.memory_space<vmem>>
          %dma_start3A_357 = tpu.memref_squeeze %dma_start3A_356 : memref<1x128xi32, #tpu.memory_space<vmem>> -> memref<128xi32, #tpu.memory_space<vmem>>
          %dma_start3A_358 = arith.constant 0 : i32
          %dma_start3A_359 = tpu.memref_slice %arg16[%dma_start3A_358] : memref<10240xf32, #tpu.memory_space<vmem_shared>> -> memref<10240xf32, #tpu.memory_space<vmem_shared>>
          tpu.enqueue_indirect_dma source(%dma_start3A_354 : memref<128xf32, #tpu.memory_space<vmem>>) target(%dma_start3A_359 : memref<10240xf32, #tpu.memory_space<vmem_shared>>) offsets(%dma_start3A_357 : memref<128xi32, #tpu.memory_space<vmem>>) semaphore(%run_scoped3A : memref<!tpu.dma_semaphore, #tpu.memory_space<semaphore_mem>>) {add = true}
          %dma_wait3A = arith.constant 0 : i32
          %dma_wait3A_360 = tpu.memref_slice %arg13[%scan3A_66, %dma_wait3A] : memref<16x128xf32, #tpu.memory_space<vmem>> -> memref<1x128xf32, #tpu.memory_space<vmem>>
          %dma_wait3A_361 = tpu.memref_squeeze %dma_wait3A_360 : memref<1x128xf32, #tpu.memory_space<vmem>> -> memref<128xf32, #tpu.memory_space<vmem>>
          %dma_wait3A_362 = arith.constant 0 : i32
          %dma_wait3A_363 = tpu.memref_slice %arg12[%scan3A_66, %dma_wait3A_362] : memref<16x128xi32, #tpu.memory_space<vmem>> -> memref<1x128xi32, #tpu.memory_space<vmem>>
          %dma_wait3A_364 = tpu.memref_squeeze %dma_wait3A_363 : memref<1x128xi32, #tpu.memory_space<vmem>> -> memref<128xi32, #tpu.memory_space<vmem>>
          %dma_wait3A_365 = arith.constant 0 : i32
          %dma_wait3A_366 = tpu.memref_slice %arg16[%dma_wait3A_365] : memref<10240xf32, #tpu.memory_space<vmem_shared>> -> memref<10240xf32, #tpu.memory_space<vmem_shared>>
          tpu.wait_indirect_dma semaphore(%run_scoped3A : memref<!tpu.dma_semaphore, #tpu.memory_space<semaphore_mem>>) src(%dma_wait3A_361 : memref<128xf32, #tpu.memory_space<vmem>>) dst(%dma_wait3A_366 : memref<10240xf32, #tpu.memory_space<vmem_shared>>)
          tpu.yield
        }) : () -> ()
        %scan3A_352 = arith.constant 0 : i32
        scf.yield %scan3A_352 : i32
      }
      %scan3A_58 = arith.constant 16 : i32
      %mul3A_59 = arith.constant 16 : i32
      %mul3A_60 = arith.muli %scan3A_44, %mul3A_59 : i32
      %add3A_61 = arith.addi %mul3A_28, %mul3A_60 : i32
      "tpu.region"() ({
        %run_scoped3A = tpu.sem_alloc : memref<!tpu.dma_semaphore, #tpu.memory_space<semaphore_mem>>
        %dma_start3A = arith.constant 0 : i32
        %dma_start3A_66 = tpu.memref_slice %arg6[%add3A_61, %dma_start3A] : memref<2560x128xf32, #tpu.memory_space<hbm>> -> memref<16x128xf32, #tpu.memory_space<hbm>>
        %dma_start3A_67 = arith.constant 0 : i32
        %dma_start3A_68 = tpu.memref_slice %arg6[%add3A_61, %dma_start3A_67] : memref<2560x128xf32, #tpu.memory_space<hbm>> -> memref<16x128xf32, #tpu.memory_space<hbm>>
        tpu.enqueue_dma source(%arg13 : memref<16x128xf32, #tpu.memory_space<vmem>>) target(%dma_start3A_68 : memref<16x128xf32, #tpu.memory_space<hbm>>) target_semaphore(%run_scoped3A : memref<!tpu.dma_semaphore, #tpu.memory_space<semaphore_mem>>)
        %dma_wait3A = arith.constant 0 : i32
        %dma_wait3A_69 = tpu.memref_slice %arg6[%add3A_61, %dma_wait3A] : memref<2560x128xf32, #tpu.memory_space<hbm>> -> memref<16x128xf32, #tpu.memory_space<hbm>>
        %dma_wait3A_70 = arith.constant 0 : i32
        %dma_wait3A_71 = tpu.memref_slice %arg6[%add3A_61, %dma_wait3A_70] : memref<2560x128xf32, #tpu.memory_space<hbm>> -> memref<16x128xf32, #tpu.memory_space<hbm>>
        tpu.wait_dma2 semaphore(%run_scoped3A : memref<!tpu.dma_semaphore, #tpu.memory_space<semaphore_mem>>) src(%arg13 : memref<16x128xf32, #tpu.memory_space<vmem>>) dst(%dma_wait3A_71 : memref<16x128xf32, #tpu.memory_space<hbm>>)
        tpu.yield
      }) : () -> ()
      %mul3A_62 = arith.constant 16 : i32
      %mul3A_63 = arith.muli %scan3A_44, %mul3A_62 : i32
      %add3A_64 = arith.addi %mul3A_28, %mul3A_63 : i32
      "tpu.region"() ({
        %run_scoped3A = tpu.sem_alloc : memref<!tpu.dma_semaphore, #tpu.memory_space<semaphore_mem>>
        %dma_start3A = arith.constant 0 : i32
        %dma_start3A_66 = tpu.memref_slice %arg7[%add3A_64, %dma_start3A] : memref<2560x128xi32, #tpu.memory_space<hbm>> -> memref<16x128xi32, #tpu.memory_space<hbm>>
        %dma_start3A_67 = arith.constant 0 : i32
        %dma_start3A_68 = tpu.memref_slice %arg7[%add3A_64, %dma_start3A_67] : memref<2560x128xi32, #tpu.memory_space<hbm>> -> memref<16x128xi32, #tpu.memory_space<hbm>>
        tpu.enqueue_dma source(%arg14 : memref<16x128xi32, #tpu.memory_space<vmem>>) target(%dma_start3A_68 : memref<16x128xi32, #tpu.memory_space<hbm>>) target_semaphore(%run_scoped3A : memref<!tpu.dma_semaphore, #tpu.memory_space<semaphore_mem>>)
        %dma_wait3A = arith.constant 0 : i32
        %dma_wait3A_69 = tpu.memref_slice %arg7[%add3A_64, %dma_wait3A] : memref<2560x128xi32, #tpu.memory_space<hbm>> -> memref<16x128xi32, #tpu.memory_space<hbm>>
        %dma_wait3A_70 = arith.constant 0 : i32
        %dma_wait3A_71 = tpu.memref_slice %arg7[%add3A_64, %dma_wait3A_70] : memref<2560x128xi32, #tpu.memory_space<hbm>> -> memref<16x128xi32, #tpu.memory_space<hbm>>
        tpu.wait_dma2 semaphore(%run_scoped3A : memref<!tpu.dma_semaphore, #tpu.memory_space<semaphore_mem>>) src(%arg14 : memref<16x128xi32, #tpu.memory_space<vmem>>) dst(%dma_wait3A_71 : memref<16x128xi32, #tpu.memory_space<hbm>>)
        tpu.yield
      }) : () -> ()
      %scan3A_65 = arith.constant 0 : i32
      scf.yield %scan3A_65 : i32
    }
    %scan3A_35 = arith.constant 5 : i32
    %barrier3A_36 = arith.constant 0 : index
    tpu.barrier barrier_id(%barrier3A_36)
    %mul3A_37 = arith.constant 640 : i32
    %mul3A_38 = arith.muli %arg1, %mul3A_37 : i32
    %mul3A_39 = arith.constant 10240 : i32
    %mul3A_40 = arith.muli %arg0, %mul3A_39 : i32
    %mul3A_41 = arith.constant 640 : i32
    %mul3A_42 = arith.muli %arg1, %mul3A_41 : i32
    %add3A_43 = arith.addi %mul3A_40, %mul3A_42 : i32
    "tpu.region"() ({
      %run_scoped3A = tpu.sem_alloc : memref<!tpu.dma_semaphore, #tpu.memory_space<semaphore_mem>>
      %dma_start3A = tpu.memref_slice %arg8[%add3A_43] : memref<20480xf32, #tpu.memory_space<hbm>> -> memref<640xf32, #tpu.memory_space<hbm>>
      %dma_start3A_44 = tpu.memref_slice %arg16[%mul3A_38] : memref<10240xf32, #tpu.memory_space<vmem_shared>> -> memref<640xf32, #tpu.memory_space<vmem_shared>>
      tpu.enqueue_dma source(%dma_start3A_44 : memref<640xf32, #tpu.memory_space<vmem_shared>>) target(%dma_start3A : memref<640xf32, #tpu.memory_space<hbm>>) target_semaphore(%run_scoped3A : memref<!tpu.dma_semaphore, #tpu.memory_space<semaphore_mem>>)
      %dma_wait3A = tpu.memref_slice %arg8[%add3A_43] : memref<20480xf32, #tpu.memory_space<hbm>> -> memref<640xf32, #tpu.memory_space<hbm>>
      %dma_wait3A_45 = tpu.memref_slice %arg16[%mul3A_38] : memref<10240xf32, #tpu.memory_space<vmem_shared>> -> memref<640xf32, #tpu.memory_space<vmem_shared>>
      tpu.wait_dma2 semaphore(%run_scoped3A : memref<!tpu.dma_semaphore, #tpu.memory_space<semaphore_mem>>) src(%dma_wait3A_45 : memref<640xf32, #tpu.memory_space<vmem_shared>>) dst(%dma_wait3A : memref<640xf32, #tpu.memory_space<hbm>>)
      tpu.yield
    }) : () -> ()
    return
  }
}

#map = affine_map<(d0, d1) -> (0, 0)>
#map1 = affine_map<(d0, d1) -> (0, 0, 0)>
module attributes {stable_mosaic.version = 14 : i64} {
  func.func @body(%arg0: i32, %arg1: i32, %arg2: memref<2560x128xf32, #tpu.memory_space<hbm>>, %arg3: memref<2560x128xi32, #tpu.memory_space<hbm>>, %arg4: memref<2560x128xi32, #tpu.memory_space<hbm>>, %arg5: memref<10240x128xf32, #tpu.memory_space<hbm>>, %arg6: memref<2x10240x128xf32, #tpu.memory_space<hbm>>, %arg7: memref<16x128xf32, #tpu.memory_space<vmem>>, %arg8: memref<16x128xi32, #tpu.memory_space<vmem>>, %arg9: memref<16x128xi32, #tpu.memory_space<vmem>>, %arg10: memref<128x128xf32, #tpu.memory_space<vmem>>, %arg11: memref<128x128xf32, #tpu.memory_space<vmem>>, %arg12: memref<10240x128xf32, #tpu.memory_space<vmem_shared>>, %arg13: memref<!tpu.dma_semaphore, #tpu.memory_space<semaphore_mem>>, %arg14: memref<!tpu.dma_semaphore, #tpu.memory_space<semaphore_mem>>, %arg15: memref<!tpu.dma_semaphore, #tpu.memory_space<semaphore_mem>>, %arg16: memref<!tpu.dma_semaphore, #tpu.memory_space<semaphore_mem>>) attributes {dimension_semantics = [#tpu.dimension_semantics<core_parallel>, #tpu.dimension_semantics<subcore_parallel>], iteration_bounds = array<i64: 2, 16>, scalar_prefetch = 0 : i64, scratch_operands = 10 : i64, tpu.core_type = #tpu.core_type<sc_vector_subcore>, window_params = [{transform_indices = #map}, {transform_indices = #map}, {transform_indices = #map}, {transform_indices = #map}, {transform_indices = #map1}]} {
    %scan3A = arith.constant 0 : i32
    %scan3A_0 = arith.constant 0 : i32
    %scan3A_1 = arith.constant 1024 : i32
    %scan3A_2 = arith.addi %scan3A_0, %scan3A_1 : i32
    %scan3A_3 = arith.constant 1 : i32
    %scan3A_4 = scf.for %scan3A_57 = %scan3A_0 to %scan3A_2 step %scan3A_3 iter_args(%scan3A_58 = %scan3A) -> (i32)  : i32 {
      %broadcast_in_dim3A = arith.constant 0.000000e+00 : f32
      %broadcast_in_dim3A_59 = vector.broadcast %broadcast_in_dim3A : f32 to vector<16xf32>
      %jit3A = arith.constant 8 : i32
      %div3A = arith.divsi %scan3A_57, %jit3A : i32
      %sign3A = arith.constant 0 : i32
      %sign3A_60 = arith.cmpi sgt, %scan3A_57, %sign3A : i32
      %sign3A_61 = arith.extui %sign3A_60 : i1 to i32
      %sign3A_62 = arith.constant 0 : i32
      %sign3A_63 = arith.cmpi slt, %scan3A_57, %sign3A_62 : i32
      %sign3A_64 = arith.extui %sign3A_63 : i1 to i32
      %sign3A_65 = arith.subi %sign3A_61, %sign3A_64 : i32
      %sign3A_66 = arith.constant 0 : i32
      %sign3A_67 = arith.cmpi sgt, %jit3A, %sign3A_66 : i32
      %sign3A_68 = arith.extui %sign3A_67 : i1 to i32
      %sign3A_69 = arith.constant 0 : i32
      %sign3A_70 = arith.cmpi slt, %jit3A, %sign3A_69 : i32
      %sign3A_71 = arith.extui %sign3A_70 : i1 to i32
      %sign3A_72 = arith.subi %sign3A_68, %sign3A_71 : i32
      %ne3A = arith.cmpi ne, %sign3A_65, %sign3A_72 : i32
      %rem3A = arith.remsi %scan3A_57, %jit3A : i32
      %ne3A_73 = arith.constant 0 : i32
      %ne3A_74 = arith.cmpi ne, %rem3A, %ne3A_73 : i32
      %and3A = arith.andi %ne3A, %ne3A_74 : i1
      %sub3A = arith.constant 1 : i32
      %sub3A_75 = arith.subi %div3A, %sub3A : i32
      %select_n3A = arith.select %and3A, %sub3A_75, %div3A : i32
      %jit3A_76 = arith.constant 8 : i32
      %eq3A = arith.constant 0 : i32
      %eq3A_77 = arith.cmpi eq, %jit3A_76, %eq3A : i32
      %jit3A_78 = arith.constant 1 : i32
      %select_n3A_79 = arith.select %eq3A_77, %jit3A_78, %jit3A_76 : i32
      %rem3A_80 = arith.remsi %scan3A_57, %select_n3A_79 : i32
      %ne3A_81 = arith.constant 0 : i32
      %ne3A_82 = arith.cmpi ne, %rem3A_80, %ne3A_81 : i32
      %lt3A = arith.constant 0 : i32
      %lt3A_83 = arith.cmpi slt, %rem3A_80, %lt3A : i32
      %lt3A_84 = arith.constant 0 : i32
      %lt3A_85 = arith.cmpi slt, %select_n3A_79, %lt3A_84 : i32
      %ne3A_86 = arith.xori %lt3A_83, %lt3A_85 : i1
      %and3A_87 = arith.andi %ne3A_86, %ne3A_82 : i1
      %add3A_88 = arith.addi %rem3A_80, %select_n3A_79 : i32
      %select_n3A_89 = arith.select %and3A_87, %add3A_88, %rem3A_80 : i32
      %mul3A_90 = arith.constant 16 : i32
      %mul3A_91 = arith.muli %select_n3A_89, %mul3A_90 : i32
      %swap3A = arith.index_cast %select_n3A : i32 to index
      %swap3A_92 = arith.index_cast %mul3A_91 : i32 to index
      %swap3A_93 = tpu.vector_load %arg10[%swap3A, %swap3A_92] {strides = array<i32>} : memref<128x128xf32, #tpu.memory_space<vmem>>, vector<16xf32>,
      tpu.vector_store %arg10[%swap3A, %swap3A_92], %broadcast_in_dim3A_59 {strides = array<i32>} : memref<128x128xf32, #tpu.memory_space<vmem>>, vector<16xf32>,
      %scan3A_94 = arith.constant 0 : i32
      scf.yield %scan3A_94 : i32
    }
    %scan3A_5 = arith.constant 1024 : i32
    %mul3A = arith.constant 640 : i32
    %mul3A_6 = arith.muli %arg1, %mul3A : i32
    %add3A = arith.constant 0 : i32
    %add3A_7 = arith.addi %mul3A_6, %add3A : i32
    "tpu.region"() ({
      %run_scoped3A = tpu.sem_alloc : memref<!tpu.dma_semaphore, #tpu.memory_space<semaphore_mem>>
      %dma_start3A = arith.constant 0 : i32
      %dma_start3A_57 = tpu.memref_slice %arg12[%add3A_7, %dma_start3A] : memref<10240x128xf32, #tpu.memory_space<vmem_shared>> -> memref<128x128xf32, #tpu.memory_space<vmem_shared>>
      %dma_start3A_58 = arith.constant 0 : i32
      %dma_start3A_59 = tpu.memref_slice %arg12[%add3A_7, %dma_start3A_58] : memref<10240x128xf32, #tpu.memory_space<vmem_shared>> -> memref<128x128xf32, #tpu.memory_space<vmem_shared>>
      tpu.enqueue_dma source(%arg10 : memref<128x128xf32, #tpu.memory_space<vmem>>) target(%dma_start3A_59 : memref<128x128xf32, #tpu.memory_space<vmem_shared>>) target_semaphore(%run_scoped3A : memref<!tpu.dma_semaphore, #tpu.memory_space<semaphore_mem>>)
      %dma_wait3A = arith.constant 0 : i32
      %dma_wait3A_60 = tpu.memref_slice %arg12[%add3A_7, %dma_wait3A] : memref<10240x128xf32, #tpu.memory_space<vmem_shared>> -> memref<128x128xf32, #tpu.memory_space<vmem_shared>>
      %dma_wait3A_61 = arith.constant 0 : i32
      %dma_wait3A_62 = tpu.memref_slice %arg12[%add3A_7, %dma_wait3A_61] : memref<10240x128xf32, #tpu.memory_space<vmem_shared>> -> memref<128x128xf32, #tpu.memory_space<vmem_shared>>
      tpu.wait_dma2 semaphore(%run_scoped3A : memref<!tpu.dma_semaphore, #tpu.memory_space<semaphore_mem>>) src(%arg10 : memref<128x128xf32, #tpu.memory_space<vmem>>) dst(%dma_wait3A_62 : memref<128x128xf32, #tpu.memory_space<vmem_shared>>)
      tpu.yield
    }) : () -> ()
    %mul3A_8 = arith.constant 640 : i32
    %mul3A_9 = arith.muli %arg1, %mul3A_8 : i32
    %add3A_10 = arith.constant 128 : i32
    %add3A_11 = arith.addi %mul3A_9, %add3A_10 : i32
    "tpu.region"() ({
      %run_scoped3A = tpu.sem_alloc : memref<!tpu.dma_semaphore, #tpu.memory_space<semaphore_mem>>
      %dma_start3A = arith.constant 0 : i32
      %dma_start3A_57 = tpu.memref_slice %arg12[%add3A_11, %dma_start3A] : memref<10240x128xf32, #tpu.memory_space<vmem_shared>> -> memref<128x128xf32, #tpu.memory_space<vmem_shared>>
      %dma_start3A_58 = arith.constant 0 : i32
      %dma_start3A_59 = tpu.memref_slice %arg12[%add3A_11, %dma_start3A_58] : memref<10240x128xf32, #tpu.memory_space<vmem_shared>> -> memref<128x128xf32, #tpu.memory_space<vmem_shared>>
      tpu.enqueue_dma source(%arg10 : memref<128x128xf32, #tpu.memory_space<vmem>>) target(%dma_start3A_59 : memref<128x128xf32, #tpu.memory_space<vmem_shared>>) target_semaphore(%run_scoped3A : memref<!tpu.dma_semaphore, #tpu.memory_space<semaphore_mem>>)
      %dma_wait3A = arith.constant 0 : i32
      %dma_wait3A_60 = tpu.memref_slice %arg12[%add3A_11, %dma_wait3A] : memref<10240x128xf32, #tpu.memory_space<vmem_shared>> -> memref<128x128xf32, #tpu.memory_space<vmem_shared>>
      %dma_wait3A_61 = arith.constant 0 : i32
      %dma_wait3A_62 = tpu.memref_slice %arg12[%add3A_11, %dma_wait3A_61] : memref<10240x128xf32, #tpu.memory_space<vmem_shared>> -> memref<128x128xf32, #tpu.memory_space<vmem_shared>>
      tpu.wait_dma2 semaphore(%run_scoped3A : memref<!tpu.dma_semaphore, #tpu.memory_space<semaphore_mem>>) src(%arg10 : memref<128x128xf32, #tpu.memory_space<vmem>>) dst(%dma_wait3A_62 : memref<128x128xf32, #tpu.memory_space<vmem_shared>>)
      tpu.yield
    }) : () -> ()
    %mul3A_12 = arith.constant 640 : i32
    %mul3A_13 = arith.muli %arg1, %mul3A_12 : i32
    %add3A_14 = arith.constant 256 : i32
    %add3A_15 = arith.addi %mul3A_13, %add3A_14 : i32
    "tpu.region"() ({
      %run_scoped3A = tpu.sem_alloc : memref<!tpu.dma_semaphore, #tpu.memory_space<semaphore_mem>>
      %dma_start3A = arith.constant 0 : i32
      %dma_start3A_57 = tpu.memref_slice %arg12[%add3A_15, %dma_start3A] : memref<10240x128xf32, #tpu.memory_space<vmem_shared>> -> memref<128x128xf32, #tpu.memory_space<vmem_shared>>
      %dma_start3A_58 = arith.constant 0 : i32
      %dma_start3A_59 = tpu.memref_slice %arg12[%add3A_15, %dma_start3A_58] : memref<10240x128xf32, #tpu.memory_space<vmem_shared>> -> memref<128x128xf32, #tpu.memory_space<vmem_shared>>
      tpu.enqueue_dma source(%arg10 : memref<128x128xf32, #tpu.memory_space<vmem>>) target(%dma_start3A_59 : memref<128x128xf32, #tpu.memory_space<vmem_shared>>) target_semaphore(%run_scoped3A : memref<!tpu.dma_semaphore, #tpu.memory_space<semaphore_mem>>)
      %dma_wait3A = arith.constant 0 : i32
      %dma_wait3A_60 = tpu.memref_slice %arg12[%add3A_15, %dma_wait3A] : memref<10240x128xf32, #tpu.memory_space<vmem_shared>> -> memref<128x128xf32, #tpu.memory_space<vmem_shared>>
      %dma_wait3A_61 = arith.constant 0 : i32
      %dma_wait3A_62 = tpu.memref_slice %arg12[%add3A_15, %dma_wait3A_61] : memref<10240x128xf32, #tpu.memory_space<vmem_shared>> -> memref<128x128xf32, #tpu.memory_space<vmem_shared>>
      tpu.wait_dma2 semaphore(%run_scoped3A : memref<!tpu.dma_semaphore, #tpu.memory_space<semaphore_mem>>) src(%arg10 : memref<128x128xf32, #tpu.memory_space<vmem>>) dst(%dma_wait3A_62 : memref<128x128xf32, #tpu.memory_space<vmem_shared>>)
      tpu.yield
    }) : () -> ()
    %mul3A_16 = arith.constant 640 : i32
    %mul3A_17 = arith.muli %arg1, %mul3A_16 : i32
    %add3A_18 = arith.constant 384 : i32
    %add3A_19 = arith.addi %mul3A_17, %add3A_18 : i32
    "tpu.region"() ({
      %run_scoped3A = tpu.sem_alloc : memref<!tpu.dma_semaphore, #tpu.memory_space<semaphore_mem>>
      %dma_start3A = arith.constant 0 : i32
      %dma_start3A_57 = tpu.memref_slice %arg12[%add3A_19, %dma_start3A] : memref<10240x128xf32, #tpu.memory_space<vmem_shared>> -> memref<128x128xf32, #tpu.memory_space<vmem_shared>>
      %dma_start3A_58 = arith.constant 0 : i32
      %dma_start3A_59 = tpu.memref_slice %arg12[%add3A_19, %dma_start3A_58] : memref<10240x128xf32, #tpu.memory_space<vmem_shared>> -> memref<128x128xf32, #tpu.memory_space<vmem_shared>>
      tpu.enqueue_dma source(%arg10 : memref<128x128xf32, #tpu.memory_space<vmem>>) target(%dma_start3A_59 : memref<128x128xf32, #tpu.memory_space<vmem_shared>>) target_semaphore(%run_scoped3A : memref<!tpu.dma_semaphore, #tpu.memory_space<semaphore_mem>>)
      %dma_wait3A = arith.constant 0 : i32
      %dma_wait3A_60 = tpu.memref_slice %arg12[%add3A_19, %dma_wait3A] : memref<10240x128xf32, #tpu.memory_space<vmem_shared>> -> memref<128x128xf32, #tpu.memory_space<vmem_shared>>
      %dma_wait3A_61 = arith.constant 0 : i32
      %dma_wait3A_62 = tpu.memref_slice %arg12[%add3A_19, %dma_wait3A_61] : memref<10240x128xf32, #tpu.memory_space<vmem_shared>> -> memref<128x128xf32, #tpu.memory_space<vmem_shared>>
      tpu.wait_dma2 semaphore(%run_scoped3A : memref<!tpu.dma_semaphore, #tpu.memory_space<semaphore_mem>>) src(%arg10 : memref<128x128xf32, #tpu.memory_space<vmem>>) dst(%dma_wait3A_62 : memref<128x128xf32, #tpu.memory_space<vmem_shared>>)
      tpu.yield
    }) : () -> ()
    %mul3A_20 = arith.constant 640 : i32
    %mul3A_21 = arith.muli %arg1, %mul3A_20 : i32
    %add3A_22 = arith.constant 512 : i32
    %add3A_23 = arith.addi %mul3A_21, %add3A_22 : i32
    "tpu.region"() ({
      %run_scoped3A = tpu.sem_alloc : memref<!tpu.dma_semaphore, #tpu.memory_space<semaphore_mem>>
      %dma_start3A = arith.constant 0 : i32
      %dma_start3A_57 = tpu.memref_slice %arg12[%add3A_23, %dma_start3A] : memref<10240x128xf32, #tpu.memory_space<vmem_shared>> -> memref<128x128xf32, #tpu.memory_space<vmem_shared>>
      %dma_start3A_58 = arith.constant 0 : i32
      %dma_start3A_59 = tpu.memref_slice %arg12[%add3A_23, %dma_start3A_58] : memref<10240x128xf32, #tpu.memory_space<vmem_shared>> -> memref<128x128xf32, #tpu.memory_space<vmem_shared>>
      tpu.enqueue_dma source(%arg10 : memref<128x128xf32, #tpu.memory_space<vmem>>) target(%dma_start3A_59 : memref<128x128xf32, #tpu.memory_space<vmem_shared>>) target_semaphore(%run_scoped3A : memref<!tpu.dma_semaphore, #tpu.memory_space<semaphore_mem>>)
      %dma_wait3A = arith.constant 0 : i32
      %dma_wait3A_60 = tpu.memref_slice %arg12[%add3A_23, %dma_wait3A] : memref<10240x128xf32, #tpu.memory_space<vmem_shared>> -> memref<128x128xf32, #tpu.memory_space<vmem_shared>>
      %dma_wait3A_61 = arith.constant 0 : i32
      %dma_wait3A_62 = tpu.memref_slice %arg12[%add3A_23, %dma_wait3A_61] : memref<10240x128xf32, #tpu.memory_space<vmem_shared>> -> memref<128x128xf32, #tpu.memory_space<vmem_shared>>
      tpu.wait_dma2 semaphore(%run_scoped3A : memref<!tpu.dma_semaphore, #tpu.memory_space<semaphore_mem>>) src(%arg10 : memref<128x128xf32, #tpu.memory_space<vmem>>) dst(%dma_wait3A_62 : memref<128x128xf32, #tpu.memory_space<vmem_shared>>)
      tpu.yield
    }) : () -> ()
    %mul3A_24 = arith.constant 16 : i32
    %mul3A_25 = arith.muli %arg0, %mul3A_24 : i32
    %add3A_26 = arith.addi %mul3A_25, %arg1 : i32
    %mul3A_27 = arith.constant 80 : i32
    %mul3A_28 = arith.muli %add3A_26, %mul3A_27 : i32
    %barrier3A = arith.constant 0 : index
    tpu.barrier barrier_id(%barrier3A)
    %scan3A_29 = arith.constant 0 : i32
    %scan3A_30 = arith.constant 0 : i32
    %scan3A_31 = arith.constant 5 : i32
    %scan3A_32 = arith.addi %scan3A_30, %scan3A_31 : i32
    %scan3A_33 = arith.constant 1 : i32
    %scan3A_34 = scf.for %scan3A_57 = %scan3A_30 to %scan3A_32 step %scan3A_33 iter_args(%scan3A_58 = %scan3A_29) -> (i32)  : i32 {
      %mul3A_59 = arith.constant 16 : i32
      %mul3A_60 = arith.muli %scan3A_57, %mul3A_59 : i32
      %add3A_61 = arith.addi %mul3A_28, %mul3A_60 : i32
      "tpu.region"() ({
        %run_scoped3A = tpu.sem_alloc : memref<!tpu.dma_semaphore, #tpu.memory_space<semaphore_mem>>
        %dma_start3A_82 = arith.constant 0 : i32
        %dma_start3A_83 = tpu.memref_slice %arg2[%add3A_61, %dma_start3A_82] : memref<2560x128xf32, #tpu.memory_space<hbm>> -> memref<16x128xf32, #tpu.memory_space<hbm>>
        %dma_start3A_84 = arith.constant 0 : i32
        %dma_start3A_85 = tpu.memref_slice %arg2[%add3A_61, %dma_start3A_84] : memref<2560x128xf32, #tpu.memory_space<hbm>> -> memref<16x128xf32, #tpu.memory_space<hbm>>
        tpu.enqueue_dma source(%dma_start3A_85 : memref<16x128xf32, #tpu.memory_space<hbm>>) target(%arg7 : memref<16x128xf32, #tpu.memory_space<vmem>>) target_semaphore(%run_scoped3A : memref<!tpu.dma_semaphore, #tpu.memory_space<semaphore_mem>>)
        %dma_wait3A = arith.constant 0 : i32
        %dma_wait3A_86 = tpu.memref_slice %arg2[%add3A_61, %dma_wait3A] : memref<2560x128xf32, #tpu.memory_space<hbm>> -> memref<16x128xf32, #tpu.memory_space<hbm>>
        %dma_wait3A_87 = arith.constant 0 : i32
        %dma_wait3A_88 = tpu.memref_slice %arg2[%add3A_61, %dma_wait3A_87] : memref<2560x128xf32, #tpu.memory_space<hbm>> -> memref<16x128xf32, #tpu.memory_space<hbm>>
        tpu.wait_dma2 semaphore(%run_scoped3A : memref<!tpu.dma_semaphore, #tpu.memory_space<semaphore_mem>>) src(%dma_wait3A_88 : memref<16x128xf32, #tpu.memory_space<hbm>>) dst(%arg7 : memref<16x128xf32, #tpu.memory_space<vmem>>)
        tpu.yield
      }) : () -> ()
      %mul3A_62 = arith.constant 16 : i32
      %mul3A_63 = arith.muli %scan3A_57, %mul3A_62 : i32
      %add3A_64 = arith.addi %mul3A_28, %mul3A_63 : i32
      "tpu.region"() ({
        %run_scoped3A = tpu.sem_alloc : memref<!tpu.dma_semaphore, #tpu.memory_space<semaphore_mem>>
        %dma_start3A_82 = arith.constant 0 : i32
        %dma_start3A_83 = tpu.memref_slice %arg3[%add3A_64, %dma_start3A_82] : memref<2560x128xi32, #tpu.memory_space<hbm>> -> memref<16x128xi32, #tpu.memory_space<hbm>>
        %dma_start3A_84 = arith.constant 0 : i32
        %dma_start3A_85 = tpu.memref_slice %arg3[%add3A_64, %dma_start3A_84] : memref<2560x128xi32, #tpu.memory_space<hbm>> -> memref<16x128xi32, #tpu.memory_space<hbm>>
        tpu.enqueue_dma source(%dma_start3A_85 : memref<16x128xi32, #tpu.memory_space<hbm>>) target(%arg8 : memref<16x128xi32, #tpu.memory_space<vmem>>) target_semaphore(%run_scoped3A : memref<!tpu.dma_semaphore, #tpu.memory_space<semaphore_mem>>)
        %dma_wait3A = arith.constant 0 : i32
        %dma_wait3A_86 = tpu.memref_slice %arg3[%add3A_64, %dma_wait3A] : memref<2560x128xi32, #tpu.memory_space<hbm>> -> memref<16x128xi32, #tpu.memory_space<hbm>>
        %dma_wait3A_87 = arith.constant 0 : i32
        %dma_wait3A_88 = tpu.memref_slice %arg3[%add3A_64, %dma_wait3A_87] : memref<2560x128xi32, #tpu.memory_space<hbm>> -> memref<16x128xi32, #tpu.memory_space<hbm>>
        tpu.wait_dma2 semaphore(%run_scoped3A : memref<!tpu.dma_semaphore, #tpu.memory_space<semaphore_mem>>) src(%dma_wait3A_88 : memref<16x128xi32, #tpu.memory_space<hbm>>) dst(%arg8 : memref<16x128xi32, #tpu.memory_space<vmem>>)
        tpu.yield
      }) : () -> ()
      %mul3A_65 = arith.constant 16 : i32
      %mul3A_66 = arith.muli %scan3A_57, %mul3A_65 : i32
      %add3A_67 = arith.addi %mul3A_28, %mul3A_66 : i32
      "tpu.region"() ({
        %run_scoped3A = tpu.sem_alloc : memref<!tpu.dma_semaphore, #tpu.memory_space<semaphore_mem>>
        %dma_start3A_82 = arith.constant 0 : i32
        %dma_start3A_83 = tpu.memref_slice %arg4[%add3A_67, %dma_start3A_82] : memref<2560x128xi32, #tpu.memory_space<hbm>> -> memref<16x128xi32, #tpu.memory_space<hbm>>
        %dma_start3A_84 = arith.constant 0 : i32
        %dma_start3A_85 = tpu.memref_slice %arg4[%add3A_67, %dma_start3A_84] : memref<2560x128xi32, #tpu.memory_space<hbm>> -> memref<16x128xi32, #tpu.memory_space<hbm>>
        tpu.enqueue_dma source(%dma_start3A_85 : memref<16x128xi32, #tpu.memory_space<hbm>>) target(%arg9 : memref<16x128xi32, #tpu.memory_space<vmem>>) target_semaphore(%run_scoped3A : memref<!tpu.dma_semaphore, #tpu.memory_space<semaphore_mem>>)
        %dma_wait3A = arith.constant 0 : i32
        %dma_wait3A_86 = tpu.memref_slice %arg4[%add3A_67, %dma_wait3A] : memref<2560x128xi32, #tpu.memory_space<hbm>> -> memref<16x128xi32, #tpu.memory_space<hbm>>
        %dma_wait3A_87 = arith.constant 0 : i32
        %dma_wait3A_88 = tpu.memref_slice %arg4[%add3A_67, %dma_wait3A_87] : memref<2560x128xi32, #tpu.memory_space<hbm>> -> memref<16x128xi32, #tpu.memory_space<hbm>>
        tpu.wait_dma2 semaphore(%run_scoped3A : memref<!tpu.dma_semaphore, #tpu.memory_space<semaphore_mem>>) src(%dma_wait3A_88 : memref<16x128xi32, #tpu.memory_space<hbm>>) dst(%arg9 : memref<16x128xi32, #tpu.memory_space<vmem>>)
        tpu.yield
      }) : () -> ()
      %dma_start3A = arith.constant 0 : i32
      %dma_start3A_68 = arith.constant 0 : i32
      %dma_start3A_69 = tpu.memref_slice %arg8[%dma_start3A, %dma_start3A_68] : memref<16x128xi32, #tpu.memory_space<vmem>> -> memref<1x128xi32, #tpu.memory_space<vmem>>
      %dma_start3A_70 = tpu.memref_squeeze %dma_start3A_69 : memref<1x128xi32, #tpu.memory_space<vmem>> -> memref<128xi32, #tpu.memory_space<vmem>>
      %dma_start3A_71 = arith.constant 0 : i32
      %dma_start3A_72 = arith.constant 0 : i32
      %dma_start3A_73 = tpu.memref_slice %arg5[%dma_start3A_71, %dma_start3A_72] : memref<10240x128xf32, #tpu.memory_space<hbm>> -> memref<10240x128xf32, #tpu.memory_space<hbm>>
      tpu.enqueue_indirect_dma source(%dma_start3A_73 : memref<10240x128xf32, #tpu.memory_space<hbm>>) target(%arg10 : memref<128x128xf32, #tpu.memory_space<vmem>>) offsets(%dma_start3A_70 : memref<128xi32, #tpu.memory_space<vmem>>) semaphore(%arg13 : memref<!tpu.dma_semaphore, #tpu.memory_space<semaphore_mem>>)
      %scan3A_74 = arith.constant 0 : i32
      %scan3A_75 = arith.constant 0 : i32
      %scan3A_76 = arith.constant 8 : i32
      %scan3A_77 = arith.addi %scan3A_75, %scan3A_76 : i32
      %scan3A_78 = arith.constant 1 : i32
      %scan3A_79 = scf.for %scan3A_82 = %scan3A_75 to %scan3A_77 step %scan3A_78 iter_args(%scan3A_83 = %scan3A_74) -> (i32)  : i32 {
        %mul3A_84 = arith.constant 2 : i32
        %mul3A_85 = arith.muli %mul3A_84, %scan3A_82 : i32
        %add3A_86 = arith.constant 1 : i32
        %add3A_87 = arith.addi %mul3A_85, %add3A_86 : i32
        %dma_start3A_88 = arith.constant 0 : i32
        %dma_start3A_89 = tpu.memref_slice %arg8[%add3A_87, %dma_start3A_88] : memref<16x128xi32, #tpu.memory_space<vmem>> -> memref<1x128xi32, #tpu.memory_space<vmem>>
        %dma_start3A_90 = tpu.memref_squeeze %dma_start3A_89 : memref<1x128xi32, #tpu.memory_space<vmem>> -> memref<128xi32, #tpu.memory_space<vmem>>
        %dma_start3A_91 = arith.constant 0 : i32
        %dma_start3A_92 = arith.constant 0 : i32
        %dma_start3A_93 = tpu.memref_slice %arg5[%dma_start3A_91, %dma_start3A_92] : memref<10240x128xf32, #tpu.memory_space<hbm>> -> memref<10240x128xf32, #tpu.memory_space<hbm>>
        tpu.enqueue_indirect_dma source(%dma_start3A_93 : memref<10240x128xf32, #tpu.memory_space<hbm>>) target(%arg11 : memref<128x128xf32, #tpu.memory_space<vmem>>) offsets(%dma_start3A_90 : memref<128xi32, #tpu.memory_space<vmem>>) semaphore(%arg14 : memref<!tpu.dma_semaphore, #tpu.memory_space<semaphore_mem>>)
        %dma_wait3A = arith.constant 0 : i32
        %dma_wait3A_94 = tpu.memref_slice %arg8[%mul3A_85, %dma_wait3A] : memref<16x128xi32, #tpu.memory_space<vmem>> -> memref<1x128xi32, #tpu.memory_space<vmem>>
        %dma_wait3A_95 = tpu.memref_squeeze %dma_wait3A_94 : memref<1x128xi32, #tpu.memory_space<vmem>> -> memref<128xi32, #tpu.memory_space<vmem>>
        %dma_wait3A_96 = arith.constant 0 : i32
        %dma_wait3A_97 = arith.constant 0 : i32
        %dma_wait3A_98 = tpu.memref_slice %arg5[%dma_wait3A_96, %dma_wait3A_97] : memref<10240x128xf32, #tpu.memory_space<hbm>> -> memref<10240x128xf32, #tpu.memory_space<hbm>>
        tpu.wait_indirect_dma semaphore(%arg13 : memref<!tpu.dma_semaphore, #tpu.memory_space<semaphore_mem>>) src(%dma_wait3A_98 : memref<10240x128xf32, #tpu.memory_space<hbm>>) dst(%arg10 : memref<128x128xf32, #tpu.memory_space<vmem>>)
        %broadcast_in_dim3A = arith.constant 0 : i32
        %broadcast_in_dim3A_99 = vector.broadcast %broadcast_in_dim3A : i32 to vector<16xi32>
        %add3A_100 = vector.broadcast %mul3A_85 : i32 to vector<16xi32>
        %add3A_101 = arith.addi %broadcast_in_dim3A_99, %add3A_100 : vector<16xi32>
        %parallel_loop3A = arith.constant 0 : i32
        %parallel_loop3A_102 = arith.constant 128 : i32
        %parallel_loop3A_103 = arith.constant 1 : i32
        scf.for %parallel_loop3A_126 = %parallel_loop3A to %parallel_loop3A_102 step %parallel_loop3A_103  : i32 {
          %parallel_loop3A_127 = arith.constant 0 : i32
          %parallel_loop3A_128 = vector.broadcast %parallel_loop3A_127 : i32 to vector<16xi32>
          %parallel_loop3A_129 = vector.broadcast %parallel_loop3A_126 : i32 to vector<16xi32>
          %parallel_loop3A_130 = arith.addi %parallel_loop3A_128, %parallel_loop3A_129 : vector<16xi32>
          %parallel_loop3A_131 = tpu.vector_load_idx %arg7[%add3A_101, %parallel_loop3A_130] : memref<16x128xf32, #tpu.memory_space<vmem>>[vector<16xi32>, vector<16xi32>], vector<16xf32>,
          %parallel_loop3A_132 = arith.index_cast %parallel_loop3A_126 : i32 to index
          %parallel_loop3A_133 = arith.constant 0 : index
          %parallel_loop3A_134 = tpu.vector_load %arg10[%parallel_loop3A_132, %parallel_loop3A_133] {strides = array<i32>} : memref<128x128xf32, #tpu.memory_space<vmem>>, vector<16xf32>,
          %parallel_loop3A_135 = arith.mulf %parallel_loop3A_134, %parallel_loop3A_131 : vector<16xf32>
          %parallel_loop3A_136 = arith.index_cast %parallel_loop3A_126 : i32 to index
          %parallel_loop3A_137 = arith.constant 0 : index
          %parallel_loop3A_138 = tpu.vector_load %arg10[%parallel_loop3A_136, %parallel_loop3A_137] {strides = array<i32>} : memref<128x128xf32, #tpu.memory_space<vmem>>, vector<16xf32>,
          tpu.vector_store %arg10[%parallel_loop3A_136, %parallel_loop3A_137], %parallel_loop3A_135 {strides = array<i32>} : memref<128x128xf32, #tpu.memory_space<vmem>>, vector<16xf32>,
          %parallel_loop3A_139 = arith.index_cast %parallel_loop3A_126 : i32 to index
          %parallel_loop3A_140 = arith.constant 16 : index
          %parallel_loop3A_141 = tpu.vector_load %arg10[%parallel_loop3A_139, %parallel_loop3A_140] {strides = array<i32>} : memref<128x128xf32, #tpu.memory_space<vmem>>, vector<16xf32>,
          %parallel_loop3A_142 = arith.mulf %parallel_loop3A_141, %parallel_loop3A_131 : vector<16xf32>
          %parallel_loop3A_143 = arith.index_cast %parallel_loop3A_126 : i32 to index
          %parallel_loop3A_144 = arith.constant 16 : index
          %parallel_loop3A_145 = tpu.vector_load %arg10[%parallel_loop3A_143, %parallel_loop3A_144] {strides = array<i32>} : memref<128x128xf32, #tpu.memory_space<vmem>>, vector<16xf32>,
          tpu.vector_store %arg10[%parallel_loop3A_143, %parallel_loop3A_144], %parallel_loop3A_142 {strides = array<i32>} : memref<128x128xf32, #tpu.memory_space<vmem>>, vector<16xf32>,
          %parallel_loop3A_146 = arith.index_cast %parallel_loop3A_126 : i32 to index
          %parallel_loop3A_147 = arith.constant 32 : index
          %parallel_loop3A_148 = tpu.vector_load %arg10[%parallel_loop3A_146, %parallel_loop3A_147] {strides = array<i32>} : memref<128x128xf32, #tpu.memory_space<vmem>>, vector<16xf32>,
          %parallel_loop3A_149 = arith.mulf %parallel_loop3A_148, %parallel_loop3A_131 : vector<16xf32>
          %parallel_loop3A_150 = arith.index_cast %parallel_loop3A_126 : i32 to index
          %parallel_loop3A_151 = arith.constant 32 : index
          %parallel_loop3A_152 = tpu.vector_load %arg10[%parallel_loop3A_150, %parallel_loop3A_151] {strides = array<i32>} : memref<128x128xf32, #tpu.memory_space<vmem>>, vector<16xf32>,
          tpu.vector_store %arg10[%parallel_loop3A_150, %parallel_loop3A_151], %parallel_loop3A_149 {strides = array<i32>} : memref<128x128xf32, #tpu.memory_space<vmem>>, vector<16xf32>,
          %parallel_loop3A_153 = arith.index_cast %parallel_loop3A_126 : i32 to index
          %parallel_loop3A_154 = arith.constant 48 : index
          %parallel_loop3A_155 = tpu.vector_load %arg10[%parallel_loop3A_153, %parallel_loop3A_154] {strides = array<i32>} : memref<128x128xf32, #tpu.memory_space<vmem>>, vector<16xf32>,
          %parallel_loop3A_156 = arith.mulf %parallel_loop3A_155, %parallel_loop3A_131 : vector<16xf32>
          %parallel_loop3A_157 = arith.index_cast %parallel_loop3A_126 : i32 to index
          %parallel_loop3A_158 = arith.constant 48 : index
          %parallel_loop3A_159 = tpu.vector_load %arg10[%parallel_loop3A_157, %parallel_loop3A_158] {strides = array<i32>} : memref<128x128xf32, #tpu.memory_space<vmem>>, vector<16xf32>,
          tpu.vector_store %arg10[%parallel_loop3A_157, %parallel_loop3A_158], %parallel_loop3A_156 {strides = array<i32>} : memref<128x128xf32, #tpu.memory_space<vmem>>, vector<16xf32>,
          %parallel_loop3A_160 = arith.index_cast %parallel_loop3A_126 : i32 to index
          %parallel_loop3A_161 = arith.constant 64 : index
          %parallel_loop3A_162 = tpu.vector_load %arg10[%parallel_loop3A_160, %parallel_loop3A_161] {strides = array<i32>} : memref<128x128xf32, #tpu.memory_space<vmem>>, vector<16xf32>,
          %parallel_loop3A_163 = arith.mulf %parallel_loop3A_162, %parallel_loop3A_131 : vector<16xf32>
          %parallel_loop3A_164 = arith.index_cast %parallel_loop3A_126 : i32 to index
          %parallel_loop3A_165 = arith.constant 64 : index
          %parallel_loop3A_166 = tpu.vector_load %arg10[%parallel_loop3A_164, %parallel_loop3A_165] {strides = array<i32>} : memref<128x128xf32, #tpu.memory_space<vmem>>, vector<16xf32>,
          tpu.vector_store %arg10[%parallel_loop3A_164, %parallel_loop3A_165], %parallel_loop3A_163 {strides = array<i32>} : memref<128x128xf32, #tpu.memory_space<vmem>>, vector<16xf32>,
          %parallel_loop3A_167 = arith.index_cast %parallel_loop3A_126 : i32 to index
          %parallel_loop3A_168 = arith.constant 80 : index
          %parallel_loop3A_169 = tpu.vector_load %arg10[%parallel_loop3A_167, %parallel_loop3A_168] {strides = array<i32>} : memref<128x128xf32, #tpu.memory_space<vmem>>, vector<16xf32>,
          %parallel_loop3A_170 = arith.mulf %parallel_loop3A_169, %parallel_loop3A_131 : vector<16xf32>
          %parallel_loop3A_171 = arith.index_cast %parallel_loop3A_126 : i32 to index
          %parallel_loop3A_172 = arith.constant 80 : index
          %parallel_loop3A_173 = tpu.vector_load %arg10[%parallel_loop3A_171, %parallel_loop3A_172] {strides = array<i32>} : memref<128x128xf32, #tpu.memory_space<vmem>>, vector<16xf32>,
          tpu.vector_store %arg10[%parallel_loop3A_171, %parallel_loop3A_172], %parallel_loop3A_170 {strides = array<i32>} : memref<128x128xf32, #tpu.memory_space<vmem>>, vector<16xf32>,
          %parallel_loop3A_174 = arith.index_cast %parallel_loop3A_126 : i32 to index
          %parallel_loop3A_175 = arith.constant 96 : index
          %parallel_loop3A_176 = tpu.vector_load %arg10[%parallel_loop3A_174, %parallel_loop3A_175] {strides = array<i32>} : memref<128x128xf32, #tpu.memory_space<vmem>>, vector<16xf32>,
          %parallel_loop3A_177 = arith.mulf %parallel_loop3A_176, %parallel_loop3A_131 : vector<16xf32>
          %parallel_loop3A_178 = arith.index_cast %parallel_loop3A_126 : i32 to index
          %parallel_loop3A_179 = arith.constant 96 : index
          %parallel_loop3A_180 = tpu.vector_load %arg10[%parallel_loop3A_178, %parallel_loop3A_179] {strides = array<i32>} : memref<128x128xf32, #tpu.memory_space<vmem>>, vector<16xf32>,
          tpu.vector_store %arg10[%parallel_loop3A_178, %parallel_loop3A_179], %parallel_loop3A_177 {strides = array<i32>} : memref<128x128xf32, #tpu.memory_space<vmem>>, vector<16xf32>,
          %parallel_loop3A_181 = arith.index_cast %parallel_loop3A_126 : i32 to index
          %parallel_loop3A_182 = arith.constant 112 : index
          %parallel_loop3A_183 = tpu.vector_load %arg10[%parallel_loop3A_181, %parallel_loop3A_182] {strides = array<i32>} : memref<128x128xf32, #tpu.memory_space<vmem>>, vector<16xf32>,
          %parallel_loop3A_184 = arith.mulf %parallel_loop3A_183, %parallel_loop3A_131 : vector<16xf32>
          %parallel_loop3A_185 = arith.index_cast %parallel_loop3A_126 : i32 to index
          %parallel_loop3A_186 = arith.constant 112 : index
          %parallel_loop3A_187 = tpu.vector_load %arg10[%parallel_loop3A_185, %parallel_loop3A_186] {strides = array<i32>} : memref<128x128xf32, #tpu.memory_space<vmem>>, vector<16xf32>,
          tpu.vector_store %arg10[%parallel_loop3A_185, %parallel_loop3A_186], %parallel_loop3A_184 {strides = array<i32>} : memref<128x128xf32, #tpu.memory_space<vmem>>, vector<16xf32>,
        } {sc.loop_unroll_factor = 16 : i64, sc.parallel_access}
        "tpu.region"() ({
          %run_scoped3A = tpu.sem_alloc : memref<!tpu.dma_semaphore, #tpu.memory_space<semaphore_mem>>
          %dma_start3A_126 = arith.constant 0 : i32
          %dma_start3A_127 = tpu.memref_slice %arg9[%mul3A_85, %dma_start3A_126] : memref<16x128xi32, #tpu.memory_space<vmem>> -> memref<1x128xi32, #tpu.memory_space<vmem>>
          %dma_start3A_128 = tpu.memref_squeeze %dma_start3A_127 : memref<1x128xi32, #tpu.memory_space<vmem>> -> memref<128xi32, #tpu.memory_space<vmem>>
          %dma_start3A_129 = arith.constant 0 : i32
          %dma_start3A_130 = arith.constant 0 : i32
          %dma_start3A_131 = tpu.memref_slice %arg12[%dma_start3A_129, %dma_start3A_130] : memref<10240x128xf32, #tpu.memory_space<vmem_shared>> -> memref<10240x128xf32, #tpu.memory_space<vmem_shared>>
          tpu.enqueue_indirect_dma source(%arg10 : memref<128x128xf32, #tpu.memory_space<vmem>>) target(%dma_start3A_131 : memref<10240x128xf32, #tpu.memory_space<vmem_shared>>) offsets(%dma_start3A_128 : memref<128xi32, #tpu.memory_space<vmem>>) semaphore(%run_scoped3A : memref<!tpu.dma_semaphore, #tpu.memory_space<semaphore_mem>>) {add = true}
          %dma_wait3A_132 = arith.constant 0 : i32
          %dma_wait3A_133 = tpu.memref_slice %arg9[%mul3A_85, %dma_wait3A_132] : memref<16x128xi32, #tpu.memory_space<vmem>> -> memref<1x128xi32, #tpu.memory_space<vmem>>
          %dma_wait3A_134 = tpu.memref_squeeze %dma_wait3A_133 : memref<1x128xi32, #tpu.memory_space<vmem>> -> memref<128xi32, #tpu.memory_space<vmem>>
          %dma_wait3A_135 = arith.constant 0 : i32
          %dma_wait3A_136 = arith.constant 0 : i32
          %dma_wait3A_137 = tpu.memref_slice %arg12[%dma_wait3A_135, %dma_wait3A_136] : memref<10240x128xf32, #tpu.memory_space<vmem_shared>> -> memref<10240x128xf32, #tpu.memory_space<vmem_shared>>
          tpu.wait_indirect_dma semaphore(%run_scoped3A : memref<!tpu.dma_semaphore, #tpu.memory_space<semaphore_mem>>) src(%arg10 : memref<128x128xf32, #tpu.memory_space<vmem>>) dst(%dma_wait3A_137 : memref<10240x128xf32, #tpu.memory_space<vmem_shared>>)
          tpu.yield
        }) : () -> ()
        %lt3A = arith.constant 7 : i32
        %lt3A_104 = arith.cmpi slt, %scan3A_82, %lt3A : i32
        %convert_element_type3A = arith.extui %lt3A_104 : i1 to i32
        %cond3A = arith.constant 0 : i32
        %cond3A_105 = arith.cmpi ne, %convert_element_type3A, %cond3A : i32
        scf.if %cond3A_105 {
          %add3A_126 = arith.constant 2 : i32
          %add3A_127 = arith.addi %mul3A_85, %add3A_126 : i32
          %dma_start3A_128 = arith.constant 0 : i32
          %dma_start3A_129 = tpu.memref_slice %arg8[%add3A_127, %dma_start3A_128] : memref<16x128xi32, #tpu.memory_space<vmem>> -> memref<1x128xi32, #tpu.memory_space<vmem>>
          %dma_start3A_130 = tpu.memref_squeeze %dma_start3A_129 : memref<1x128xi32, #tpu.memory_space<vmem>> -> memref<128xi32, #tpu.memory_space<vmem>>
          %dma_start3A_131 = arith.constant 0 : i32
          %dma_start3A_132 = arith.constant 0 : i32
          %dma_start3A_133 = tpu.memref_slice %arg5[%dma_start3A_131, %dma_start3A_132] : memref<10240x128xf32, #tpu.memory_space<hbm>> -> memref<10240x128xf32, #tpu.memory_space<hbm>>
          tpu.enqueue_indirect_dma source(%dma_start3A_133 : memref<10240x128xf32, #tpu.memory_space<hbm>>) target(%arg10 : memref<128x128xf32, #tpu.memory_space<vmem>>) offsets(%dma_start3A_130 : memref<128xi32, #tpu.memory_space<vmem>>) semaphore(%arg13 : memref<!tpu.dma_semaphore, #tpu.memory_space<semaphore_mem>>)
        } else {
        }
        %add3A_106 = arith.constant 1 : i32
        %add3A_107 = arith.addi %mul3A_85, %add3A_106 : i32
        %dma_wait3A_108 = arith.constant 0 : i32
        %dma_wait3A_109 = tpu.memref_slice %arg8[%add3A_107, %dma_wait3A_108] : memref<16x128xi32, #tpu.memory_space<vmem>> -> memref<1x128xi32, #tpu.memory_space<vmem>>
        %dma_wait3A_110 = tpu.memref_squeeze %dma_wait3A_109 : memref<1x128xi32, #tpu.memory_space<vmem>> -> memref<128xi32, #tpu.memory_space<vmem>>
        %dma_wait3A_111 = arith.constant 0 : i32
        %dma_wait3A_112 = arith.constant 0 : i32
        %dma_wait3A_113 = tpu.memref_slice %arg5[%dma_wait3A_111, %dma_wait3A_112] : memref<10240x128xf32, #tpu.memory_space<hbm>> -> memref<10240x128xf32, #tpu.memory_space<hbm>>
        tpu.wait_indirect_dma semaphore(%arg14 : memref<!tpu.dma_semaphore, #tpu.memory_space<semaphore_mem>>) src(%dma_wait3A_113 : memref<10240x128xf32, #tpu.memory_space<hbm>>) dst(%arg11 : memref<128x128xf32, #tpu.memory_space<vmem>>)
        %add3A_114 = arith.constant 1 : i32
        %add3A_115 = arith.addi %mul3A_85, %add3A_114 : i32
        %broadcast_in_dim3A_116 = arith.constant 0 : i32
        %broadcast_in_dim3A_117 = vector.broadcast %broadcast_in_dim3A_116 : i32 to vector<16xi32>
        %add3A_118 = vector.broadcast %add3A_115 : i32 to vector<16xi32>
        %add3A_119 = arith.addi %broadcast_in_dim3A_117, %add3A_118 : vector<16xi32>
        %parallel_loop3A_120 = arith.constant 0 : i32
        %parallel_loop3A_121 = arith.constant 128 : i32
        %parallel_loop3A_122 = arith.constant 1 : i32
        scf.for %parallel_loop3A_126 = %parallel_loop3A_120 to %parallel_loop3A_121 step %parallel_loop3A_122  : i32 {
          %parallel_loop3A_127 = arith.constant 0 : i32
          %parallel_loop3A_128 = vector.broadcast %parallel_loop3A_127 : i32 to vector<16xi32>
          %parallel_loop3A_129 = vector.broadcast %parallel_loop3A_126 : i32 to vector<16xi32>
          %parallel_loop3A_130 = arith.addi %parallel_loop3A_128, %parallel_loop3A_129 : vector<16xi32>
          %parallel_loop3A_131 = tpu.vector_load_idx %arg7[%add3A_119, %parallel_loop3A_130] : memref<16x128xf32, #tpu.memory_space<vmem>>[vector<16xi32>, vector<16xi32>], vector<16xf32>,
          %parallel_loop3A_132 = arith.index_cast %parallel_loop3A_126 : i32 to index
          %parallel_loop3A_133 = arith.constant 0 : index
          %parallel_loop3A_134 = tpu.vector_load %arg11[%parallel_loop3A_132, %parallel_loop3A_133] {strides = array<i32>} : memref<128x128xf32, #tpu.memory_space<vmem>>, vector<16xf32>,
          %parallel_loop3A_135 = arith.mulf %parallel_loop3A_134, %parallel_loop3A_131 : vector<16xf32>
          %parallel_loop3A_136 = arith.index_cast %parallel_loop3A_126 : i32 to index
          %parallel_loop3A_137 = arith.constant 0 : index
          %parallel_loop3A_138 = tpu.vector_load %arg11[%parallel_loop3A_136, %parallel_loop3A_137] {strides = array<i32>} : memref<128x128xf32, #tpu.memory_space<vmem>>, vector<16xf32>,
          tpu.vector_store %arg11[%parallel_loop3A_136, %parallel_loop3A_137], %parallel_loop3A_135 {strides = array<i32>} : memref<128x128xf32, #tpu.memory_space<vmem>>, vector<16xf32>,
          %parallel_loop3A_139 = arith.index_cast %parallel_loop3A_126 : i32 to index
          %parallel_loop3A_140 = arith.constant 16 : index
          %parallel_loop3A_141 = tpu.vector_load %arg11[%parallel_loop3A_139, %parallel_loop3A_140] {strides = array<i32>} : memref<128x128xf32, #tpu.memory_space<vmem>>, vector<16xf32>,
          %parallel_loop3A_142 = arith.mulf %parallel_loop3A_141, %parallel_loop3A_131 : vector<16xf32>
          %parallel_loop3A_143 = arith.index_cast %parallel_loop3A_126 : i32 to index
          %parallel_loop3A_144 = arith.constant 16 : index
          %parallel_loop3A_145 = tpu.vector_load %arg11[%parallel_loop3A_143, %parallel_loop3A_144] {strides = array<i32>} : memref<128x128xf32, #tpu.memory_space<vmem>>, vector<16xf32>,
          tpu.vector_store %arg11[%parallel_loop3A_143, %parallel_loop3A_144], %parallel_loop3A_142 {strides = array<i32>} : memref<128x128xf32, #tpu.memory_space<vmem>>, vector<16xf32>,
          %parallel_loop3A_146 = arith.index_cast %parallel_loop3A_126 : i32 to index
          %parallel_loop3A_147 = arith.constant 32 : index
          %parallel_loop3A_148 = tpu.vector_load %arg11[%parallel_loop3A_146, %parallel_loop3A_147] {strides = array<i32>} : memref<128x128xf32, #tpu.memory_space<vmem>>, vector<16xf32>,
          %parallel_loop3A_149 = arith.mulf %parallel_loop3A_148, %parallel_loop3A_131 : vector<16xf32>
          %parallel_loop3A_150 = arith.index_cast %parallel_loop3A_126 : i32 to index
          %parallel_loop3A_151 = arith.constant 32 : index
          %parallel_loop3A_152 = tpu.vector_load %arg11[%parallel_loop3A_150, %parallel_loop3A_151] {strides = array<i32>} : memref<128x128xf32, #tpu.memory_space<vmem>>, vector<16xf32>,
          tpu.vector_store %arg11[%parallel_loop3A_150, %parallel_loop3A_151], %parallel_loop3A_149 {strides = array<i32>} : memref<128x128xf32, #tpu.memory_space<vmem>>, vector<16xf32>,
          %parallel_loop3A_153 = arith.index_cast %parallel_loop3A_126 : i32 to index
          %parallel_loop3A_154 = arith.constant 48 : index
          %parallel_loop3A_155 = tpu.vector_load %arg11[%parallel_loop3A_153, %parallel_loop3A_154] {strides = array<i32>} : memref<128x128xf32, #tpu.memory_space<vmem>>, vector<16xf32>,
          %parallel_loop3A_156 = arith.mulf %parallel_loop3A_155, %parallel_loop3A_131 : vector<16xf32>
          %parallel_loop3A_157 = arith.index_cast %parallel_loop3A_126 : i32 to index
          %parallel_loop3A_158 = arith.constant 48 : index
          %parallel_loop3A_159 = tpu.vector_load %arg11[%parallel_loop3A_157, %parallel_loop3A_158] {strides = array<i32>} : memref<128x128xf32, #tpu.memory_space<vmem>>, vector<16xf32>,
          tpu.vector_store %arg11[%parallel_loop3A_157, %parallel_loop3A_158], %parallel_loop3A_156 {strides = array<i32>} : memref<128x128xf32, #tpu.memory_space<vmem>>, vector<16xf32>,
          %parallel_loop3A_160 = arith.index_cast %parallel_loop3A_126 : i32 to index
          %parallel_loop3A_161 = arith.constant 64 : index
          %parallel_loop3A_162 = tpu.vector_load %arg11[%parallel_loop3A_160, %parallel_loop3A_161] {strides = array<i32>} : memref<128x128xf32, #tpu.memory_space<vmem>>, vector<16xf32>,
          %parallel_loop3A_163 = arith.mulf %parallel_loop3A_162, %parallel_loop3A_131 : vector<16xf32>
          %parallel_loop3A_164 = arith.index_cast %parallel_loop3A_126 : i32 to index
          %parallel_loop3A_165 = arith.constant 64 : index
          %parallel_loop3A_166 = tpu.vector_load %arg11[%parallel_loop3A_164, %parallel_loop3A_165] {strides = array<i32>} : memref<128x128xf32, #tpu.memory_space<vmem>>, vector<16xf32>,
          tpu.vector_store %arg11[%parallel_loop3A_164, %parallel_loop3A_165], %parallel_loop3A_163 {strides = array<i32>} : memref<128x128xf32, #tpu.memory_space<vmem>>, vector<16xf32>,
          %parallel_loop3A_167 = arith.index_cast %parallel_loop3A_126 : i32 to index
          %parallel_loop3A_168 = arith.constant 80 : index
          %parallel_loop3A_169 = tpu.vector_load %arg11[%parallel_loop3A_167, %parallel_loop3A_168] {strides = array<i32>} : memref<128x128xf32, #tpu.memory_space<vmem>>, vector<16xf32>,
          %parallel_loop3A_170 = arith.mulf %parallel_loop3A_169, %parallel_loop3A_131 : vector<16xf32>
          %parallel_loop3A_171 = arith.index_cast %parallel_loop3A_126 : i32 to index
          %parallel_loop3A_172 = arith.constant 80 : index
          %parallel_loop3A_173 = tpu.vector_load %arg11[%parallel_loop3A_171, %parallel_loop3A_172] {strides = array<i32>} : memref<128x128xf32, #tpu.memory_space<vmem>>, vector<16xf32>,
          tpu.vector_store %arg11[%parallel_loop3A_171, %parallel_loop3A_172], %parallel_loop3A_170 {strides = array<i32>} : memref<128x128xf32, #tpu.memory_space<vmem>>, vector<16xf32>,
          %parallel_loop3A_174 = arith.index_cast %parallel_loop3A_126 : i32 to index
          %parallel_loop3A_175 = arith.constant 96 : index
          %parallel_loop3A_176 = tpu.vector_load %arg11[%parallel_loop3A_174, %parallel_loop3A_175] {strides = array<i32>} : memref<128x128xf32, #tpu.memory_space<vmem>>, vector<16xf32>,
          %parallel_loop3A_177 = arith.mulf %parallel_loop3A_176, %parallel_loop3A_131 : vector<16xf32>
          %parallel_loop3A_178 = arith.index_cast %parallel_loop3A_126 : i32 to index
          %parallel_loop3A_179 = arith.constant 96 : index
          %parallel_loop3A_180 = tpu.vector_load %arg11[%parallel_loop3A_178, %parallel_loop3A_179] {strides = array<i32>} : memref<128x128xf32, #tpu.memory_space<vmem>>, vector<16xf32>,
          tpu.vector_store %arg11[%parallel_loop3A_178, %parallel_loop3A_179], %parallel_loop3A_177 {strides = array<i32>} : memref<128x128xf32, #tpu.memory_space<vmem>>, vector<16xf32>,
          %parallel_loop3A_181 = arith.index_cast %parallel_loop3A_126 : i32 to index
          %parallel_loop3A_182 = arith.constant 112 : index
          %parallel_loop3A_183 = tpu.vector_load %arg11[%parallel_loop3A_181, %parallel_loop3A_182] {strides = array<i32>} : memref<128x128xf32, #tpu.memory_space<vmem>>, vector<16xf32>,
          %parallel_loop3A_184 = arith.mulf %parallel_loop3A_183, %parallel_loop3A_131 : vector<16xf32>
          %parallel_loop3A_185 = arith.index_cast %parallel_loop3A_126 : i32 to index
          %parallel_loop3A_186 = arith.constant 112 : index
          %parallel_loop3A_187 = tpu.vector_load %arg11[%parallel_loop3A_185, %parallel_loop3A_186] {strides = array<i32>} : memref<128x128xf32, #tpu.memory_space<vmem>>, vector<16xf32>,
          tpu.vector_store %arg11[%parallel_loop3A_185, %parallel_loop3A_186], %parallel_loop3A_184 {strides = array<i32>} : memref<128x128xf32, #tpu.memory_space<vmem>>, vector<16xf32>,
        } {sc.loop_unroll_factor = 16 : i64, sc.parallel_access}
        %add3A_123 = arith.constant 1 : i32
        %add3A_124 = arith.addi %mul3A_85, %add3A_123 : i32
        "tpu.region"() ({
          %run_scoped3A = tpu.sem_alloc : memref<!tpu.dma_semaphore, #tpu.memory_space<semaphore_mem>>
          %dma_start3A_126 = arith.constant 0 : i32
          %dma_start3A_127 = tpu.memref_slice %arg9[%add3A_124, %dma_start3A_126] : memref<16x128xi32, #tpu.memory_space<vmem>> -> memref<1x128xi32, #tpu.memory_space<vmem>>
          %dma_start3A_128 = tpu.memref_squeeze %dma_start3A_127 : memref<1x128xi32, #tpu.memory_space<vmem>> -> memref<128xi32, #tpu.memory_space<vmem>>
          %dma_start3A_129 = arith.constant 0 : i32
          %dma_start3A_130 = arith.constant 0 : i32
          %dma_start3A_131 = tpu.memref_slice %arg12[%dma_start3A_129, %dma_start3A_130] : memref<10240x128xf32, #tpu.memory_space<vmem_shared>> -> memref<10240x128xf32, #tpu.memory_space<vmem_shared>>
          tpu.enqueue_indirect_dma source(%arg11 : memref<128x128xf32, #tpu.memory_space<vmem>>) target(%dma_start3A_131 : memref<10240x128xf32, #tpu.memory_space<vmem_shared>>) offsets(%dma_start3A_128 : memref<128xi32, #tpu.memory_space<vmem>>) semaphore(%run_scoped3A : memref<!tpu.dma_semaphore, #tpu.memory_space<semaphore_mem>>) {add = true}
          %dma_wait3A_132 = arith.constant 0 : i32
          %dma_wait3A_133 = tpu.memref_slice %arg9[%add3A_124, %dma_wait3A_132] : memref<16x128xi32, #tpu.memory_space<vmem>> -> memref<1x128xi32, #tpu.memory_space<vmem>>
          %dma_wait3A_134 = tpu.memref_squeeze %dma_wait3A_133 : memref<1x128xi32, #tpu.memory_space<vmem>> -> memref<128xi32, #tpu.memory_space<vmem>>
          %dma_wait3A_135 = arith.constant 0 : i32
          %dma_wait3A_136 = arith.constant 0 : i32
          %dma_wait3A_137 = tpu.memref_slice %arg12[%dma_wait3A_135, %dma_wait3A_136] : memref<10240x128xf32, #tpu.memory_space<vmem_shared>> -> memref<10240x128xf32, #tpu.memory_space<vmem_shared>>
          tpu.wait_indirect_dma semaphore(%run_scoped3A : memref<!tpu.dma_semaphore, #tpu.memory_space<semaphore_mem>>) src(%arg11 : memref<128x128xf32, #tpu.memory_space<vmem>>) dst(%dma_wait3A_137 : memref<10240x128xf32, #tpu.memory_space<vmem_shared>>)
          tpu.yield
        }) : () -> ()
        %scan3A_125 = arith.constant 0 : i32
        scf.yield %scan3A_125 : i32
      }
      %scan3A_80 = arith.constant 8 : i32
      %scan3A_81 = arith.constant 0 : i32
      scf.yield %scan3A_81 : i32
    }
    %scan3A_35 = arith.constant 5 : i32
    %barrier3A_36 = arith.constant 0 : index
    tpu.barrier barrier_id(%barrier3A_36)
    %mul3A_37 = arith.constant 640 : i32
    %mul3A_38 = arith.muli %arg1, %mul3A_37 : i32
    %add3A_39 = arith.constant 0 : i32
    %add3A_40 = arith.addi %mul3A_38, %add3A_39 : i32
    "tpu.region"() ({
      %run_scoped3A = tpu.sem_alloc : memref<!tpu.dma_semaphore, #tpu.memory_space<semaphore_mem>>
      %dma_start3A = arith.constant 0 : i32
      %dma_start3A_57 = arith.constant 0 : i32
      %dma_start3A_58 = tpu.memref_slice %arg6[%arg0, %dma_start3A, %dma_start3A_57] : memref<2x10240x128xf32, #tpu.memory_space<hbm>> -> memref<1x10240x128xf32, #tpu.memory_space<hbm>>
      %dma_start3A_59 = tpu.memref_squeeze %dma_start3A_58 : memref<1x10240x128xf32, #tpu.memory_space<hbm>> -> memref<10240x128xf32, #tpu.memory_space<hbm>>
      %dma_start3A_60 = arith.constant 0 : i32
      %dma_start3A_61 = tpu.memref_slice %dma_start3A_59[%add3A_40, %dma_start3A_60] : memref<10240x128xf32, #tpu.memory_space<hbm>> -> memref<128x128xf32, #tpu.memory_space<hbm>>
      %dma_start3A_62 = arith.constant 0 : i32
      %dma_start3A_63 = tpu.memref_slice %arg12[%add3A_40, %dma_start3A_62] : memref<10240x128xf32, #tpu.memory_space<vmem_shared>> -> memref<128x128xf32, #tpu.memory_space<vmem_shared>>
      tpu.enqueue_dma source(%dma_start3A_63 : memref<128x128xf32, #tpu.memory_space<vmem_shared>>) target(%dma_start3A_61 : memref<128x128xf32, #tpu.memory_space<hbm>>) target_semaphore(%run_scoped3A : memref<!tpu.dma_semaphore, #tpu.memory_space<semaphore_mem>>)
      %dma_wait3A = arith.constant 0 : i32
      %dma_wait3A_64 = arith.constant 0 : i32
      %dma_wait3A_65 = tpu.memref_slice %arg6[%arg0, %dma_wait3A, %dma_wait3A_64] : memref<2x10240x128xf32, #tpu.memory_space<hbm>> -> memref<1x10240x128xf32, #tpu.memory_space<hbm>>
      %dma_wait3A_66 = tpu.memref_squeeze %dma_wait3A_65 : memref<1x10240x128xf32, #tpu.memory_space<hbm>> -> memref<10240x128xf32, #tpu.memory_space<hbm>>
      %dma_wait3A_67 = arith.constant 0 : i32
      %dma_wait3A_68 = tpu.memref_slice %dma_wait3A_66[%add3A_40, %dma_wait3A_67] : memref<10240x128xf32, #tpu.memory_space<hbm>> -> memref<128x128xf32, #tpu.memory_space<hbm>>
      %dma_wait3A_69 = arith.constant 0 : i32
      %dma_wait3A_70 = tpu.memref_slice %arg12[%add3A_40, %dma_wait3A_69] : memref<10240x128xf32, #tpu.memory_space<vmem_shared>> -> memref<128x128xf32, #tpu.memory_space<vmem_shared>>
      tpu.wait_dma2 semaphore(%run_scoped3A : memref<!tpu.dma_semaphore, #tpu.memory_space<semaphore_mem>>) src(%dma_wait3A_70 : memref<128x128xf32, #tpu.memory_space<vmem_shared>>) dst(%dma_wait3A_68 : memref<128x128xf32, #tpu.memory_space<hbm>>)
      tpu.yield
    }) : () -> ()
    %mul3A_41 = arith.constant 640 : i32
    %mul3A_42 = arith.muli %arg1, %mul3A_41 : i32
    %add3A_43 = arith.constant 128 : i32
    %add3A_44 = arith.addi %mul3A_42, %add3A_43 : i32
    "tpu.region"() ({
      %run_scoped3A = tpu.sem_alloc : memref<!tpu.dma_semaphore, #tpu.memory_space<semaphore_mem>>
      %dma_start3A = arith.constant 0 : i32
      %dma_start3A_57 = arith.constant 0 : i32
      %dma_start3A_58 = tpu.memref_slice %arg6[%arg0, %dma_start3A, %dma_start3A_57] : memref<2x10240x128xf32, #tpu.memory_space<hbm>> -> memref<1x10240x128xf32, #tpu.memory_space<hbm>>
      %dma_start3A_59 = tpu.memref_squeeze %dma_start3A_58 : memref<1x10240x128xf32, #tpu.memory_space<hbm>> -> memref<10240x128xf32, #tpu.memory_space<hbm>>
      %dma_start3A_60 = arith.constant 0 : i32
      %dma_start3A_61 = tpu.memref_slice %dma_start3A_59[%add3A_44, %dma_start3A_60] : memref<10240x128xf32, #tpu.memory_space<hbm>> -> memref<128x128xf32, #tpu.memory_space<hbm>>
      %dma_start3A_62 = arith.constant 0 : i32
      %dma_start3A_63 = tpu.memref_slice %arg12[%add3A_44, %dma_start3A_62] : memref<10240x128xf32, #tpu.memory_space<vmem_shared>> -> memref<128x128xf32, #tpu.memory_space<vmem_shared>>
      tpu.enqueue_dma source(%dma_start3A_63 : memref<128x128xf32, #tpu.memory_space<vmem_shared>>) target(%dma_start3A_61 : memref<128x128xf32, #tpu.memory_space<hbm>>) target_semaphore(%run_scoped3A : memref<!tpu.dma_semaphore, #tpu.memory_space<semaphore_mem>>)
      %dma_wait3A = arith.constant 0 : i32
      %dma_wait3A_64 = arith.constant 0 : i32
      %dma_wait3A_65 = tpu.memref_slice %arg6[%arg0, %dma_wait3A, %dma_wait3A_64] : memref<2x10240x128xf32, #tpu.memory_space<hbm>> -> memref<1x10240x128xf32, #tpu.memory_space<hbm>>
      %dma_wait3A_66 = tpu.memref_squeeze %dma_wait3A_65 : memref<1x10240x128xf32, #tpu.memory_space<hbm>> -> memref<10240x128xf32, #tpu.memory_space<hbm>>
      %dma_wait3A_67 = arith.constant 0 : i32
      %dma_wait3A_68 = tpu.memref_slice %dma_wait3A_66[%add3A_44, %dma_wait3A_67] : memref<10240x128xf32, #tpu.memory_space<hbm>> -> memref<128x128xf32, #tpu.memory_space<hbm>>
      %dma_wait3A_69 = arith.constant 0 : i32
      %dma_wait3A_70 = tpu.memref_slice %arg12[%add3A_44, %dma_wait3A_69] : memref<10240x128xf32, #tpu.memory_space<vmem_shared>> -> memref<128x128xf32, #tpu.memory_space<vmem_shared>>
      tpu.wait_dma2 semaphore(%run_scoped3A : memref<!tpu.dma_semaphore, #tpu.memory_space<semaphore_mem>>) src(%dma_wait3A_70 : memref<128x128xf32, #tpu.memory_space<vmem_shared>>) dst(%dma_wait3A_68 : memref<128x128xf32, #tpu.memory_space<hbm>>)
      tpu.yield
    }) : () -> ()
    %mul3A_45 = arith.constant 640 : i32
    %mul3A_46 = arith.muli %arg1, %mul3A_45 : i32
    %add3A_47 = arith.constant 256 : i32
    %add3A_48 = arith.addi %mul3A_46, %add3A_47 : i32
    "tpu.region"() ({
      %run_scoped3A = tpu.sem_alloc : memref<!tpu.dma_semaphore, #tpu.memory_space<semaphore_mem>>
      %dma_start3A = arith.constant 0 : i32
      %dma_start3A_57 = arith.constant 0 : i32
      %dma_start3A_58 = tpu.memref_slice %arg6[%arg0, %dma_start3A, %dma_start3A_57] : memref<2x10240x128xf32, #tpu.memory_space<hbm>> -> memref<1x10240x128xf32, #tpu.memory_space<hbm>>
      %dma_start3A_59 = tpu.memref_squeeze %dma_start3A_58 : memref<1x10240x128xf32, #tpu.memory_space<hbm>> -> memref<10240x128xf32, #tpu.memory_space<hbm>>
      %dma_start3A_60 = arith.constant 0 : i32
      %dma_start3A_61 = tpu.memref_slice %dma_start3A_59[%add3A_48, %dma_start3A_60] : memref<10240x128xf32, #tpu.memory_space<hbm>> -> memref<128x128xf32, #tpu.memory_space<hbm>>
      %dma_start3A_62 = arith.constant 0 : i32
      %dma_start3A_63 = tpu.memref_slice %arg12[%add3A_48, %dma_start3A_62] : memref<10240x128xf32, #tpu.memory_space<vmem_shared>> -> memref<128x128xf32, #tpu.memory_space<vmem_shared>>
      tpu.enqueue_dma source(%dma_start3A_63 : memref<128x128xf32, #tpu.memory_space<vmem_shared>>) target(%dma_start3A_61 : memref<128x128xf32, #tpu.memory_space<hbm>>) target_semaphore(%run_scoped3A : memref<!tpu.dma_semaphore, #tpu.memory_space<semaphore_mem>>)
      %dma_wait3A = arith.constant 0 : i32
      %dma_wait3A_64 = arith.constant 0 : i32
      %dma_wait3A_65 = tpu.memref_slice %arg6[%arg0, %dma_wait3A, %dma_wait3A_64] : memref<2x10240x128xf32, #tpu.memory_space<hbm>> -> memref<1x10240x128xf32, #tpu.memory_space<hbm>>
      %dma_wait3A_66 = tpu.memref_squeeze %dma_wait3A_65 : memref<1x10240x128xf32, #tpu.memory_space<hbm>> -> memref<10240x128xf32, #tpu.memory_space<hbm>>
      %dma_wait3A_67 = arith.constant 0 : i32
      %dma_wait3A_68 = tpu.memref_slice %dma_wait3A_66[%add3A_48, %dma_wait3A_67] : memref<10240x128xf32, #tpu.memory_space<hbm>> -> memref<128x128xf32, #tpu.memory_space<hbm>>
      %dma_wait3A_69 = arith.constant 0 : i32
      %dma_wait3A_70 = tpu.memref_slice %arg12[%add3A_48, %dma_wait3A_69] : memref<10240x128xf32, #tpu.memory_space<vmem_shared>> -> memref<128x128xf32, #tpu.memory_space<vmem_shared>>
      tpu.wait_dma2 semaphore(%run_scoped3A : memref<!tpu.dma_semaphore, #tpu.memory_space<semaphore_mem>>) src(%dma_wait3A_70 : memref<128x128xf32, #tpu.memory_space<vmem_shared>>) dst(%dma_wait3A_68 : memref<128x128xf32, #tpu.memory_space<hbm>>)
      tpu.yield
    }) : () -> ()
    %mul3A_49 = arith.constant 640 : i32
    %mul3A_50 = arith.muli %arg1, %mul3A_49 : i32
    %add3A_51 = arith.constant 384 : i32
    %add3A_52 = arith.addi %mul3A_50, %add3A_51 : i32
    "tpu.region"() ({
      %run_scoped3A = tpu.sem_alloc : memref<!tpu.dma_semaphore, #tpu.memory_space<semaphore_mem>>
      %dma_start3A = arith.constant 0 : i32
      %dma_start3A_57 = arith.constant 0 : i32
      %dma_start3A_58 = tpu.memref_slice %arg6[%arg0, %dma_start3A, %dma_start3A_57] : memref<2x10240x128xf32, #tpu.memory_space<hbm>> -> memref<1x10240x128xf32, #tpu.memory_space<hbm>>
      %dma_start3A_59 = tpu.memref_squeeze %dma_start3A_58 : memref<1x10240x128xf32, #tpu.memory_space<hbm>> -> memref<10240x128xf32, #tpu.memory_space<hbm>>
      %dma_start3A_60 = arith.constant 0 : i32
      %dma_start3A_61 = tpu.memref_slice %dma_start3A_59[%add3A_52, %dma_start3A_60] : memref<10240x128xf32, #tpu.memory_space<hbm>> -> memref<128x128xf32, #tpu.memory_space<hbm>>
      %dma_start3A_62 = arith.constant 0 : i32
      %dma_start3A_63 = tpu.memref_slice %arg12[%add3A_52, %dma_start3A_62] : memref<10240x128xf32, #tpu.memory_space<vmem_shared>> -> memref<128x128xf32, #tpu.memory_space<vmem_shared>>
      tpu.enqueue_dma source(%dma_start3A_63 : memref<128x128xf32, #tpu.memory_space<vmem_shared>>) target(%dma_start3A_61 : memref<128x128xf32, #tpu.memory_space<hbm>>) target_semaphore(%run_scoped3A : memref<!tpu.dma_semaphore, #tpu.memory_space<semaphore_mem>>)
      %dma_wait3A = arith.constant 0 : i32
      %dma_wait3A_64 = arith.constant 0 : i32
      %dma_wait3A_65 = tpu.memref_slice %arg6[%arg0, %dma_wait3A, %dma_wait3A_64] : memref<2x10240x128xf32, #tpu.memory_space<hbm>> -> memref<1x10240x128xf32, #tpu.memory_space<hbm>>
      %dma_wait3A_66 = tpu.memref_squeeze %dma_wait3A_65 : memref<1x10240x128xf32, #tpu.memory_space<hbm>> -> memref<10240x128xf32, #tpu.memory_space<hbm>>
      %dma_wait3A_67 = arith.constant 0 : i32
      %dma_wait3A_68 = tpu.memref_slice %dma_wait3A_66[%add3A_52, %dma_wait3A_67] : memref<10240x128xf32, #tpu.memory_space<hbm>> -> memref<128x128xf32, #tpu.memory_space<hbm>>
      %dma_wait3A_69 = arith.constant 0 : i32
      %dma_wait3A_70 = tpu.memref_slice %arg12[%add3A_52, %dma_wait3A_69] : memref<10240x128xf32, #tpu.memory_space<vmem_shared>> -> memref<128x128xf32, #tpu.memory_space<vmem_shared>>
      tpu.wait_dma2 semaphore(%run_scoped3A : memref<!tpu.dma_semaphore, #tpu.memory_space<semaphore_mem>>) src(%dma_wait3A_70 : memref<128x128xf32, #tpu.memory_space<vmem_shared>>) dst(%dma_wait3A_68 : memref<128x128xf32, #tpu.memory_space<hbm>>)
      tpu.yield
    }) : () -> ()
    %mul3A_53 = arith.constant 640 : i32
    %mul3A_54 = arith.muli %arg1, %mul3A_53 : i32
    %add3A_55 = arith.constant 512 : i32
    %add3A_56 = arith.addi %mul3A_54, %add3A_55 : i32
    "tpu.region"() ({
      %run_scoped3A = tpu.sem_alloc : memref<!tpu.dma_semaphore, #tpu.memory_space<semaphore_mem>>
      %dma_start3A = arith.constant 0 : i32
      %dma_start3A_57 = arith.constant 0 : i32
      %dma_start3A_58 = tpu.memref_slice %arg6[%arg0, %dma_start3A, %dma_start3A_57] : memref<2x10240x128xf32, #tpu.memory_space<hbm>> -> memref<1x10240x128xf32, #tpu.memory_space<hbm>>
      %dma_start3A_59 = tpu.memref_squeeze %dma_start3A_58 : memref<1x10240x128xf32, #tpu.memory_space<hbm>> -> memref<10240x128xf32, #tpu.memory_space<hbm>>
      %dma_start3A_60 = arith.constant 0 : i32
      %dma_start3A_61 = tpu.memref_slice %dma_start3A_59[%add3A_56, %dma_start3A_60] : memref<10240x128xf32, #tpu.memory_space<hbm>> -> memref<128x128xf32, #tpu.memory_space<hbm>>
      %dma_start3A_62 = arith.constant 0 : i32
      %dma_start3A_63 = tpu.memref_slice %arg12[%add3A_56, %dma_start3A_62] : memref<10240x128xf32, #tpu.memory_space<vmem_shared>> -> memref<128x128xf32, #tpu.memory_space<vmem_shared>>
      tpu.enqueue_dma source(%dma_start3A_63 : memref<128x128xf32, #tpu.memory_space<vmem_shared>>) target(%dma_start3A_61 : memref<128x128xf32, #tpu.memory_space<hbm>>) target_semaphore(%run_scoped3A : memref<!tpu.dma_semaphore, #tpu.memory_space<semaphore_mem>>)
      %dma_wait3A = arith.constant 0 : i32
      %dma_wait3A_64 = arith.constant 0 : i32
      %dma_wait3A_65 = tpu.memref_slice %arg6[%arg0, %dma_wait3A, %dma_wait3A_64] : memref<2x10240x128xf32, #tpu.memory_space<hbm>> -> memref<1x10240x128xf32, #tpu.memory_space<hbm>>
      %dma_wait3A_66 = tpu.memref_squeeze %dma_wait3A_65 : memref<1x10240x128xf32, #tpu.memory_space<hbm>> -> memref<10240x128xf32, #tpu.memory_space<hbm>>
      %dma_wait3A_67 = arith.constant 0 : i32
      %dma_wait3A_68 = tpu.memref_slice %dma_wait3A_66[%add3A_56, %dma_wait3A_67] : memref<10240x128xf32, #tpu.memory_space<hbm>> -> memref<128x128xf32, #tpu.memory_space<hbm>>
      %dma_wait3A_69 = arith.constant 0 : i32
      %dma_wait3A_70 = tpu.memref_slice %arg12[%add3A_56, %dma_wait3A_69] : memref<10240x128xf32, #tpu.memory_space<vmem_shared>> -> memref<128x128xf32, #tpu.memory_space<vmem_shared>>
      tpu.wait_dma2 semaphore(%run_scoped3A : memref<!tpu.dma_semaphore, #tpu.memory_space<semaphore_mem>>) src(%dma_wait3A_70 : memref<128x128xf32, #tpu.memory_space<vmem_shared>>) dst(%dma_wait3A_68 : memref<128x128xf32, #tpu.memory_space<hbm>>)
      tpu.yield
    }) : () -> ()
    return
  }
}

module attributes {stable_mosaic.version = 14 : i64} {
  func.func @body(%arg0: i32, %arg1: memref<256x128xf32, #tpu.memory_space<vmem>>, %arg2: memref<128x256xf32, #tpu.memory_space<vmem>>, %arg3: memref<2x128xf32, #tpu.memory_space<vmem>>, %arg4: memref<2x128xf32, #tpu.memory_space<vmem>>, %arg5: memref<2x256x128xf32, #tpu.memory_space<vmem>>, %arg6: memref<2x256xf32, #tpu.memory_space<vmem>>, %arg7: memref<2x256xf32, #tpu.memory_space<vmem>>) attributes {dimension_semantics = [#tpu.dimension_semantics<arbitrary>], iteration_bounds = array<i64: 40>, scalar_prefetch = 0 : i64, scratch_operands = 0 : i64, tpu.core_type = #tpu.core_type<tc>, window_params = [{transform_indices = @transform_0, window_bounds = array<i64: 256, 128>}, {pipeline_mode = #tpu.pipeline_mode<synchronous>, transform_indices = @transform_1, window_bounds = array<i64: 128, 256>}, {pipeline_mode = #tpu.pipeline_mode<synchronous>, transform_indices = @transform_2, window_bounds = array<i64: 2, 128>}, {pipeline_mode = #tpu.pipeline_mode<synchronous>, transform_indices = @transform_3, window_bounds = array<i64: 2, 128>}, {transform_indices = @transform_4, window_bounds = array<i64: 2, 256, 128>}, {transform_indices = @transform_5, window_bounds = array<i64: 2, 256>}, {transform_indices = @transform_6, window_bounds = array<i64: 2, 256>}]} {
    %get3A = arith.constant 0 : index
    %get3A_0 = arith.constant 0 : index
    %get3A_1 = vector.load %arg1[%get3A, %get3A_0] : memref<256x128xf32, #tpu.memory_space<vmem>>, vector<256x128xf32>
    %get3A_2 = arith.constant 0 : index
    %get3A_3 = arith.constant 0 : index
    %get3A_4 = vector.load %arg2[%get3A_2, %get3A_3] : memref<128x256xf32, #tpu.memory_space<vmem>>, vector<128x256xf32>
    %dot_general3A = arith.constant dense<0.000000e+00> : vector<256x256xf32>
    %dot_general3A_5 = tpu.matmul %get3A_1, %get3A_4, %dot_general3A {dimension_numbers = #tpu.dot_dimension_numbers<[1], [0], [0], [1], [0, 0, 1, 1], [], []>, transpose_lhs_hint = false} : vector<256x128xf32>, vector<128x256xf32>, vector<256x256xf32> -> vector<256x256xf32>
    %reshape3A = vector.shape_cast %dot_general3A_5 : vector<256x256xf32> to vector<256x2x128xf32>
    %transpose3A = tpu.transpose %reshape3A, [1, 0, 2] : vector<256x2x128xf32> -> vector<2x256x128xf32>
    %get3A_6 = arith.constant 0 : index
    %get3A_7 = arith.constant 0 : index
    %get3A_8 = vector.load %arg3[%get3A_6, %get3A_7] : memref<2x128xf32, #tpu.memory_space<vmem>>, vector<2x128xf32>
    %broadcast_in_dim3A = vector.shape_cast %get3A_8 : vector<2x128xf32> to vector<2x1x128xf32>
    %mul3A = vector.broadcast %broadcast_in_dim3A : vector<2x1x128xf32> to vector<2x256x128xf32>
    %mul3A_9 = arith.mulf %transpose3A, %mul3A : vector<2x256x128xf32>
    %reduce_sum3A = arith.constant dense<0.000000e+00> : vector<2x256xf32>
    %reduce_sum3A_10 = vector.multi_reduction <add>, %mul3A_9, %reduce_sum3A [2] : vector<2x256x128xf32> to vector<2x256xf32>
    %swap3A = arith.constant 0 : index
    %swap3A_11 = arith.constant 0 : index
    %swap3A_12 = vector.load %arg6[%swap3A, %swap3A_11] : memref<2x256xf32, #tpu.memory_space<vmem>>, vector<2x256xf32>
    tpu.vector_store %arg6[%swap3A, %swap3A_11], %reduce_sum3A_10 {strides = array<i32>} : memref<2x256xf32, #tpu.memory_space<vmem>>, vector<2x256xf32>,
    %get3A_13 = arith.constant 0 : index
    %get3A_14 = arith.constant 0 : index
    %get3A_15 = vector.load %arg4[%get3A_13, %get3A_14] : memref<2x128xf32, #tpu.memory_space<vmem>>, vector<2x128xf32>
    %broadcast_in_dim3A_16 = vector.shape_cast %get3A_15 : vector<2x128xf32> to vector<2x1x128xf32>
    %mul3A_17 = vector.broadcast %broadcast_in_dim3A_16 : vector<2x1x128xf32> to vector<2x256x128xf32>
    %mul3A_18 = arith.mulf %transpose3A, %mul3A_17 : vector<2x256x128xf32>
    %reduce_sum3A_19 = arith.constant dense<0.000000e+00> : vector<2x256xf32>
    %reduce_sum3A_20 = vector.multi_reduction <add>, %mul3A_18, %reduce_sum3A_19 [2] : vector<2x256x128xf32> to vector<2x256xf32>
    %swap3A_21 = arith.constant 0 : index
    %swap3A_22 = arith.constant 0 : index
    %swap3A_23 = vector.load %arg7[%swap3A_21, %swap3A_22] : memref<2x256xf32, #tpu.memory_space<vmem>>, vector<2x256xf32>
    tpu.vector_store %arg7[%swap3A_21, %swap3A_22], %reduce_sum3A_20 {strides = array<i32>} : memref<2x256xf32, #tpu.memory_space<vmem>>, vector<2x256xf32>,
    %swap3A_24 = arith.constant 0 : index
    %swap3A_25 = arith.constant 0 : index
    %swap3A_26 = arith.constant 0 : index
    %swap3A_27 = vector.load %arg5[%swap3A_24, %swap3A_25, %swap3A_26] : memref<2x256x128xf32, #tpu.memory_space<vmem>>, vector<2x256x128xf32>
    tpu.vector_store %arg5[%swap3A_24, %swap3A_25, %swap3A_26], %transpose3A {strides = array<i32>} : memref<2x256x128xf32, #tpu.memory_space<vmem>>, vector<2x256x128xf32>,
    return
  }
  func.func @transform_0(%arg0: i32) -> (i32, i32) {
    %c0_i32 = arith.constant 0 : i32
    %c0_i32_0 = arith.constant 0 : i32
    return %arg0, %c0_i32 : i32, i32
  }
  func.func @transform_1(%arg0: i32) -> (i32, i32) {
    %c0_i32 = arith.constant 0 : i32
    %c0_i32_0 = arith.constant 0 : i32
    %c0_i32_1 = arith.constant 0 : i32
    return %c0_i32, %c0_i32_0 : i32, i32
  }
  func.func @transform_2(%arg0: i32) -> (i32, i32) {
    %c0_i32 = arith.constant 0 : i32
    %c0_i32_0 = arith.constant 0 : i32
    %c0_i32_1 = arith.constant 0 : i32
    return %c0_i32, %c0_i32_0 : i32, i32
  }
  func.func @transform_3(%arg0: i32) -> (i32, i32) {
    %c0_i32 = arith.constant 0 : i32
    %c0_i32_0 = arith.constant 0 : i32
    %c0_i32_1 = arith.constant 0 : i32
    return %c0_i32, %c0_i32_0 : i32, i32
  }
  func.func @transform_4(%arg0: i32) -> (i32, i32, i32) {
    %c0_i32 = arith.constant 0 : i32
    %c0_i32_0 = arith.constant 0 : i32
    %c0_i32_1 = arith.constant 0 : i32
    return %c0_i32, %arg0, %c0_i32_0 : i32, i32, i32
  }
  func.func @transform_5(%arg0: i32) -> (i32, i32) {
    %c0_i32 = arith.constant 0 : i32
    %c0_i32_0 = arith.constant 0 : i32
    return %c0_i32, %arg0 : i32, i32
  }
  func.func @transform_6(%arg0: i32) -> (i32, i32) {
    %c0_i32 = arith.constant 0 : i32
    %c0_i32_0 = arith.constant 0 : i32
    return %c0_i32, %arg0 : i32, i32
  }
}

module attributes {stable_mosaic.version = 14 : i64} {
  func.func @body(%arg0: i32, %arg1: memref<2x256x128xf32, #tpu.memory_space<vmem>>, %arg2: memref<2x256xf32, #tpu.memory_space<vmem>>, %arg3: memref<64xf32, #tpu.memory_space<vmem>>, %arg4: memref<256x64xf32, #tpu.memory_space<vmem>>) attributes {dimension_semantics = [#tpu.dimension_semantics<arbitrary>], iteration_bounds = array<i64: 40>, scalar_prefetch = 0 : i64, scratch_operands = 0 : i64, tpu.core_type = #tpu.core_type<tc>, window_params = [{transform_indices = @transform_0, window_bounds = array<i64: 2, 256, 128>}, {transform_indices = @transform_1, window_bounds = array<i64: 2, 256>}, {pipeline_mode = #tpu.pipeline_mode<synchronous>, transform_indices = @transform_2, window_bounds = array<i64: 64>}, {transform_indices = @transform_3, window_bounds = array<i64: 256, 64>}]} {
    %get3A = arith.constant 0 : index
    %get3A_0 = arith.constant 0 : index
    %get3A_1 = arith.constant 0 : index
    %get3A_2 = vector.load %arg1[%get3A, %get3A_0, %get3A_1] : memref<2x256x128xf32, #tpu.memory_space<vmem>>, vector<1x256x64xf32>
    %get3A_3 = vector.shape_cast %get3A_2 : vector<1x256x64xf32> to vector<256x64xf32>
    %get3A_4 = arith.constant 1 : index
    %get3A_5 = arith.constant 0 : index
    %get3A_6 = arith.constant 0 : index
    %get3A_7 = vector.load %arg1[%get3A_4, %get3A_5, %get3A_6] : memref<2x256x128xf32, #tpu.memory_space<vmem>>, vector<1x256x64xf32>
    %get3A_8 = vector.shape_cast %get3A_7 : vector<1x256x64xf32> to vector<256x64xf32>
    %add3A = arith.addf %get3A_3, %get3A_8 : vector<256x64xf32>
    %get3A_9 = arith.constant 0 : index
    %get3A_10 = arith.constant 0 : index
    %get3A_11 = vector.load %arg2[%get3A_9, %get3A_10] : memref<2x256xf32, #tpu.memory_space<vmem>>, vector<1x256xf32>
    %get3A_12 = vector.shape_cast %get3A_11 : vector<1x256xf32> to vector<256xf32>
    %get3A_13 = arith.constant 1 : index
    %get3A_14 = arith.constant 0 : index
    %get3A_15 = vector.load %arg2[%get3A_13, %get3A_14] : memref<2x256xf32, #tpu.memory_space<vmem>>, vector<1x256xf32>
    %get3A_16 = vector.shape_cast %get3A_15 : vector<1x256xf32> to vector<256xf32>
    %add3A_17 = arith.addf %get3A_12, %get3A_16 : vector<256xf32>
    %broadcast_in_dim3A = vector.shape_cast %add3A_17 : vector<256xf32> to vector<256x1xf32>
    %add3A_18 = arith.constant 9.99999971E-10 : f32
    %add3A_19 = vector.broadcast %add3A_18 : f32 to vector<256x1xf32>
    %add3A_20 = arith.addf %broadcast_in_dim3A, %add3A_19 : vector<256x1xf32>
    %div3A = vector.broadcast %add3A_20 : vector<256x1xf32> to vector<256x64xf32>
    %div3A_21 = arith.divf %add3A, %div3A : vector<256x64xf32>
    %get3A_22 = arith.constant 0 : index
    %get3A_23 = vector.load %arg3[%get3A_22] : memref<64xf32, #tpu.memory_space<vmem>>, vector<64xf32>
    %broadcast_in_dim3A_24 = vector.shape_cast %get3A_23 : vector<64xf32> to vector<1x64xf32>
    %add3A_25 = vector.broadcast %broadcast_in_dim3A_24 : vector<1x64xf32> to vector<256x64xf32>
    %add3A_26 = arith.addf %div3A_21, %add3A_25 : vector<256x64xf32>
    %gt3A = arith.constant 0.000000e+00 : f32
    %gt3A_27 = vector.broadcast %gt3A : f32 to vector<256x64xf32>
    %gt3A_28 = arith.cmpf ogt, %add3A_26, %gt3A_27 : vector<256x64xf32>
    %exp3A = math.exp %add3A_26 : vector<256x64xf32>
    %sub3A = arith.constant 1.000000e+00 : f32
    %sub3A_29 = vector.broadcast %sub3A : f32 to vector<256x64xf32>
    %sub3A_30 = arith.subf %exp3A, %sub3A_29 : vector<256x64xf32>
    %select_n3A = arith.select %gt3A_28, %add3A_26, %sub3A_30 : vector<256x64xi1>, vector<256x64xf32>
    %swap3A = arith.constant 0 : index
    %swap3A_31 = arith.constant 0 : index
    %swap3A_32 = vector.load %arg4[%swap3A, %swap3A_31] : memref<256x64xf32, #tpu.memory_space<vmem>>, vector<256x64xf32>
    tpu.vector_store %arg4[%swap3A, %swap3A_31], %select_n3A {strides = array<i32>} : memref<256x64xf32, #tpu.memory_space<vmem>>, vector<256x64xf32>,
    return
  }
  func.func @transform_0(%arg0: i32) -> (i32, i32, i32) {
    %c0_i32 = arith.constant 0 : i32
    %c0_i32_0 = arith.constant 0 : i32
    %c0_i32_1 = arith.constant 0 : i32
    return %c0_i32, %arg0, %c0_i32_0 : i32, i32, i32
  }
  func.func @transform_1(%arg0: i32) -> (i32, i32) {
    %c0_i32 = arith.constant 0 : i32
    %c0_i32_0 = arith.constant 0 : i32
    return %c0_i32, %arg0 : i32, i32
  }
  func.func @transform_2(%arg0: i32) -> i32 {
    %c0_i32 = arith.constant 0 : i32
    %c0_i32_0 = arith.constant 0 : i32
    return %c0_i32 : i32
  }
  func.func @transform_3(%arg0: i32) -> (i32, i32) {
    %c0_i32 = arith.constant 0 : i32
    %c0_i32_0 = arith.constant 0 : i32
    return %arg0, %c0_i32 : i32, i32
  }
}

module attributes {stable_mosaic.version = 14 : i64} {
  func.func @body(%arg0: i32, %arg1: memref<2x256x128xf32, #tpu.memory_space<vmem>>, %arg2: memref<2x256xf32, #tpu.memory_space<vmem>>, %arg3: memref<2x128xf32, #tpu.memory_space<vmem>>, %arg4: memref<256x64xf32, #tpu.memory_space<vmem>>, %arg5: memref<1x64xf32, #tpu.memory_space<vmem>>, %arg6: memref<1x64xf32, #tpu.memory_space<vmem>>, %arg7: memref<256x128xf32, #tpu.memory_space<vmem>>, %arg8: memref<256xf32, #tpu.memory_space<vmem>>, %arg9: memref<256xf32, #tpu.memory_space<vmem>>) attributes {dimension_semantics = [#tpu.dimension_semantics<arbitrary>], iteration_bounds = array<i64: 40>, scalar_prefetch = 0 : i64, scratch_operands = 0 : i64, tpu.core_type = #tpu.core_type<tc>, window_params = [{transform_indices = @transform_0, window_bounds = array<i64: 2, 256, 128>}, {transform_indices = @transform_1, window_bounds = array<i64: 2, 256>}, {pipeline_mode = #tpu.pipeline_mode<synchronous>, transform_indices = @transform_2, window_bounds = array<i64: 2, 128>}, {pipeline_mode = #tpu.pipeline_mode<synchronous>, transform_indices = @transform_3, window_bounds = array<i64: 256, 64>}, {pipeline_mode = #tpu.pipeline_mode<synchronous>, transform_indices = @transform_4, window_bounds = array<i64: 1, 64>}, {pipeline_mode = #tpu.pipeline_mode<synchronous>, transform_indices = @transform_5, window_bounds = array<i64: 1, 64>}, {transform_indices = @transform_6, window_bounds = array<i64: 256, 128>}, {transform_indices = @transform_7, window_bounds = array<i64: 256>}, {transform_indices = @transform_8, window_bounds = array<i64: 256>}]} {
    %get3A = arith.constant 0 : index
    %get3A_0 = arith.constant 0 : index
    %get3A_1 = vector.load %arg2[%get3A, %get3A_0] : memref<2x256xf32, #tpu.memory_space<vmem>>, vector<2x256xf32>
    %get3A_2 = arith.constant 0 : index
    %get3A_3 = arith.constant 0 : index
    %get3A_4 = arith.constant 0 : index
    %get3A_5 = vector.load %arg1[%get3A_2, %get3A_3, %get3A_4] : memref<2x256x128xf32, #tpu.memory_space<vmem>>, vector<2x256x128xf32>
    %broadcast_in_dim3A = vector.shape_cast %get3A_1 : vector<2x256xf32> to vector<2x256x1xf32>
    %add3A = arith.constant 9.99999971E-10 : f32
    %add3A_6 = vector.broadcast %add3A : f32 to vector<2x256x1xf32>
    %add3A_7 = arith.addf %broadcast_in_dim3A, %add3A_6 : vector<2x256x1xf32>
    %div3A = vector.broadcast %add3A_7 : vector<2x256x1xf32> to vector<2x256x128xf32>
    %div3A_8 = arith.divf %get3A_5, %div3A : vector<2x256x128xf32>
    %get3A_9 = arith.constant 0 : index
    %get3A_10 = arith.constant 0 : index
    %get3A_11 = vector.load %arg3[%get3A_9, %get3A_10] : memref<2x128xf32, #tpu.memory_space<vmem>>, vector<2x128xf32>
    %broadcast_in_dim3A_12 = vector.shape_cast %get3A_11 : vector<2x128xf32> to vector<2x1x128xf32>
    %add3A_13 = vector.broadcast %broadcast_in_dim3A_12 : vector<2x1x128xf32> to vector<2x256x128xf32>
    %add3A_14 = arith.addf %div3A_8, %add3A_13 : vector<2x256x128xf32>
    %gt3A = arith.constant 0.000000e+00 : f32
    %gt3A_15 = vector.broadcast %gt3A : f32 to vector<2x256x128xf32>
    %gt3A_16 = arith.cmpf ogt, %add3A_14, %gt3A_15 : vector<2x256x128xf32>
    %exp3A = math.exp %add3A_14 : vector<2x256x128xf32>
    %sub3A = arith.constant 1.000000e+00 : f32
    %sub3A_17 = vector.broadcast %sub3A : f32 to vector<2x256x128xf32>
    %sub3A_18 = arith.subf %exp3A, %sub3A_17 : vector<2x256x128xf32>
    %select_n3A = arith.select %gt3A_16, %add3A_14, %sub3A_18 : vector<2x256x128xi1>, vector<2x256x128xf32>
    %transpose3A = tpu.transpose %select_n3A, [1, 0, 2] : vector<2x256x128xf32> -> vector<256x2x128xf32>
    %reshape3A = vector.shape_cast %transpose3A : vector<256x2x128xf32> to vector<256x256xf32>
    %get3A_19 = arith.constant 0 : index
    %get3A_20 = arith.constant 0 : index
    %get3A_21 = vector.load %arg4[%get3A_19, %get3A_20] : memref<256x64xf32, #tpu.memory_space<vmem>>, vector<256x64xf32>
    %dot_general3A = arith.constant dense<0.000000e+00> : vector<256x64xf32>
    %dot_general3A_22 = tpu.matmul %reshape3A, %get3A_21, %dot_general3A {dimension_numbers = #tpu.dot_dimension_numbers<[1], [0], [0], [1], [0, 0, 1, 1], [], []>, transpose_lhs_hint = false} : vector<256x256xf32>, vector<256x64xf32>, vector<256x64xf32> -> vector<256x64xf32>
    %get3A_23 = arith.constant 0 : index
    %get3A_24 = arith.constant 0 : index
    %get3A_25 = vector.load %arg5[%get3A_23, %get3A_24] : memref<1x64xf32, #tpu.memory_space<vmem>>, vector<1x64xf32>
    %mul3A = vector.broadcast %get3A_25 : vector<1x64xf32> to vector<256x64xf32>
    %mul3A_26 = arith.mulf %dot_general3A_22, %mul3A : vector<256x64xf32>
    %reduce_sum3A = arith.constant dense<0.000000e+00> : vector<256xf32>
    %reduce_sum3A_27 = vector.multi_reduction <add>, %mul3A_26, %reduce_sum3A [1] : vector<256x64xf32> to vector<256xf32>
    %swap3A = arith.constant 0 : index
    %swap3A_28 = vector.load %arg8[%swap3A] : memref<256xf32, #tpu.memory_space<vmem>>, vector<256xf32>
    tpu.vector_store %arg8[%swap3A], %reduce_sum3A_27 {strides = array<i32>} : memref<256xf32, #tpu.memory_space<vmem>>, vector<256xf32>,
    %get3A_29 = arith.constant 0 : index
    %get3A_30 = arith.constant 0 : index
    %get3A_31 = vector.load %arg6[%get3A_29, %get3A_30] : memref<1x64xf32, #tpu.memory_space<vmem>>, vector<1x64xf32>
    %mul3A_32 = vector.broadcast %get3A_31 : vector<1x64xf32> to vector<256x64xf32>
    %mul3A_33 = arith.mulf %dot_general3A_22, %mul3A_32 : vector<256x64xf32>
    %reduce_sum3A_34 = arith.constant dense<0.000000e+00> : vector<256xf32>
    %reduce_sum3A_35 = vector.multi_reduction <add>, %mul3A_33, %reduce_sum3A_34 [1] : vector<256x64xf32> to vector<256xf32>
    %swap3A_36 = arith.constant 0 : index
    %swap3A_37 = vector.load %arg9[%swap3A_36] : memref<256xf32, #tpu.memory_space<vmem>>, vector<256xf32>
    tpu.vector_store %arg9[%swap3A_36], %reduce_sum3A_35 {strides = array<i32>} : memref<256xf32, #tpu.memory_space<vmem>>, vector<256xf32>,
    %broadcast_in_dim3A_38 = arith.constant 0.000000e+00 : f32
    %broadcast_in_dim3A_39 = vector.broadcast %broadcast_in_dim3A_38 : f32 to vector<256x64xf32>
    %concatenate3A = tpu.concatenate %dot_general3A_22, %broadcast_in_dim3A_39 in 1 : vector<256x64xf32>, vector<256x64xf32> -> vector<256x128xf32>
    %swap3A_40 = arith.constant 0 : index
    %swap3A_41 = arith.constant 0 : index
    %swap3A_42 = vector.load %arg7[%swap3A_40, %swap3A_41] : memref<256x128xf32, #tpu.memory_space<vmem>>, vector<256x128xf32>
    tpu.vector_store %arg7[%swap3A_40, %swap3A_41], %concatenate3A {strides = array<i32>} : memref<256x128xf32, #tpu.memory_space<vmem>>, vector<256x128xf32>,
    return
  }
  func.func @transform_0(%arg0: i32) -> (i32, i32, i32) {
    %c0_i32 = arith.constant 0 : i32
    %c0_i32_0 = arith.constant 0 : i32
    %c0_i32_1 = arith.constant 0 : i32
    return %c0_i32, %arg0, %c0_i32_0 : i32, i32, i32
  }
  func.func @transform_1(%arg0: i32) -> (i32, i32) {
    %c0_i32 = arith.constant 0 : i32
    %c0_i32_0 = arith.constant 0 : i32
    return %c0_i32, %arg0 : i32, i32
  }
  func.func @transform_2(%arg0: i32) -> (i32, i32) {
    %c0_i32 = arith.constant 0 : i32
    %c0_i32_0 = arith.constant 0 : i32
    %c0_i32_1 = arith.constant 0 : i32
    return %c0_i32, %c0_i32_0 : i32, i32
  }
  func.func @transform_3(%arg0: i32) -> (i32, i32) {
    %c0_i32 = arith.constant 0 : i32
    %c0_i32_0 = arith.constant 0 : i32
    %c0_i32_1 = arith.constant 0 : i32
    return %c0_i32, %c0_i32_0 : i32, i32
  }
  func.func @transform_4(%arg0: i32) -> (i32, i32) {
    %c0_i32 = arith.constant 0 : i32
    %c0_i32_0 = arith.constant 0 : i32
    %c0_i32_1 = arith.constant 0 : i32
    return %c0_i32, %c0_i32_0 : i32, i32
  }
  func.func @transform_5(%arg0: i32) -> (i32, i32) {
    %c0_i32 = arith.constant 0 : i32
    %c0_i32_0 = arith.constant 0 : i32
    %c0_i32_1 = arith.constant 0 : i32
    return %c0_i32, %c0_i32_0 : i32, i32
  }
  func.func @transform_6(%arg0: i32) -> (i32, i32) {
    %c0_i32 = arith.constant 0 : i32
    %c0_i32_0 = arith.constant 0 : i32
    return %arg0, %c0_i32 : i32, i32
  }
  func.func @transform_7(%arg0: i32) -> i32 {
    %c0_i32 = arith.constant 0 : i32
    return %arg0 : i32
  }
  func.func @transform_8(%arg0: i32) -> i32 {
    %c0_i32 = arith.constant 0 : i32
    return %arg0 : i32
  }
}

</mosaic_0001>

<sc_bundles>
// kernel: kernel.12.cloned.1.call-start
scs
__scs_entry_jumppad:
0x0: {  	(pc) =	sbr.rel $0x88, $3  }
0x1: {  	(tag) =	ssettag $0x0;
	lr =	simm.s32 $0x1  }
0x2: {  	[smem:$0x3F97] =	sst lr;
	_ =	strace $0xD0000000  }
0x3: {  	_ = 	snop  }
0x4: {  	_ = 	snop  }
0x5: {  	_ = 	snop  }
0x6: {  	_ = 	snop  }
0x7: {  	_ = 	snop  }
__scs_overlays_trampoline_lowered:
0x8: {  	[smem:$0x3FA6] =	sst s0  }
0x9: {  	[smem:$0x3FA7] =	sst s1  }
0xa: {  	[smem:$0x3FA8] =	sst s2  }
0xb: {  	[smem:$0x3FA9] =	sst s3  }
0xc: {  	[smem:$0x3FAA] =	sst s4  }
0xd: {  	[smem:$0x3FAB] =	sst s5  }
0xe: {  	[smem:$0x3FAC] =	sst s6  }
0xf: {  	[smem:$0x3FAD] =	sst s7  }
0x10: {  	[smem:$0x3FAE] =	sst s8  }
0x11: {  	[smem:$0x3FAF] =	sst s9;
	s0 =	simm.s32 @!p0 $0x0  }
0x12: {  	s1 =	sld [smem:$0x3F95];
	s0 =	simm.s32 @p0 $0x1  }
0x13: {  	[smem:$0x3FB0] =	sst s0;
	s0 =	simm.s32 @!p1 $0x0  }
0x14: {  	s2 =	sld [smem:$0x3F94];
	s0 =	simm.s32 @p1 $0x1  }
0x15: {  	[smem:$0x3FB1] =	sst s0;
	s0 =	simm.s32 @!p2 $0x0  }
0x16: {  	s3 =	sld [smem:$0x3FDB];
	s0 =	simm.s32 @p2 $0x1  }
0x17: {  	s4 =	simm.s32 $0x1BF5;
	[smem:$0x3FB3] =	sst s0  }
0x18: {  	s0 =	sld [smem:$0x3F96];
	_ =	swait.ge [sflag:s4], $0x0  }
0x19: {  	s7 =	sld [smem:$0x3F97]  }
0x1a: {  	s8 =	sadd.s32 $0xFFFFE003, lr  }
0x1b: {  	s9 =	sadd.s32 $0xFFFFFEF7, lr;
	s5 =	simm.s32 $0xFFFFFFFF;
	p2 =	slt.u32 s8, $0xFFFFF086  }
0x1c: {  	p1 =	slt.u32 s9, $0xF7A;
	s5 =	simm.s32 @!p2 $0x0  }
0x1d: {  	s5 =	simm.s32 @p1 $0x1;
	p0 =	seq.s32 s7, s2  }
0x1e: {  	s7 =	smul.u32 @!p0 $0xF7A, s2;
	p2 =	seq.s32 @!p0 s5, $0x0  }
0x1f: {  	s9 =	smul.u32 $0xF7A, s1;
	s8 =	simm.s32 @!p0 $0x1BF5;
	p2 =	por !p2, p0  }
0x20: {  	[sflag:s8] =	ssyncset.s32 @!p0 $0xFFFFF086;
	s6 =	sadd.s32 @!p0 s3, s7;
	s7 =	simm.s32 @!p0 $0x108  }
0x21: {  	s3 =	sadd.s32 s3, s9;
	s6 =	sadd.s32 @!p0 $0x88, s6;
	s7 =	simm.s32 @p2 $0x1082  }
0x22: {  	[simem:s7], [sflag:s8] =	dma.local @!p0 [hbm:s6], $0xF7A  }
0x23: {  	s9 =	sor.u32 $0xD0000000, s2;
	s6 =	simm.s32 $0x108;
	_ =	swait.ge @!p0 [sflag:s8], $0x0  }
0x24: {  	s3 =	sadd.s32 $0x88, s3;
	s6 =	simm.s32 @!p1 $0x1082;
	[sflag:s4] =	ssyncset.s32 $0xFFFFF086  }
0x25: {  	[simem:s6], [sflag:s4] =	dma.local [hbm:s3], $0xF7A  }
0x26: {  	[smem:$0x3F97] =	sst s1;
	(tag) =	ssettag s2;
	_ =	strace s9  }
0x27: {  	s1 =	sld [smem:$0x3FA7]  }
0x28: {  	s2 =	sld [smem:$0x3FA8]  }
0x29: {  	s4 =	sld [smem:$0x3FAA]  }
0x2a: {  	p0 =	seq.s32 s5, $0x0;
	s5 =	sld [smem:$0x3FAB]  }
0x2b: {  	s6 =	sld [smem:$0x3FAC]  }
0x2c: {  	s7 =	sld [smem:$0x3FAD]  }
0x2d: {  	s3 =	simm.s32 $0x108;
	s8 =	sld [smem:$0x3FAE]  }
0x2e: {  	s3 =	simm.s32 @!p0 $0x1082;
	s9 =	sld [smem:$0x3FAF]  }
0x2f: {  	lr =	sadd.s32 s0, s3;
	s0 =	sld [smem:$0x3FA6]  }
0x30: {  	s3 =	sld [smem:$0x3FA9]  }
0x31: {  	[smem:$0x3FB2] =	sst s10  }
0x32: {  	s10 =	sld [smem:$0x3FB0];
	_ =	sdelay $0x3  }
0x33: {  	p0 =	seq.s32 s10, $0x1;
	s10 =	sld [smem:$0x3FB2];
	_ =	sdelay $0x3  }
0x34: {  	[smem:$0x3FB2] =	sst s10  }
0x35: {  	s10 =	sld [smem:$0x3FB1];
	_ =	sdelay $0x3  }
0x36: {  	p1 =	seq.s32 s10, $0x1;
	s10 =	sld [smem:$0x3FB2];
	_ =	sdelay $0x3  }
0x37: {  	[smem:$0x3FB2] =	sst s10  }
0x38: {  	s10 =	sld [smem:$0x3FB3]  }
0x39: {  	_ = 	snop;
	(pc) =	sbr.ind lr, $3  }
0x3a: {  	_ = 	snop  }
0x3b: {  	_ = 	snop  }
0x3c: {  	p2 =	seq.s32 s10, $0x1;
	s10 =	sld [smem:$0x3FB2]  }
0x3d: {  	_ =	shalt  }
0x3e: {  	_ =	shalt  }
0x3f: {  	_ =	shalt  }
0x40: {  	_ =	shalt  }
0x41: {  	_ =	shalt  }
0x42: {  	_ =	shalt  }
0x43: {  	_ =	shalt  }
0x44: {  	_ =	shalt  }
0x45: {  	_ =	shalt  }
0x46: {  	_ =	shalt  }
0x47: {  	_ =	shalt  }
0x48: {  	_ =	shalt  }
0x49: {  	_ =	shalt  }
0x4a: {  	_ =	shalt  }
0x4b: {  	_ =	shalt  }
0x4c: {  	_ =	shalt  }
0x4d: {  	_ =	shalt  }
0x4e: {  	_ =	shalt  }
0x4f: {  	_ =	shalt  }
0x50: {  	_ =	shalt  }
0x51: {  	_ =	shalt  }
0x52: {  	_ =	shalt  }
0x53: {  	_ =	shalt  }
0x54: {  	_ =	shalt  }
0x55: {  	_ =	shalt  }
0x56: {  	_ =	shalt  }
0x57: {  	_ =	shalt  }
0x58: {  	_ =	shalt  }
0x59: {  	_ =	shalt  }
0x5a: {  	_ =	shalt  }
0x5b: {  	_ =	shalt  }
0x5c: {  	_ =	shalt  }
0x5d: {  	_ =	shalt  }
0x5e: {  	_ =	shalt  }
0x5f: {  	_ =	shalt  }
0x60: {  	_ =	shalt  }
0x61: {  	_ =	shalt  }
0x62: {  	_ =	shalt  }
0x63: {  	_ =	shalt  }
0x64: {  	_ =	shalt  }
0x65: {  	_ =	shalt  }
0x66: {  	_ =	shalt  }
0x67: {  	_ =	shalt  }
0x68: {  	_ =	shalt  }
0x69: {  	_ =	shalt  }
0x6a: {  	_ =	shalt  }
0x6b: {  	_ =	shalt  }
0x6c: {  	_ =	shalt  }
0x6d: {  	_ =	shalt  }
0x6e: {  	_ =	shalt  }
0x6f: {  	_ =	shalt  }
0x70: {  	_ =	shalt  }
0x71: {  	_ =	shalt  }
0x72: {  	_ =	shalt  }
0x73: {  	_ =	shalt  }
0x74: {  	_ =	shalt  }
0x75: {  	_ =	shalt  }
0x76: {  	_ =	shalt  }
0x77: {  	_ =	shalt  }
0x78: {  	_ =	shalt  }
0x79: {  	_ =	shalt  }
0x7a: {  	_ =	shalt  }
0x7b: {  	_ =	shalt  }
0x7c: {  	_ =	shalt  }
0x7d: {  	_ =	shalt  }
0x7e: {  	_ =	shalt  }
0x7f: {  	_ =	shalt  }
0x80: {  	_ =	shalt  }
0x81: {  	_ =	shalt  }
0x82: {  	_ =	shalt  }
0x83: {  	_ =	shalt  }
0x84: {  	_ =	shalt  }
0x85: {  	_ =	shalt  }
0x86: {  	_ =	shalt  }
0x87: {  	_ =	shalt  }
.Lfunc_end0:
.L_simem_size_0:
called_computation.1_lowered:
.L_overlay_start_0:
0x88: {  	s2 =	sld [smem:$0x3FD9]  }
0x89: {  	s3 =	sld [smem:$0x3FFE];
	_ =	sdelay $0x1  }
0x8a: {  	s1 =	srdreg.scid  }
0x8b: {  	s0 =	sand.u32 $0x1, s1  }
0x8c: {  	s17 =	sshll.u32 s0, $0xA;
	s2 =	sadd.s32 s3, s2  }
0x8d: {  	s2 =	sadd.s32 s2, s17  }
0x8e: {  	[smem:$0x3FBE] =	sst s2  }
0x8f: {  	_ = 	snop  }
0x90: {  	s2 =	sld [smem:$0x3FD0];
	(tm) =	ssettm $0x1  }
0x91: {  	s18 =	sld [smem:$0x3FFB];
	_ =	sdelay $0x3  }
0x92: {  	_ =	strace s18  }
0x93: {  	s3 =	sld [smem:$0x3FFC];
	_ =	sdelay $0x3  }
0x94: {  	_ =	strace s3  }
0x95: {  	s3 =	sld [smem:$0x3FFD];
	_ =	sdelay $0x3  }
0x96: {  	_ =	strace s3  }
0x97: {  	_ =	strace $0x8FFFFFFF  }
0x98: {  	s19 =	sld [smem:$0x3FDB];
	_ =	sdelay $0x1  }
0x99: {  	s4 =	simm.s32 $_scs_section_size  }
0x9a: {  	s5 =	simm.s32 $_size__tile_overlayer_lowered;
	s6 =	simm.s32 $_tile_overlayer_lowered  }
0x9b: {  	s22 =	simm.s32 $0x1BFF;
	s21 =	sshll.u32 s6, $0x1;
	s3 =	sadd.s32 s4, s19  }
0x9c: {  	s7 =	simm.s32 $0x0;
	s20 =	sshll.u32 s5, $0x1;
	s5 =	sadd.s32 s21, s3  }
0x9d: {  	[timem:s7], [sflag:s22] =	dma.local [hbm:s5], s20  }
0x9e: {  	_ =	swait.ge [sflag:s22], s20  }
0x9f: {  	s4 =	ssub.s32 $0x0, s20;
	[sflag:s22] =	ssyncset.done $0x0  }
0xa0: {  	[sflag:s22] =	ssyncadd.s32 s4;
	_ =	sdelay $0x1  }
0xa1: {  	s23 =	simm.s32 $0x1B8B  }
0xa2: {  	_ =	swait.ge [sflag:s23], $0x1  }
0xa3: {  	[sflag:s23] =	ssyncset.done $0x0  }
0xa4: {  	s25 =	simm.s32 $0x1B8E;
	s24 =	sld [smem:$0x3FFE];
	[sflag:s23] =	ssyncadd.s32 $0xFFFFFFFF  }
0xa5: {  	s26 =	simm.s32 $execute0_lowered;
	[smem:$0x3FD2] =	sst s25  }
0xa6: {  	s5 =	sshll.u32 s26, $0x1;
	_ =	strace $0x80000049;
	[dreg:$0x1] =	wrdreg $0xFFFFFFFF  }
0xa7: {  	s28 =	simm.s32 $_size_execute0_lowered;
	s3 =	sadd.s32 s3, s5;
	[dreg:$0x0] =	wrdreg $0x0  }
0xa8: {  	s5 =	sshll.u32 s28, $0x1;
	[dreg:$0x2] =	wrdreg s3  }
0xa9: {  	[dreg:$0x3] =	wrdreg s5  }
0xaa: {  	[dreg:$0x4] =	wrdreg $0xC0  }
0xab: {  	_ =	task [dreg:s7], $0x5FFFF  }
0xac: {  	[dreg:$0x1] =	wrdreg $0xFFFFFFFF  }
0xad: {  	[dreg:$0x0] =	wrdreg $0x60  }
0xae: {  	[dreg:$0x2] =	wrdreg s24  }
0xaf: {  	[dreg:$0x3] =	wrdreg s2  }
0xb0: {  	[dreg:$0x4] =	wrdreg $0x98000  }
0xb1: {  	[dreg:$0x5] =	wrdreg $0x9  }
0xb2: {  	_ =	task.clear_ibuf [dreg:s7], $0x6FFFF;
	_ =	strace $0x90000049  }
0xb3: {  	s29 =	simm.s32 $0x9;
	_ =	strace $0x8000004B  }
0xb4: {  	_ =	swait.ge [sflag:s29], $0x1  }
0xb5: {  	[sflag:s29] =	ssyncadd.s32 $0xFFFFFFFF  }
0xb6: {  	_ =	strace $0x9000004B  }
0xb7: {  	_ =	sfence  }
0xb8: {  	s30 =	sld [smem:$0x0];
	_ =	sdelay $0x2  }
0xb9: {  	s31 =	sshll.u32 s1, $0xD;
	s1 =	sshrl.u32 s1, $0x2  }
0xba: {  	s3 =	sand.u32 $0x4000, s31;
	s1 =	sadd.s32 s1, s30  }
0xbb: {  	s0 =	sor.u32 s3, s0;
	s1 =	sshll.u32 s1, $0x11  }
0xbc: {  	s0 =	sor.u32 s1, s0  }
0xbd: {  	s0 =	sadd.s32 $0x8F2B, s0  }
0xbe: {  	[sflag:s0] =	ssyncadd.remote.s32 $0x1  }
0xbf: {  	_ =	sfence.sel $0xFFFF  }
0xc0: {  	[dreg:$0x0] =	wrdreg $0xFFFFFFFF;
	(pc) =	sbr.abs _section_cstart, $3  }
0xc1: {  	[dreg:$0x1] =	wrdreg $0xFFFFFFFF  }
0xc2: {  	_ =	task.clear_ibuf [dreg:s7], $0x2FFFF;
	_ =	strace $0x9FFFFFFF  }
0xc3: {  	(tm) =	ssettm $0x7FFFFFFF  }
tec
execute0_lowered:
.L_overlay_start_1:
0x0: {  	(tag) =	ssettag $0x1  }
0x1: {  	s0 =	rddreg [dreg:$0x0]  }
0x2: {  	s1 =	rddreg [dreg:$0x1]  }
0x3: {  	s2 =	rddreg [dreg:$0x2];
	s3 =	simm.s32 $0x0;
	s4 =	srdreg.scid  }
0x4: {  	s20 =	stileid.u32;
	s28 =	simm.s32 $0x1;
	s29 =	simm.s32 $0x2  }
0x5: {  	s30 =	simm.s32 $0x0;
	[smem:$0x7FF] =	sst s3;
	s11 =	smul.u32 $0x280, s20  }
0x6: {  	s4 =	sand.u32 $0x1, s4;
	s5 =	sadd.s32 $0x5F600, s0;
	s10 =	smul.u32 $0x50000, s20  }
0x7: {  	s6 =	sadd.s32 $0x73600, s0;
	s7 =	sadd.s32 $0x3800, s0;
	s8 =	smul.u32 $0x28000, s4  }
0x8: {  	_ =	strace $0x8000004A;
	s9 =	ssub.s32 $0x2, s4;
	s4 =	smul.u32 $0xA00, s4  }
0x9: {  	s22 =	sshrl.u32 s9, $0x1;
	s23 =	sshrl.u32 s10, $0x2;
	s16 =	sadd.s32 $0x80, s11  }
0xa: {  	s17 =	sadd.s32 $0x100, s11;
	s10 =	smul.u32 $0xA0, s20;
	s18 =	sadd.s32 $0x180, s11  }
0xb: {  	s19 =	sadd.s32 $0x200, s11;
	s0 =	sadd.s32 s8, s0;
	s15 =	ssub.s32 s9, s22  }
0xc: {  	s8 =	sadd.s32 s23, s2;
	s24 =	sshll.u32 s16, $0x7;
	s12 =	sshll.u32 s17, $0x7  }
0xd: {  	s25 =	sshll.u32 s18, $0x7;
	s13 =	sshll.u32 s19, $0x7;
	s21 =	sshll.u32 s17, $0x4  }
0xe: {  	s22 =	sshll.u32 s18, $0x4;
	s23 =	sshll.u32 s19, $0x4;
	s17 =	simm.s32 $0x3  }
0xf: {  	s9 =	sadd.s32 s24, s2;
	s24 =	sadd.s32 s12, s2;
	s26 =	sadd.s32 s13, s2  }
0x10: {  	s31 =	sadd.s32 s25, s2;
	s19 =	smax.u32 s15, $0x1;
	[dreg:$0x5] =	wrdreg s26  }
0x11: {  	s0 =	sadd.s32 $0x87600, s0;
	s13 =	sshll.u32 s16, $0x4;
	[dreg:$0x6] =	wrdreg s19  }
0x12: {  	s12 =	smul.u32 $0x2800, s20;
	s20 =	sadd.s32 s13, s0;
	[dreg:$0x4] =	wrdreg s31  }
0x13: {  	s18 =	simm.s32 $0x800;
	s25 =	sadd.s32 s21, s0;
	[dreg:$0x8] =	wrdreg s20  }
0x14: {  	s14 =	sadd.s32 s10, s4;
	s26 =	sadd.s32 s22, s0;
	[dreg:$0x9] =	wrdreg s25  }
0x15: {  	s16 =	simm.s32 $0x1800;
	s4 =	sadd.s32 s12, s0;
	[dreg:$0xa] =	wrdreg s26  }
0x16: {  	s19 =	simm.s32 $0x1000;
	s0 =	sadd.s32 s23, s0;
	[dreg:$0x7] =	wrdreg s4  }
0x17: {  	v0 =	vimm.f32 $0.0e+00;
	s25 =	simm.s32 $0x80;
	s26 =	simm.s32 $0x5800;
	[dreg:$0xb] =	wrdreg s0  }
.LBB2_1:
0x18: {  	s0 =	sand.u32 $0xFE00, s3  }
0x19: {  	s4 =	sand.u32 $0x70, s3;
	s15 =	sshrl.u32 s0, $0x2  }
0x1a: {  	s0 =	simm.s32 $0x40;
	s15 =	sor.u32 s4, s15;
	s4 =	simm.s32 $0x0  }
.LBB2_2:
0x1b: {  	p0 =	sne.s32 s0, $0xFFC0  }
0x1c: {  	[tilespmem:s15+$0x1800] =	vst v0;
	s4 =	sadd.s32 $0x10, s4;
	s15 =	smov.u32 s0;
	s0 =	sadd.s32 $0x40, s0  }
.Ltmp0:
0x1d: {  	(pc) =	sbr.rel @p0 .LBB2_2-.Ltmp0, $4  }
0x1e: {  	_ = 	snop  }
0x1f: {  	s15 =	sand.u32 $0xFE00, s15  }
0x20: {  	s20 =	sand.u32 $0x70, s4;
	s15 =	sshrl.u32 s15, $0x2  }
0x21: {  	s15 =	sor.u32 s20, s15  }
0x22: {  	[tilespmem:s15+$0x1800] =	vst v0  }
0x23: {  	[spmem:s8] =	stream.linear.scatter [tilespmem:s16], [sflag:$0x3], $0x4000, $0x38;
	[tilespmem:$0x1D800] =	vst v63  }
0x24: {  	_ =	swait.ge [sflag:s17], $0x4000  }
0x25: {  	[sflag:s17] =	ssyncset.done $0x0  }
0x26: {  	[sflag:s17] =	ssyncadd.s32 $0xFFFFC000  }
0x27: {  	[spmem:s9] =	stream.linear.scatter [tilespmem:s16], [sflag:$0x3], $0x4000, $0x38;
	[tilespmem:$0x1D800] =	vst v63  }
0x28: {  	_ =	swait.ge [sflag:s17], $0x4000  }
0x29: {  	[sflag:s17] =	ssyncset.done $0x0  }
0x2a: {  	[sflag:s17] =	ssyncadd.s32 $0xFFFFC000  }
0x2b: {  	[spmem:s24] =	stream.linear.scatter [tilespmem:s16], [sflag:$0x3], $0x4000, $0x38;
	[tilespmem:$0x1D800] =	vst v63  }
0x2c: {  	_ =	swait.ge [sflag:s17], $0x4000  }
0x2d: {  	[sflag:s17] =	ssyncset.done $0x0  }
0x2e: {  	[sflag:s17] =	ssyncadd.s32 $0xFFFFC000  }
0x2f: {  	[spmem:s31] =	stream.linear.scatter [tilespmem:s16], [sflag:$0x3], $0x4000, $0x38;
	[tilespmem:$0x1D800] =	vst v63  }
0x30: {  	_ =	swait.ge [sflag:s17], $0x4000  }
0x31: {  	[sflag:s17] =	ssyncset.done $0x0  }
0x32: {  	s0 =	rddreg [dreg:$0x5];
	[sflag:s17] =	ssyncadd.s32 $0xFFFFC000  }
0x33: {  	[spmem:s0] =	stream.linear.scatter [tilespmem:s16], [sflag:$0x3], $0x4000, $0x38;
	[tilespmem:$0x1D800] =	vst v63  }
0x34: {  	_ =	swait.ge [sflag:s17], $0x4000  }
0x35: {  	s11 =	smov.u32 s8;
	[sflag:s17] =	ssyncset.done $0x0  }
0x36: {  	s12 =	smov.u32 s9;
	s13 =	smov.u32 s24;
	[sflag:s17] =	ssyncadd.s32 $0xFFFFC000  }
0x37: {  	s31 =	simm.s32 $0x0;
	s0 =	simm.s32 $0x0;
	[bflag:$0x0] =	sbarrier.arrive $0xFFFF  }
.LBB2_4:
0x38: {  	s4 =	sshll.u32 s0, $0x4  }
0x39: {  	s15 =	sadd.s32 s4, s14  }
0x3a: {  	s15 =	sshll.u32 s15, $0x4  }
0x3b: {  	s20 =	sadd.s32 s5, s15  }
0x3c: {  	[tilespmem:s31], [sflag:$0x3] =	stream.linear.gather [hbm4b:s20+s31], $0x800, $0x38;
	[tilespmem:$0x1D800] =	vst v63  }
0x3d: {  	_ =	swait.ge [sflag:s17], $0x800  }
0x3e: {  	[sflag:s17] =	ssyncset.done $0x0  }
0x3f: {  	s15 =	sadd.s32 s6, s15;
	[sflag:s17] =	ssyncadd.s32 $0xFFFFF800  }
0x40: {  	[tilespmem:s18], [sflag:$0x3] =	stream.linear.gather [hbm4b:s15+s31], $0x800, $0x38;
	[tilespmem:$0x1D800] =	vst v63  }
0x41: {  	s4 =	sadd.s32 s10, s4;
	_ =	swait.ge [sflag:s17], $0x800  }
0x42: {  	s4 =	sshll.u32 s4, $0x4;
	[sflag:s17] =	ssyncset.done $0x0  }
0x43: {  	s4 =	sadd.s32 s1, s4;
	[sflag:s17] =	ssyncadd.s32 $0xFFFFF800  }
0x44: {  	[tilespmem:s19], [sflag:$0x3] =	stream.linear.gather [hbm4b:s4+s31], $0x800, $0x38;
	[tilespmem:$0x1D800] =	vst v63  }
0x45: {  	_ =	swait.ge [sflag:s17], $0x800  }
0x46: {  	[sflag:s17] =	ssyncset.done $0x0  }
0x47: {  	s4 =	simm.s32 $0x0;
	[sflag:s17] =	ssyncadd.s32 $0xFFFFF800  }
0x48: {  	[tilespmem:s16], [sflag:$0x1] =	stream.indirect.gather [hbm4b:s7+s25], $0x80, s18, s25, $0xb8;
	[tilespmem:$0x1D800] =	vst v63  }
.LBB2_5:
0x49: {  	s15 =	sshllo.u32 s4, $0x1  }
0x4a: {  	s15 =	sshll.u32 s15, $0x7  }
0x4b: {  	s20 =	sadd.s32 $0x800, s15  }
0x4c: {  	[tilespmem:s26], [sflag:$0x2] =	stream.indirect.gather [hbm4b:s7+s25], $0x80, s20, s25, $0xb8;
	[tilespmem:$0x1D800] =	vst v63  }
0x4d: {  	_ =	swait.ge [sflag:s28], $0x4000  }
0x4e: {  	s24 =	sshll.u32 s4, $0x8;
	[sflag:s28] =	ssyncset.done $0x0  }
0x4f: {  	v1 =	vmov s24;
	s20 =	simm.s32 $0x0;
	[sflag:s28] =	ssyncadd.s32 $0xFFFFC000  }
.LBB2_6:
0x50: {  	s21 =	sshll.u32 s20, $0x7  }
0x51: {  	s23 =	sand.u32 $0x3FFFFF80, s21  }
0x52: {  	v4 =	vld [tilespmem:s23+$0x1800]  }
0x53: {  	v5 =	vld [tilespmem:s23+$0x1810]  }
0x54: {  	v6 =	vld [tilespmem:s23+$0x1820]  }
0x55: {  	v7 =	vld [tilespmem:s23+$0x1830]  }
0x56: {  	v8 =	vld [tilespmem:s23+$0x1840]  }
0x57: {  	s22 =	sor.u32 $0x1, s20;
	v9 =	vld [tilespmem:s23+$0x1850]  }
0x58: {  	s8 =	sshll.u32 s22, $0x7;
	v10 =	vld [tilespmem:s23+$0x1860]  }
0x59: {  	v2 =	vmov s20;
	v11 =	vld [tilespmem:s23+$0x1870];
	s24 =	sand.u32 $0x3FFFFF80, s8  }
0x5a: {  	v2 =	vand.u32 $0x70, v2;
	v13 =	vld [tilespmem:s24+$0x1800]  }
0x5b: {  	v2 =	vor.u32 v1, v2;
	v14 =	vld [tilespmem:s24+$0x1810]  }
0x5c: {  	v2 =	vbroadcast v2, $0x0;
	v15 =	vld [tilespmem:s24+$0x1820]  }
0x5d: {  	v16 =	vld [tilespmem:s24+$0x1830]  }
0x5e: {  	v17 =	vld [tilespmem:s24+$0x1840]  }
0x5f: {  	v18 =	vld [tilespmem:s24+$0x1850]  }
0x60: {  	s9 =	sor.u32 $0x2, s20;
	v19 =	vld [tilespmem:s24+$0x1860]  }
0x61: {  	v3 =	vmov s22;
	s22 =	sshll.u32 s9, $0x7;
	v20 =	vld [tilespmem:s24+$0x1870]  }
0x62: {  	v3 =	vand.u32 $0x71, v3;
	s22 =	sand.u32 $0x3FFFFF80, s22;
	v2 =	vld.idx.msk [tilespmem:v2+s3+$0x0], $0xffff  }
0x63: {  	v3 =	vor.u32 v1, v3;
	v22 =	vld [tilespmem:s22+$0x1800]  }
0x64: {  	v23 =	vld [tilespmem:s22+$0x1810];
	v3 =	vbroadcast v3, $0x0  }
0x65: {  	v24 =	vld [tilespmem:s22+$0x1820]  }
0x66: {  	v25 =	vld [tilespmem:s22+$0x1830]  }
0x67: {  	v26 =	vld [tilespmem:s22+$0x1840];
	v4 =	vmul.f32 v4, v2  }
0x68: {  	v28 =	vld [tilespmem:s22+$0x1850];
	v5 =	vmul.f32 v5, v2  }
0x69: {  	v12 =	vmov s9;
	s8 =	sor.u32 $0x3, s20;
	v30 =	vld [tilespmem:s22+$0x1860];
	v63 =	vmul.f32 v6, v2;
	[tilespmem:s23+$0x1800] =	vst v4  }
0x6a: {  	v12 =	vand.u32 $0x72, v12;
	v21 =	vmov s8;
	s8 =	sshll.u32 s8, $0x7;
	v3 =	vld.idx.msk [tilespmem:v3+s3+$0x0], $0xffff;
	v27 =	vmul.f32 v7, v2;
	[tilespmem:s23+$0x1810] =	vst v5  }
0x6b: {  	v12 =	vor.u32 v1, v12;
	v32 =	vld [tilespmem:s22+$0x1870];
	s21 =	sand.u32 $0x3FFFFF80, s8;
	v29 =	vmul.f32 v8, v2;
	[tilespmem:s23+$0x1820] =	vst v63  }
0x6c: {  	v12 =	vbroadcast v12, $0x0;
	v36 =	vld [tilespmem:s21+$0x1800];
	v31 =	vmul.f32 v9, v2;
	[tilespmem:s23+$0x1830] =	vst v27  }
0x6d: {  	v21 =	vand.u32 $0x73, v21;
	v39 =	vld [tilespmem:s21+$0x1810];
	v33 =	vmul.f32 v10, v2;
	[tilespmem:s23+$0x1840] =	vst v29  }
0x6e: {  	v21 =	vor.u32 v1, v21;
	v40 =	vld [tilespmem:s21+$0x1820];
	v2 =	vmul.f32 v11, v2;
	[tilespmem:s23+$0x1850] =	vst v31  }
0x6f: {  	v42 =	vld [tilespmem:s21+$0x1830];
	v21 =	vbroadcast v21, $0x0;
	v38 =	vmul.f32 v13, v3;
	[tilespmem:s23+$0x1860] =	vst v33  }
0x70: {  	v43 =	vld [tilespmem:s21+$0x1840];
	[tilespmem:s23+$0x1870] =	vst v2;
	v2 =	vmul.f32 v14, v3  }
0x71: {  	s9 =	sor.u32 $0x4, s20;
	v45 =	vld [tilespmem:s21+$0x1850];
	v41 =	vmul.f32 v15, v3;
	[tilespmem:s24+$0x1800] =	vst v38  }
0x72: {  	v35 =	vmov s9;
	v12 =	vld.idx.msk [tilespmem:v12+s3+$0x0], $0xffff;
	[tilespmem:s24+$0x1810] =	vst v2;
	v2 =	vmul.f32 v16, v3  }
0x73: {  	v37 =	vand.u32 $0x74, v35;
	v46 =	vld [tilespmem:s21+$0x1860];
	v44 =	vmul.f32 v17, v3;
	[tilespmem:s24+$0x1820] =	vst v41  }
0x74: {  	v48 =	vld [tilespmem:s21+$0x1870];
	v11 =	vor.u32 v1, v37;
	s23 =	sshll.u32 s9, $0x7;
	[tilespmem:s24+$0x1830] =	vst v2;
	v2 =	vmul.f32 v18, v3  }
0x75: {  	v34 =	vld.idx.msk [tilespmem:v21+s3+$0x0], $0xffff;
	v11 =	vbroadcast v11, $0x0;
	v47 =	vmul.f32 v19, v3;
	[tilespmem:s24+$0x1840] =	vst v44;
	s23 =	sand.u32 $0x3FFFFF80, s23  }
0x76: {  	v51 =	vld [tilespmem:s23+$0x1800];
	[tilespmem:s24+$0x1850] =	vst v2;
	v2 =	vmul.f32 v20, v3  }
0x77: {  	v50 =	vmul.f32 v22, v12;
	[tilespmem:s24+$0x1860] =	vst v47;
	v52 =	vld [tilespmem:s23+$0x1810]  }
0x78: {  	v54 =	vld [tilespmem:s23+$0x1820];
	[tilespmem:s24+$0x1870] =	vst v2;
	v2 =	vmul.f32 v23, v12  }
0x79: {  	v53 =	vmul.f32 v24, v12;
	s9 =	sor.u32 $0x5, s20;
	[tilespmem:s22+$0x1800] =	vst v50;
	v55 =	vld [tilespmem:s23+$0x1830]  }
0x7a: {  	v49 =	vmov s9;
	v57 =	vld [tilespmem:s23+$0x1840];
	[tilespmem:s22+$0x1810] =	vst v2;
	v2 =	vmul.f32 v25, v12  }
0x7b: {  	v56 =	vmul.f32 v26, v12;
	[tilespmem:s22+$0x1820] =	vst v53;
	v3 =	vld.idx.msk [tilespmem:v11+s3+$0x0], $0xffff;
	v11 =	vand.u32 $0x75, v49  }
0x7c: {  	v58 =	vld [tilespmem:s23+$0x1850];
	v11 =	vor.u32 v1, v11;
	[tilespmem:s22+$0x1830] =	vst v2;
	v2 =	vmul.f32 v28, v12  }
0x7d: {  	v59 =	vmul.f32 v30, v12;
	[tilespmem:s22+$0x1840] =	vst v56;
	v60 =	vld [tilespmem:s23+$0x1860];
	v11 =	vbroadcast v11, $0x0;
	s24 =	sshll.u32 s9, $0x7  }
0x7e: {  	v61 =	vld [tilespmem:s23+$0x1870];
	s24 =	sand.u32 $0x3FFFFF80, s24;
	[tilespmem:s22+$0x1850] =	vst v2;
	v2 =	vmul.f32 v32, v12  }
0x7f: {  	[tilespmem:s22+$0x1860] =	vst v59;
	v62 =	vmul.f32 v36, v34;
	v25 =	vld [tilespmem:s24+$0x1800]  }
0x80: {  	v27 =	vld [tilespmem:s24+$0x1810];
	[tilespmem:s22+$0x1870] =	vst v2;
	v2 =	vmul.f32 v39, v34  }
0x81: {  	v26 =	vmul.f32 v40, v34;
	[tilespmem:s21+$0x1800] =	vst v62;
	s9 =	sor.u32 $0x6, s20;
	v30 =	vld [tilespmem:s24+$0x1830]  }
0x82: {  	v24 =	vmov s9;
	v31 =	vld [tilespmem:s24+$0x1840];
	[tilespmem:s21+$0x1810] =	vst v2;
	v2 =	vmul.f32 v42, v34  }
0x83: {  	v29 =	vmul.f32 v43, v34;
	[tilespmem:s21+$0x1820] =	vst v26;
	v63 =	vld.idx.msk [tilespmem:v11+s3+$0x0], $0xffff;
	v11 =	vand.u32 $0x76, v24  }
0x84: {  	v33 =	vld [tilespmem:s24+$0x1850];
	v11 =	vor.u32 v1, v11;
	s22 =	sor.u32 $0x7, s20;
	[tilespmem:s21+$0x1830] =	vst v2;
	v2 =	vmul.f32 v45, v34  }
0x85: {  	[tilespmem:s21+$0x1840] =	vst v29;
	v36 =	vld [tilespmem:s24+$0x1870];
	v35 =	vmul.f32 v51, v3;
	v11 =	vbroadcast v11, $0x0;
	v37 =	vmov s22;
	s22 =	sshll.u32 s22, $0x7  }
0x86: {  	v28 =	vld [tilespmem:s24+$0x1820];
	s22 =	sand.u32 $0x3FFFFF80, s22;
	[tilespmem:s21+$0x1850] =	vst v2;
	v2 =	vmul.f32 v48, v34  }
0x87: {  	v38 =	vmul.f32 v54, v3;
	[tilespmem:s23+$0x1800] =	vst v35;
	v54 =	vld [tilespmem:s22+$0x1810]  }
0x88: {  	v41 =	vmul.f32 v57, v3;
	v57 =	vld [tilespmem:s22+$0x1830];
	[tilespmem:s21+$0x1870] =	vst v2;
	v2 =	vmul.f32 v52, v3  }
0x89: {  	v44 =	vmul.f32 v60, v3;
	[tilespmem:s23+$0x1820] =	vst v38;
	v32 =	vmul.f32 v46, v34;
	v60 =	vld [tilespmem:s22+$0x1850]  }
0x8a: {  	v34 =	vld [tilespmem:s24+$0x1860];
	[tilespmem:s23+$0x1810] =	vst v2;
	v2 =	vmul.f32 v55, v3  }
0x8b: {  	s9 =	sshll.u32 s9, $0x7;
	[tilespmem:s21+$0x1860] =	vst v32;
	v11 =	vld.idx.msk [tilespmem:v11+s3+$0x0], $0xffff  }
0x8c: {  	v19 =	vand.u32 $0x77, v37;
	s21 =	sand.u32 $0x3FFFFF80, s9;
	v52 =	vld [tilespmem:s22+$0x1800];
	[tilespmem:s23+$0x1830] =	vst v2;
	v2 =	vmul.f32 v58, v3  }
0x8d: {  	[tilespmem:s23+$0x1840] =	vst v41;
	v19 =	vor.u32 v1, v19;
	v39 =	vld [tilespmem:s21+$0x1800]  }
0x8e: {  	v19 =	vbroadcast v19, $0x0;
	v40 =	vld [tilespmem:s21+$0x1810];
	[tilespmem:s23+$0x1850] =	vst v2;
	v2 =	vmul.f32 v61, v3  }
0x8f: {  	[tilespmem:s23+$0x1860] =	vst v44;
	v46 =	vmul.f32 v25, v63;
	v42 =	vld [tilespmem:s21+$0x1820]  }
0x90: {  	v43 =	vld [tilespmem:s21+$0x1830];
	[tilespmem:s23+$0x1870] =	vst v2;
	v2 =	vmul.f32 v27, v63  }
0x91: {  	v49 =	vmul.f32 v28, v63;
	[tilespmem:s24+$0x1800] =	vst v46;
	v45 =	vld [tilespmem:s21+$0x1840];
	s23 =	sor.u32 $0x8, s20  }
0x92: {  	v47 =	vld [tilespmem:s21+$0x1860];
	v51 =	vmov s23;
	[tilespmem:s24+$0x1810] =	vst v2;
	v2 =	vmul.f32 v30, v63  }
0x93: {  	v53 =	vmul.f32 v31, v63;
	[tilespmem:s24+$0x1820] =	vst v49;
	v48 =	vld [tilespmem:s21+$0x1870];
	v14 =	vand.u32 $0x78, v51  }
0x94: {  	v50 =	vld.idx.msk [tilespmem:v19+s3+$0x0], $0xffff;
	v14 =	vor.u32 v1, v14;
	[tilespmem:s24+$0x1830] =	vst v2;
	v2 =	vmul.f32 v33, v63  }
0x95: {  	[tilespmem:s24+$0x1840] =	vst v53;
	v55 =	vld [tilespmem:s22+$0x1820];
	v56 =	vmul.f32 v34, v63;
	v14 =	vbroadcast v14, $0x0  }
0x96: {  	v58 =	vld [tilespmem:s22+$0x1840];
	[tilespmem:s24+$0x1850] =	vst v2;
	v2 =	vmul.f32 v36, v63  }
0x97: {  	[tilespmem:s24+$0x1860] =	vst v56;
	v3 =	vld [tilespmem:s21+$0x1850];
	v59 =	vmul.f32 v39, v11;
	s23 =	sshll.u32 s23, $0x7  }
0x98: {  	v61 =	vld [tilespmem:s22+$0x1860];
	s23 =	sand.u32 $0x3FFFFF80, s23;
	[tilespmem:s24+$0x1870] =	vst v2;
	v2 =	vmul.f32 v40, v11  }
0x99: {  	v62 =	vmul.f32 v42, v11;
	[tilespmem:s21+$0x1800] =	vst v59;
	v24 =	vld [tilespmem:s23+$0x1800];
	s24 =	sor.u32 $0x9, s20  }
0x9a: {  	v26 =	vld [tilespmem:s23+$0x1820];
	v22 =	vmov s24;
	[tilespmem:s21+$0x1810] =	vst v2;
	v2 =	vmul.f32 v43, v11  }
0x9b: {  	v23 =	vmul.f32 v45, v11;
	[tilespmem:s21+$0x1820] =	vst v62;
	v21 =	vld.idx.msk [tilespmem:v14+s3+$0x0], $0xffff;
	v14 =	vand.u32 $0x79, v22  }
0x9c: {  	v27 =	vld [tilespmem:s23+$0x1830];
	v14 =	vor.u32 v1, v14;
	[tilespmem:s21+$0x1830] =	vst v2;
	v2 =	vmul.f32 v3, v11  }
0x9d: {  	v25 =	vmul.f32 v47, v11;
	[tilespmem:s21+$0x1840] =	vst v23;
	v29 =	vld [tilespmem:s23+$0x1840];
	v14 =	vbroadcast v14, $0x0  }
0x9e: {  	v30 =	vld [tilespmem:s23+$0x1850];
	[tilespmem:s21+$0x1850] =	vst v2;
	v2 =	vmul.f32 v48, v11  }
0x9f: {  	v28 =	vmul.f32 v52, v50;
	[tilespmem:s21+$0x1860] =	vst v25;
	v32 =	vld [tilespmem:s23+$0x1860]  }
0xa0: {  	v33 =	vld [tilespmem:s23+$0x1870];
	[tilespmem:s21+$0x1870] =	vst v2;
	v2 =	vmul.f32 v54, v50  }
0xa1: {  	v31 =	vmul.f32 v55, v50;
	[tilespmem:s22+$0x1800] =	vst v28;
	v63 =	vld [tilespmem:s22+$0x1870]  }
0xa2: {  	v3 =	vld [tilespmem:s23+$0x1810];
	s21 =	sshll.u32 s24, $0x7;
	s24 =	sor.u32 $0xA, s20;
	[tilespmem:s22+$0x1810] =	vst v2;
	v2 =	vmul.f32 v57, v50  }
0xa3: {  	[tilespmem:s22+$0x1820] =	vst v31;
	v34 =	vmul.f32 v58, v50;
	s21 =	sand.u32 $0x3FFFFF80, s21;
	v36 =	vmov s24;
	v35 =	vld.idx.msk [tilespmem:v14+s3+$0x0], $0xffff  }
0xa4: {  	v37 =	vld [tilespmem:s21+$0x1800];
	v14 =	vand.u32 $0x7A, v36;
	[tilespmem:s22+$0x1830] =	vst v2;
	v2 =	vmul.f32 v60, v50  }
0xa5: {  	[tilespmem:s22+$0x1840] =	vst v34;
	v38 =	vmul.f32 v61, v50;
	v39 =	vld [tilespmem:s21+$0x1810];
	v14 =	vor.u32 v1, v14  }
0xa6: {  	v40 =	vld [tilespmem:s21+$0x1820];
	v41 =	vbroadcast v14, $0x0;
	[tilespmem:s22+$0x1850] =	vst v2;
	v2 =	vmul.f32 v63, v50  }
0xa7: {  	[tilespmem:s22+$0x1860] =	vst v38;
	v42 =	vmul.f32 v24, v21;
	v43 =	vld [tilespmem:s21+$0x1830]  }
0xa8: {  	v45 =	vld [tilespmem:s21+$0x1850];
	[tilespmem:s22+$0x1870] =	vst v2;
	v2 =	vmul.f32 v3, v21  }
0xa9: {  	v44 =	vmul.f32 v26, v21;
	[tilespmem:s23+$0x1800] =	vst v42;
	v46 =	vld [tilespmem:s21+$0x1860]  }
0xaa: {  	v48 =	vld [tilespmem:s21+$0x1870];
	[tilespmem:s23+$0x1810] =	vst v2;
	v2 =	vmul.f32 v27, v21  }
0xab: {  	v47 =	vmul.f32 v29, v21;
	[tilespmem:s23+$0x1820] =	vst v44;
	v3 =	vld [tilespmem:s21+$0x1840];
	s22 =	sshll.u32 s24, $0x7;
	s24 =	sor.u32 $0xB, s20  }
0xac: {  	s22 =	sand.u32 $0x3FFFFF80, s22;
	v49 =	vmov s24;
	v13 =	vld.idx.msk [tilespmem:v41+s3+$0x0], $0xffff;
	[tilespmem:s23+$0x1830] =	vst v2;
	v2 =	vmul.f32 v30, v21  }
0xad: {  	[tilespmem:s23+$0x1840] =	vst v47;
	v50 =	vmul.f32 v32, v21;
	v51 =	vld [tilespmem:s22+$0x1800];
	v14 =	vand.u32 $0x7B, v49  }
0xae: {  	v52 =	vld [tilespmem:s22+$0x1810];
	v53 =	vor.u32 v1, v14;
	[tilespmem:s23+$0x1850] =	vst v2;
	v2 =	vmul.f32 v33, v21  }
0xaf: {  	v54 =	vmul.f32 v37, v35;
	[tilespmem:s23+$0x1860] =	vst v50;
	v55 =	vld [tilespmem:s22+$0x1820];
	v10 =	vbroadcast v53, $0x0  }
0xb0: {  	v56 =	vld [tilespmem:s22+$0x1830];
	[tilespmem:s23+$0x1870] =	vst v2;
	v2 =	vmul.f32 v39, v35  }
0xb1: {  	v57 =	vmul.f32 v40, v35;
	[tilespmem:s21+$0x1800] =	vst v54;
	v58 =	vld [tilespmem:s22+$0x1840]  }
0xb2: {  	v59 =	vld [tilespmem:s22+$0x1850];
	[tilespmem:s21+$0x1810] =	vst v2;
	v2 =	vmul.f32 v43, v35  }
0xb3: {  	[tilespmem:s21+$0x1820] =	vst v57;
	v60 =	vld [tilespmem:s22+$0x1860];
	v3 =	vmul.f32 v3, v35  }
0xb4: {  	v61 =	vld [tilespmem:s22+$0x1870];
	s23 =	sshll.u32 s24, $0x7;
	[tilespmem:s21+$0x1830] =	vst v2;
	v2 =	vmul.f32 v45, v35  }
0xb5: {  	[tilespmem:s21+$0x1840] =	vst v3;
	v3 =	vmul.f32 v46, v35;
	s23 =	sand.u32 $0x3FFFFF80, s23;
	v10 =	vld.idx.msk [tilespmem:v10+s3+$0x0], $0xffff  }
0xb6: {  	v63 =	vld [tilespmem:s23+$0x1800];
	[tilespmem:s21+$0x1850] =	vst v2;
	v2 =	vmul.f32 v48, v35  }
0xb7: {  	[tilespmem:s21+$0x1860] =	vst v3;
	v3 =	vmul.f32 v51, v13;
	v18 =	vld [tilespmem:s23+$0x1810]  }
0xb8: {  	s24 =	sor.u32 $0xC, s20;
	v19 =	vld [tilespmem:s23+$0x1820];
	[tilespmem:s21+$0x1870] =	vst v2;
	v2 =	vmul.f32 v52, v13  }
0xb9: {  	v62 =	vmov s24;
	v20 =	vld [tilespmem:s23+$0x1830];
	[tilespmem:s22+$0x1800] =	vst v3;
	v3 =	vmul.f32 v55, v13  }
0xba: {  	v11 =	vand.u32 $0x7C, v62;
	v21 =	vld [tilespmem:s23+$0x1840];
	[tilespmem:s22+$0x1810] =	vst v2;
	v2 =	vmul.f32 v56, v13  }
0xbb: {  	v22 =	vld [tilespmem:s23+$0x1850];
	v11 =	vor.u32 v1, v11;
	[tilespmem:s22+$0x1820] =	vst v3;
	v3 =	vmul.f32 v58, v13  }
0xbc: {  	s9 =	sshll.u32 s24, $0x7;
	v23 =	vld [tilespmem:s23+$0x1860];
	v11 =	vbroadcast v11, $0x0;
	[tilespmem:s22+$0x1830] =	vst v2;
	v2 =	vmul.f32 v59, v13  }
0xbd: {  	v24 =	vld [tilespmem:s23+$0x1870];
	s24 =	sand.u32 $0x3FFFFF80, s9;
	[tilespmem:s22+$0x1840] =	vst v3;
	v3 =	vmul.f32 v60, v13  }
0xbe: {  	v27 =	vld [tilespmem:s24+$0x1800];
	[tilespmem:s22+$0x1850] =	vst v2;
	v2 =	vmul.f32 v61, v13  }
0xbf: {  	v28 =	vld [tilespmem:s24+$0x1810];
	[tilespmem:s22+$0x1860] =	vst v3;
	v3 =	vmul.f32 v63, v10  }
0xc0: {  	v29 =	vld [tilespmem:s24+$0x1820];
	s21 =	sor.u32 $0xD, s20;
	[tilespmem:s22+$0x1870] =	vst v2;
	v2 =	vmul.f32 v18, v10  }
0xc1: {  	v30 =	vld [tilespmem:s24+$0x1830];
	v26 =	vmov s21;
	[tilespmem:s23+$0x1800] =	vst v3;
	v3 =	vmul.f32 v19, v10  }
0xc2: {  	v25 =	vld.idx.msk [tilespmem:v11+s3+$0x0], $0xffff;
	v11 =	vand.u32 $0x7D, v26;
	[tilespmem:s23+$0x1810] =	vst v2;
	v2 =	vmul.f32 v20, v10  }
0xc3: {  	v31 =	vld [tilespmem:s24+$0x1840];
	v11 =	vor.u32 v1, v11;
	[tilespmem:s23+$0x1820] =	vst v3;
	v3 =	vmul.f32 v21, v10  }
0xc4: {  	v32 =	vld [tilespmem:s24+$0x1850];
	v11 =	vbroadcast v11, $0x0;
	[tilespmem:s23+$0x1830] =	vst v2;
	v2 =	vmul.f32 v22, v10  }
0xc5: {  	v33 =	vld [tilespmem:s24+$0x1860];
	s9 =	sshll.u32 s21, $0x7;
	[tilespmem:s23+$0x1840] =	vst v3;
	v3 =	vmul.f32 v23, v10  }
0xc6: {  	v34 =	vld [tilespmem:s24+$0x1870];
	s8 =	sand.u32 $0x3FFFFF80, s9;
	[tilespmem:s23+$0x1850] =	vst v2;
	v2 =	vmul.f32 v24, v10  }
0xc7: {  	v37 =	vld [tilespmem:s8+$0x1800];
	s22 =	sor.u32 $0xE, s20;
	[tilespmem:s23+$0x1860] =	vst v3;
	v3 =	vmul.f32 v27, v25  }
0xc8: {  	v38 =	vld [tilespmem:s8+$0x1810];
	v36 =	vmov s22;
	[tilespmem:s23+$0x1870] =	vst v2;
	v2 =	vmul.f32 v28, v25  }
0xc9: {  	v39 =	vld [tilespmem:s8+$0x1820];
	[tilespmem:s24+$0x1800] =	vst v3;
	v3 =	vmul.f32 v29, v25;
	v10 =	vand.u32 $0x7E, v36  }
0xca: {  	v35 =	vld.idx.msk [tilespmem:v11+s3+$0x0], $0xffff;
	v10 =	vor.u32 v1, v10;
	[tilespmem:s24+$0x1810] =	vst v2;
	v2 =	vmul.f32 v30, v25  }
0xcb: {  	v40 =	vld [tilespmem:s8+$0x1830];
	[tilespmem:s24+$0x1820] =	vst v3;
	v3 =	vmul.f32 v31, v25;
	v10 =	vbroadcast v10, $0x0  }
0xcc: {  	v41 =	vld [tilespmem:s8+$0x1840];
	[tilespmem:s24+$0x1830] =	vst v2;
	v2 =	vmul.f32 v32, v25  }
0xcd: {  	v42 =	vld [tilespmem:s8+$0x1850];
	[tilespmem:s24+$0x1840] =	vst v3;
	v3 =	vmul.f32 v33, v25  }
0xce: {  	v43 =	vld [tilespmem:s8+$0x1860];
	s9 =	sshll.u32 s22, $0x7;
	[tilespmem:s24+$0x1850] =	vst v2;
	v2 =	vmul.f32 v34, v25  }
0xcf: {  	v44 =	vld [tilespmem:s8+$0x1870];
	s9 =	sand.u32 $0x3FFFFF80, s9;
	s23 =	sor.u32 $0xF, s20;
	[tilespmem:s24+$0x1860] =	vst v3;
	v3 =	vmul.f32 v37, v35  }
0xd0: {  	v47 =	vld [tilespmem:s9+$0x1800];
	v46 =	vmov s23;
	[tilespmem:s24+$0x1870] =	vst v2;
	v2 =	vmul.f32 v38, v35  }
0xd1: {  	[tilespmem:s8+$0x1800] =	vst v3;
	v3 =	vmul.f32 v39, v35;
	v45 =	vld.idx.msk [tilespmem:v10+s3+$0x0], $0xffff;
	v10 =	vand.u32 $0x7F, v46  }
0xd2: {  	v48 =	vld [tilespmem:s9+$0x1810];
	v10 =	vor.u32 v1, v10;
	[tilespmem:s8+$0x1810] =	vst v2;
	v2 =	vmul.f32 v40, v35  }
0xd3: {  	v49 =	vld [tilespmem:s9+$0x1820];
	[tilespmem:s8+$0x1820] =	vst v3;
	v3 =	vmul.f32 v41, v35;
	v10 =	vbroadcast v10, $0x0  }
0xd4: {  	v50 =	vld [tilespmem:s9+$0x1830];
	[tilespmem:s8+$0x1830] =	vst v2;
	v2 =	vmul.f32 v42, v35  }
0xd5: {  	v51 =	vld [tilespmem:s9+$0x1840];
	[tilespmem:s8+$0x1840] =	vst v3;
	v3 =	vmul.f32 v43, v35  }
0xd6: {  	v52 =	vld [tilespmem:s9+$0x1850];
	[tilespmem:s8+$0x1850] =	vst v2;
	v2 =	vmul.f32 v44, v35  }
0xd7: {  	v53 =	vld [tilespmem:s9+$0x1860];
	[tilespmem:s8+$0x1860] =	vst v3;
	v3 =	vmul.f32 v47, v45  }
0xd8: {  	v54 =	vld [tilespmem:s9+$0x1870];
	s24 =	sshll.u32 s23, $0x7;
	[tilespmem:s8+$0x1870] =	vst v2;
	v2 =	vmul.f32 v48, v45  }
0xd9: {  	[tilespmem:s9+$0x1800] =	vst v3;
	v3 =	vmul.f32 v49, v45;
	v55 =	vld.idx.msk [tilespmem:v10+s3+$0x0], $0xffff;
	s8 =	sand.u32 $0x3FFFFF80, s24  }
0xda: {  	v56 =	vld [tilespmem:s8+$0x1800];
	[tilespmem:s9+$0x1810] =	vst v2;
	v2 =	vmul.f32 v50, v45  }
0xdb: {  	[tilespmem:s9+$0x1820] =	vst v3;
	v3 =	vmul.f32 v51, v45;
	v57 =	vld [tilespmem:s8+$0x1810]  }
0xdc: {  	v58 =	vld [tilespmem:s8+$0x1820];
	[tilespmem:s9+$0x1830] =	vst v2;
	v2 =	vmul.f32 v52, v45  }
0xdd: {  	[tilespmem:s9+$0x1840] =	vst v3;
	v3 =	vmul.f32 v53, v45;
	v59 =	vld [tilespmem:s8+$0x1830]  }
0xde: {  	v60 =	vld [tilespmem:s8+$0x1840];
	[tilespmem:s9+$0x1850] =	vst v2;
	v2 =	vmul.f32 v54, v45  }
0xdf: {  	v61 =	vld [tilespmem:s8+$0x1850];
	[tilespmem:s9+$0x1860] =	vst v3;
	v3 =	vmul.f32 v56, v55  }
0xe0: {  	v62 =	vld [tilespmem:s8+$0x1860];
	[tilespmem:s9+$0x1870] =	vst v2;
	v2 =	vmul.f32 v57, v55  }
0xe1: {  	v63 =	vld [tilespmem:s8+$0x1870];
	[tilespmem:s8+$0x1800] =	vst v3;
	v3 =	vmul.f32 v58, v55  }
0xe2: {  	[tilespmem:s8+$0x1810] =	vst v2;
	v2 =	vmul.f32 v59, v55  }
0xe3: {  	p0 =	slt.u32 s20, $0x70;
	[tilespmem:s8+$0x1820] =	vst v3;
	v3 =	vmul.f32 v60, v55  }
.Ltmp1:
0xe4: {  	[tilespmem:s8+$0x1830] =	vst v2;
	v2 =	vmul.f32 v61, v55;
	(pc) =	sbr.rel @p0 .LBB2_6-.Ltmp1, $4  }
0xe5: {  	[tilespmem:s8+$0x1840] =	vst v3;
	v3 =	vmul.f32 v62, v55  }
0xe6: {  	[tilespmem:s8+$0x1850] =	vst v2;
	v2 =	vmul.f32 v63, v55  }
0xe7: {  	[tilespmem:s8+$0x1860] =	vst v3  }
0xe8: {  	s20 =	sadd.s32 $0x10, s20;
	[tilespmem:s8+$0x1870] =	vst v2  }
0xe9: {  	s8 =	sshll.u32 s4, $0xA  }
0xea: {  	s9 =	sshrl.u32 s8, $0x2  }
0xeb: {  	s9 =	sadd.s32 $0x1000, s9  }
0xec: {  	[spmem:s2] =	stream.indirect.scatter.add.f32 [tilespmem:s16], [sflag:$0x3], $0x80, s9, s25, $0xb8;
	[tilespmem:$0x1D800] =	vst v63  }
0xed: {  	p0 =	seq.s32 s4, $0x7;
	_ =	swait.ge [sflag:s17], $0x4000  }
0xee: {  	s8 =	sshrl.u32 @!p0 s8, $0x2;
	s20 =	simm.s32 @!p0 $0x1800;
	[sflag:s17] =	ssyncset.done $0x0  }
0xef: {  	s8 =	sadd.s32 @!p0 $0x900, s8;
	s9 =	simm.s32 @!p0 $0x80;
	[sflag:s17] =	ssyncadd.s32 $0xFFFFC000  }
0xf0: {  	[tilespmem:s20], [sflag:$0x1] =	stream.indirect.gather @!p0 [hbm4b:s7+s9], $0x80, s8, s9, $0xb8;
	[tilespmem:$0x1D800] =	vst v63  }
0xf1: {  	_ =	swait.ge [sflag:s29], $0x4000  }
0xf2: {  	[sflag:s29] =	ssyncset.done $0x0  }
0xf3: {  	v1 =	vmov s15;
	s20 =	simm.s32 $0x0;
	[sflag:s29] =	ssyncadd.s32 $0xFFFFC000  }
.LBB2_8:
0xf4: {  	s8 =	sshll.u32 s20, $0x7  }
0xf5: {  	s23 =	sand.u32 $0x3FFFFF80, s8  }
0xf6: {  	v4 =	vld [tilespmem:s23+$0x5800]  }
0xf7: {  	v5 =	vld [tilespmem:s23+$0x5810]  }
0xf8: {  	v6 =	vld [tilespmem:s23+$0x5820]  }
0xf9: {  	v7 =	vld [tilespmem:s23+$0x5830]  }
0xfa: {  	v8 =	vld [tilespmem:s23+$0x5840]  }
0xfb: {  	s9 =	sor.u32 $0x1, s20;
	v9 =	vld [tilespmem:s23+$0x5850]  }
0xfc: {  	s21 =	sshll.u32 s9, $0x7;
	v10 =	vld [tilespmem:s23+$0x5860]  }
0xfd: {  	v2 =	vmov s20;
	v11 =	vld [tilespmem:s23+$0x5870];
	s24 =	sand.u32 $0x3FFFFF80, s21  }
0xfe: {  	v2 =	vand.u32 $0x70, v2;
	v13 =	vld [tilespmem:s24+$0x5800]  }
0xff: {  	v2 =	vor.u32 v1, v2;
	v14 =	vld [tilespmem:s24+$0x5810]  }
0x100: {  	v2 =	vbroadcast v2, $0x0;
	v15 =	vld [tilespmem:s24+$0x5820]  }
0x101: {  	v16 =	vld [tilespmem:s24+$0x5830]  }
0x102: {  	v17 =	vld [tilespmem:s24+$0x5840]  }
0x103: {  	v18 =	vld [tilespmem:s24+$0x5850]  }
0x104: {  	s22 =	sor.u32 $0x2, s20;
	v19 =	vld [tilespmem:s24+$0x5860]  }
0x105: {  	v3 =	vmov s9;
	s9 =	sshll.u32 s22, $0x7;
	v20 =	vld [tilespmem:s24+$0x5870]  }
0x106: {  	v12 =	vmov s22;
	v3 =	vand.u32 $0x71, v3;
	s22 =	sand.u32 $0x3FFFFF80, s9;
	v2 =	vld.idx.msk [tilespmem:v2+s3+$0x0], $0xffff  }
0x107: {  	v3 =	vor.u32 v1, v3;
	v22 =	vld [tilespmem:s22+$0x5800]  }
0x108: {  	v23 =	vld [tilespmem:s22+$0x5810];
	v3 =	vbroadcast v3, $0x0  }
0x109: {  	v24 =	vld [tilespmem:s22+$0x5820]  }
0x10a: {  	v25 =	vld [tilespmem:s22+$0x5830]  }
0x10b: {  	v26 =	vld [tilespmem:s22+$0x5840];
	v4 =	vmul.f32 v4, v2  }
0x10c: {  	v28 =	vld [tilespmem:s22+$0x5850];
	v5 =	vmul.f32 v5, v2  }
0x10d: {  	s21 =	sor.u32 $0x3, s20;
	v30 =	vld [tilespmem:s22+$0x5860];
	v63 =	vmul.f32 v6, v2;
	[tilespmem:s23+$0x5800] =	vst v4  }
0x10e: {  	v12 =	vand.u32 $0x72, v12;
	v21 =	vmov s21;
	s21 =	sshll.u32 s21, $0x7;
	v3 =	vld.idx.msk [tilespmem:v3+s3+$0x0], $0xffff;
	v27 =	vmul.f32 v7, v2;
	[tilespmem:s23+$0x5810] =	vst v5  }
0x10f: {  	v12 =	vor.u32 v1, v12;
	v32 =	vld [tilespmem:s22+$0x5870];
	s21 =	sand.u32 $0x3FFFFF80, s21;
	v29 =	vmul.f32 v8, v2;
	[tilespmem:s23+$0x5820] =	vst v63  }
0x110: {  	v12 =	vbroadcast v12, $0x0;
	v36 =	vld [tilespmem:s21+$0x5800];
	v31 =	vmul.f32 v9, v2;
	[tilespmem:s23+$0x5830] =	vst v27  }
0x111: {  	v21 =	vand.u32 $0x73, v21;
	v39 =	vld [tilespmem:s21+$0x5810];
	v33 =	vmul.f32 v10, v2;
	[tilespmem:s23+$0x5840] =	vst v29  }
0x112: {  	v21 =	vor.u32 v1, v21;
	v40 =	vld [tilespmem:s21+$0x5820];
	v2 =	vmul.f32 v11, v2;
	[tilespmem:s23+$0x5850] =	vst v31  }
0x113: {  	v42 =	vld [tilespmem:s21+$0x5830];
	v21 =	vbroadcast v21, $0x0;
	v38 =	vmul.f32 v13, v3;
	[tilespmem:s23+$0x5860] =	vst v33  }
0x114: {  	v43 =	vld [tilespmem:s21+$0x5840];
	[tilespmem:s23+$0x5870] =	vst v2;
	v2 =	vmul.f32 v14, v3  }
0x115: {  	s9 =	sor.u32 $0x4, s20;
	v45 =	vld [tilespmem:s21+$0x5850];
	v41 =	vmul.f32 v15, v3;
	[tilespmem:s24+$0x5800] =	vst v38  }
0x116: {  	v35 =	vmov s9;
	v12 =	vld.idx.msk [tilespmem:v12+s3+$0x0], $0xffff;
	[tilespmem:s24+$0x5810] =	vst v2;
	v2 =	vmul.f32 v16, v3  }
0x117: {  	v37 =	vand.u32 $0x74, v35;
	v46 =	vld [tilespmem:s21+$0x5860];
	v44 =	vmul.f32 v17, v3;
	[tilespmem:s24+$0x5820] =	vst v41  }
0x118: {  	v48 =	vld [tilespmem:s21+$0x5870];
	v11 =	vor.u32 v1, v37;
	s23 =	sshll.u32 s9, $0x7;
	[tilespmem:s24+$0x5830] =	vst v2;
	v2 =	vmul.f32 v18, v3  }
0x119: {  	v34 =	vld.idx.msk [tilespmem:v21+s3+$0x0], $0xffff;
	v11 =	vbroadcast v11, $0x0;
	v47 =	vmul.f32 v19, v3;
	[tilespmem:s24+$0x5840] =	vst v44;
	s23 =	sand.u32 $0x3FFFFF80, s23  }
0x11a: {  	v51 =	vld [tilespmem:s23+$0x5800];
	[tilespmem:s24+$0x5850] =	vst v2;
	v2 =	vmul.f32 v20, v3  }
0x11b: {  	v50 =	vmul.f32 v22, v12;
	[tilespmem:s24+$0x5860] =	vst v47;
	v52 =	vld [tilespmem:s23+$0x5810]  }
0x11c: {  	v54 =	vld [tilespmem:s23+$0x5820];
	[tilespmem:s24+$0x5870] =	vst v2;
	v2 =	vmul.f32 v23, v12  }
0x11d: {  	v53 =	vmul.f32 v24, v12;
	s9 =	sor.u32 $0x5, s20;
	[tilespmem:s22+$0x5800] =	vst v50;
	v55 =	vld [tilespmem:s23+$0x5830]  }
0x11e: {  	v49 =	vmov s9;
	v57 =	vld [tilespmem:s23+$0x5840];
	[tilespmem:s22+$0x5810] =	vst v2;
	v2 =	vmul.f32 v25, v12  }
0x11f: {  	v56 =	vmul.f32 v26, v12;
	[tilespmem:s22+$0x5820] =	vst v53;
	v3 =	vld.idx.msk [tilespmem:v11+s3+$0x0], $0xffff;
	v11 =	vand.u32 $0x75, v49  }
0x120: {  	v58 =	vld [tilespmem:s23+$0x5850];
	v11 =	vor.u32 v1, v11;
	[tilespmem:s22+$0x5830] =	vst v2;
	v2 =	vmul.f32 v28, v12  }
0x121: {  	v59 =	vmul.f32 v30, v12;
	[tilespmem:s22+$0x5840] =	vst v56;
	v60 =	vld [tilespmem:s23+$0x5860];
	v11 =	vbroadcast v11, $0x0;
	s24 =	sshll.u32 s9, $0x7  }
0x122: {  	v61 =	vld [tilespmem:s23+$0x5870];
	s24 =	sand.u32 $0x3FFFFF80, s24;
	[tilespmem:s22+$0x5850] =	vst v2;
	v2 =	vmul.f32 v32, v12  }
0x123: {  	[tilespmem:s22+$0x5860] =	vst v59;
	v62 =	vmul.f32 v36, v34;
	v25 =	vld [tilespmem:s24+$0x5800]  }
0x124: {  	v27 =	vld [tilespmem:s24+$0x5810];
	[tilespmem:s22+$0x5870] =	vst v2;
	v2 =	vmul.f32 v39, v34  }
0x125: {  	v26 =	vmul.f32 v40, v34;
	[tilespmem:s21+$0x5800] =	vst v62;
	s9 =	sor.u32 $0x6, s20;
	v30 =	vld [tilespmem:s24+$0x5830]  }
0x126: {  	v24 =	vmov s9;
	v31 =	vld [tilespmem:s24+$0x5840];
	[tilespmem:s21+$0x5810] =	vst v2;
	v2 =	vmul.f32 v42, v34  }
0x127: {  	v29 =	vmul.f32 v43, v34;
	[tilespmem:s21+$0x5820] =	vst v26;
	v63 =	vld.idx.msk [tilespmem:v11+s3+$0x0], $0xffff;
	v11 =	vand.u32 $0x76, v24  }
0x128: {  	v33 =	vld [tilespmem:s24+$0x5850];
	v11 =	vor.u32 v1, v11;
	s22 =	sor.u32 $0x7, s20;
	[tilespmem:s21+$0x5830] =	vst v2;
	v2 =	vmul.f32 v45, v34  }
0x129: {  	[tilespmem:s21+$0x5840] =	vst v29;
	v36 =	vld [tilespmem:s24+$0x5870];
	v35 =	vmul.f32 v51, v3;
	v11 =	vbroadcast v11, $0x0;
	v37 =	vmov s22;
	s22 =	sshll.u32 s22, $0x7  }
0x12a: {  	v28 =	vld [tilespmem:s24+$0x5820];
	s22 =	sand.u32 $0x3FFFFF80, s22;
	[tilespmem:s21+$0x5850] =	vst v2;
	v2 =	vmul.f32 v48, v34  }
0x12b: {  	v38 =	vmul.f32 v54, v3;
	[tilespmem:s23+$0x5800] =	vst v35;
	v54 =	vld [tilespmem:s22+$0x5810]  }
0x12c: {  	v41 =	vmul.f32 v57, v3;
	v57 =	vld [tilespmem:s22+$0x5830];
	[tilespmem:s21+$0x5870] =	vst v2;
	v2 =	vmul.f32 v52, v3  }
0x12d: {  	v44 =	vmul.f32 v60, v3;
	[tilespmem:s23+$0x5820] =	vst v38;
	v32 =	vmul.f32 v46, v34;
	v60 =	vld [tilespmem:s22+$0x5850]  }
0x12e: {  	v34 =	vld [tilespmem:s24+$0x5860];
	[tilespmem:s23+$0x5810] =	vst v2;
	v2 =	vmul.f32 v55, v3  }
0x12f: {  	s9 =	sshll.u32 s9, $0x7;
	[tilespmem:s21+$0x5860] =	vst v32;
	v11 =	vld.idx.msk [tilespmem:v11+s3+$0x0], $0xffff  }
0x130: {  	v19 =	vand.u32 $0x77, v37;
	s21 =	sand.u32 $0x3FFFFF80, s9;
	v52 =	vld [tilespmem:s22+$0x5800];
	[tilespmem:s23+$0x5830] =	vst v2;
	v2 =	vmul.f32 v58, v3  }
0x131: {  	[tilespmem:s23+$0x5840] =	vst v41;
	v19 =	vor.u32 v1, v19;
	v39 =	vld [tilespmem:s21+$0x5800]  }
0x132: {  	v19 =	vbroadcast v19, $0x0;
	v40 =	vld [tilespmem:s21+$0x5810];
	[tilespmem:s23+$0x5850] =	vst v2;
	v2 =	vmul.f32 v61, v3  }
0x133: {  	[tilespmem:s23+$0x5860] =	vst v44;
	v46 =	vmul.f32 v25, v63;
	v42 =	vld [tilespmem:s21+$0x5820]  }
0x134: {  	v43 =	vld [tilespmem:s21+$0x5830];
	[tilespmem:s23+$0x5870] =	vst v2;
	v2 =	vmul.f32 v27, v63  }
0x135: {  	v49 =	vmul.f32 v28, v63;
	[tilespmem:s24+$0x5800] =	vst v46;
	v45 =	vld [tilespmem:s21+$0x5840];
	s23 =	sor.u32 $0x8, s20  }
0x136: {  	v47 =	vld [tilespmem:s21+$0x5860];
	v51 =	vmov s23;
	[tilespmem:s24+$0x5810] =	vst v2;
	v2 =	vmul.f32 v30, v63  }
0x137: {  	v53 =	vmul.f32 v31, v63;
	[tilespmem:s24+$0x5820] =	vst v49;
	v48 =	vld [tilespmem:s21+$0x5870];
	v14 =	vand.u32 $0x78, v51  }
0x138: {  	v50 =	vld.idx.msk [tilespmem:v19+s3+$0x0], $0xffff;
	v14 =	vor.u32 v1, v14;
	[tilespmem:s24+$0x5830] =	vst v2;
	v2 =	vmul.f32 v33, v63  }
0x139: {  	[tilespmem:s24+$0x5840] =	vst v53;
	v55 =	vld [tilespmem:s22+$0x5820];
	v56 =	vmul.f32 v34, v63;
	v14 =	vbroadcast v14, $0x0  }
0x13a: {  	v58 =	vld [tilespmem:s22+$0x5840];
	[tilespmem:s24+$0x5850] =	vst v2;
	v2 =	vmul.f32 v36, v63  }
0x13b: {  	[tilespmem:s24+$0x5860] =	vst v56;
	v3 =	vld [tilespmem:s21+$0x5850];
	v59 =	vmul.f32 v39, v11;
	s23 =	sshll.u32 s23, $0x7  }
0x13c: {  	v61 =	vld [tilespmem:s22+$0x5860];
	s23 =	sand.u32 $0x3FFFFF80, s23;
	[tilespmem:s24+$0x5870] =	vst v2;
	v2 =	vmul.f32 v40, v11  }
0x13d: {  	v62 =	vmul.f32 v42, v11;
	[tilespmem:s21+$0x5800] =	vst v59;
	v24 =	vld [tilespmem:s23+$0x5800];
	s24 =	sor.u32 $0x9, s20  }
0x13e: {  	v26 =	vld [tilespmem:s23+$0x5820];
	v22 =	vmov s24;
	[tilespmem:s21+$0x5810] =	vst v2;
	v2 =	vmul.f32 v43, v11  }
0x13f: {  	v23 =	vmul.f32 v45, v11;
	[tilespmem:s21+$0x5820] =	vst v62;
	v21 =	vld.idx.msk [tilespmem:v14+s3+$0x0], $0xffff;
	v14 =	vand.u32 $0x79, v22  }
0x140: {  	v27 =	vld [tilespmem:s23+$0x5830];
	v14 =	vor.u32 v1, v14;
	[tilespmem:s21+$0x5830] =	vst v2;
	v2 =	vmul.f32 v3, v11  }
0x141: {  	v25 =	vmul.f32 v47, v11;
	[tilespmem:s21+$0x5840] =	vst v23;
	v29 =	vld [tilespmem:s23+$0x5840];
	v14 =	vbroadcast v14, $0x0  }
0x142: {  	v30 =	vld [tilespmem:s23+$0x5850];
	[tilespmem:s21+$0x5850] =	vst v2;
	v2 =	vmul.f32 v48, v11  }
0x143: {  	v28 =	vmul.f32 v52, v50;
	[tilespmem:s21+$0x5860] =	vst v25;
	v32 =	vld [tilespmem:s23+$0x5860]  }
0x144: {  	v33 =	vld [tilespmem:s23+$0x5870];
	[tilespmem:s21+$0x5870] =	vst v2;
	v2 =	vmul.f32 v54, v50  }
0x145: {  	v31 =	vmul.f32 v55, v50;
	[tilespmem:s22+$0x5800] =	vst v28;
	v63 =	vld [tilespmem:s22+$0x5870]  }
0x146: {  	v3 =	vld [tilespmem:s23+$0x5810];
	s21 =	sshll.u32 s24, $0x7;
	s24 =	sor.u32 $0xA, s20;
	[tilespmem:s22+$0x5810] =	vst v2;
	v2 =	vmul.f32 v57, v50  }
0x147: {  	[tilespmem:s22+$0x5820] =	vst v31;
	v34 =	vmul.f32 v58, v50;
	s21 =	sand.u32 $0x3FFFFF80, s21;
	v36 =	vmov s24;
	v35 =	vld.idx.msk [tilespmem:v14+s3+$0x0], $0xffff  }
0x148: {  	v37 =	vld [tilespmem:s21+$0x5800];
	v14 =	vand.u32 $0x7A, v36;
	[tilespmem:s22+$0x5830] =	vst v2;
	v2 =	vmul.f32 v60, v50  }
0x149: {  	[tilespmem:s22+$0x5840] =	vst v34;
	v38 =	vmul.f32 v61, v50;
	v39 =	vld [tilespmem:s21+$0x5810];
	v14 =	vor.u32 v1, v14  }
0x14a: {  	v40 =	vld [tilespmem:s21+$0x5820];
	v41 =	vbroadcast v14, $0x0;
	[tilespmem:s22+$0x5850] =	vst v2;
	v2 =	vmul.f32 v63, v50  }
0x14b: {  	[tilespmem:s22+$0x5860] =	vst v38;
	v42 =	vmul.f32 v24, v21;
	v43 =	vld [tilespmem:s21+$0x5830]  }
0x14c: {  	v45 =	vld [tilespmem:s21+$0x5850];
	[tilespmem:s22+$0x5870] =	vst v2;
	v2 =	vmul.f32 v3, v21  }
0x14d: {  	v44 =	vmul.f32 v26, v21;
	[tilespmem:s23+$0x5800] =	vst v42;
	v46 =	vld [tilespmem:s21+$0x5860]  }
0x14e: {  	v48 =	vld [tilespmem:s21+$0x5870];
	[tilespmem:s23+$0x5810] =	vst v2;
	v2 =	vmul.f32 v27, v21  }
0x14f: {  	v47 =	vmul.f32 v29, v21;
	[tilespmem:s23+$0x5820] =	vst v44;
	v3 =	vld [tilespmem:s21+$0x5840];
	s22 =	sshll.u32 s24, $0x7;
	s24 =	sor.u32 $0xB, s20  }
0x150: {  	s22 =	sand.u32 $0x3FFFFF80, s22;
	v49 =	vmov s24;
	v13 =	vld.idx.msk [tilespmem:v41+s3+$0x0], $0xffff;
	[tilespmem:s23+$0x5830] =	vst v2;
	v2 =	vmul.f32 v30, v21  }
0x151: {  	[tilespmem:s23+$0x5840] =	vst v47;
	v50 =	vmul.f32 v32, v21;
	v51 =	vld [tilespmem:s22+$0x5800];
	v14 =	vand.u32 $0x7B, v49  }
0x152: {  	v52 =	vld [tilespmem:s22+$0x5810];
	v53 =	vor.u32 v1, v14;
	[tilespmem:s23+$0x5850] =	vst v2;
	v2 =	vmul.f32 v33, v21  }
0x153: {  	v54 =	vmul.f32 v37, v35;
	[tilespmem:s23+$0x5860] =	vst v50;
	v55 =	vld [tilespmem:s22+$0x5820];
	v10 =	vbroadcast v53, $0x0  }
0x154: {  	v56 =	vld [tilespmem:s22+$0x5830];
	[tilespmem:s23+$0x5870] =	vst v2;
	v2 =	vmul.f32 v39, v35  }
0x155: {  	v57 =	vmul.f32 v40, v35;
	[tilespmem:s21+$0x5800] =	vst v54;
	v58 =	vld [tilespmem:s22+$0x5840]  }
0x156: {  	v59 =	vld [tilespmem:s22+$0x5850];
	[tilespmem:s21+$0x5810] =	vst v2;
	v2 =	vmul.f32 v43, v35  }
0x157: {  	[tilespmem:s21+$0x5820] =	vst v57;
	v60 =	vld [tilespmem:s22+$0x5860];
	v3 =	vmul.f32 v3, v35  }
0x158: {  	v61 =	vld [tilespmem:s22+$0x5870];
	s23 =	sshll.u32 s24, $0x7;
	[tilespmem:s21+$0x5830] =	vst v2;
	v2 =	vmul.f32 v45, v35  }
0x159: {  	[tilespmem:s21+$0x5840] =	vst v3;
	v3 =	vmul.f32 v46, v35;
	s23 =	sand.u32 $0x3FFFFF80, s23;
	v10 =	vld.idx.msk [tilespmem:v10+s3+$0x0], $0xffff  }
0x15a: {  	v63 =	vld [tilespmem:s23+$0x5800];
	[tilespmem:s21+$0x5850] =	vst v2;
	v2 =	vmul.f32 v48, v35  }
0x15b: {  	[tilespmem:s21+$0x5860] =	vst v3;
	v3 =	vmul.f32 v51, v13;
	v18 =	vld [tilespmem:s23+$0x5810]  }
0x15c: {  	s24 =	sor.u32 $0xC, s20;
	v19 =	vld [tilespmem:s23+$0x5820];
	[tilespmem:s21+$0x5870] =	vst v2;
	v2 =	vmul.f32 v52, v13  }
0x15d: {  	v62 =	vmov s24;
	v20 =	vld [tilespmem:s23+$0x5830];
	[tilespmem:s22+$0x5800] =	vst v3;
	v3 =	vmul.f32 v55, v13  }
0x15e: {  	v11 =	vand.u32 $0x7C, v62;
	v21 =	vld [tilespmem:s23+$0x5840];
	[tilespmem:s22+$0x5810] =	vst v2;
	v2 =	vmul.f32 v56, v13  }
0x15f: {  	v22 =	vld [tilespmem:s23+$0x5850];
	v11 =	vor.u32 v1, v11;
	[tilespmem:s22+$0x5820] =	vst v3;
	v3 =	vmul.f32 v58, v13  }
0x160: {  	s9 =	sshll.u32 s24, $0x7;
	v23 =	vld [tilespmem:s23+$0x5860];
	v11 =	vbroadcast v11, $0x0;
	[tilespmem:s22+$0x5830] =	vst v2;
	v2 =	vmul.f32 v59, v13  }
0x161: {  	v24 =	vld [tilespmem:s23+$0x5870];
	s24 =	sand.u32 $0x3FFFFF80, s9;
	[tilespmem:s22+$0x5840] =	vst v3;
	v3 =	vmul.f32 v60, v13  }
0x162: {  	v27 =	vld [tilespmem:s24+$0x5800];
	[tilespmem:s22+$0x5850] =	vst v2;
	v2 =	vmul.f32 v61, v13  }
0x163: {  	v28 =	vld [tilespmem:s24+$0x5810];
	[tilespmem:s22+$0x5860] =	vst v3;
	v3 =	vmul.f32 v63, v10  }
0x164: {  	v29 =	vld [tilespmem:s24+$0x5820];
	s21 =	sor.u32 $0xD, s20;
	[tilespmem:s22+$0x5870] =	vst v2;
	v2 =	vmul.f32 v18, v10  }
0x165: {  	v30 =	vld [tilespmem:s24+$0x5830];
	v26 =	vmov s21;
	[tilespmem:s23+$0x5800] =	vst v3;
	v3 =	vmul.f32 v19, v10  }
0x166: {  	v25 =	vld.idx.msk [tilespmem:v11+s3+$0x0], $0xffff;
	v11 =	vand.u32 $0x7D, v26;
	[tilespmem:s23+$0x5810] =	vst v2;
	v2 =	vmul.f32 v20, v10  }
0x167: {  	v31 =	vld [tilespmem:s24+$0x5840];
	v11 =	vor.u32 v1, v11;
	[tilespmem:s23+$0x5820] =	vst v3;
	v3 =	vmul.f32 v21, v10  }
0x168: {  	v32 =	vld [tilespmem:s24+$0x5850];
	v11 =	vbroadcast v11, $0x0;
	[tilespmem:s23+$0x5830] =	vst v2;
	v2 =	vmul.f32 v22, v10  }
0x169: {  	v33 =	vld [tilespmem:s24+$0x5860];
	s9 =	sshll.u32 s21, $0x7;
	[tilespmem:s23+$0x5840] =	vst v3;
	v3 =	vmul.f32 v23, v10  }
0x16a: {  	v34 =	vld [tilespmem:s24+$0x5870];
	s8 =	sand.u32 $0x3FFFFF80, s9;
	[tilespmem:s23+$0x5850] =	vst v2;
	v2 =	vmul.f32 v24, v10  }
0x16b: {  	v37 =	vld [tilespmem:s8+$0x5800];
	s22 =	sor.u32 $0xE, s20;
	[tilespmem:s23+$0x5860] =	vst v3;
	v3 =	vmul.f32 v27, v25  }
0x16c: {  	v38 =	vld [tilespmem:s8+$0x5810];
	v36 =	vmov s22;
	[tilespmem:s23+$0x5870] =	vst v2;
	v2 =	vmul.f32 v28, v25  }
0x16d: {  	v39 =	vld [tilespmem:s8+$0x5820];
	[tilespmem:s24+$0x5800] =	vst v3;
	v3 =	vmul.f32 v29, v25;
	v10 =	vand.u32 $0x7E, v36  }
0x16e: {  	v35 =	vld.idx.msk [tilespmem:v11+s3+$0x0], $0xffff;
	v10 =	vor.u32 v1, v10;
	[tilespmem:s24+$0x5810] =	vst v2;
	v2 =	vmul.f32 v30, v25  }
0x16f: {  	v40 =	vld [tilespmem:s8+$0x5830];
	[tilespmem:s24+$0x5820] =	vst v3;
	v3 =	vmul.f32 v31, v25;
	v10 =	vbroadcast v10, $0x0  }
0x170: {  	v41 =	vld [tilespmem:s8+$0x5840];
	[tilespmem:s24+$0x5830] =	vst v2;
	v2 =	vmul.f32 v32, v25  }
0x171: {  	v42 =	vld [tilespmem:s8+$0x5850];
	[tilespmem:s24+$0x5840] =	vst v3;
	v3 =	vmul.f32 v33, v25  }
0x172: {  	v43 =	vld [tilespmem:s8+$0x5860];
	s9 =	sshll.u32 s22, $0x7;
	[tilespmem:s24+$0x5850] =	vst v2;
	v2 =	vmul.f32 v34, v25  }
0x173: {  	v44 =	vld [tilespmem:s8+$0x5870];
	s9 =	sand.u32 $0x3FFFFF80, s9;
	s23 =	sor.u32 $0xF, s20;
	[tilespmem:s24+$0x5860] =	vst v3;
	v3 =	vmul.f32 v37, v35  }
0x174: {  	v47 =	vld [tilespmem:s9+$0x5800];
	v46 =	vmov s23;
	[tilespmem:s24+$0x5870] =	vst v2;
	v2 =	vmul.f32 v38, v35  }
0x175: {  	[tilespmem:s8+$0x5800] =	vst v3;
	v3 =	vmul.f32 v39, v35;
	v45 =	vld.idx.msk [tilespmem:v10+s3+$0x0], $0xffff;
	v10 =	vand.u32 $0x7F, v46  }
0x176: {  	v48 =	vld [tilespmem:s9+$0x5810];
	v10 =	vor.u32 v1, v10;
	[tilespmem:s8+$0x5810] =	vst v2;
	v2 =	vmul.f32 v40, v35  }
0x177: {  	v49 =	vld [tilespmem:s9+$0x5820];
	[tilespmem:s8+$0x5820] =	vst v3;
	v3 =	vmul.f32 v41, v35;
	v10 =	vbroadcast v10, $0x0  }
0x178: {  	v50 =	vld [tilespmem:s9+$0x5830];
	[tilespmem:s8+$0x5830] =	vst v2;
	v2 =	vmul.f32 v42, v35  }
0x179: {  	v51 =	vld [tilespmem:s9+$0x5840];
	[tilespmem:s8+$0x5840] =	vst v3;
	v3 =	vmul.f32 v43, v35  }
0x17a: {  	v52 =	vld [tilespmem:s9+$0x5850];
	[tilespmem:s8+$0x5850] =	vst v2;
	v2 =	vmul.f32 v44, v35  }
0x17b: {  	v53 =	vld [tilespmem:s9+$0x5860];
	[tilespmem:s8+$0x5860] =	vst v3;
	v3 =	vmul.f32 v47, v45  }
0x17c: {  	v54 =	vld [tilespmem:s9+$0x5870];
	s24 =	sshll.u32 s23, $0x7;
	[tilespmem:s8+$0x5870] =	vst v2;
	v2 =	vmul.f32 v48, v45  }
0x17d: {  	[tilespmem:s9+$0x5800] =	vst v3;
	v3 =	vmul.f32 v49, v45;
	v55 =	vld.idx.msk [tilespmem:v10+s3+$0x0], $0xffff;
	s8 =	sand.u32 $0x3FFFFF80, s24  }
0x17e: {  	v56 =	vld [tilespmem:s8+$0x5800];
	[tilespmem:s9+$0x5810] =	vst v2;
	v2 =	vmul.f32 v50, v45  }
0x17f: {  	[tilespmem:s9+$0x5820] =	vst v3;
	v3 =	vmul.f32 v51, v45;
	v57 =	vld [tilespmem:s8+$0x5810]  }
0x180: {  	v58 =	vld [tilespmem:s8+$0x5820];
	[tilespmem:s9+$0x5830] =	vst v2;
	v2 =	vmul.f32 v52, v45  }
0x181: {  	[tilespmem:s9+$0x5840] =	vst v3;
	v3 =	vmul.f32 v53, v45;
	v59 =	vld [tilespmem:s8+$0x5830]  }
0x182: {  	v60 =	vld [tilespmem:s8+$0x5840];
	[tilespmem:s9+$0x5850] =	vst v2;
	v2 =	vmul.f32 v54, v45  }
0x183: {  	v61 =	vld [tilespmem:s8+$0x5850];
	[tilespmem:s9+$0x5860] =	vst v3;
	v3 =	vmul.f32 v56, v55  }
0x184: {  	v62 =	vld [tilespmem:s8+$0x5860];
	[tilespmem:s9+$0x5870] =	vst v2;
	v2 =	vmul.f32 v57, v55  }
0x185: {  	v63 =	vld [tilespmem:s8+$0x5870];
	[tilespmem:s8+$0x5800] =	vst v3;
	v3 =	vmul.f32 v58, v55  }
0x186: {  	[tilespmem:s8+$0x5810] =	vst v2;
	v2 =	vmul.f32 v59, v55  }
0x187: {  	p0 =	slt.u32 s20, $0x70;
	[tilespmem:s8+$0x5820] =	vst v3;
	v3 =	vmul.f32 v60, v55  }
.Ltmp2:
0x188: {  	[tilespmem:s8+$0x5830] =	vst v2;
	v2 =	vmul.f32 v61, v55;
	(pc) =	sbr.rel @p0 .LBB2_8-.Ltmp2, $4  }
0x189: {  	[tilespmem:s8+$0x5840] =	vst v3;
	v3 =	vmul.f32 v62, v55  }
0x18a: {  	[tilespmem:s8+$0x5850] =	vst v2;
	v2 =	vmul.f32 v63, v55  }
0x18b: {  	[tilespmem:s8+$0x5860] =	vst v3  }
0x18c: {  	s20 =	sadd.s32 $0x10, s20;
	[tilespmem:s8+$0x5870] =	vst v2  }
0x18d: {  	s4 =	sadd.s32 $0x1, s4  }
0x18e: {  	p0 =	sne.s32 s4, $0x8  }
.Ltmp3:
0x18f: {  	s8 =	sadd.s32 $0x1000, s15;
	(pc) =	sbr.rel @p0 .LBB2_5-.Ltmp3, $4  }
0x190: {  	[spmem:s2] =	stream.indirect.scatter.add.f32 [tilespmem:s26], [sflag:$0x3], $0x80, s8, s25, $0xb8;
	[tilespmem:$0x1D800] =	vst v63  }
0x191: {  	_ =	swait.ge [sflag:s17], $0x4000  }
0x192: {  	[sflag:s17] =	ssyncset.done $0x0  }
0x193: {  	[sflag:s17] =	ssyncadd.s32 $0xFFFFC000  }
0x194: {  	s0 =	sadd.s32 $0x1, s0  }
0x195: {  	p0 =	sne.s32 s0, $0xA  }
.Ltmp4:
0x196: {  	_ = 	snop;
	(pc) =	sbr.rel @p0 .LBB2_4-.Ltmp4, $1  }
0x197: {  	_ =	sdelay $0x3  }
0x198: {  	s0 =	stileid.u32  }
0x199: {  	[bflag:$0x0] =	sbarrier.arrive $0xFFFF;
	s0 =	sshll.u32 s0, $0x6  }
0x19a: {  	s4 =	sshrl.u32 s11, $0x3;
	s9 =	rddreg [dreg:$0x7];
	s0 =	sor.u32 $0x1C03, s0  }
0x19b: {  	[hbm:s9], [sflag:s0] =	dma.local [spmem:s4], $0x800  }
0x19c: {  	_ =	swait.ge [sflag:s17], $0x800  }
0x19d: {  	[sflag:s17] =	ssyncset.done $0x0  }
0x19e: {  	s23 =	sshrl.u32 s12, $0x3;
	s24 =	rddreg [dreg:$0x8];
	[sflag:s17] =	ssyncadd.s32 $0xFFFFF800  }
0x19f: {  	[hbm:s24], [sflag:s0] =	dma.local [spmem:s23], $0x800  }
0x1a0: {  	_ =	swait.ge [sflag:s17], $0x800  }
0x1a1: {  	s9 =	smov.u32 s12;
	s12 =	sshrl.u32 s13, $0x3;
	[sflag:s17] =	ssyncset.done $0x0  }
0x1a2: {  	s24 =	smov.u32 s13;
	s13 =	rddreg [dreg:$0x9];
	[sflag:s17] =	ssyncadd.s32 $0xFFFFF800  }
0x1a3: {  	[hbm:s13], [sflag:s0] =	dma.local [spmem:s12], $0x800  }
0x1a4: {  	_ =	swait.ge [sflag:s17], $0x800  }
0x1a5: {  	[sflag:s17] =	ssyncset.done $0x0;
	s31 =	rddreg [dreg:$0x4]  }
0x1a6: {  	s20 =	rddreg [dreg:$0xa];
	[sflag:s17] =	ssyncadd.s32 $0xFFFFF800;
	s15 =	sshrl.u32 s31, $0x3  }
0x1a7: {  	[hbm:s20], [sflag:s0] =	dma.local [spmem:s15], $0x800  }
0x1a8: {  	_ =	swait.ge [sflag:s17], $0x800  }
0x1a9: {  	[sflag:s17] =	ssyncset.done $0x0;
	s21 =	rddreg [dreg:$0x5]  }
0x1aa: {  	s22 =	rddreg [dreg:$0xb];
	[sflag:s17] =	ssyncadd.s32 $0xFFFFF800;
	s4 =	sshrl.u32 s21, $0x3  }
0x1ab: {  	[hbm:s22], [sflag:s0] =	dma.local [spmem:s4], $0x800  }
0x1ac: {  	_ =	swait.ge [sflag:s17], $0x800  }
0x1ad: {  	s30 =	sadd.s32 $0x1, s30;
	s23 =	rddreg [dreg:$0x6]  }
0x1ae: {  	p0 =	sne.s32 s30, s23  }
.Ltmp5:
0x1af: {  	_ = 	snop;
	(pc) =	sbr.rel @p0 .LBB2_1-.Ltmp5, $3  }
0x1b0: {  	_ =	sdelay $0x1  }
0x1b1: {  	[sflag:s17] =	ssyncset.done $0x0  }
0x1b2: {  	s8 =	smov.u32 s11;
	[sflag:s17] =	ssyncadd.s32 $0xFFFFF800  }
0x1b3: {  	_ =	sfence.sel $0x180000  }
0x1b4: {  	[bflag:$0x0] =	sbarrier.arrive $0xFFFF  }
0x1b5: {  	_ =	strace $0x9000004A  }
0x1b6: {  	s0 =	stileid.u32;
	[bflag:$0x2] =	sbarrier.arrive $0xFFFF  }
0x1b7: {  	p0 =	sne.s32 s0, $0x0;
	s0 =	rddreg [dreg:$0x3]  }
0x1b8: {  	s0 =	sadd.s32 @!p0 $0x100000, s0  }
0x1b9: {  	[sflag:s0] =	ssyncadd.tile.s32 @!p0 $0x1;
	_ =	shalt  }
.Lfunc_end2:
_tile_overlayer_lowered:
.L_overlay_start_2:
0x1ba: {  	(tag) =	ssettag $0x2  }
0x1bb: {  	s0 =	rddreg [dreg:$0x0];
	s2 =	stileid.u32  }
0x1bc: {  	s1 =	rddreg [dreg:$0x1];
	p0 =	sne.s32 s2, $0x0  }
0x1bd: {  	s3 =	rddreg [dreg:$0x2];
	[bflag:$0x3] =	sbarrier.arrive $0xFFFF;
	s2 =	simm.s32 @!p0 $0x1C03  }
0x1be: {  	[timem:s3], [sflag:s2] =	dma.local @!p0 [hbm:s0], s1  }
0x1bf: {  	s0 =	simm.s32 @!p0 $0x3  }
0x1c0: {  	_ =	swait.ge @!p0 [sflag:s0], s1  }
0x1c1: {  	s1 =	ssub.s32 @!p0 $0x0, s1;
	[sflag:s0] =	ssyncset.done @!p0 $0x0  }
0x1c2: {  	[sflag:s0] =	ssyncadd.s32 @!p0 s1  }
0x1c3: {  	[bflag:$0x3] =	sbarrier.arrive $0xFFFF  }
0x1c4: {  	_ =	shalt  }

// kernel: kernel.15.cloned.1.call-start
scs
__scs_entry_jumppad:
0x0: {  	(pc) =	sbr.rel $0x88, $3  }
0x1: {  	(tag) =	ssettag $0x0;
	lr =	simm.s32 $0x1  }
0x2: {  	[smem:$0x3F97] =	sst lr;
	_ =	strace $0xD0000000  }
0x3: {  	_ = 	snop  }
0x4: {  	_ = 	snop  }
0x5: {  	_ = 	snop  }
0x6: {  	_ = 	snop  }
0x7: {  	_ = 	snop  }
__scs_overlays_trampoline_lowered:
0x8: {  	[smem:$0x3FA6] =	sst s0  }
0x9: {  	[smem:$0x3FA7] =	sst s1  }
0xa: {  	[smem:$0x3FA8] =	sst s2  }
0xb: {  	[smem:$0x3FA9] =	sst s3  }
0xc: {  	[smem:$0x3FAA] =	sst s4  }
0xd: {  	[smem:$0x3FAB] =	sst s5  }
0xe: {  	[smem:$0x3FAC] =	sst s6  }
0xf: {  	[smem:$0x3FAD] =	sst s7  }
0x10: {  	[smem:$0x3FAE] =	sst s8  }
0x11: {  	[smem:$0x3FAF] =	sst s9;
	s0 =	simm.s32 @!p0 $0x0  }
0x12: {  	s1 =	sld [smem:$0x3F95];
	s0 =	simm.s32 @p0 $0x1  }
0x13: {  	[smem:$0x3FB0] =	sst s0;
	s0 =	simm.s32 @!p1 $0x0  }
0x14: {  	s2 =	sld [smem:$0x3F94];
	s0 =	simm.s32 @p1 $0x1  }
0x15: {  	[smem:$0x3FB1] =	sst s0;
	s0 =	simm.s32 @!p2 $0x0  }
0x16: {  	s3 =	sld [smem:$0x3FDB];
	s0 =	simm.s32 @p2 $0x1  }
0x17: {  	s4 =	simm.s32 $0x1BF5;
	[smem:$0x3FB3] =	sst s0  }
0x18: {  	s0 =	sld [smem:$0x3F96];
	_ =	swait.ge [sflag:s4], $0x0  }
0x19: {  	s7 =	sld [smem:$0x3F97]  }
0x1a: {  	s8 =	sadd.s32 $0xFFFFE003, lr  }
0x1b: {  	s9 =	sadd.s32 $0xFFFFFEF7, lr;
	s5 =	simm.s32 $0xFFFFFFFF;
	p2 =	slt.u32 s8, $0xFFFFF086  }
0x1c: {  	p1 =	slt.u32 s9, $0xF7A;
	s5 =	simm.s32 @!p2 $0x0  }
0x1d: {  	s5 =	simm.s32 @p1 $0x1;
	p0 =	seq.s32 s7, s2  }
0x1e: {  	s7 =	smul.u32 @!p0 $0xF7A, s2;
	p2 =	seq.s32 @!p0 s5, $0x0  }
0x1f: {  	s9 =	smul.u32 $0xF7A, s1;
	s8 =	simm.s32 @!p0 $0x1BF5;
	p2 =	por !p2, p0  }
0x20: {  	[sflag:s8] =	ssyncset.s32 @!p0 $0xFFFFF086;
	s6 =	sadd.s32 @!p0 s3, s7;
	s7 =	simm.s32 @!p0 $0x108  }
0x21: {  	s3 =	sadd.s32 s3, s9;
	s6 =	sadd.s32 @!p0 $0x88, s6;
	s7 =	simm.s32 @p2 $0x1082  }
0x22: {  	[simem:s7], [sflag:s8] =	dma.local @!p0 [hbm:s6], $0xF7A  }
0x23: {  	s9 =	sor.u32 $0xD0000000, s2;
	s6 =	simm.s32 $0x108;
	_ =	swait.ge @!p0 [sflag:s8], $0x0  }
0x24: {  	s3 =	sadd.s32 $0x88, s3;
	s6 =	simm.s32 @!p1 $0x1082;
	[sflag:s4] =	ssyncset.s32 $0xFFFFF086  }
0x25: {  	[simem:s6], [sflag:s4] =	dma.local [hbm:s3], $0xF7A  }
0x26: {  	[smem:$0x3F97] =	sst s1;
	(tag) =	ssettag s2;
	_ =	strace s9  }
0x27: {  	s1 =	sld [smem:$0x3FA7]  }
0x28: {  	s2 =	sld [smem:$0x3FA8]  }
0x29: {  	s4 =	sld [smem:$0x3FAA]  }
0x2a: {  	p0 =	seq.s32 s5, $0x0;
	s5 =	sld [smem:$0x3FAB]  }
0x2b: {  	s6 =	sld [smem:$0x3FAC]  }
0x2c: {  	s7 =	sld [smem:$0x3FAD]  }
0x2d: {  	s3 =	simm.s32 $0x108;
	s8 =	sld [smem:$0x3FAE]  }
0x2e: {  	s3 =	simm.s32 @!p0 $0x1082;
	s9 =	sld [smem:$0x3FAF]  }
0x2f: {  	lr =	sadd.s32 s0, s3;
	s0 =	sld [smem:$0x3FA6]  }
0x30: {  	s3 =	sld [smem:$0x3FA9]  }
0x31: {  	[smem:$0x3FB2] =	sst s10  }
0x32: {  	s10 =	sld [smem:$0x3FB0];
	_ =	sdelay $0x3  }
0x33: {  	p0 =	seq.s32 s10, $0x1;
	s10 =	sld [smem:$0x3FB2];
	_ =	sdelay $0x3  }
0x34: {  	[smem:$0x3FB2] =	sst s10  }
0x35: {  	s10 =	sld [smem:$0x3FB1];
	_ =	sdelay $0x3  }
0x36: {  	p1 =	seq.s32 s10, $0x1;
	s10 =	sld [smem:$0x3FB2];
	_ =	sdelay $0x3  }
0x37: {  	[smem:$0x3FB2] =	sst s10  }
0x38: {  	s10 =	sld [smem:$0x3FB3]  }
0x39: {  	_ = 	snop;
	(pc) =	sbr.ind lr, $3  }
0x3a: {  	_ = 	snop  }
0x3b: {  	_ = 	snop  }
0x3c: {  	p2 =	seq.s32 s10, $0x1;
	s10 =	sld [smem:$0x3FB2]  }
0x3d: {  	_ =	shalt  }
0x3e: {  	_ =	shalt  }
0x3f: {  	_ =	shalt  }
0x40: {  	_ =	shalt  }
0x41: {  	_ =	shalt  }
0x42: {  	_ =	shalt  }
0x43: {  	_ =	shalt  }
0x44: {  	_ =	shalt  }
0x45: {  	_ =	shalt  }
0x46: {  	_ =	shalt  }
0x47: {  	_ =	shalt  }
0x48: {  	_ =	shalt  }
0x49: {  	_ =	shalt  }
0x4a: {  	_ =	shalt  }
0x4b: {  	_ =	shalt  }
0x4c: {  	_ =	shalt  }
0x4d: {  	_ =	shalt  }
0x4e: {  	_ =	shalt  }
0x4f: {  	_ =	shalt  }
0x50: {  	_ =	shalt  }
0x51: {  	_ =	shalt  }
0x52: {  	_ =	shalt  }
0x53: {  	_ =	shalt  }
0x54: {  	_ =	shalt  }
0x55: {  	_ =	shalt  }
0x56: {  	_ =	shalt  }
0x57: {  	_ =	shalt  }
0x58: {  	_ =	shalt  }
0x59: {  	_ =	shalt  }
0x5a: {  	_ =	shalt  }
0x5b: {  	_ =	shalt  }
0x5c: {  	_ =	shalt  }
0x5d: {  	_ =	shalt  }
0x5e: {  	_ =	shalt  }
0x5f: {  	_ =	shalt  }
0x60: {  	_ =	shalt  }
0x61: {  	_ =	shalt  }
0x62: {  	_ =	shalt  }
0x63: {  	_ =	shalt  }
0x64: {  	_ =	shalt  }
0x65: {  	_ =	shalt  }
0x66: {  	_ =	shalt  }
0x67: {  	_ =	shalt  }
0x68: {  	_ =	shalt  }
0x69: {  	_ =	shalt  }
0x6a: {  	_ =	shalt  }
0x6b: {  	_ =	shalt  }
0x6c: {  	_ =	shalt  }
0x6d: {  	_ =	shalt  }
0x6e: {  	_ =	shalt  }
0x6f: {  	_ =	shalt  }
0x70: {  	_ =	shalt  }
0x71: {  	_ =	shalt  }
0x72: {  	_ =	shalt  }
0x73: {  	_ =	shalt  }
0x74: {  	_ =	shalt  }
0x75: {  	_ =	shalt  }
0x76: {  	_ =	shalt  }
0x77: {  	_ =	shalt  }
0x78: {  	_ =	shalt  }
0x79: {  	_ =	shalt  }
0x7a: {  	_ =	shalt  }
0x7b: {  	_ =	shalt  }
0x7c: {  	_ =	shalt  }
0x7d: {  	_ =	shalt  }
0x7e: {  	_ =	shalt  }
0x7f: {  	_ =	shalt  }
0x80: {  	_ =	shalt  }
0x81: {  	_ =	shalt  }
0x82: {  	_ =	shalt  }
0x83: {  	_ =	shalt  }
0x84: {  	_ =	shalt  }
0x85: {  	_ =	shalt  }
0x86: {  	_ =	shalt  }
0x87: {  	_ =	shalt  }
.Lfunc_end0:
.L_simem_size_0:
called_computation.2_lowered:
.L_overlay_start_0:
0x88: {  	s2 =	sld [smem:$0x3FD9]  }
0x89: {  	s3 =	sld [smem:$0x3FFE];
	_ =	sdelay $0x1  }
0x8a: {  	s1 =	srdreg.scid  }
0x8b: {  	s0 =	sand.u32 $0x1, s1  }
0x8c: {  	s17 =	sshll.u32 s0, $0xA;
	s2 =	sadd.s32 s3, s2  }
0x8d: {  	s2 =	sadd.s32 s2, s17  }
0x8e: {  	[smem:$0x3FBE] =	sst s2  }
0x8f: {  	_ = 	snop  }
0x90: {  	s2 =	sld [smem:$0x3FD0];
	(tm) =	ssettm $0x1  }
0x91: {  	s18 =	sld [smem:$0x3FFB];
	_ =	sdelay $0x3  }
0x92: {  	_ =	strace s18  }
0x93: {  	s3 =	sld [smem:$0x3FFC];
	_ =	sdelay $0x3  }
0x94: {  	_ =	strace s3  }
0x95: {  	s3 =	sld [smem:$0x3FFD];
	_ =	sdelay $0x3  }
0x96: {  	_ =	strace s3  }
0x97: {  	_ =	strace $0x8FFFFFFF  }
0x98: {  	s19 =	sld [smem:$0x3FDB];
	_ =	sdelay $0x1  }
0x99: {  	s4 =	simm.s32 $_scs_section_size  }
0x9a: {  	s5 =	simm.s32 $_size__tile_overlayer_lowered;
	s6 =	simm.s32 $_tile_overlayer_lowered  }
0x9b: {  	s22 =	simm.s32 $0x1BFF;
	s21 =	sshll.u32 s6, $0x1;
	s3 =	sadd.s32 s4, s19  }
0x9c: {  	s7 =	simm.s32 $0x0;
	s20 =	sshll.u32 s5, $0x1;
	s5 =	sadd.s32 s21, s3  }
0x9d: {  	[timem:s7], [sflag:s22] =	dma.local [hbm:s5], s20  }
0x9e: {  	_ =	swait.ge [sflag:s22], s20  }
0x9f: {  	s4 =	ssub.s32 $0x0, s20;
	[sflag:s22] =	ssyncset.done $0x0  }
0xa0: {  	[sflag:s22] =	ssyncadd.s32 s4;
	_ =	sdelay $0x1  }
0xa1: {  	s23 =	simm.s32 $0x1B8B  }
0xa2: {  	_ =	swait.ge [sflag:s23], $0x1  }
0xa3: {  	[sflag:s23] =	ssyncset.done $0x0  }
0xa4: {  	s25 =	simm.s32 $0x1B8E;
	s24 =	sld [smem:$0x3FFE];
	[sflag:s23] =	ssyncadd.s32 $0xFFFFFFFF  }
0xa5: {  	s26 =	simm.s32 $execute0_lowered;
	[smem:$0x3FD2] =	sst s25  }
0xa6: {  	s5 =	sshll.u32 s26, $0x1;
	_ =	strace $0x8000004C;
	[dreg:$0x1] =	wrdreg $0xFFFFFFFF  }
0xa7: {  	s28 =	simm.s32 $_size_execute0_lowered;
	s3 =	sadd.s32 s3, s5;
	[dreg:$0x0] =	wrdreg $0x0  }
0xa8: {  	s5 =	sshll.u32 s28, $0x1;
	[dreg:$0x2] =	wrdreg s3  }
0xa9: {  	[dreg:$0x3] =	wrdreg s5  }
0xaa: {  	[dreg:$0x4] =	wrdreg $0xC0  }
0xab: {  	_ =	task [dreg:s7], $0x5FFFF  }
0xac: {  	[dreg:$0x1] =	wrdreg $0xFFFFFFFF  }
0xad: {  	[dreg:$0x0] =	wrdreg $0x60  }
0xae: {  	[dreg:$0x2] =	wrdreg s24  }
0xaf: {  	[dreg:$0x3] =	wrdreg s2  }
0xb0: {  	[dreg:$0x4] =	wrdreg $0x70800  }
0xb1: {  	[dreg:$0x5] =	wrdreg $0x9  }
0xb2: {  	_ =	task.clear_ibuf [dreg:s7], $0x6FFFF;
	_ =	strace $0x9000004C  }
0xb3: {  	s29 =	simm.s32 $0x9;
	_ =	strace $0x8000004E  }
0xb4: {  	_ =	swait.ge [sflag:s29], $0x1  }
0xb5: {  	[sflag:s29] =	ssyncadd.s32 $0xFFFFFFFF  }
0xb6: {  	_ =	strace $0x9000004E  }
0xb7: {  	_ =	sfence  }
0xb8: {  	s30 =	sld [smem:$0x0];
	_ =	sdelay $0x2  }
0xb9: {  	s31 =	sshll.u32 s1, $0xD;
	s1 =	sshrl.u32 s1, $0x2  }
0xba: {  	s3 =	sand.u32 $0x4000, s31;
	s1 =	sadd.s32 s1, s30  }
0xbb: {  	s0 =	sor.u32 s3, s0;
	s1 =	sshll.u32 s1, $0x11  }
0xbc: {  	s0 =	sor.u32 s1, s0  }
0xbd: {  	s0 =	sadd.s32 $0x8F2B, s0  }
0xbe: {  	[sflag:s0] =	ssyncadd.remote.s32 $0x1  }
0xbf: {  	_ =	sfence.sel $0xFFFF  }
0xc0: {  	[dreg:$0x0] =	wrdreg $0xFFFFFFFF;
	(pc) =	sbr.abs _section_cstart, $3  }
0xc1: {  	[dreg:$0x1] =	wrdreg $0xFFFFFFFF  }
0xc2: {  	_ =	task.clear_ibuf [dreg:s7], $0x2FFFF;
	_ =	strace $0x9FFFFFFF  }
0xc3: {  	(tm) =	ssettm $0x7FFFFFFF  }
tec
execute0_lowered:
.L_overlay_start_1:
0x0: {  	(tag) =	ssettag $0x1  }
0x1: {  	s0 =	rddreg [dreg:$0x0]  }
0x2: {  	s2 =	rddreg [dreg:$0x1]  }
0x3: {  	s3 =	rddreg [dreg:$0x2]  }
0x4: {  	s1 =	srdreg.scid;
	s7 =	stileid.u32;
	s4 =	simm.s32 $0x0  }
0x5: {  	s18 =	simm.s32 $0x7000;
	s19 =	simm.s32 $0x1;
	s20 =	simm.s32 $0x2800  }
0x6: {  	s21 =	simm.s32 $0x5000;
	s22 =	simm.s32 $0x5800;
	s23 =	simm.s32 $0x80  }
0x7: {  	s24 =	simm.s32 $0x6000;
	s26 =	simm.s32 $0x6800;
	s28 =	simm.s32 $0x0  }
0x8: {  	s1 =	sand.u32 $0x1, s1;
	s6 =	smul.u32 $0x280, s7;
	[smem:$0x7FF] =	sst s4  }
0x9: {  	s5 =	sadd.s32 $0x54C00, s0;
	s8 =	sadd.s32 $0x2B800, s0;
	s29 =	sadd.s32 $0x2BE00, s0  }
0xa: {  	s31 =	sshll.u32 s7, $0x6;
	_ =	strace $0x8000004D;
	[dreg:$0x4] =	wrdreg s8  }
0xb: {  	s9 =	smul.u32 $0x2800, s1;
	[dreg:$0x5] =	wrdreg s29;
	s8 =	sadd.s32 $0x2CE00, s0  }
0xc: {  	s11 =	ssub.s32 $0x2, s1;
	s1 =	sshll.u32 s1, $0x4;
	s25 =	sor.u32 $0x1C01, s31  }
0xd: {  	s12 =	sshrl.u32 s11, $0x1;
	s1 =	sor.u32 s7, s1;
	s10 =	sadd.s32 s6, s9  }
0xe: {  	s9 =	sadd.s32 $0x36E00, s0;
	s30 =	ssub.s32 s11, s12;
	s10 =	sshrl.u32 s10, $0x3  }
0xf: {  	s15 =	smul.u32 $0x2800, s1;
	s0 =	sadd.s32 s10, s0;
	s10 =	sadd.s32 s6, s3  }
0x10: {  	s17 =	smax.u32 s30, $0x1;
	s11 =	sadd.s32 $0x80, s10;
	s12 =	sadd.s32 $0x100, s10  }
0x11: {  	v0 =	vimm.f32 $0.0e+00;
	s13 =	sadd.s32 $0x180, s10;
	s14 =	sadd.s32 $0x200, s10;
	s16 =	sadd.s32 $0x2C400, s0  }
.LBB2_1:
0x12: {  	[tilespmem:$0x7000] =	vst v0  }
0x13: {  	[tilespmem:$0x7010] =	vst v0  }
0x14: {  	[tilespmem:$0x7020] =	vst v0  }
0x15: {  	[tilespmem:$0x7030] =	vst v0  }
0x16: {  	[tilespmem:$0x7040] =	vst v0  }
0x17: {  	[tilespmem:$0x7050] =	vst v0  }
0x18: {  	[tilespmem:$0x7060] =	vst v0  }
0x19: {  	[tilespmem:$0x7070] =	vst v0  }
0x1a: {  	[spmem:s10] =	stream.linear.scatter [tilespmem:s18], [sflag:$0x1], $0x80, $0x38;
	[tilespmem:$0x7300] =	vst v63  }
0x1b: {  	_ =	swait.ge [sflag:s19], $0x80  }
0x1c: {  	[sflag:s19] =	ssyncset.done $0x0  }
0x1d: {  	[sflag:s19] =	ssyncadd.s32 $0xFFFFFF80  }
0x1e: {  	[spmem:s11] =	stream.linear.scatter [tilespmem:s18], [sflag:$0x1], $0x80, $0x38;
	[tilespmem:$0x7300] =	vst v63  }
0x1f: {  	_ =	swait.ge [sflag:s19], $0x80  }
0x20: {  	[sflag:s19] =	ssyncset.done $0x0  }
0x21: {  	[sflag:s19] =	ssyncadd.s32 $0xFFFFFF80  }
0x22: {  	[spmem:s12] =	stream.linear.scatter [tilespmem:s18], [sflag:$0x1], $0x80, $0x38;
	[tilespmem:$0x7300] =	vst v63  }
0x23: {  	_ =	swait.ge [sflag:s19], $0x80  }
0x24: {  	[sflag:s19] =	ssyncset.done $0x0  }
0x25: {  	[sflag:s19] =	ssyncadd.s32 $0xFFFFFF80  }
0x26: {  	[spmem:s13] =	stream.linear.scatter [tilespmem:s18], [sflag:$0x1], $0x80, $0x38;
	[tilespmem:$0x7300] =	vst v63  }
0x27: {  	_ =	swait.ge [sflag:s19], $0x80  }
0x28: {  	[sflag:s19] =	ssyncset.done $0x0  }
0x29: {  	[sflag:s19] =	ssyncadd.s32 $0xFFFFFF80  }
0x2a: {  	[spmem:s14] =	stream.linear.scatter [tilespmem:s18], [sflag:$0x1], $0x80, $0x38;
	[tilespmem:$0x7300] =	vst v63  }
0x2b: {  	_ =	swait.ge [sflag:s19], $0x80  }
0x2c: {  	[sflag:s19] =	ssyncset.done $0x0  }
0x2d: {  	s0 =	rddreg [dreg:$0x4];
	[sflag:s19] =	ssyncadd.s32 $0xFFFFFF80  }
0x2e: {  	[tilespmem:s4], [sflag:$0x1] =	stream.linear.gather [hbm4b:s0+s4], $0x2800, $0x38;
	[tilespmem:$0x7300] =	vst v63  }
0x2f: {  	_ =	swait.ge [sflag:s19], $0x2800  }
0x30: {  	[sflag:s19] =	ssyncset.done $0x0  }
0x31: {  	s31 =	rddreg [dreg:$0x5];
	[sflag:s19] =	ssyncadd.s32 $0xFFFFD800  }
0x32: {  	[tilespmem:s20], [sflag:$0x1] =	stream.linear.gather [hbm4b:s31+s4], $0x2800, $0x38;
	[tilespmem:$0x7300] =	vst v63  }
0x33: {  	_ =	swait.ge [sflag:s19], $0x2800  }
0x34: {  	[sflag:s19] =	ssyncset.done $0x0  }
0x35: {  	[sflag:s19] =	ssyncadd.s32 $0xFFFFD800  }
0x36: {  	s29 =	simm.s32 $0x0;
	[bflag:$0x0] =	sbarrier.arrive $0xFFFF  }
.LBB2_2:
0x37: {  	s0 =	sshll.u32 s29, $0xB  }
0x38: {  	s0 =	sadd.s32 s15, s0  }
0x39: {  	s30 =	sshrl.u32 s0, $0x3  }
0x3a: {  	s1 =	simm.s32 $0x0;
	s0 =	sadd.s32 s5, s30  }
0x3b: {  	[tilespmem:s21], [sflag:$0x1] =	stream.linear.gather [hbm4b:s0+s1], $0x800, $0x38;
	[tilespmem:$0x7300] =	vst v63  }
0x3c: {  	_ =	swait.ge [sflag:s19], $0x800  }
0x3d: {  	[sflag:s19] =	ssyncset.done $0x0  }
0x3e: {  	s7 =	sadd.s32 s2, s30;
	[sflag:s19] =	ssyncadd.s32 $0xFFFFF800  }
0x3f: {  	[tilespmem:s22], [sflag:$0x1] =	stream.linear.gather [hbm4b:s7+s1], $0x800, $0x38;
	[tilespmem:$0x7300] =	vst v63  }
0x40: {  	_ =	swait.ge [sflag:s19], $0x800  }
0x41: {  	[sflag:s19] =	ssyncset.done $0x0  }
0x42: {  	s31 =	simm.s32 $0x0;
	[sflag:s19] =	ssyncadd.s32 $0xFFFFF800  }
0x43: {  	v1 =	vld [tilespmem:s31+$0x5000]  }
0x44: {  	v2 =	vld [tilespmem:s31+$0x5800];
	_ =	sdelay $0x6  }
0x45: {  	v3 =	vld.idx.msk [tilespmem:v1+s4+$0x0], $0xffff  }
0x46: {  	v2 =	vld.idx.msk [tilespmem:v2+s20+$0x0], $0xffff;
	_ =	sdelay $0x4  }
0x47: {  	v2 =	vadd.f32 v2, v3;
	_ =	sdelay $0x1  }
0x48: {  	v3 =	vmul.f32 $2.000000030e-01, v2  }
0x49: {  	vm0 =	vgt.f32 v2, $0.0e+00  }
0x4a: {  	v2 =	vsel vm0, v2, v3  }
0x4b: {  	v2 =	vmul.f32 $1.442695020e+00, v2;
	_ =	sdelay $0x1  }
0x4c: {  	(erf) = vpow2.f32 v2;
	_ =	sdelay $0x2  }
0x4d: {  	v2 =	vld [tilespmem:s31+$0x5010]  }
0x4e: {  	v3 =	vld [tilespmem:s31+$0x5810];
	_ =	sdelay $0x4  }
0x4f: {  	[tilespmem:s31+$0x6800] =	vst v1;
	v1 =	vpop (erf)  }
0x50: {  	[tilespmem:s31+$0x6000] =	vst v1  }
0x51: {  	v1 =	vld.idx.msk [tilespmem:v2+s4+$0x0], $0xffff  }
0x52: {  	v3 =	vld.idx.msk [tilespmem:v3+s20+$0x0], $0xffff;
	_ =	sdelay $0x4  }
0x53: {  	v1 =	vadd.f32 v3, v1;
	_ =	sdelay $0x1  }
0x54: {  	v3 =	vmul.f32 $2.000000030e-01, v1  }
0x55: {  	vm9 =	vgt.f32 v1, $0.0e+00  }
0x56: {  	v1 =	vsel vm9, v1, v3  }
0x57: {  	v1 =	vmul.f32 $1.442695020e+00, v1;
	_ =	sdelay $0x1  }
0x58: {  	(erf) = vpow2.f32 v1;
	_ =	sdelay $0x2  }
0x59: {  	v1 =	vld [tilespmem:s31+$0x5020]  }
0x5a: {  	v3 =	vld [tilespmem:s31+$0x5820];
	_ =	sdelay $0x4  }
0x5b: {  	[tilespmem:s31+$0x6810] =	vst v2;
	v2 =	vpop (erf)  }
0x5c: {  	[tilespmem:s31+$0x6010] =	vst v2  }
0x5d: {  	v2 =	vld.idx.msk [tilespmem:v1+s4+$0x0], $0xffff  }
0x5e: {  	v3 =	vld.idx.msk [tilespmem:v3+s20+$0x0], $0xffff;
	_ =	sdelay $0x4  }
0x5f: {  	v2 =	vadd.f32 v3, v2;
	_ =	sdelay $0x1  }
0x60: {  	v3 =	vmul.f32 $2.000000030e-01, v2  }
0x61: {  	vm10 =	vgt.f32 v2, $0.0e+00  }
0x62: {  	v2 =	vsel vm10, v2, v3  }
0x63: {  	v2 =	vmul.f32 $1.442695020e+00, v2;
	_ =	sdelay $0x1  }
0x64: {  	(erf) = vpow2.f32 v2;
	_ =	sdelay $0x2  }
0x65: {  	v2 =	vld [tilespmem:s31+$0x5030]  }
0x66: {  	v3 =	vld [tilespmem:s31+$0x5830];
	_ =	sdelay $0x4  }
0x67: {  	[tilespmem:s31+$0x6820] =	vst v1;
	v1 =	vpop (erf)  }
0x68: {  	[tilespmem:s31+$0x6020] =	vst v1  }
0x69: {  	v1 =	vld.idx.msk [tilespmem:v2+s4+$0x0], $0xffff  }
0x6a: {  	v3 =	vld.idx.msk [tilespmem:v3+s20+$0x0], $0xffff;
	_ =	sdelay $0x4  }
0x6b: {  	v1 =	vadd.f32 v3, v1;
	_ =	sdelay $0x1  }
0x6c: {  	v3 =	vmul.f32 $2.000000030e-01, v1  }
0x6d: {  	vm11 =	vgt.f32 v1, $0.0e+00  }
0x6e: {  	v1 =	vsel vm11, v1, v3  }
0x6f: {  	v1 =	vmul.f32 $1.442695020e+00, v1;
	_ =	sdelay $0x1  }
0x70: {  	(erf) = vpow2.f32 v1;
	_ =	sdelay $0x2  }
0x71: {  	v1 =	vld [tilespmem:s31+$0x5040]  }
0x72: {  	v3 =	vld [tilespmem:s31+$0x5840];
	_ =	sdelay $0x4  }
0x73: {  	[tilespmem:s31+$0x6830] =	vst v2;
	v2 =	vpop (erf)  }
0x74: {  	[tilespmem:s31+$0x6030] =	vst v2  }
0x75: {  	v2 =	vld.idx.msk [tilespmem:v1+s4+$0x0], $0xffff  }
0x76: {  	v3 =	vld.idx.msk [tilespmem:v3+s20+$0x0], $0xffff;
	_ =	sdelay $0x4  }
0x77: {  	v2 =	vadd.f32 v3, v2;
	_ =	sdelay $0x1  }
0x78: {  	v3 =	vmul.f32 $2.000000030e-01, v2  }
0x79: {  	vm12 =	vgt.f32 v2, $0.0e+00  }
0x7a: {  	v2 =	vsel vm12, v2, v3  }
0x7b: {  	v2 =	vmul.f32 $1.442695020e+00, v2;
	_ =	sdelay $0x1  }
0x7c: {  	(erf) = vpow2.f32 v2;
	_ =	sdelay $0x2  }
0x7d: {  	[tilespmem:s31+$0x6840] =	vst v1;
	v1 =	vld [tilespmem:s31+$0x5050]  }
0x7e: {  	v2 =	vld [tilespmem:s31+$0x5850];
	_ =	sdelay $0x4  }
0x7f: {  	v3 =	vpop (erf)  }
0x80: {  	[tilespmem:s31+$0x6040] =	vst v3  }
0x81: {  	v3 =	vld.idx.msk [tilespmem:v1+s4+$0x0], $0xffff  }
0x82: {  	v2 =	vld.idx.msk [tilespmem:v2+s20+$0x0], $0xffff;
	_ =	sdelay $0x4  }
0x83: {  	v2 =	vadd.f32 v2, v3;
	_ =	sdelay $0x1  }
0x84: {  	v3 =	vmul.f32 $2.000000030e-01, v2  }
0x85: {  	vm13 =	vgt.f32 v2, $0.0e+00  }
0x86: {  	v2 =	vsel vm13, v2, v3  }
0x87: {  	v2 =	vmul.f32 $1.442695020e+00, v2;
	_ =	sdelay $0x1  }
0x88: {  	(erf) = vpow2.f32 v2;
	_ =	sdelay $0x2  }
0x89: {  	[tilespmem:s31+$0x6850] =	vst v1;
	v1 =	vld [tilespmem:s31+$0x5060]  }
0x8a: {  	v2 =	vld [tilespmem:s31+$0x5860];
	_ =	sdelay $0x4  }
0x8b: {  	v3 =	vpop (erf)  }
0x8c: {  	[tilespmem:s31+$0x6050] =	vst v3  }
0x8d: {  	v3 =	vld.idx.msk [tilespmem:v1+s4+$0x0], $0xffff  }
0x8e: {  	v2 =	vld.idx.msk [tilespmem:v2+s20+$0x0], $0xffff;
	_ =	sdelay $0x4  }
0x8f: {  	v2 =	vadd.f32 v2, v3;
	_ =	sdelay $0x1  }
0x90: {  	v3 =	vmul.f32 $2.000000030e-01, v2  }
0x91: {  	vm14 =	vgt.f32 v2, $0.0e+00  }
0x92: {  	v2 =	vsel vm14, v2, v3  }
0x93: {  	v2 =	vmul.f32 $1.442695020e+00, v2;
	_ =	sdelay $0x1  }
0x94: {  	(erf) = vpow2.f32 v2;
	_ =	sdelay $0x2  }
0x95: {  	[tilespmem:s31+$0x6860] =	vst v1;
	v1 =	vld [tilespmem:s31+$0x5070]  }
0x96: {  	v2 =	vld [tilespmem:s31+$0x5870];
	_ =	sdelay $0x4  }
0x97: {  	v3 =	vpop (erf)  }
0x98: {  	[tilespmem:s31+$0x6060] =	vst v3  }
0x99: {  	v3 =	vld.idx.msk [tilespmem:v1+s4+$0x0], $0xffff  }
0x9a: {  	v2 =	vld.idx.msk [tilespmem:v2+s20+$0x0], $0xffff;
	_ =	sdelay $0x4  }
0x9b: {  	v2 =	vadd.f32 v2, v3;
	_ =	sdelay $0x1  }
0x9c: {  	v3 =	vmul.f32 $2.000000030e-01, v2  }
0x9d: {  	vm15 =	vgt.f32 v2, $0.0e+00  }
0x9e: {  	v2 =	vsel vm15, v2, v3  }
0x9f: {  	v2 =	vmul.f32 $1.442695020e+00, v2;
	_ =	sdelay $0x1  }
0xa0: {  	(erf) = vpow2.f32 v2;
	_ =	sdelay $0x1  }
0xa1: {  	s6 =	simm.s32 $0x6000;
	s0 =	simm.s32 $0x200;
	s1 =	simm.s32 $0x5800;
	[tilespmem:s31+$0x6870] =	vst v1  }
.LBB2_3:
0xa2: {  	_ =	sdelay $0x2  }
0xa3: {  	p0 =	sne.s32 s0, $0x1E00;
	s7 =	smov.u32 s0;
	s0 =	sadd.s32 $0x200, s0  }
0xa4: {  	_ =	sdelay $0x1  }
0xa5: {  	v1 =	vpop (erf)  }
0xa6: {  	[tilespmem:s31+$0x6070] =	vst v1  }
0xa7: {  	[spmem:s3] =	stream.indirect.scatter.add.f32 [tilespmem:s6], [sflag:$0x1], $0x1, s1, s23, $0xb8;
	[tilespmem:$0x7300] =	vst v63  }
0xa8: {  	_ =	swait.ge [sflag:s19], $0x80  }
0xa9: {  	[sflag:s19] =	ssyncset.done $0x0  }
0xaa: {  	s31 =	sshra.s32 s7, $0x2;
	[sflag:s19] =	ssyncadd.s32 $0xFFFFFF80  }
0xab: {  	v1 =	vld [tilespmem:s31+$0x5000]  }
0xac: {  	v2 =	vld [tilespmem:s31+$0x5800];
	_ =	sdelay $0x6  }
0xad: {  	v3 =	vld.idx.msk [tilespmem:v1+s4+$0x0], $0xffff  }
0xae: {  	v2 =	vld.idx.msk [tilespmem:v2+s20+$0x0], $0xffff;
	_ =	sdelay $0x5  }
0xaf: {  	v2 =	vadd.f32 v2, v3;
	_ =	sdelay $0x1  }
0xb0: {  	vm0 =	vgt.f32 v2, $0.0e+00;
	v3 =	vmul.f32 $2.000000030e-01, v2;
	_ =	sdelay $0x1  }
0xb1: {  	v2 =	vsel vm0, v2, v3  }
0xb2: {  	v2 =	vmul.f32 $1.442695020e+00, v2;
	_ =	sdelay $0x1  }
0xb3: {  	(erf) = vpow2.f32 v2;
	_ =	sdelay $0x1  }
0xb4: {  	v2 =	vld [tilespmem:s31+$0x5810]  }
0xb5: {  	v3 =	vld [tilespmem:s31+$0x5010];
	_ =	sdelay $0x5  }
0xb6: {  	[tilespmem:s31+$0x6800] =	vst v1;
	v1 =	vpop (erf)  }
0xb7: {  	[tilespmem:s31+$0x6000] =	vst v1  }
0xb8: {  	v1 =	vld.idx.msk [tilespmem:v3+s4+$0x0], $0xffff  }
0xb9: {  	v2 =	vld.idx.msk [tilespmem:v2+s20+$0x0], $0xffff;
	_ =	sdelay $0x5  }
0xba: {  	v1 =	vadd.f32 v2, v1;
	_ =	sdelay $0x1  }
0xbb: {  	vm0 =	vgt.f32 v1, $0.0e+00;
	v2 =	vmul.f32 $2.000000030e-01, v1;
	_ =	sdelay $0x1  }
0xbc: {  	v1 =	vsel vm0, v1, v2  }
0xbd: {  	v1 =	vmul.f32 $1.442695020e+00, v1;
	_ =	sdelay $0x1  }
0xbe: {  	(erf) = vpow2.f32 v1;
	_ =	sdelay $0x1  }
0xbf: {  	v1 =	vld [tilespmem:s31+$0x5820]  }
0xc0: {  	v2 =	vld [tilespmem:s31+$0x5020];
	_ =	sdelay $0x5  }
0xc1: {  	[tilespmem:s31+$0x6810] =	vst v3;
	v3 =	vpop (erf)  }
0xc2: {  	[tilespmem:s31+$0x6010] =	vst v3  }
0xc3: {  	v3 =	vld.idx.msk [tilespmem:v2+s4+$0x0], $0xffff  }
0xc4: {  	v1 =	vld.idx.msk [tilespmem:v1+s20+$0x0], $0xffff;
	_ =	sdelay $0x5  }
0xc5: {  	v1 =	vadd.f32 v1, v3;
	_ =	sdelay $0x1  }
0xc6: {  	vm0 =	vgt.f32 v1, $0.0e+00;
	v3 =	vmul.f32 $2.000000030e-01, v1;
	_ =	sdelay $0x1  }
0xc7: {  	v1 =	vsel vm0, v1, v3  }
0xc8: {  	v1 =	vmul.f32 $1.442695020e+00, v1;
	_ =	sdelay $0x1  }
0xc9: {  	(erf) = vpow2.f32 v1;
	_ =	sdelay $0x1  }
0xca: {  	v1 =	vld [tilespmem:s31+$0x5830]  }
0xcb: {  	v3 =	vld [tilespmem:s31+$0x5030];
	_ =	sdelay $0x5  }
0xcc: {  	[tilespmem:s31+$0x6820] =	vst v2;
	v2 =	vpop (erf)  }
0xcd: {  	[tilespmem:s31+$0x6020] =	vst v2  }
0xce: {  	v2 =	vld.idx.msk [tilespmem:v3+s4+$0x0], $0xffff  }
0xcf: {  	v1 =	vld.idx.msk [tilespmem:v1+s20+$0x0], $0xffff;
	_ =	sdelay $0x5  }
0xd0: {  	v1 =	vadd.f32 v1, v2;
	_ =	sdelay $0x1  }
0xd1: {  	vm0 =	vgt.f32 v1, $0.0e+00;
	v2 =	vmul.f32 $2.000000030e-01, v1;
	_ =	sdelay $0x1  }
0xd2: {  	v1 =	vsel vm0, v1, v2  }
0xd3: {  	v1 =	vmul.f32 $1.442695020e+00, v1;
	_ =	sdelay $0x1  }
0xd4: {  	(erf) = vpow2.f32 v1;
	_ =	sdelay $0x1  }
0xd5: {  	v1 =	vld [tilespmem:s31+$0x5840]  }
0xd6: {  	v2 =	vld [tilespmem:s31+$0x5040];
	_ =	sdelay $0x5  }
0xd7: {  	[tilespmem:s31+$0x6830] =	vst v3;
	v3 =	vpop (erf)  }
0xd8: {  	[tilespmem:s31+$0x6030] =	vst v3  }
0xd9: {  	v3 =	vld.idx.msk [tilespmem:v2+s4+$0x0], $0xffff  }
0xda: {  	v1 =	vld.idx.msk [tilespmem:v1+s20+$0x0], $0xffff  }
0xdb: {  	[tilespmem:s31+$0x6840] =	vst v2;
	_ =	sdelay $0x4  }
0xdc: {  	v1 =	vadd.f32 v1, v3;
	_ =	sdelay $0x1  }
0xdd: {  	vm0 =	vgt.f32 v1, $0.0e+00;
	v2 =	vmul.f32 $2.000000030e-01, v1;
	_ =	sdelay $0x1  }
0xde: {  	v1 =	vsel vm0, v1, v2  }
0xdf: {  	v1 =	vmul.f32 $1.442695020e+00, v1;
	_ =	sdelay $0x1  }
0xe0: {  	(erf) = vpow2.f32 v1;
	_ =	sdelay $0x1  }
0xe1: {  	v1 =	vld [tilespmem:s31+$0x5850]  }
0xe2: {  	v2 =	vld [tilespmem:s31+$0x5050];
	_ =	sdelay $0x5  }
0xe3: {  	v3 =	vpop (erf)  }
0xe4: {  	[tilespmem:s31+$0x6040] =	vst v3  }
0xe5: {  	v3 =	vld.idx.msk [tilespmem:v2+s4+$0x0], $0xffff  }
0xe6: {  	v1 =	vld.idx.msk [tilespmem:v1+s20+$0x0], $0xffff  }
0xe7: {  	[tilespmem:s31+$0x6850] =	vst v2;
	_ =	sdelay $0x4  }
0xe8: {  	v1 =	vadd.f32 v1, v3;
	_ =	sdelay $0x1  }
0xe9: {  	vm0 =	vgt.f32 v1, $0.0e+00;
	v2 =	vmul.f32 $2.000000030e-01, v1;
	_ =	sdelay $0x1  }
0xea: {  	v1 =	vsel vm0, v1, v2  }
0xeb: {  	v1 =	vmul.f32 $1.442695020e+00, v1;
	_ =	sdelay $0x1  }
0xec: {  	(erf) = vpow2.f32 v1;
	_ =	sdelay $0x1  }
0xed: {  	v1 =	vld [tilespmem:s31+$0x5860]  }
0xee: {  	v2 =	vld [tilespmem:s31+$0x5060];
	_ =	sdelay $0x5  }
0xef: {  	v3 =	vpop (erf)  }
0xf0: {  	[tilespmem:s31+$0x6050] =	vst v3  }
0xf1: {  	v3 =	vld.idx.msk [tilespmem:v2+s4+$0x0], $0xffff  }
0xf2: {  	v1 =	vld.idx.msk [tilespmem:v1+s20+$0x0], $0xffff  }
0xf3: {  	[tilespmem:s31+$0x6860] =	vst v2;
	_ =	sdelay $0x4  }
0xf4: {  	v1 =	vadd.f32 v1, v3;
	_ =	sdelay $0x1  }
0xf5: {  	vm0 =	vgt.f32 v1, $0.0e+00;
	v2 =	vmul.f32 $2.000000030e-01, v1;
	_ =	sdelay $0x1  }
0xf6: {  	v1 =	vsel vm0, v1, v2  }
0xf7: {  	v1 =	vmul.f32 $1.442695020e+00, v1;
	_ =	sdelay $0x1  }
0xf8: {  	(erf) = vpow2.f32 v1;
	_ =	sdelay $0x1  }
0xf9: {  	v1 =	vld [tilespmem:s31+$0x5870]  }
0xfa: {  	v2 =	vld [tilespmem:s31+$0x5070];
	_ =	sdelay $0x5  }
0xfb: {  	v3 =	vpop (erf)  }
0xfc: {  	[tilespmem:s31+$0x6060] =	vst v3  }
0xfd: {  	v3 =	vld.idx.msk [tilespmem:v2+s4+$0x0], $0xffff  }
0xfe: {  	v1 =	vld.idx.msk [tilespmem:v1+s20+$0x0], $0xffff  }
0xff: {  	[tilespmem:s31+$0x6870] =	vst v2;
	_ =	sdelay $0x4  }
0x100: {  	v1 =	vadd.f32 v1, v3;
	_ =	sdelay $0x1  }
0x101: {  	vm0 =	vgt.f32 v1, $0.0e+00;
	v2 =	vmul.f32 $2.000000030e-01, v1;
	_ =	sdelay $0x1  }
0x102: {  	v1 =	vsel vm0, v1, v2  }
.Ltmp0:
0x103: {  	v1 =	vmul.f32 $1.442695020e+00, v1;
	(pc) =	sbr.rel @p0 .LBB2_3-.Ltmp0, $3  }
0x104: {  	_ = 	snop  }
0x105: {  	(erf) = vpow2.f32 v1;
	_ =	sdelay $0x1  }
0x106: {  	s1 =	sadd.s32 $0x5800, s31;
	s6 =	sadd.s32 $0x6000, s31  }
0x107: {  	_ =	sdelay $0x5  }
0x108: {  	v1 =	vpop (erf)  }
0x109: {  	[tilespmem:s31+$0x6070] =	vst v1  }
0x10a: {  	[spmem:s3] =	stream.indirect.scatter.add.f32 [tilespmem:s6], [sflag:$0x1], $0x1, s1, s23, $0xb8;
	[tilespmem:$0x7300] =	vst v63  }
0x10b: {  	_ =	swait.ge [sflag:s19], $0x80  }
0x10c: {  	[sflag:s19] =	ssyncset.done $0x0  }
0x10d: {  	s0 =	sadd.s32 s8, s30;
	[sflag:s19] =	ssyncadd.s32 $0xFFFFFF80  }
0x10e: {  	[hbm4b:s0+s4] =	stream.linear.scatter [tilespmem:s24], [sflag:$0x1], $0x800, $0x38;
	[tilespmem:$0x7300] =	vst v63  }
0x10f: {  	s29 =	sadd.s32 $0x1, s29;
	_ =	swait.ge [sflag:s19], $0x800  }
0x110: {  	p0 =	sne.s32 s29, $0x5;
	[sflag:s19] =	ssyncset.done $0x0  }
.Ltmp1:
0x111: {  	s31 =	sadd.s32 s9, s30;
	[sflag:s19] =	ssyncadd.s32 $0xFFFFF800;
	(pc) =	sbr.rel @p0 .LBB2_2-.Ltmp1, $4  }
0x112: {  	[hbm4b:s31+s4] =	stream.linear.scatter [tilespmem:s26], [sflag:$0x1], $0x800, $0x38;
	[tilespmem:$0x7300] =	vst v63  }
0x113: {  	_ =	swait.ge [sflag:s19], $0x800  }
0x114: {  	[sflag:s19] =	ssyncset.done $0x0  }
0x115: {  	[sflag:s19] =	ssyncadd.s32 $0xFFFFF800  }
0x116: {  	s28 =	sadd.s32 $0x1, s28  }
0x117: {  	p0 =	sne.s32 s28, s17  }
.Ltmp2:
0x118: {  	[bflag:$0x0] =	sbarrier.arrive $0xFFFF;
	s0 =	sshrl.u32 s10, $0x3;
	(pc) =	sbr.rel @p0 .LBB2_1-.Ltmp2, $4  }
0x119: {  	[hbm:s16], [sflag:s25] =	dma.local [spmem:s0], $0x50  }
0x11a: {  	_ =	swait.ge [sflag:s19], $0x50  }
0x11b: {  	[sflag:s19] =	ssyncset.done $0x0  }
0x11c: {  	[sflag:s19] =	ssyncadd.s32 $0xFFFFFFB0  }
0x11d: {  	_ =	sfence.sel $0x180000  }
0x11e: {  	[bflag:$0x0] =	sbarrier.arrive $0xFFFF  }
0x11f: {  	_ =	strace $0x9000004D  }
0x120: {  	s0 =	stileid.u32;
	[bflag:$0x2] =	sbarrier.arrive $0xFFFF  }
0x121: {  	p0 =	sne.s32 s0, $0x0;
	s0 =	rddreg [dreg:$0x3]  }
0x122: {  	s0 =	sadd.s32 @!p0 $0x100000, s0  }
0x123: {  	[sflag:s0] =	ssyncadd.tile.s32 @!p0 $0x1;
	_ =	shalt  }
.Lfunc_end2:
_tile_overlayer_lowered:
.L_overlay_start_2:
0x124: {  	(tag) =	ssettag $0x2  }
0x125: {  	s0 =	rddreg [dreg:$0x0];
	s2 =	stileid.u32  }
0x126: {  	s1 =	rddreg [dreg:$0x1];
	p0 =	sne.s32 s2, $0x0  }
0x127: {  	s3 =	rddreg [dreg:$0x2];
	[bflag:$0x3] =	sbarrier.arrive $0xFFFF;
	s2 =	simm.s32 @!p0 $0x1C01  }
0x128: {  	[timem:s3], [sflag:s2] =	dma.local @!p0 [hbm:s0], s1  }
0x129: {  	s0 =	simm.s32 @!p0 $0x1  }
0x12a: {  	_ =	swait.ge @!p0 [sflag:s0], s1  }
0x12b: {  	s1 =	ssub.s32 @!p0 $0x0, s1;
	[sflag:s0] =	ssyncset.done @!p0 $0x0  }
0x12c: {  	[sflag:s0] =	ssyncadd.s32 @!p0 s1  }
0x12d: {  	[bflag:$0x3] =	sbarrier.arrive $0xFFFF  }
0x12e: {  	_ =	shalt  }

// kernel: kernel.18.cloned.1.call-start
scs
__scs_entry_jumppad:
0x0: {  	(pc) =	sbr.rel $0x88, $3  }
0x1: {  	(tag) =	ssettag $0x0;
	lr =	simm.s32 $0x1  }
0x2: {  	[smem:$0x3F97] =	sst lr;
	_ =	strace $0xD0000000  }
0x3: {  	_ = 	snop  }
0x4: {  	_ = 	snop  }
0x5: {  	_ = 	snop  }
0x6: {  	_ = 	snop  }
0x7: {  	_ = 	snop  }
__scs_overlays_trampoline_lowered:
0x8: {  	[smem:$0x3FA6] =	sst s0  }
0x9: {  	[smem:$0x3FA7] =	sst s1  }
0xa: {  	[smem:$0x3FA8] =	sst s2  }
0xb: {  	[smem:$0x3FA9] =	sst s3  }
0xc: {  	[smem:$0x3FAA] =	sst s4  }
0xd: {  	[smem:$0x3FAB] =	sst s5  }
0xe: {  	[smem:$0x3FAC] =	sst s6  }
0xf: {  	[smem:$0x3FAD] =	sst s7  }
0x10: {  	[smem:$0x3FAE] =	sst s8  }
0x11: {  	[smem:$0x3FAF] =	sst s9;
	s0 =	simm.s32 @!p0 $0x0  }
0x12: {  	s1 =	sld [smem:$0x3F95];
	s0 =	simm.s32 @p0 $0x1  }
0x13: {  	[smem:$0x3FB0] =	sst s0;
	s0 =	simm.s32 @!p1 $0x0  }
0x14: {  	s2 =	sld [smem:$0x3F94];
	s0 =	simm.s32 @p1 $0x1  }
0x15: {  	[smem:$0x3FB1] =	sst s0;
	s0 =	simm.s32 @!p2 $0x0  }
0x16: {  	s3 =	sld [smem:$0x3FDB];
	s0 =	simm.s32 @p2 $0x1  }
0x17: {  	s4 =	simm.s32 $0x1BF5;
	[smem:$0x3FB3] =	sst s0  }
0x18: {  	s0 =	sld [smem:$0x3F96];
	_ =	swait.ge [sflag:s4], $0x0  }
0x19: {  	s7 =	sld [smem:$0x3F97]  }
0x1a: {  	s8 =	sadd.s32 $0xFFFFE003, lr  }
0x1b: {  	s9 =	sadd.s32 $0xFFFFFEF7, lr;
	s5 =	simm.s32 $0xFFFFFFFF;
	p2 =	slt.u32 s8, $0xFFFFF086  }
0x1c: {  	p1 =	slt.u32 s9, $0xF7A;
	s5 =	simm.s32 @!p2 $0x0  }
0x1d: {  	s5 =	simm.s32 @p1 $0x1;
	p0 =	seq.s32 s7, s2  }
0x1e: {  	s7 =	smul.u32 @!p0 $0xF7A, s2;
	p2 =	seq.s32 @!p0 s5, $0x0  }
0x1f: {  	s9 =	smul.u32 $0xF7A, s1;
	s8 =	simm.s32 @!p0 $0x1BF5;
	p2 =	por !p2, p0  }
0x20: {  	[sflag:s8] =	ssyncset.s32 @!p0 $0xFFFFF086;
	s6 =	sadd.s32 @!p0 s3, s7;
	s7 =	simm.s32 @!p0 $0x108  }
0x21: {  	s3 =	sadd.s32 s3, s9;
	s6 =	sadd.s32 @!p0 $0x88, s6;
	s7 =	simm.s32 @p2 $0x1082  }
0x22: {  	[simem:s7], [sflag:s8] =	dma.local @!p0 [hbm:s6], $0xF7A  }
0x23: {  	s9 =	sor.u32 $0xD0000000, s2;
	s6 =	simm.s32 $0x108;
	_ =	swait.ge @!p0 [sflag:s8], $0x0  }
0x24: {  	s3 =	sadd.s32 $0x88, s3;
	s6 =	simm.s32 @!p1 $0x1082;
	[sflag:s4] =	ssyncset.s32 $0xFFFFF086  }
0x25: {  	[simem:s6], [sflag:s4] =	dma.local [hbm:s3], $0xF7A  }
0x26: {  	[smem:$0x3F97] =	sst s1;
	(tag) =	ssettag s2;
	_ =	strace s9  }
0x27: {  	s1 =	sld [smem:$0x3FA7]  }
0x28: {  	s2 =	sld [smem:$0x3FA8]  }
0x29: {  	s4 =	sld [smem:$0x3FAA]  }
0x2a: {  	p0 =	seq.s32 s5, $0x0;
	s5 =	sld [smem:$0x3FAB]  }
0x2b: {  	s6 =	sld [smem:$0x3FAC]  }
0x2c: {  	s7 =	sld [smem:$0x3FAD]  }
0x2d: {  	s3 =	simm.s32 $0x108;
	s8 =	sld [smem:$0x3FAE]  }
0x2e: {  	s3 =	simm.s32 @!p0 $0x1082;
	s9 =	sld [smem:$0x3FAF]  }
0x2f: {  	lr =	sadd.s32 s0, s3;
	s0 =	sld [smem:$0x3FA6]  }
0x30: {  	s3 =	sld [smem:$0x3FA9]  }
0x31: {  	[smem:$0x3FB2] =	sst s10  }
0x32: {  	s10 =	sld [smem:$0x3FB0];
	_ =	sdelay $0x3  }
0x33: {  	p0 =	seq.s32 s10, $0x1;
	s10 =	sld [smem:$0x3FB2];
	_ =	sdelay $0x3  }
0x34: {  	[smem:$0x3FB2] =	sst s10  }
0x35: {  	s10 =	sld [smem:$0x3FB1];
	_ =	sdelay $0x3  }
0x36: {  	p1 =	seq.s32 s10, $0x1;
	s10 =	sld [smem:$0x3FB2];
	_ =	sdelay $0x3  }
0x37: {  	[smem:$0x3FB2] =	sst s10  }
0x38: {  	s10 =	sld [smem:$0x3FB3]  }
0x39: {  	_ = 	snop;
	(pc) =	sbr.ind lr, $3  }
0x3a: {  	_ = 	snop  }
0x3b: {  	_ = 	snop  }
0x3c: {  	p2 =	seq.s32 s10, $0x1;
	s10 =	sld [smem:$0x3FB2]  }
0x3d: {  	_ =	shalt  }
0x3e: {  	_ =	shalt  }
0x3f: {  	_ =	shalt  }
0x40: {  	_ =	shalt  }
0x41: {  	_ =	shalt  }
0x42: {  	_ =	shalt  }
0x43: {  	_ =	shalt  }
0x44: {  	_ =	shalt  }
0x45: {  	_ =	shalt  }
0x46: {  	_ =	shalt  }
0x47: {  	_ =	shalt  }
0x48: {  	_ =	shalt  }
0x49: {  	_ =	shalt  }
0x4a: {  	_ =	shalt  }
0x4b: {  	_ =	shalt  }
0x4c: {  	_ =	shalt  }
0x4d: {  	_ =	shalt  }
0x4e: {  	_ =	shalt  }
0x4f: {  	_ =	shalt  }
0x50: {  	_ =	shalt  }
0x51: {  	_ =	shalt  }
0x52: {  	_ =	shalt  }
0x53: {  	_ =	shalt  }
0x54: {  	_ =	shalt  }
0x55: {  	_ =	shalt  }
0x56: {  	_ =	shalt  }
0x57: {  	_ =	shalt  }
0x58: {  	_ =	shalt  }
0x59: {  	_ =	shalt  }
0x5a: {  	_ =	shalt  }
0x5b: {  	_ =	shalt  }
0x5c: {  	_ =	shalt  }
0x5d: {  	_ =	shalt  }
0x5e: {  	_ =	shalt  }
0x5f: {  	_ =	shalt  }
0x60: {  	_ =	shalt  }
0x61: {  	_ =	shalt  }
0x62: {  	_ =	shalt  }
0x63: {  	_ =	shalt  }
0x64: {  	_ =	shalt  }
0x65: {  	_ =	shalt  }
0x66: {  	_ =	shalt  }
0x67: {  	_ =	shalt  }
0x68: {  	_ =	shalt  }
0x69: {  	_ =	shalt  }
0x6a: {  	_ =	shalt  }
0x6b: {  	_ =	shalt  }
0x6c: {  	_ =	shalt  }
0x6d: {  	_ =	shalt  }
0x6e: {  	_ =	shalt  }
0x6f: {  	_ =	shalt  }
0x70: {  	_ =	shalt  }
0x71: {  	_ =	shalt  }
0x72: {  	_ =	shalt  }
0x73: {  	_ =	shalt  }
0x74: {  	_ =	shalt  }
0x75: {  	_ =	shalt  }
0x76: {  	_ =	shalt  }
0x77: {  	_ =	shalt  }
0x78: {  	_ =	shalt  }
0x79: {  	_ =	shalt  }
0x7a: {  	_ =	shalt  }
0x7b: {  	_ =	shalt  }
0x7c: {  	_ =	shalt  }
0x7d: {  	_ =	shalt  }
0x7e: {  	_ =	shalt  }
0x7f: {  	_ =	shalt  }
0x80: {  	_ =	shalt  }
0x81: {  	_ =	shalt  }
0x82: {  	_ =	shalt  }
0x83: {  	_ =	shalt  }
0x84: {  	_ =	shalt  }
0x85: {  	_ =	shalt  }
0x86: {  	_ =	shalt  }
0x87: {  	_ =	shalt  }
.Lfunc_end0:
.L_simem_size_0:
called_computation.3_lowered:
.L_overlay_start_0:
0x88: {  	s2 =	sld [smem:$0x3FD9]  }
0x89: {  	s3 =	sld [smem:$0x3FFE];
	_ =	sdelay $0x1  }
0x8a: {  	s1 =	srdreg.scid  }
0x8b: {  	s0 =	sand.u32 $0x1, s1  }
0x8c: {  	s17 =	sshll.u32 s0, $0xA;
	s2 =	sadd.s32 s3, s2  }
0x8d: {  	s2 =	sadd.s32 s2, s17  }
0x8e: {  	[smem:$0x3FBE] =	sst s2  }
0x8f: {  	_ = 	snop  }
0x90: {  	s2 =	sld [smem:$0x3FD0];
	(tm) =	ssettm $0x1  }
0x91: {  	s18 =	sld [smem:$0x3FFB];
	_ =	sdelay $0x3  }
0x92: {  	_ =	strace s18  }
0x93: {  	s3 =	sld [smem:$0x3FFC];
	_ =	sdelay $0x3  }
0x94: {  	_ =	strace s3  }
0x95: {  	s3 =	sld [smem:$0x3FFD];
	_ =	sdelay $0x3  }
0x96: {  	_ =	strace s3  }
0x97: {  	_ =	strace $0x8FFFFFFF  }
0x98: {  	s19 =	sld [smem:$0x3FDB];
	_ =	sdelay $0x1  }
0x99: {  	s4 =	simm.s32 $_scs_section_size  }
0x9a: {  	s5 =	simm.s32 $_size__tile_overlayer_lowered;
	s6 =	simm.s32 $_tile_overlayer_lowered  }
0x9b: {  	s22 =	simm.s32 $0x1BFF;
	s21 =	sshll.u32 s6, $0x1;
	s3 =	sadd.s32 s4, s19  }
0x9c: {  	s7 =	simm.s32 $0x0;
	s20 =	sshll.u32 s5, $0x1;
	s5 =	sadd.s32 s21, s3  }
0x9d: {  	[timem:s7], [sflag:s22] =	dma.local [hbm:s5], s20  }
0x9e: {  	_ =	swait.ge [sflag:s22], s20  }
0x9f: {  	s4 =	ssub.s32 $0x0, s20;
	[sflag:s22] =	ssyncset.done $0x0  }
0xa0: {  	[sflag:s22] =	ssyncadd.s32 s4;
	_ =	sdelay $0x1  }
0xa1: {  	s23 =	simm.s32 $0x1B8B  }
0xa2: {  	_ =	swait.ge [sflag:s23], $0x1  }
0xa3: {  	[sflag:s23] =	ssyncset.done $0x0  }
0xa4: {  	s25 =	simm.s32 $0x1B8E;
	s24 =	sld [smem:$0x3FFE];
	[sflag:s23] =	ssyncadd.s32 $0xFFFFFFFF  }
0xa5: {  	s26 =	simm.s32 $execute0_lowered;
	[smem:$0x3FD2] =	sst s25  }
0xa6: {  	s5 =	sshll.u32 s26, $0x1;
	_ =	strace $0x8000004F;
	[dreg:$0x1] =	wrdreg $0xFFFFFFFF  }
0xa7: {  	s28 =	simm.s32 $_size_execute0_lowered;
	s3 =	sadd.s32 s3, s5;
	[dreg:$0x0] =	wrdreg $0x0  }
0xa8: {  	s5 =	sshll.u32 s28, $0x1;
	[dreg:$0x2] =	wrdreg s3  }
0xa9: {  	[dreg:$0x3] =	wrdreg s5  }
0xaa: {  	[dreg:$0x4] =	wrdreg $0xC0  }
0xab: {  	_ =	task [dreg:s7], $0x5FFFF  }
0xac: {  	[dreg:$0x1] =	wrdreg $0xFFFFFFFF  }
0xad: {  	[dreg:$0x0] =	wrdreg $0x60  }
0xae: {  	[dreg:$0x2] =	wrdreg s24  }
0xaf: {  	[dreg:$0x3] =	wrdreg s2  }
0xb0: {  	[dreg:$0x4] =	wrdreg $0x98000  }
0xb1: {  	[dreg:$0x5] =	wrdreg $0x9  }
0xb2: {  	_ =	task.clear_ibuf [dreg:s7], $0x6FFFF;
	_ =	strace $0x9000004F  }
0xb3: {  	s29 =	simm.s32 $0x9;
	_ =	strace $0x80000051  }
0xb4: {  	_ =	swait.ge [sflag:s29], $0x1  }
0xb5: {  	[sflag:s29] =	ssyncadd.s32 $0xFFFFFFFF  }
0xb6: {  	_ =	strace $0x90000051  }
0xb7: {  	_ =	sfence  }
0xb8: {  	s30 =	sld [smem:$0x0];
	_ =	sdelay $0x2  }
0xb9: {  	s31 =	sshll.u32 s1, $0xD;
	s1 =	sshrl.u32 s1, $0x2  }
0xba: {  	s3 =	sand.u32 $0x4000, s31;
	s1 =	sadd.s32 s1, s30  }
0xbb: {  	s0 =	sor.u32 s3, s0;
	s1 =	sshll.u32 s1, $0x11  }
0xbc: {  	s0 =	sor.u32 s1, s0  }
0xbd: {  	s0 =	sadd.s32 $0x8F2B, s0  }
0xbe: {  	[sflag:s0] =	ssyncadd.remote.s32 $0x1  }
0xbf: {  	_ =	sfence.sel $0xFFFF  }
0xc0: {  	[dreg:$0x0] =	wrdreg $0xFFFFFFFF;
	(pc) =	sbr.abs _section_cstart, $3  }
0xc1: {  	[dreg:$0x1] =	wrdreg $0xFFFFFFFF  }
0xc2: {  	_ =	task.clear_ibuf [dreg:s7], $0x2FFFF;
	_ =	strace $0x9FFFFFFF  }
0xc3: {  	(tm) =	ssettm $0x7FFFFFFF  }
tec
execute0_lowered:
.L_overlay_start_1:
0x0: {  	(tag) =	ssettag $0x1  }
0x1: {  	s0 =	rddreg [dreg:$0x0]  }
0x2: {  	s1 =	rddreg [dreg:$0x1]  }
0x3: {  	s2 =	rddreg [dreg:$0x2];
	s3 =	simm.s32 $0x0  }
0x4: {  	s4 =	srdreg.scid;
	s19 =	stileid.u32;
	s28 =	simm.s32 $0x2  }
0x5: {  	s29 =	simm.s32 $0x0;
	s30 =	simm.s32 $0x0;
	[smem:$0x7FF] =	sst s3  }
0x6: {  	s5 =	sadd.s32 $0x2CE00, s0;
	s4 =	sand.u32 $0x1, s4;
	s11 =	smul.u32 $0x280, s19  }
0x7: {  	s6 =	sadd.s32 $0x36E00, s0;
	s7 =	sadd.s32 $0x3800, s0;
	s10 =	smul.u32 $0x50000, s19  }
0x8: {  	s24 =	smul.u32 $0x2800, s19;
	_ =	strace $0x80000050;
	s9 =	ssub.s32 $0x2, s4  }
0x9: {  	s8 =	smul.u32 $0x28000, s4;
	s4 =	sshll.u32 s4, $0x4;
	s18 =	sshrl.u32 s9, $0x1  }
0xa: {  	s15 =	sadd.s32 $0x80, s11;
	s16 =	sadd.s32 $0x100, s11;
	s20 =	sshrl.u32 s10, $0x2  }
0xb: {  	s17 =	sadd.s32 $0x180, s11;
	s4 =	sor.u32 s19, s4;
	s19 =	simm.s32 $0x80  }
0xc: {  	s0 =	sadd.s32 s8, s0;
	s14 =	ssub.s32 s9, s18;
	s21 =	sshll.u32 s15, $0x7  }
0xd: {  	s22 =	sshll.u32 s16, $0x7;
	s8 =	sadd.s32 s20, s2;
	s18 =	sadd.s32 $0x200, s11  }
0xe: {  	s23 =	sshll.u32 s17, $0x7;
	s13 =	smul.u32 $0x2800, s4;
	s20 =	sshll.u32 s15, $0x4  }
0xf: {  	s15 =	simm.s32 $0x1800;
	s9 =	sadd.s32 s21, s2;
	s10 =	sadd.s32 s22, s2  }
0x10: {  	s12 =	sshll.u32 s18, $0x7;
	s11 =	sadd.s32 s23, s2;
	s0 =	sadd.s32 $0x40E00, s0  }
0x11: {  	s21 =	sshll.u32 s16, $0x4;
	s22 =	sshll.u32 s17, $0x4;
	s14 =	smax.u32 s14, $0x1  }
0x12: {  	s23 =	sshll.u32 s18, $0x4;
	[dreg:$0x4] =	wrdreg s14;
	s4 =	sadd.s32 s24, s0  }
0x13: {  	s16 =	simm.s32 $0x3;
	s25 =	sadd.s32 s20, s0;
	[dreg:$0x5] =	wrdreg s4  }
0x14: {  	s17 =	simm.s32 $0x800;
	s26 =	sadd.s32 s21, s0;
	[dreg:$0x6] =	wrdreg s25  }
0x15: {  	s18 =	simm.s32 $0x1000;
	s31 =	sadd.s32 s22, s0;
	[dreg:$0x7] =	wrdreg s26  }
0x16: {  	s12 =	sadd.s32 s12, s2;
	s0 =	sadd.s32 s23, s0;
	[dreg:$0x8] =	wrdreg s31  }
0x17: {  	v0 =	vimm.f32 $0.0e+00;
	[dreg:$0x9] =	wrdreg s0;
	s25 =	simm.s32 $0x5800;
	s26 =	simm.s32 $0x1  }
.LBB2_1:
0x18: {  	s0 =	sand.u32 $0xFE00, s3  }
0x19: {  	s4 =	sand.u32 $0x70, s3;
	s14 =	sshrl.u32 s0, $0x2  }
0x1a: {  	s0 =	simm.s32 $0x40;
	s14 =	sor.u32 s4, s14;
	s4 =	simm.s32 $0x0  }
.LBB2_2:
0x1b: {  	p0 =	sne.s32 s0, $0xFFC0  }
0x1c: {  	[tilespmem:s14+$0x1800] =	vst v0;
	s4 =	sadd.s32 $0x10, s4;
	s14 =	smov.u32 s0;
	s0 =	sadd.s32 $0x40, s0  }
.Ltmp0:
0x1d: {  	(pc) =	sbr.rel @p0 .LBB2_2-.Ltmp0, $4  }
0x1e: {  	_ = 	snop  }
0x1f: {  	s14 =	sand.u32 $0xFE00, s14  }
0x20: {  	s20 =	sand.u32 $0x70, s4;
	s14 =	sshrl.u32 s14, $0x2  }
0x21: {  	s14 =	sor.u32 s20, s14  }
0x22: {  	[tilespmem:s14+$0x1800] =	vst v0  }
0x23: {  	[spmem:s8] =	stream.linear.scatter [tilespmem:s15], [sflag:$0x3], $0x4000, $0x38;
	[tilespmem:$0x1D800] =	vst v63  }
0x24: {  	_ =	swait.ge [sflag:s16], $0x4000  }
0x25: {  	[sflag:s16] =	ssyncset.done $0x0  }
0x26: {  	[sflag:s16] =	ssyncadd.s32 $0xFFFFC000  }
0x27: {  	[spmem:s9] =	stream.linear.scatter [tilespmem:s15], [sflag:$0x3], $0x4000, $0x38;
	[tilespmem:$0x1D800] =	vst v63  }
0x28: {  	_ =	swait.ge [sflag:s16], $0x4000  }
0x29: {  	[sflag:s16] =	ssyncset.done $0x0  }
0x2a: {  	[sflag:s16] =	ssyncadd.s32 $0xFFFFC000  }
0x2b: {  	[spmem:s10] =	stream.linear.scatter [tilespmem:s15], [sflag:$0x3], $0x4000, $0x38;
	[tilespmem:$0x1D800] =	vst v63  }
0x2c: {  	_ =	swait.ge [sflag:s16], $0x4000  }
0x2d: {  	[sflag:s16] =	ssyncset.done $0x0  }
0x2e: {  	[sflag:s16] =	ssyncadd.s32 $0xFFFFC000  }
0x2f: {  	[spmem:s11] =	stream.linear.scatter [tilespmem:s15], [sflag:$0x3], $0x4000, $0x38;
	[tilespmem:$0x1D800] =	vst v63  }
0x30: {  	_ =	swait.ge [sflag:s16], $0x4000  }
0x31: {  	[sflag:s16] =	ssyncset.done $0x0  }
0x32: {  	[sflag:s16] =	ssyncadd.s32 $0xFFFFC000  }
0x33: {  	[spmem:s12] =	stream.linear.scatter [tilespmem:s15], [sflag:$0x3], $0x4000, $0x38;
	[tilespmem:$0x1D800] =	vst v63  }
0x34: {  	_ =	swait.ge [sflag:s16], $0x4000  }
0x35: {  	[sflag:s16] =	ssyncset.done $0x0  }
0x36: {  	[sflag:s16] =	ssyncadd.s32 $0xFFFFC000  }
0x37: {  	s31 =	simm.s32 $0x0;
	[bflag:$0x0] =	sbarrier.arrive $0xFFFF  }
.LBB2_4:
0x38: {  	s0 =	sshll.u32 s31, $0xB  }
0x39: {  	s0 =	sadd.s32 s13, s0  }
0x3a: {  	s0 =	sshrl.u32 s0, $0x3  }
0x3b: {  	s4 =	sadd.s32 s5, s0  }
0x3c: {  	[tilespmem:s30], [sflag:$0x3] =	stream.linear.gather [hbm4b:s4+s30], $0x800, $0x38;
	[tilespmem:$0x1D800] =	vst v63  }
0x3d: {  	_ =	swait.ge [sflag:s16], $0x800  }
0x3e: {  	[sflag:s16] =	ssyncset.done $0x0  }
0x3f: {  	s24 =	sadd.s32 s6, s0;
	[sflag:s16] =	ssyncadd.s32 $0xFFFFF800  }
0x40: {  	[tilespmem:s17], [sflag:$0x3] =	stream.linear.gather [hbm4b:s24+s30], $0x800, $0x38;
	[tilespmem:$0x1D800] =	vst v63  }
0x41: {  	_ =	swait.ge [sflag:s16], $0x800  }
0x42: {  	[sflag:s16] =	ssyncset.done $0x0  }
0x43: {  	s0 =	sadd.s32 s1, s0;
	[sflag:s16] =	ssyncadd.s32 $0xFFFFF800  }
0x44: {  	[tilespmem:s18], [sflag:$0x3] =	stream.linear.gather [hbm4b:s0+s30], $0x800, $0x38;
	[tilespmem:$0x1D800] =	vst v63  }
0x45: {  	_ =	swait.ge [sflag:s16], $0x800  }
0x46: {  	[sflag:s16] =	ssyncset.done $0x0  }
0x47: {  	s0 =	simm.s32 $0x0;
	[sflag:s16] =	ssyncadd.s32 $0xFFFFF800  }
0x48: {  	[tilespmem:s15], [sflag:$0x1] =	stream.indirect.gather [hbm4b:s7+s19], $0x80, s17, s19, $0xb8;
	[tilespmem:$0x1D800] =	vst v63  }
.LBB2_5:
0x49: {  	s4 =	sshllo.u32 s0, $0x1  }
0x4a: {  	s4 =	sshll.u32 s4, $0x7  }
0x4b: {  	s14 =	sadd.s32 $0x800, s4  }
0x4c: {  	[tilespmem:s25], [sflag:$0x2] =	stream.indirect.gather [hbm4b:s7+s19], $0x80, s14, s19, $0xb8;
	[tilespmem:$0x1D800] =	vst v63  }
0x4d: {  	_ =	swait.ge [sflag:s26], $0x4000  }
0x4e: {  	s24 =	sshll.u32 s0, $0x8;
	[sflag:s26] =	ssyncset.done $0x0  }
0x4f: {  	v1 =	vmov s24;
	s14 =	simm.s32 $0x0;
	[sflag:s26] =	ssyncadd.s32 $0xFFFFC000  }
.LBB2_6:
0x50: {  	s20 =	sshll.u32 s14, $0x7  }
0x51: {  	s22 =	sand.u32 $0x3FFFFF80, s20  }
0x52: {  	v4 =	vld [tilespmem:s22+$0x1800]  }
0x53: {  	v5 =	vld [tilespmem:s22+$0x1810]  }
0x54: {  	v6 =	vld [tilespmem:s22+$0x1820]  }
0x55: {  	v7 =	vld [tilespmem:s22+$0x1830]  }
0x56: {  	v8 =	vld [tilespmem:s22+$0x1840]  }
0x57: {  	s21 =	sor.u32 $0x1, s14;
	v9 =	vld [tilespmem:s22+$0x1850]  }
0x58: {  	s23 =	sshll.u32 s21, $0x7;
	v10 =	vld [tilespmem:s22+$0x1860]  }
0x59: {  	v2 =	vmov s14;
	v11 =	vld [tilespmem:s22+$0x1870];
	s23 =	sand.u32 $0x3FFFFF80, s23  }
0x5a: {  	v2 =	vand.u32 $0x70, v2;
	v13 =	vld [tilespmem:s23+$0x1800]  }
0x5b: {  	v2 =	vor.u32 v1, v2;
	v14 =	vld [tilespmem:s23+$0x1810]  }
0x5c: {  	v2 =	vbroadcast v2, $0x0;
	v15 =	vld [tilespmem:s23+$0x1820]  }
0x5d: {  	v16 =	vld [tilespmem:s23+$0x1830]  }
0x5e: {  	v17 =	vld [tilespmem:s23+$0x1840]  }
0x5f: {  	v18 =	vld [tilespmem:s23+$0x1850]  }
0x60: {  	s24 =	sor.u32 $0x2, s14;
	v19 =	vld [tilespmem:s23+$0x1860]  }
0x61: {  	v3 =	vmov s21;
	s21 =	sshll.u32 s24, $0x7;
	v20 =	vld [tilespmem:s23+$0x1870]  }
0x62: {  	v3 =	vand.u32 $0x71, v3;
	s21 =	sand.u32 $0x3FFFFF80, s21;
	v2 =	vld.idx.msk [tilespmem:v2+s3+$0x0], $0xffff  }
0x63: {  	v3 =	vor.u32 v1, v3;
	v22 =	vld [tilespmem:s21+$0x1800]  }
0x64: {  	v23 =	vld [tilespmem:s21+$0x1810];
	v3 =	vbroadcast v3, $0x0  }
0x65: {  	v24 =	vld [tilespmem:s21+$0x1820]  }
0x66: {  	v25 =	vld [tilespmem:s21+$0x1830]  }
0x67: {  	v26 =	vld [tilespmem:s21+$0x1840];
	v4 =	vmul.f32 v4, v2  }
0x68: {  	v28 =	vld [tilespmem:s21+$0x1850];
	v5 =	vmul.f32 v5, v2  }
0x69: {  	v12 =	vmov s24;
	s24 =	sor.u32 $0x3, s14;
	v30 =	vld [tilespmem:s21+$0x1860];
	v63 =	vmul.f32 v6, v2;
	[tilespmem:s22+$0x1800] =	vst v4  }
0x6a: {  	v12 =	vand.u32 $0x72, v12;
	s20 =	sshll.u32 s24, $0x7;
	v3 =	vld.idx.msk [tilespmem:v3+s3+$0x0], $0xffff;
	v27 =	vmul.f32 v7, v2;
	[tilespmem:s22+$0x1810] =	vst v5  }
0x6b: {  	v12 =	vor.u32 v1, v12;
	v32 =	vld [tilespmem:s21+$0x1870];
	s20 =	sand.u32 $0x3FFFFF80, s20;
	v29 =	vmul.f32 v8, v2;
	[tilespmem:s22+$0x1820] =	vst v63  }
0x6c: {  	v21 =	vmov s24;
	v12 =	vbroadcast v12, $0x0;
	v36 =	vld [tilespmem:s20+$0x1800];
	v31 =	vmul.f32 v9, v2;
	[tilespmem:s22+$0x1830] =	vst v27  }
0x6d: {  	v21 =	vand.u32 $0x73, v21;
	v39 =	vld [tilespmem:s20+$0x1810];
	v33 =	vmul.f32 v10, v2;
	[tilespmem:s22+$0x1840] =	vst v29  }
0x6e: {  	s24 =	sor.u32 $0x4, s14;
	v21 =	vor.u32 v1, v21;
	v40 =	vld [tilespmem:s20+$0x1820];
	v2 =	vmul.f32 v11, v2;
	[tilespmem:s22+$0x1850] =	vst v31  }
0x6f: {  	v35 =	vmov s24;
	v42 =	vld [tilespmem:s20+$0x1830];
	v21 =	vbroadcast v21, $0x0;
	v38 =	vmul.f32 v13, v3;
	[tilespmem:s22+$0x1860] =	vst v33  }
0x70: {  	v37 =	vand.u32 $0x74, v35;
	v43 =	vld [tilespmem:s20+$0x1840];
	[tilespmem:s22+$0x1870] =	vst v2;
	v2 =	vmul.f32 v14, v3  }
0x71: {  	v45 =	vld [tilespmem:s20+$0x1850];
	v11 =	vor.u32 v1, v37;
	v41 =	vmul.f32 v15, v3;
	[tilespmem:s23+$0x1800] =	vst v38  }
0x72: {  	v12 =	vld.idx.msk [tilespmem:v12+s3+$0x0], $0xffff;
	v11 =	vbroadcast v11, $0x0;
	[tilespmem:s23+$0x1810] =	vst v2;
	v2 =	vmul.f32 v16, v3  }
0x73: {  	v46 =	vld [tilespmem:s20+$0x1860];
	v44 =	vmul.f32 v17, v3;
	[tilespmem:s23+$0x1820] =	vst v41  }
0x74: {  	v48 =	vld [tilespmem:s20+$0x1870];
	s22 =	sshll.u32 s24, $0x7;
	[tilespmem:s23+$0x1830] =	vst v2;
	v2 =	vmul.f32 v18, v3  }
0x75: {  	v34 =	vld.idx.msk [tilespmem:v21+s3+$0x0], $0xffff;
	v47 =	vmul.f32 v19, v3;
	[tilespmem:s23+$0x1840] =	vst v44;
	s22 =	sand.u32 $0x3FFFFF80, s22  }
0x76: {  	s24 =	sor.u32 $0x5, s14;
	v51 =	vld [tilespmem:s22+$0x1800];
	[tilespmem:s23+$0x1850] =	vst v2;
	v2 =	vmul.f32 v20, v3  }
0x77: {  	v50 =	vmul.f32 v22, v12;
	v49 =	vmov s24;
	[tilespmem:s23+$0x1860] =	vst v47;
	v52 =	vld [tilespmem:s22+$0x1810]  }
0x78: {  	v3 =	vld.idx.msk [tilespmem:v11+s3+$0x0], $0xffff;
	v11 =	vand.u32 $0x75, v49;
	[tilespmem:s23+$0x1870] =	vst v2;
	v2 =	vmul.f32 v23, v12  }
0x79: {  	v53 =	vmul.f32 v24, v12;
	[tilespmem:s21+$0x1800] =	vst v50;
	v54 =	vld [tilespmem:s22+$0x1820];
	v11 =	vor.u32 v1, v11  }
0x7a: {  	v55 =	vld [tilespmem:s22+$0x1830];
	v11 =	vbroadcast v11, $0x0;
	[tilespmem:s21+$0x1810] =	vst v2;
	v2 =	vmul.f32 v25, v12  }
0x7b: {  	v56 =	vmul.f32 v26, v12;
	[tilespmem:s21+$0x1820] =	vst v53;
	v57 =	vld [tilespmem:s22+$0x1840]  }
0x7c: {  	v58 =	vld [tilespmem:s22+$0x1850];
	[tilespmem:s21+$0x1830] =	vst v2;
	v2 =	vmul.f32 v28, v12  }
0x7d: {  	v59 =	vmul.f32 v30, v12;
	[tilespmem:s21+$0x1840] =	vst v56;
	v60 =	vld [tilespmem:s22+$0x1860];
	s23 =	sshll.u32 s24, $0x7  }
0x7e: {  	v61 =	vld [tilespmem:s22+$0x1870];
	s24 =	sor.u32 $0x6, s14;
	s23 =	sand.u32 $0x3FFFFF80, s23;
	[tilespmem:s21+$0x1850] =	vst v2;
	v2 =	vmul.f32 v32, v12  }
0x7f: {  	v62 =	vmul.f32 v36, v34;
	[tilespmem:s21+$0x1860] =	vst v59;
	v24 =	vmov s24;
	v25 =	vld [tilespmem:s23+$0x1800]  }
0x80: {  	v63 =	vld.idx.msk [tilespmem:v11+s3+$0x0], $0xffff;
	v11 =	vand.u32 $0x76, v24;
	[tilespmem:s21+$0x1870] =	vst v2;
	v2 =	vmul.f32 v39, v34  }
0x81: {  	v26 =	vmul.f32 v40, v34;
	[tilespmem:s20+$0x1800] =	vst v62;
	v27 =	vld [tilespmem:s23+$0x1810];
	v11 =	vor.u32 v1, v11  }
0x82: {  	v30 =	vld [tilespmem:s23+$0x1830];
	v11 =	vbroadcast v11, $0x0;
	[tilespmem:s20+$0x1810] =	vst v2;
	v2 =	vmul.f32 v42, v34  }
0x83: {  	v29 =	vmul.f32 v43, v34;
	[tilespmem:s20+$0x1820] =	vst v26;
	v31 =	vld [tilespmem:s23+$0x1840]  }
0x84: {  	v33 =	vld [tilespmem:s23+$0x1850];
	[tilespmem:s20+$0x1830] =	vst v2;
	v2 =	vmul.f32 v45, v34  }
0x85: {  	[tilespmem:s20+$0x1840] =	vst v29;
	v36 =	vld [tilespmem:s23+$0x1870];
	v32 =	vmul.f32 v46, v34  }
0x86: {  	v28 =	vld [tilespmem:s23+$0x1820];
	s21 =	sshll.u32 s24, $0x7;
	s24 =	sor.u32 $0x7, s14;
	[tilespmem:s20+$0x1850] =	vst v2;
	v2 =	vmul.f32 v48, v34  }
0x87: {  	v35 =	vmul.f32 v51, v3;
	[tilespmem:s20+$0x1860] =	vst v32;
	v37 =	vmov s24;
	v34 =	vld [tilespmem:s23+$0x1860]  }
0x88: {  	v19 =	vand.u32 $0x77, v37;
	v11 =	vld.idx.msk [tilespmem:v11+s3+$0x0], $0xffff;
	[tilespmem:s20+$0x1870] =	vst v2;
	v2 =	vmul.f32 v52, v3;
	s20 =	sand.u32 $0x3FFFFF80, s21  }
0x89: {  	v38 =	vmul.f32 v54, v3;
	[tilespmem:s22+$0x1800] =	vst v35;
	v19 =	vor.u32 v1, v19;
	v39 =	vld [tilespmem:s20+$0x1800]  }
0x8a: {  	v19 =	vbroadcast v19, $0x0;
	v40 =	vld [tilespmem:s20+$0x1810];
	[tilespmem:s22+$0x1810] =	vst v2;
	v2 =	vmul.f32 v55, v3  }
0x8b: {  	v41 =	vmul.f32 v57, v3;
	[tilespmem:s22+$0x1820] =	vst v38;
	v42 =	vld [tilespmem:s20+$0x1820]  }
0x8c: {  	v43 =	vld [tilespmem:s20+$0x1830];
	[tilespmem:s22+$0x1830] =	vst v2;
	v2 =	vmul.f32 v58, v3  }
0x8d: {  	v44 =	vmul.f32 v60, v3;
	[tilespmem:s22+$0x1840] =	vst v41;
	v45 =	vld [tilespmem:s20+$0x1840]  }
0x8e: {  	v47 =	vld [tilespmem:s20+$0x1860];
	[tilespmem:s22+$0x1850] =	vst v2;
	v2 =	vmul.f32 v61, v3  }
0x8f: {  	[tilespmem:s22+$0x1860] =	vst v44;
	v46 =	vmul.f32 v25, v63;
	v48 =	vld [tilespmem:s20+$0x1870]  }
0x90: {  	v50 =	vld.idx.msk [tilespmem:v19+s3+$0x0], $0xffff;
	[tilespmem:s22+$0x1870] =	vst v2;
	v2 =	vmul.f32 v27, v63;
	s22 =	sshll.u32 s24, $0x7  }
0x91: {  	v49 =	vmul.f32 v28, v63;
	[tilespmem:s23+$0x1800] =	vst v46;
	v3 =	vld [tilespmem:s20+$0x1850];
	s21 =	sand.u32 $0x3FFFFF80, s22  }
0x92: {  	[tilespmem:s23+$0x1810] =	vst v2;
	v2 =	vmul.f32 v30, v63;
	v52 =	vld [tilespmem:s21+$0x1800]  }
0x93: {  	v53 =	vmul.f32 v31, v63;
	[tilespmem:s23+$0x1820] =	vst v49;
	v54 =	vld [tilespmem:s21+$0x1810]  }
0x94: {  	v55 =	vld [tilespmem:s21+$0x1820];
	[tilespmem:s23+$0x1830] =	vst v2;
	v2 =	vmul.f32 v33, v63  }
0x95: {  	[tilespmem:s23+$0x1840] =	vst v53;
	v56 =	vmul.f32 v34, v63;
	v57 =	vld [tilespmem:s21+$0x1830]  }
0x96: {  	s24 =	sor.u32 $0x8, s14;
	v58 =	vld [tilespmem:s21+$0x1840];
	[tilespmem:s23+$0x1850] =	vst v2;
	v2 =	vmul.f32 v36, v63  }
0x97: {  	[tilespmem:s23+$0x1860] =	vst v56;
	v59 =	vmul.f32 v39, v11;
	s22 =	sshll.u32 s24, $0x7;
	v60 =	vld [tilespmem:s21+$0x1850]  }
0x98: {  	v51 =	vmov s24;
	v61 =	vld [tilespmem:s21+$0x1860];
	s22 =	sand.u32 $0x3FFFFF80, s22;
	[tilespmem:s23+$0x1870] =	vst v2;
	v2 =	vmul.f32 v40, v11  }
0x99: {  	v62 =	vmul.f32 v42, v11;
	[tilespmem:s20+$0x1800] =	vst v59;
	v14 =	vand.u32 $0x78, v51;
	v24 =	vld [tilespmem:s22+$0x1800]  }
0x9a: {  	v14 =	vor.u32 v1, v14;
	v26 =	vld [tilespmem:s22+$0x1820];
	[tilespmem:s20+$0x1810] =	vst v2;
	v2 =	vmul.f32 v43, v11  }
0x9b: {  	v23 =	vmul.f32 v45, v11;
	[tilespmem:s20+$0x1820] =	vst v62;
	v27 =	vld [tilespmem:s22+$0x1830];
	v14 =	vbroadcast v14, $0x0  }
0x9c: {  	v29 =	vld [tilespmem:s22+$0x1840];
	[tilespmem:s20+$0x1830] =	vst v2;
	v2 =	vmul.f32 v3, v11  }
0x9d: {  	v25 =	vmul.f32 v47, v11;
	[tilespmem:s20+$0x1840] =	vst v23;
	v30 =	vld [tilespmem:s22+$0x1850]  }
0x9e: {  	v32 =	vld [tilespmem:s22+$0x1860];
	[tilespmem:s20+$0x1850] =	vst v2;
	v2 =	vmul.f32 v48, v11  }
0x9f: {  	[tilespmem:s20+$0x1860] =	vst v25;
	v33 =	vld [tilespmem:s22+$0x1870];
	v28 =	vmul.f32 v52, v50  }
0xa0: {  	s24 =	sor.u32 $0x9, s14;
	v63 =	vld [tilespmem:s21+$0x1870];
	[tilespmem:s20+$0x1870] =	vst v2;
	v2 =	vmul.f32 v54, v50  }
0xa1: {  	v22 =	vmov s24;
	v31 =	vmul.f32 v55, v50;
	s23 =	sshll.u32 s24, $0x7;
	[tilespmem:s21+$0x1800] =	vst v28;
	v21 =	vld.idx.msk [tilespmem:v14+s3+$0x0], $0xffff  }
0xa2: {  	v14 =	vand.u32 $0x79, v22;
	v3 =	vld [tilespmem:s22+$0x1810];
	s20 =	sand.u32 $0x3FFFFF80, s23;
	[tilespmem:s21+$0x1810] =	vst v2;
	v2 =	vmul.f32 v57, v50  }
0xa3: {  	v34 =	vmul.f32 v58, v50;
	[tilespmem:s21+$0x1820] =	vst v31;
	v14 =	vor.u32 v1, v14;
	v37 =	vld [tilespmem:s20+$0x1800]  }
0xa4: {  	v14 =	vbroadcast v14, $0x0;
	v39 =	vld [tilespmem:s20+$0x1810];
	[tilespmem:s21+$0x1830] =	vst v2;
	v2 =	vmul.f32 v60, v50  }
0xa5: {  	v38 =	vmul.f32 v61, v50;
	[tilespmem:s21+$0x1840] =	vst v34;
	v40 =	vld [tilespmem:s20+$0x1820]  }
0xa6: {  	v43 =	vld [tilespmem:s20+$0x1830];
	[tilespmem:s21+$0x1850] =	vst v2;
	v2 =	vmul.f32 v63, v50  }
0xa7: {  	[tilespmem:s21+$0x1860] =	vst v38;
	v42 =	vmul.f32 v24, v21;
	v45 =	vld [tilespmem:s20+$0x1850]  }
0xa8: {  	s24 =	sor.u32 $0xA, s14;
	v46 =	vld [tilespmem:s20+$0x1860];
	[tilespmem:s21+$0x1870] =	vst v2;
	v2 =	vmul.f32 v3, v21  }
0xa9: {  	v36 =	vmov s24;
	v44 =	vmul.f32 v26, v21;
	[tilespmem:s22+$0x1800] =	vst v42;
	v48 =	vld [tilespmem:s20+$0x1870]  }
0xaa: {  	s23 =	sshll.u32 s24, $0x7;
	v35 =	vld.idx.msk [tilespmem:v14+s3+$0x0], $0xffff;
	v14 =	vand.u32 $0x7A, v36;
	[tilespmem:s22+$0x1810] =	vst v2;
	v2 =	vmul.f32 v27, v21  }
0xab: {  	v47 =	vmul.f32 v29, v21;
	s24 =	sor.u32 $0xB, s14;
	[tilespmem:s22+$0x1820] =	vst v44;
	v14 =	vor.u32 v1, v14;
	v3 =	vld [tilespmem:s20+$0x1840];
	s21 =	sand.u32 $0x3FFFFF80, s23  }
0xac: {  	v49 =	vmov s24;
	v41 =	vbroadcast v14, $0x0;
	v51 =	vld [tilespmem:s21+$0x1800];
	[tilespmem:s22+$0x1830] =	vst v2;
	v2 =	vmul.f32 v30, v21  }
0xad: {  	[tilespmem:s22+$0x1840] =	vst v47;
	v14 =	vand.u32 $0x7B, v49;
	v50 =	vmul.f32 v32, v21;
	v52 =	vld [tilespmem:s21+$0x1810]  }
0xae: {  	v53 =	vor.u32 v1, v14;
	v55 =	vld [tilespmem:s21+$0x1820];
	[tilespmem:s22+$0x1850] =	vst v2;
	v2 =	vmul.f32 v33, v21  }
0xaf: {  	v10 =	vbroadcast v53, $0x0;
	v54 =	vmul.f32 v37, v35;
	[tilespmem:s22+$0x1860] =	vst v50;
	v56 =	vld [tilespmem:s21+$0x1830]  }
0xb0: {  	v58 =	vld [tilespmem:s21+$0x1840];
	[tilespmem:s22+$0x1870] =	vst v2;
	v2 =	vmul.f32 v39, v35  }
0xb1: {  	v57 =	vmul.f32 v40, v35;
	[tilespmem:s20+$0x1800] =	vst v54;
	v59 =	vld [tilespmem:s21+$0x1850]  }
0xb2: {  	v13 =	vld.idx.msk [tilespmem:v41+s3+$0x0], $0xffff;
	[tilespmem:s20+$0x1810] =	vst v2;
	v2 =	vmul.f32 v43, v35  }
0xb3: {  	[tilespmem:s20+$0x1820] =	vst v57;
	v60 =	vld [tilespmem:s21+$0x1860];
	v3 =	vmul.f32 v3, v35  }
0xb4: {  	s23 =	sshll.u32 s24, $0x7;
	s24 =	sor.u32 $0xC, s14;
	v61 =	vld [tilespmem:s21+$0x1870];
	[tilespmem:s20+$0x1830] =	vst v2;
	v2 =	vmul.f32 v45, v35  }
0xb5: {  	v62 =	vmov s24;
	v10 =	vld.idx.msk [tilespmem:v10+s3+$0x0], $0xffff;
	[tilespmem:s20+$0x1840] =	vst v3;
	v3 =	vmul.f32 v46, v35;
	s22 =	sand.u32 $0x3FFFFF80, s23  }
0xb6: {  	v11 =	vand.u32 $0x7C, v62;
	v63 =	vld [tilespmem:s22+$0x1800];
	[tilespmem:s20+$0x1850] =	vst v2;
	v2 =	vmul.f32 v48, v35  }
0xb7: {  	v11 =	vor.u32 v1, v11;
	[tilespmem:s20+$0x1860] =	vst v3;
	v3 =	vmul.f32 v51, v13;
	v18 =	vld [tilespmem:s22+$0x1810]  }
0xb8: {  	v11 =	vbroadcast v11, $0x0;
	v19 =	vld [tilespmem:s22+$0x1820];
	[tilespmem:s20+$0x1870] =	vst v2;
	v2 =	vmul.f32 v52, v13  }
0xb9: {  	v20 =	vld [tilespmem:s22+$0x1830];
	[tilespmem:s21+$0x1800] =	vst v3;
	v3 =	vmul.f32 v55, v13  }
0xba: {  	v21 =	vld [tilespmem:s22+$0x1840];
	[tilespmem:s21+$0x1810] =	vst v2;
	v2 =	vmul.f32 v56, v13  }
0xbb: {  	v22 =	vld [tilespmem:s22+$0x1850];
	[tilespmem:s21+$0x1820] =	vst v3;
	v3 =	vmul.f32 v58, v13  }
0xbc: {  	v23 =	vld [tilespmem:s22+$0x1860];
	[tilespmem:s21+$0x1830] =	vst v2;
	v2 =	vmul.f32 v59, v13  }
0xbd: {  	s23 =	sshll.u32 s24, $0x7;
	s24 =	sor.u32 $0xD, s14;
	v24 =	vld [tilespmem:s22+$0x1870];
	[tilespmem:s21+$0x1840] =	vst v3;
	v3 =	vmul.f32 v60, v13  }
0xbe: {  	v26 =	vmov s24;
	v25 =	vld.idx.msk [tilespmem:v11+s3+$0x0], $0xffff;
	s20 =	sand.u32 $0x3FFFFF80, s23;
	[tilespmem:s21+$0x1850] =	vst v2;
	v2 =	vmul.f32 v61, v13  }
0xbf: {  	v11 =	vand.u32 $0x7D, v26;
	[tilespmem:s21+$0x1860] =	vst v3;
	v3 =	vmul.f32 v63, v10;
	v27 =	vld [tilespmem:s20+$0x1800]  }
0xc0: {  	v11 =	vor.u32 v1, v11;
	v28 =	vld [tilespmem:s20+$0x1810];
	[tilespmem:s21+$0x1870] =	vst v2;
	v2 =	vmul.f32 v18, v10  }
0xc1: {  	v11 =	vbroadcast v11, $0x0;
	v29 =	vld [tilespmem:s20+$0x1820];
	[tilespmem:s22+$0x1800] =	vst v3;
	v3 =	vmul.f32 v19, v10  }
0xc2: {  	v30 =	vld [tilespmem:s20+$0x1830];
	[tilespmem:s22+$0x1810] =	vst v2;
	v2 =	vmul.f32 v20, v10  }
0xc3: {  	v31 =	vld [tilespmem:s20+$0x1840];
	[tilespmem:s22+$0x1820] =	vst v3;
	v3 =	vmul.f32 v21, v10  }
0xc4: {  	v32 =	vld [tilespmem:s20+$0x1850];
	[tilespmem:s22+$0x1830] =	vst v2;
	v2 =	vmul.f32 v22, v10  }
0xc5: {  	v33 =	vld [tilespmem:s20+$0x1860];
	[tilespmem:s22+$0x1840] =	vst v3;
	v3 =	vmul.f32 v23, v10  }
0xc6: {  	s23 =	sshll.u32 s24, $0x7;
	v34 =	vld [tilespmem:s20+$0x1870];
	[tilespmem:s22+$0x1850] =	vst v2;
	v2 =	vmul.f32 v24, v10  }
0xc7: {  	s24 =	sor.u32 $0xE, s14;
	v35 =	vld.idx.msk [tilespmem:v11+s3+$0x0], $0xffff;
	s21 =	sand.u32 $0x3FFFFF80, s23;
	[tilespmem:s22+$0x1860] =	vst v3;
	v3 =	vmul.f32 v27, v25  }
0xc8: {  	v36 =	vmov s24;
	v37 =	vld [tilespmem:s21+$0x1800];
	[tilespmem:s22+$0x1870] =	vst v2;
	v2 =	vmul.f32 v28, v25  }
0xc9: {  	v38 =	vld [tilespmem:s21+$0x1810];
	[tilespmem:s20+$0x1800] =	vst v3;
	v3 =	vmul.f32 v29, v25;
	v10 =	vand.u32 $0x7E, v36  }
0xca: {  	v39 =	vld [tilespmem:s21+$0x1820];
	v10 =	vor.u32 v1, v10;
	[tilespmem:s20+$0x1810] =	vst v2;
	v2 =	vmul.f32 v30, v25  }
0xcb: {  	v40 =	vld [tilespmem:s21+$0x1830];
	[tilespmem:s20+$0x1820] =	vst v3;
	v3 =	vmul.f32 v31, v25;
	v10 =	vbroadcast v10, $0x0  }
0xcc: {  	v41 =	vld [tilespmem:s21+$0x1840];
	[tilespmem:s20+$0x1830] =	vst v2;
	v2 =	vmul.f32 v32, v25  }
0xcd: {  	v42 =	vld [tilespmem:s21+$0x1850];
	[tilespmem:s20+$0x1840] =	vst v3;
	v3 =	vmul.f32 v33, v25  }
0xce: {  	s23 =	sshll.u32 s24, $0x7;
	v43 =	vld [tilespmem:s21+$0x1860];
	[tilespmem:s20+$0x1850] =	vst v2;
	v2 =	vmul.f32 v34, v25  }
0xcf: {  	s24 =	sor.u32 $0xF, s14;
	v44 =	vld [tilespmem:s21+$0x1870];
	s22 =	sand.u32 $0x3FFFFF80, s23;
	[tilespmem:s20+$0x1860] =	vst v3;
	v3 =	vmul.f32 v37, v35  }
0xd0: {  	v46 =	vmov s24;
	v47 =	vld [tilespmem:s22+$0x1800];
	[tilespmem:s20+$0x1870] =	vst v2;
	v2 =	vmul.f32 v38, v35  }
0xd1: {  	[tilespmem:s21+$0x1800] =	vst v3;
	v3 =	vmul.f32 v39, v35;
	v45 =	vld.idx.msk [tilespmem:v10+s3+$0x0], $0xffff;
	v10 =	vand.u32 $0x7F, v46  }
0xd2: {  	v48 =	vld [tilespmem:s22+$0x1810];
	v10 =	vor.u32 v1, v10;
	[tilespmem:s21+$0x1810] =	vst v2;
	v2 =	vmul.f32 v40, v35  }
0xd3: {  	v49 =	vld [tilespmem:s22+$0x1820];
	[tilespmem:s21+$0x1820] =	vst v3;
	v3 =	vmul.f32 v41, v35;
	v10 =	vbroadcast v10, $0x0  }
0xd4: {  	v50 =	vld [tilespmem:s22+$0x1830];
	[tilespmem:s21+$0x1830] =	vst v2;
	v2 =	vmul.f32 v42, v35  }
0xd5: {  	v51 =	vld [tilespmem:s22+$0x1840];
	[tilespmem:s21+$0x1840] =	vst v3;
	v3 =	vmul.f32 v43, v35  }
0xd6: {  	v52 =	vld [tilespmem:s22+$0x1850];
	[tilespmem:s21+$0x1850] =	vst v2;
	v2 =	vmul.f32 v44, v35  }
0xd7: {  	v53 =	vld [tilespmem:s22+$0x1860];
	[tilespmem:s21+$0x1860] =	vst v3;
	v3 =	vmul.f32 v47, v45  }
0xd8: {  	s24 =	sshll.u32 s24, $0x7;
	v54 =	vld [tilespmem:s22+$0x1870];
	[tilespmem:s21+$0x1870] =	vst v2;
	v2 =	vmul.f32 v48, v45  }
0xd9: {  	[tilespmem:s22+$0x1800] =	vst v3;
	v3 =	vmul.f32 v49, v45;
	v55 =	vld.idx.msk [tilespmem:v10+s3+$0x0], $0xffff;
	s21 =	sand.u32 $0x3FFFFF80, s24  }
0xda: {  	v56 =	vld [tilespmem:s21+$0x1800];
	[tilespmem:s22+$0x1810] =	vst v2;
	v2 =	vmul.f32 v50, v45  }
0xdb: {  	[tilespmem:s22+$0x1820] =	vst v3;
	v3 =	vmul.f32 v51, v45;
	v57 =	vld [tilespmem:s21+$0x1810]  }
0xdc: {  	v58 =	vld [tilespmem:s21+$0x1820];
	[tilespmem:s22+$0x1830] =	vst v2;
	v2 =	vmul.f32 v52, v45  }
0xdd: {  	[tilespmem:s22+$0x1840] =	vst v3;
	v3 =	vmul.f32 v53, v45;
	v59 =	vld [tilespmem:s21+$0x1830]  }
0xde: {  	v60 =	vld [tilespmem:s21+$0x1840];
	[tilespmem:s22+$0x1850] =	vst v2;
	v2 =	vmul.f32 v54, v45  }
0xdf: {  	v61 =	vld [tilespmem:s21+$0x1850];
	[tilespmem:s22+$0x1860] =	vst v3;
	v3 =	vmul.f32 v56, v55  }
0xe0: {  	v62 =	vld [tilespmem:s21+$0x1860];
	[tilespmem:s22+$0x1870] =	vst v2;
	v2 =	vmul.f32 v57, v55  }
0xe1: {  	v63 =	vld [tilespmem:s21+$0x1870];
	[tilespmem:s21+$0x1800] =	vst v3;
	v3 =	vmul.f32 v58, v55  }
0xe2: {  	[tilespmem:s21+$0x1810] =	vst v2;
	v2 =	vmul.f32 v59, v55  }
0xe3: {  	p0 =	slt.u32 s14, $0x70;
	[tilespmem:s21+$0x1820] =	vst v3;
	v3 =	vmul.f32 v60, v55  }
.Ltmp1:
0xe4: {  	[tilespmem:s21+$0x1830] =	vst v2;
	v2 =	vmul.f32 v61, v55;
	(pc) =	sbr.rel @p0 .LBB2_6-.Ltmp1, $4  }
0xe5: {  	[tilespmem:s21+$0x1840] =	vst v3;
	v3 =	vmul.f32 v62, v55  }
0xe6: {  	[tilespmem:s21+$0x1850] =	vst v2;
	v2 =	vmul.f32 v63, v55  }
0xe7: {  	[tilespmem:s21+$0x1860] =	vst v3  }
0xe8: {  	s14 =	sadd.s32 $0x10, s14;
	[tilespmem:s21+$0x1870] =	vst v2  }
0xe9: {  	s14 =	sshll.u32 s0, $0xA  }
0xea: {  	s20 =	sshrl.u32 s14, $0x2  }
0xeb: {  	s20 =	sadd.s32 $0x1000, s20  }
0xec: {  	[spmem:s2] =	stream.indirect.scatter.add.f32 [tilespmem:s15], [sflag:$0x3], $0x80, s20, s19, $0xb8;
	[tilespmem:$0x1D800] =	vst v63  }
0xed: {  	p0 =	seq.s32 s0, $0x7;
	_ =	swait.ge [sflag:s16], $0x4000  }
0xee: {  	s14 =	sshrl.u32 @!p0 s14, $0x2;
	s21 =	simm.s32 @!p0 $0x1800;
	[sflag:s16] =	ssyncset.done $0x0  }
0xef: {  	s14 =	sadd.s32 @!p0 $0x900, s14;
	s20 =	simm.s32 @!p0 $0x80;
	[sflag:s16] =	ssyncadd.s32 $0xFFFFC000  }
0xf0: {  	[tilespmem:s21], [sflag:$0x1] =	stream.indirect.gather @!p0 [hbm4b:s7+s20], $0x80, s14, s20, $0xb8;
	[tilespmem:$0x1D800] =	vst v63  }
0xf1: {  	_ =	swait.ge [sflag:s28], $0x4000  }
0xf2: {  	[sflag:s28] =	ssyncset.done $0x0  }
0xf3: {  	v1 =	vmov s4;
	s14 =	simm.s32 $0x0;
	[sflag:s28] =	ssyncadd.s32 $0xFFFFC000  }
.LBB2_8:
0xf4: {  	s20 =	sshll.u32 s14, $0x7  }
0xf5: {  	s22 =	sand.u32 $0x3FFFFF80, s20  }
0xf6: {  	v4 =	vld [tilespmem:s22+$0x5800]  }
0xf7: {  	v5 =	vld [tilespmem:s22+$0x5810]  }
0xf8: {  	v6 =	vld [tilespmem:s22+$0x5820]  }
0xf9: {  	v7 =	vld [tilespmem:s22+$0x5830]  }
0xfa: {  	v8 =	vld [tilespmem:s22+$0x5840]  }
0xfb: {  	s21 =	sor.u32 $0x1, s14;
	v9 =	vld [tilespmem:s22+$0x5850]  }
0xfc: {  	s23 =	sshll.u32 s21, $0x7;
	v10 =	vld [tilespmem:s22+$0x5860]  }
0xfd: {  	v2 =	vmov s14;
	v11 =	vld [tilespmem:s22+$0x5870];
	s23 =	sand.u32 $0x3FFFFF80, s23  }
0xfe: {  	v2 =	vand.u32 $0x70, v2;
	v13 =	vld [tilespmem:s23+$0x5800]  }
0xff: {  	v2 =	vor.u32 v1, v2;
	v14 =	vld [tilespmem:s23+$0x5810]  }
0x100: {  	v2 =	vbroadcast v2, $0x0;
	v15 =	vld [tilespmem:s23+$0x5820]  }
0x101: {  	v16 =	vld [tilespmem:s23+$0x5830]  }
0x102: {  	v17 =	vld [tilespmem:s23+$0x5840]  }
0x103: {  	v18 =	vld [tilespmem:s23+$0x5850]  }
0x104: {  	s24 =	sor.u32 $0x2, s14;
	v19 =	vld [tilespmem:s23+$0x5860]  }
0x105: {  	v3 =	vmov s21;
	s21 =	sshll.u32 s24, $0x7;
	v20 =	vld [tilespmem:s23+$0x5870]  }
0x106: {  	v3 =	vand.u32 $0x71, v3;
	s21 =	sand.u32 $0x3FFFFF80, s21;
	v2 =	vld.idx.msk [tilespmem:v2+s3+$0x0], $0xffff  }
0x107: {  	v3 =	vor.u32 v1, v3;
	v22 =	vld [tilespmem:s21+$0x5800]  }
0x108: {  	v23 =	vld [tilespmem:s21+$0x5810];
	v3 =	vbroadcast v3, $0x0  }
0x109: {  	v24 =	vld [tilespmem:s21+$0x5820]  }
0x10a: {  	v25 =	vld [tilespmem:s21+$0x5830]  }
0x10b: {  	v26 =	vld [tilespmem:s21+$0x5840];
	v4 =	vmul.f32 v4, v2  }
0x10c: {  	v28 =	vld [tilespmem:s21+$0x5850];
	v5 =	vmul.f32 v5, v2  }
0x10d: {  	v12 =	vmov s24;
	s24 =	sor.u32 $0x3, s14;
	v30 =	vld [tilespmem:s21+$0x5860];
	v63 =	vmul.f32 v6, v2;
	[tilespmem:s22+$0x5800] =	vst v4  }
0x10e: {  	v12 =	vand.u32 $0x72, v12;
	s20 =	sshll.u32 s24, $0x7;
	v3 =	vld.idx.msk [tilespmem:v3+s3+$0x0], $0xffff;
	v27 =	vmul.f32 v7, v2;
	[tilespmem:s22+$0x5810] =	vst v5  }
0x10f: {  	v12 =	vor.u32 v1, v12;
	v32 =	vld [tilespmem:s21+$0x5870];
	s20 =	sand.u32 $0x3FFFFF80, s20;
	v29 =	vmul.f32 v8, v2;
	[tilespmem:s22+$0x5820] =	vst v63  }
0x110: {  	v21 =	vmov s24;
	v12 =	vbroadcast v12, $0x0;
	v36 =	vld [tilespmem:s20+$0x5800];
	v31 =	vmul.f32 v9, v2;
	[tilespmem:s22+$0x5830] =	vst v27  }
0x111: {  	v21 =	vand.u32 $0x73, v21;
	v39 =	vld [tilespmem:s20+$0x5810];
	v33 =	vmul.f32 v10, v2;
	[tilespmem:s22+$0x5840] =	vst v29  }
0x112: {  	s24 =	sor.u32 $0x4, s14;
	v21 =	vor.u32 v1, v21;
	v40 =	vld [tilespmem:s20+$0x5820];
	v2 =	vmul.f32 v11, v2;
	[tilespmem:s22+$0x5850] =	vst v31  }
0x113: {  	v35 =	vmov s24;
	v42 =	vld [tilespmem:s20+$0x5830];
	v21 =	vbroadcast v21, $0x0;
	v38 =	vmul.f32 v13, v3;
	[tilespmem:s22+$0x5860] =	vst v33  }
0x114: {  	v37 =	vand.u32 $0x74, v35;
	v43 =	vld [tilespmem:s20+$0x5840];
	[tilespmem:s22+$0x5870] =	vst v2;
	v2 =	vmul.f32 v14, v3  }
0x115: {  	v45 =	vld [tilespmem:s20+$0x5850];
	v11 =	vor.u32 v1, v37;
	v41 =	vmul.f32 v15, v3;
	[tilespmem:s23+$0x5800] =	vst v38  }
0x116: {  	v12 =	vld.idx.msk [tilespmem:v12+s3+$0x0], $0xffff;
	v11 =	vbroadcast v11, $0x0;
	[tilespmem:s23+$0x5810] =	vst v2;
	v2 =	vmul.f32 v16, v3  }
0x117: {  	v46 =	vld [tilespmem:s20+$0x5860];
	v44 =	vmul.f32 v17, v3;
	[tilespmem:s23+$0x5820] =	vst v41  }
0x118: {  	v48 =	vld [tilespmem:s20+$0x5870];
	s22 =	sshll.u32 s24, $0x7;
	[tilespmem:s23+$0x5830] =	vst v2;
	v2 =	vmul.f32 v18, v3  }
0x119: {  	v34 =	vld.idx.msk [tilespmem:v21+s3+$0x0], $0xffff;
	v47 =	vmul.f32 v19, v3;
	[tilespmem:s23+$0x5840] =	vst v44;
	s22 =	sand.u32 $0x3FFFFF80, s22  }
0x11a: {  	s24 =	sor.u32 $0x5, s14;
	v51 =	vld [tilespmem:s22+$0x5800];
	[tilespmem:s23+$0x5850] =	vst v2;
	v2 =	vmul.f32 v20, v3  }
0x11b: {  	v50 =	vmul.f32 v22, v12;
	v49 =	vmov s24;
	[tilespmem:s23+$0x5860] =	vst v47;
	v52 =	vld [tilespmem:s22+$0x5810]  }
0x11c: {  	v3 =	vld.idx.msk [tilespmem:v11+s3+$0x0], $0xffff;
	v11 =	vand.u32 $0x75, v49;
	[tilespmem:s23+$0x5870] =	vst v2;
	v2 =	vmul.f32 v23, v12  }
0x11d: {  	v53 =	vmul.f32 v24, v12;
	[tilespmem:s21+$0x5800] =	vst v50;
	v54 =	vld [tilespmem:s22+$0x5820];
	v11 =	vor.u32 v1, v11  }
0x11e: {  	v55 =	vld [tilespmem:s22+$0x5830];
	v11 =	vbroadcast v11, $0x0;
	[tilespmem:s21+$0x5810] =	vst v2;
	v2 =	vmul.f32 v25, v12  }
0x11f: {  	v56 =	vmul.f32 v26, v12;
	[tilespmem:s21+$0x5820] =	vst v53;
	v57 =	vld [tilespmem:s22+$0x5840]  }
0x120: {  	v58 =	vld [tilespmem:s22+$0x5850];
	[tilespmem:s21+$0x5830] =	vst v2;
	v2 =	vmul.f32 v28, v12  }
0x121: {  	v59 =	vmul.f32 v30, v12;
	[tilespmem:s21+$0x5840] =	vst v56;
	v60 =	vld [tilespmem:s22+$0x5860];
	s23 =	sshll.u32 s24, $0x7  }
0x122: {  	v61 =	vld [tilespmem:s22+$0x5870];
	s24 =	sor.u32 $0x6, s14;
	s23 =	sand.u32 $0x3FFFFF80, s23;
	[tilespmem:s21+$0x5850] =	vst v2;
	v2 =	vmul.f32 v32, v12  }
0x123: {  	v62 =	vmul.f32 v36, v34;
	[tilespmem:s21+$0x5860] =	vst v59;
	v24 =	vmov s24;
	v25 =	vld [tilespmem:s23+$0x5800]  }
0x124: {  	v63 =	vld.idx.msk [tilespmem:v11+s3+$0x0], $0xffff;
	v11 =	vand.u32 $0x76, v24;
	[tilespmem:s21+$0x5870] =	vst v2;
	v2 =	vmul.f32 v39, v34  }
0x125: {  	v26 =	vmul.f32 v40, v34;
	[tilespmem:s20+$0x5800] =	vst v62;
	v27 =	vld [tilespmem:s23+$0x5810];
	v11 =	vor.u32 v1, v11  }
0x126: {  	v30 =	vld [tilespmem:s23+$0x5830];
	v11 =	vbroadcast v11, $0x0;
	[tilespmem:s20+$0x5810] =	vst v2;
	v2 =	vmul.f32 v42, v34  }
0x127: {  	v29 =	vmul.f32 v43, v34;
	[tilespmem:s20+$0x5820] =	vst v26;
	v31 =	vld [tilespmem:s23+$0x5840]  }
0x128: {  	v33 =	vld [tilespmem:s23+$0x5850];
	[tilespmem:s20+$0x5830] =	vst v2;
	v2 =	vmul.f32 v45, v34  }
0x129: {  	[tilespmem:s20+$0x5840] =	vst v29;
	v36 =	vld [tilespmem:s23+$0x5870];
	v32 =	vmul.f32 v46, v34  }
0x12a: {  	v28 =	vld [tilespmem:s23+$0x5820];
	s21 =	sshll.u32 s24, $0x7;
	s24 =	sor.u32 $0x7, s14;
	[tilespmem:s20+$0x5850] =	vst v2;
	v2 =	vmul.f32 v48, v34  }
0x12b: {  	v35 =	vmul.f32 v51, v3;
	[tilespmem:s20+$0x5860] =	vst v32;
	v37 =	vmov s24;
	v34 =	vld [tilespmem:s23+$0x5860]  }
0x12c: {  	v19 =	vand.u32 $0x77, v37;
	v11 =	vld.idx.msk [tilespmem:v11+s3+$0x0], $0xffff;
	[tilespmem:s20+$0x5870] =	vst v2;
	v2 =	vmul.f32 v52, v3;
	s20 =	sand.u32 $0x3FFFFF80, s21  }
0x12d: {  	v38 =	vmul.f32 v54, v3;
	[tilespmem:s22+$0x5800] =	vst v35;
	v19 =	vor.u32 v1, v19;
	v39 =	vld [tilespmem:s20+$0x5800]  }
0x12e: {  	v19 =	vbroadcast v19, $0x0;
	v40 =	vld [tilespmem:s20+$0x5810];
	[tilespmem:s22+$0x5810] =	vst v2;
	v2 =	vmul.f32 v55, v3  }
0x12f: {  	v41 =	vmul.f32 v57, v3;
	[tilespmem:s22+$0x5820] =	vst v38;
	v42 =	vld [tilespmem:s20+$0x5820]  }
0x130: {  	v43 =	vld [tilespmem:s20+$0x5830];
	[tilespmem:s22+$0x5830] =	vst v2;
	v2 =	vmul.f32 v58, v3  }
0x131: {  	v44 =	vmul.f32 v60, v3;
	[tilespmem:s22+$0x5840] =	vst v41;
	v45 =	vld [tilespmem:s20+$0x5840]  }
0x132: {  	v47 =	vld [tilespmem:s20+$0x5860];
	[tilespmem:s22+$0x5850] =	vst v2;
	v2 =	vmul.f32 v61, v3  }
0x133: {  	[tilespmem:s22+$0x5860] =	vst v44;
	v46 =	vmul.f32 v25, v63;
	v48 =	vld [tilespmem:s20+$0x5870]  }
0x134: {  	v50 =	vld.idx.msk [tilespmem:v19+s3+$0x0], $0xffff;
	[tilespmem:s22+$0x5870] =	vst v2;
	v2 =	vmul.f32 v27, v63;
	s22 =	sshll.u32 s24, $0x7  }
0x135: {  	v49 =	vmul.f32 v28, v63;
	[tilespmem:s23+$0x5800] =	vst v46;
	v3 =	vld [tilespmem:s20+$0x5850];
	s21 =	sand.u32 $0x3FFFFF80, s22  }
0x136: {  	[tilespmem:s23+$0x5810] =	vst v2;
	v2 =	vmul.f32 v30, v63;
	v52 =	vld [tilespmem:s21+$0x5800]  }
0x137: {  	v53 =	vmul.f32 v31, v63;
	[tilespmem:s23+$0x5820] =	vst v49;
	v54 =	vld [tilespmem:s21+$0x5810]  }
0x138: {  	v55 =	vld [tilespmem:s21+$0x5820];
	[tilespmem:s23+$0x5830] =	vst v2;
	v2 =	vmul.f32 v33, v63  }
0x139: {  	[tilespmem:s23+$0x5840] =	vst v53;
	v56 =	vmul.f32 v34, v63;
	v57 =	vld [tilespmem:s21+$0x5830]  }
0x13a: {  	s24 =	sor.u32 $0x8, s14;
	v58 =	vld [tilespmem:s21+$0x5840];
	[tilespmem:s23+$0x5850] =	vst v2;
	v2 =	vmul.f32 v36, v63  }
0x13b: {  	[tilespmem:s23+$0x5860] =	vst v56;
	v59 =	vmul.f32 v39, v11;
	s22 =	sshll.u32 s24, $0x7;
	v60 =	vld [tilespmem:s21+$0x5850]  }
0x13c: {  	v51 =	vmov s24;
	v61 =	vld [tilespmem:s21+$0x5860];
	s22 =	sand.u32 $0x3FFFFF80, s22;
	[tilespmem:s23+$0x5870] =	vst v2;
	v2 =	vmul.f32 v40, v11  }
0x13d: {  	v62 =	vmul.f32 v42, v11;
	[tilespmem:s20+$0x5800] =	vst v59;
	v14 =	vand.u32 $0x78, v51;
	v24 =	vld [tilespmem:s22+$0x5800]  }
0x13e: {  	v14 =	vor.u32 v1, v14;
	v26 =	vld [tilespmem:s22+$0x5820];
	[tilespmem:s20+$0x5810] =	vst v2;
	v2 =	vmul.f32 v43, v11  }
0x13f: {  	v23 =	vmul.f32 v45, v11;
	[tilespmem:s20+$0x5820] =	vst v62;
	v27 =	vld [tilespmem:s22+$0x5830];
	v14 =	vbroadcast v14, $0x0  }
0x140: {  	v29 =	vld [tilespmem:s22+$0x5840];
	[tilespmem:s20+$0x5830] =	vst v2;
	v2 =	vmul.f32 v3, v11  }
0x141: {  	v25 =	vmul.f32 v47, v11;
	[tilespmem:s20+$0x5840] =	vst v23;
	v30 =	vld [tilespmem:s22+$0x5850]  }
0x142: {  	v32 =	vld [tilespmem:s22+$0x5860];
	[tilespmem:s20+$0x5850] =	vst v2;
	v2 =	vmul.f32 v48, v11  }
0x143: {  	[tilespmem:s20+$0x5860] =	vst v25;
	v33 =	vld [tilespmem:s22+$0x5870];
	v28 =	vmul.f32 v52, v50  }
0x144: {  	s24 =	sor.u32 $0x9, s14;
	v63 =	vld [tilespmem:s21+$0x5870];
	[tilespmem:s20+$0x5870] =	vst v2;
	v2 =	vmul.f32 v54, v50  }
0x145: {  	v22 =	vmov s24;
	v31 =	vmul.f32 v55, v50;
	s23 =	sshll.u32 s24, $0x7;
	[tilespmem:s21+$0x5800] =	vst v28;
	v21 =	vld.idx.msk [tilespmem:v14+s3+$0x0], $0xffff  }
0x146: {  	v14 =	vand.u32 $0x79, v22;
	v3 =	vld [tilespmem:s22+$0x5810];
	s20 =	sand.u32 $0x3FFFFF80, s23;
	[tilespmem:s21+$0x5810] =	vst v2;
	v2 =	vmul.f32 v57, v50  }
0x147: {  	v34 =	vmul.f32 v58, v50;
	[tilespmem:s21+$0x5820] =	vst v31;
	v14 =	vor.u32 v1, v14;
	v37 =	vld [tilespmem:s20+$0x5800]  }
0x148: {  	v14 =	vbroadcast v14, $0x0;
	v39 =	vld [tilespmem:s20+$0x5810];
	[tilespmem:s21+$0x5830] =	vst v2;
	v2 =	vmul.f32 v60, v50  }
0x149: {  	v38 =	vmul.f32 v61, v50;
	[tilespmem:s21+$0x5840] =	vst v34;
	v40 =	vld [tilespmem:s20+$0x5820]  }
0x14a: {  	v43 =	vld [tilespmem:s20+$0x5830];
	[tilespmem:s21+$0x5850] =	vst v2;
	v2 =	vmul.f32 v63, v50  }
0x14b: {  	[tilespmem:s21+$0x5860] =	vst v38;
	v42 =	vmul.f32 v24, v21;
	v45 =	vld [tilespmem:s20+$0x5850]  }
0x14c: {  	s24 =	sor.u32 $0xA, s14;
	v46 =	vld [tilespmem:s20+$0x5860];
	[tilespmem:s21+$0x5870] =	vst v2;
	v2 =	vmul.f32 v3, v21  }
0x14d: {  	v36 =	vmov s24;
	v44 =	vmul.f32 v26, v21;
	[tilespmem:s22+$0x5800] =	vst v42;
	v48 =	vld [tilespmem:s20+$0x5870]  }
0x14e: {  	s23 =	sshll.u32 s24, $0x7;
	v35 =	vld.idx.msk [tilespmem:v14+s3+$0x0], $0xffff;
	v14 =	vand.u32 $0x7A, v36;
	[tilespmem:s22+$0x5810] =	vst v2;
	v2 =	vmul.f32 v27, v21  }
0x14f: {  	v47 =	vmul.f32 v29, v21;
	s24 =	sor.u32 $0xB, s14;
	[tilespmem:s22+$0x5820] =	vst v44;
	v14 =	vor.u32 v1, v14;
	v3 =	vld [tilespmem:s20+$0x5840];
	s21 =	sand.u32 $0x3FFFFF80, s23  }
0x150: {  	v49 =	vmov s24;
	v41 =	vbroadcast v14, $0x0;
	v51 =	vld [tilespmem:s21+$0x5800];
	[tilespmem:s22+$0x5830] =	vst v2;
	v2 =	vmul.f32 v30, v21  }
0x151: {  	[tilespmem:s22+$0x5840] =	vst v47;
	v14 =	vand.u32 $0x7B, v49;
	v50 =	vmul.f32 v32, v21;
	v52 =	vld [tilespmem:s21+$0x5810]  }
0x152: {  	v53 =	vor.u32 v1, v14;
	v55 =	vld [tilespmem:s21+$0x5820];
	[tilespmem:s22+$0x5850] =	vst v2;
	v2 =	vmul.f32 v33, v21  }
0x153: {  	v10 =	vbroadcast v53, $0x0;
	v54 =	vmul.f32 v37, v35;
	[tilespmem:s22+$0x5860] =	vst v50;
	v56 =	vld [tilespmem:s21+$0x5830]  }
0x154: {  	v58 =	vld [tilespmem:s21+$0x5840];
	[tilespmem:s22+$0x5870] =	vst v2;
	v2 =	vmul.f32 v39, v35  }
0x155: {  	v57 =	vmul.f32 v40, v35;
	[tilespmem:s20+$0x5800] =	vst v54;
	v59 =	vld [tilespmem:s21+$0x5850]  }
0x156: {  	v13 =	vld.idx.msk [tilespmem:v41+s3+$0x0], $0xffff;
	[tilespmem:s20+$0x5810] =	vst v2;
	v2 =	vmul.f32 v43, v35  }
0x157: {  	[tilespmem:s20+$0x5820] =	vst v57;
	v60 =	vld [tilespmem:s21+$0x5860];
	v3 =	vmul.f32 v3, v35  }
0x158: {  	s23 =	sshll.u32 s24, $0x7;
	s24 =	sor.u32 $0xC, s14;
	v61 =	vld [tilespmem:s21+$0x5870];
	[tilespmem:s20+$0x5830] =	vst v2;
	v2 =	vmul.f32 v45, v35  }
0x159: {  	v62 =	vmov s24;
	v10 =	vld.idx.msk [tilespmem:v10+s3+$0x0], $0xffff;
	[tilespmem:s20+$0x5840] =	vst v3;
	v3 =	vmul.f32 v46, v35;
	s22 =	sand.u32 $0x3FFFFF80, s23  }
0x15a: {  	v11 =	vand.u32 $0x7C, v62;
	v63 =	vld [tilespmem:s22+$0x5800];
	[tilespmem:s20+$0x5850] =	vst v2;
	v2 =	vmul.f32 v48, v35  }
0x15b: {  	v11 =	vor.u32 v1, v11;
	[tilespmem:s20+$0x5860] =	vst v3;
	v3 =	vmul.f32 v51, v13;
	v18 =	vld [tilespmem:s22+$0x5810]  }
0x15c: {  	v11 =	vbroadcast v11, $0x0;
	v19 =	vld [tilespmem:s22+$0x5820];
	[tilespmem:s20+$0x5870] =	vst v2;
	v2 =	vmul.f32 v52, v13  }
0x15d: {  	v20 =	vld [tilespmem:s22+$0x5830];
	[tilespmem:s21+$0x5800] =	vst v3;
	v3 =	vmul.f32 v55, v13  }
0x15e: {  	v21 =	vld [tilespmem:s22+$0x5840];
	[tilespmem:s21+$0x5810] =	vst v2;
	v2 =	vmul.f32 v56, v13  }
0x15f: {  	v22 =	vld [tilespmem:s22+$0x5850];
	[tilespmem:s21+$0x5820] =	vst v3;
	v3 =	vmul.f32 v58, v13  }
0x160: {  	v23 =	vld [tilespmem:s22+$0x5860];
	[tilespmem:s21+$0x5830] =	vst v2;
	v2 =	vmul.f32 v59, v13  }
0x161: {  	s23 =	sshll.u32 s24, $0x7;
	s24 =	sor.u32 $0xD, s14;
	v24 =	vld [tilespmem:s22+$0x5870];
	[tilespmem:s21+$0x5840] =	vst v3;
	v3 =	vmul.f32 v60, v13  }
0x162: {  	v26 =	vmov s24;
	v25 =	vld.idx.msk [tilespmem:v11+s3+$0x0], $0xffff;
	s20 =	sand.u32 $0x3FFFFF80, s23;
	[tilespmem:s21+$0x5850] =	vst v2;
	v2 =	vmul.f32 v61, v13  }
0x163: {  	v11 =	vand.u32 $0x7D, v26;
	[tilespmem:s21+$0x5860] =	vst v3;
	v3 =	vmul.f32 v63, v10;
	v27 =	vld [tilespmem:s20+$0x5800]  }
0x164: {  	v11 =	vor.u32 v1, v11;
	v28 =	vld [tilespmem:s20+$0x5810];
	[tilespmem:s21+$0x5870] =	vst v2;
	v2 =	vmul.f32 v18, v10  }
0x165: {  	v11 =	vbroadcast v11, $0x0;
	v29 =	vld [tilespmem:s20+$0x5820];
	[tilespmem:s22+$0x5800] =	vst v3;
	v3 =	vmul.f32 v19, v10  }
0x166: {  	v30 =	vld [tilespmem:s20+$0x5830];
	[tilespmem:s22+$0x5810] =	vst v2;
	v2 =	vmul.f32 v20, v10  }
0x167: {  	v31 =	vld [tilespmem:s20+$0x5840];
	[tilespmem:s22+$0x5820] =	vst v3;
	v3 =	vmul.f32 v21, v10  }
0x168: {  	v32 =	vld [tilespmem:s20+$0x5850];
	[tilespmem:s22+$0x5830] =	vst v2;
	v2 =	vmul.f32 v22, v10  }
0x169: {  	v33 =	vld [tilespmem:s20+$0x5860];
	[tilespmem:s22+$0x5840] =	vst v3;
	v3 =	vmul.f32 v23, v10  }
0x16a: {  	s23 =	sshll.u32 s24, $0x7;
	v34 =	vld [tilespmem:s20+$0x5870];
	[tilespmem:s22+$0x5850] =	vst v2;
	v2 =	vmul.f32 v24, v10  }
0x16b: {  	s24 =	sor.u32 $0xE, s14;
	v35 =	vld.idx.msk [tilespmem:v11+s3+$0x0], $0xffff;
	s21 =	sand.u32 $0x3FFFFF80, s23;
	[tilespmem:s22+$0x5860] =	vst v3;
	v3 =	vmul.f32 v27, v25  }
0x16c: {  	v36 =	vmov s24;
	v37 =	vld [tilespmem:s21+$0x5800];
	[tilespmem:s22+$0x5870] =	vst v2;
	v2 =	vmul.f32 v28, v25  }
0x16d: {  	v38 =	vld [tilespmem:s21+$0x5810];
	[tilespmem:s20+$0x5800] =	vst v3;
	v3 =	vmul.f32 v29, v25;
	v10 =	vand.u32 $0x7E, v36  }
0x16e: {  	v39 =	vld [tilespmem:s21+$0x5820];
	v10 =	vor.u32 v1, v10;
	[tilespmem:s20+$0x5810] =	vst v2;
	v2 =	vmul.f32 v30, v25  }
0x16f: {  	v40 =	vld [tilespmem:s21+$0x5830];
	[tilespmem:s20+$0x5820] =	vst v3;
	v3 =	vmul.f32 v31, v25;
	v10 =	vbroadcast v10, $0x0  }
0x170: {  	v41 =	vld [tilespmem:s21+$0x5840];
	[tilespmem:s20+$0x5830] =	vst v2;
	v2 =	vmul.f32 v32, v25  }
0x171: {  	v42 =	vld [tilespmem:s21+$0x5850];
	[tilespmem:s20+$0x5840] =	vst v3;
	v3 =	vmul.f32 v33, v25  }
0x172: {  	s23 =	sshll.u32 s24, $0x7;
	v43 =	vld [tilespmem:s21+$0x5860];
	[tilespmem:s20+$0x5850] =	vst v2;
	v2 =	vmul.f32 v34, v25  }
0x173: {  	s24 =	sor.u32 $0xF, s14;
	v44 =	vld [tilespmem:s21+$0x5870];
	s22 =	sand.u32 $0x3FFFFF80, s23;
	[tilespmem:s20+$0x5860] =	vst v3;
	v3 =	vmul.f32 v37, v35  }
0x174: {  	v46 =	vmov s24;
	v47 =	vld [tilespmem:s22+$0x5800];
	[tilespmem:s20+$0x5870] =	vst v2;
	v2 =	vmul.f32 v38, v35  }
0x175: {  	[tilespmem:s21+$0x5800] =	vst v3;
	v3 =	vmul.f32 v39, v35;
	v45 =	vld.idx.msk [tilespmem:v10+s3+$0x0], $0xffff;
	v10 =	vand.u32 $0x7F, v46  }
0x176: {  	v48 =	vld [tilespmem:s22+$0x5810];
	v10 =	vor.u32 v1, v10;
	[tilespmem:s21+$0x5810] =	vst v2;
	v2 =	vmul.f32 v40, v35  }
0x177: {  	v49 =	vld [tilespmem:s22+$0x5820];
	[tilespmem:s21+$0x5820] =	vst v3;
	v3 =	vmul.f32 v41, v35;
	v10 =	vbroadcast v10, $0x0  }
0x178: {  	v50 =	vld [tilespmem:s22+$0x5830];
	[tilespmem:s21+$0x5830] =	vst v2;
	v2 =	vmul.f32 v42, v35  }
0x179: {  	v51 =	vld [tilespmem:s22+$0x5840];
	[tilespmem:s21+$0x5840] =	vst v3;
	v3 =	vmul.f32 v43, v35  }
0x17a: {  	v52 =	vld [tilespmem:s22+$0x5850];
	[tilespmem:s21+$0x5850] =	vst v2;
	v2 =	vmul.f32 v44, v35  }
0x17b: {  	v53 =	vld [tilespmem:s22+$0x5860];
	[tilespmem:s21+$0x5860] =	vst v3;
	v3 =	vmul.f32 v47, v45  }
0x17c: {  	s24 =	sshll.u32 s24, $0x7;
	v54 =	vld [tilespmem:s22+$0x5870];
	[tilespmem:s21+$0x5870] =	vst v2;
	v2 =	vmul.f32 v48, v45  }
0x17d: {  	[tilespmem:s22+$0x5800] =	vst v3;
	v3 =	vmul.f32 v49, v45;
	v55 =	vld.idx.msk [tilespmem:v10+s3+$0x0], $0xffff;
	s21 =	sand.u32 $0x3FFFFF80, s24  }
0x17e: {  	v56 =	vld [tilespmem:s21+$0x5800];
	[tilespmem:s22+$0x5810] =	vst v2;
	v2 =	vmul.f32 v50, v45  }
0x17f: {  	[tilespmem:s22+$0x5820] =	vst v3;
	v3 =	vmul.f32 v51, v45;
	v57 =	vld [tilespmem:s21+$0x5810]  }
0x180: {  	v58 =	vld [tilespmem:s21+$0x5820];
	[tilespmem:s22+$0x5830] =	vst v2;
	v2 =	vmul.f32 v52, v45  }
0x181: {  	[tilespmem:s22+$0x5840] =	vst v3;
	v3 =	vmul.f32 v53, v45;
	v59 =	vld [tilespmem:s21+$0x5830]  }
0x182: {  	v60 =	vld [tilespmem:s21+$0x5840];
	[tilespmem:s22+$0x5850] =	vst v2;
	v2 =	vmul.f32 v54, v45  }
0x183: {  	v61 =	vld [tilespmem:s21+$0x5850];
	[tilespmem:s22+$0x5860] =	vst v3;
	v3 =	vmul.f32 v56, v55  }
0x184: {  	v62 =	vld [tilespmem:s21+$0x5860];
	[tilespmem:s22+$0x5870] =	vst v2;
	v2 =	vmul.f32 v57, v55  }
0x185: {  	v63 =	vld [tilespmem:s21+$0x5870];
	[tilespmem:s21+$0x5800] =	vst v3;
	v3 =	vmul.f32 v58, v55  }
0x186: {  	[tilespmem:s21+$0x5810] =	vst v2;
	v2 =	vmul.f32 v59, v55  }
0x187: {  	p0 =	slt.u32 s14, $0x70;
	[tilespmem:s21+$0x5820] =	vst v3;
	v3 =	vmul.f32 v60, v55  }
.Ltmp2:
0x188: {  	[tilespmem:s21+$0x5830] =	vst v2;
	v2 =	vmul.f32 v61, v55;
	(pc) =	sbr.rel @p0 .LBB2_8-.Ltmp2, $4  }
0x189: {  	[tilespmem:s21+$0x5840] =	vst v3;
	v3 =	vmul.f32 v62, v55  }
0x18a: {  	[tilespmem:s21+$0x5850] =	vst v2;
	v2 =	vmul.f32 v63, v55  }
0x18b: {  	[tilespmem:s21+$0x5860] =	vst v3  }
0x18c: {  	s14 =	sadd.s32 $0x10, s14;
	[tilespmem:s21+$0x5870] =	vst v2  }
0x18d: {  	s0 =	sadd.s32 $0x1, s0  }
0x18e: {  	p0 =	sne.s32 s0, $0x8  }
.Ltmp3:
0x18f: {  	s4 =	sadd.s32 $0x1000, s4;
	(pc) =	sbr.rel @p0 .LBB2_5-.Ltmp3, $4  }
0x190: {  	[spmem:s2] =	stream.indirect.scatter.add.f32 [tilespmem:s25], [sflag:$0x3], $0x80, s4, s19, $0xb8;
	[tilespmem:$0x1D800] =	vst v63  }
0x191: {  	_ =	swait.ge [sflag:s16], $0x4000  }
0x192: {  	[sflag:s16] =	ssyncset.done $0x0  }
0x193: {  	[sflag:s16] =	ssyncadd.s32 $0xFFFFC000  }
0x194: {  	s31 =	sadd.s32 $0x1, s31  }
0x195: {  	p0 =	sne.s32 s31, $0x5  }
.Ltmp4:
0x196: {  	_ = 	snop;
	(pc) =	sbr.rel @p0 .LBB2_4-.Ltmp4, $1  }
0x197: {  	_ =	sdelay $0x3  }
0x198: {  	s0 =	stileid.u32  }
0x199: {  	[bflag:$0x0] =	sbarrier.arrive $0xFFFF;
	s0 =	sshll.u32 s0, $0x6  }
0x19a: {  	s4 =	sshrl.u32 s8, $0x3;
	s14 =	rddreg [dreg:$0x5];
	s0 =	sor.u32 $0x1C03, s0  }
0x19b: {  	[hbm:s14], [sflag:s0] =	dma.local [spmem:s4], $0x800  }
0x19c: {  	_ =	swait.ge [sflag:s16], $0x800  }
0x19d: {  	[sflag:s16] =	ssyncset.done $0x0  }
0x19e: {  	s24 =	sshrl.u32 s9, $0x3;
	s31 =	rddreg [dreg:$0x6];
	[sflag:s16] =	ssyncadd.s32 $0xFFFFF800  }
0x19f: {  	[hbm:s31], [sflag:s0] =	dma.local [spmem:s24], $0x800  }
0x1a0: {  	_ =	swait.ge [sflag:s16], $0x800  }
0x1a1: {  	[sflag:s16] =	ssyncset.done $0x0  }
0x1a2: {  	s14 =	sshrl.u32 s10, $0x3;
	s20 =	rddreg [dreg:$0x7];
	[sflag:s16] =	ssyncadd.s32 $0xFFFFF800  }
0x1a3: {  	[hbm:s20], [sflag:s0] =	dma.local [spmem:s14], $0x800  }
0x1a4: {  	_ =	swait.ge [sflag:s16], $0x800  }
0x1a5: {  	[sflag:s16] =	ssyncset.done $0x0  }
0x1a6: {  	s21 =	sshrl.u32 s11, $0x3;
	s22 =	rddreg [dreg:$0x8];
	[sflag:s16] =	ssyncadd.s32 $0xFFFFF800  }
0x1a7: {  	[hbm:s22], [sflag:s0] =	dma.local [spmem:s21], $0x800  }
0x1a8: {  	_ =	swait.ge [sflag:s16], $0x800  }
0x1a9: {  	[sflag:s16] =	ssyncset.done $0x0  }
0x1aa: {  	s23 =	sshrl.u32 s12, $0x3;
	s24 =	rddreg [dreg:$0x9];
	[sflag:s16] =	ssyncadd.s32 $0xFFFFF800  }
0x1ab: {  	[hbm:s24], [sflag:s0] =	dma.local [spmem:s23], $0x800  }
0x1ac: {  	_ =	swait.ge [sflag:s16], $0x800  }
0x1ad: {  	s29 =	sadd.s32 $0x1, s29;
	s31 =	rddreg [dreg:$0x4]  }
0x1ae: {  	p0 =	sne.s32 s29, s31  }
.Ltmp5:
0x1af: {  	_ = 	snop;
	(pc) =	sbr.rel @p0 .LBB2_1-.Ltmp5, $3  }
0x1b0: {  	_ =	sdelay $0x1  }
0x1b1: {  	[sflag:s16] =	ssyncset.done $0x0  }
0x1b2: {  	[sflag:s16] =	ssyncadd.s32 $0xFFFFF800  }
0x1b3: {  	_ =	sfence.sel $0x180000  }
0x1b4: {  	[bflag:$0x0] =	sbarrier.arrive $0xFFFF  }
0x1b5: {  	_ =	strace $0x90000050  }
0x1b6: {  	s0 =	stileid.u32;
	[bflag:$0x2] =	sbarrier.arrive $0xFFFF  }
0x1b7: {  	p0 =	sne.s32 s0, $0x0;
	s0 =	rddreg [dreg:$0x3]  }
0x1b8: {  	s0 =	sadd.s32 @!p0 $0x100000, s0  }
0x1b9: {  	[sflag:s0] =	ssyncadd.tile.s32 @!p0 $0x1;
	_ =	shalt  }
.Lfunc_end2:
_tile_overlayer_lowered:
.L_overlay_start_2:
0x1ba: {  	(tag) =	ssettag $0x2  }
0x1bb: {  	s0 =	rddreg [dreg:$0x0];
	s2 =	stileid.u32  }
0x1bc: {  	s1 =	rddreg [dreg:$0x1];
	p0 =	sne.s32 s2, $0x0  }
0x1bd: {  	s3 =	rddreg [dreg:$0x2];
	[bflag:$0x3] =	sbarrier.arrive $0xFFFF;
	s2 =	simm.s32 @!p0 $0x1C03  }
0x1be: {  	[timem:s3], [sflag:s2] =	dma.local @!p0 [hbm:s0], s1  }
0x1bf: {  	s0 =	simm.s32 @!p0 $0x3  }
0x1c0: {  	_ =	swait.ge @!p0 [sflag:s0], s1  }
0x1c1: {  	s1 =	ssub.s32 @!p0 $0x0, s1;
	[sflag:s0] =	ssyncset.done @!p0 $0x0  }
0x1c2: {  	[sflag:s0] =	ssyncadd.s32 @!p0 s1  }
0x1c3: {  	[bflag:$0x3] =	sbarrier.arrive $0xFFFF  }
0x1c4: {  	_ =	shalt  }

// kernel: kernel.9.cloned.1.call-start
scs
__scs_entry_jumppad:
0x0: {  	(pc) =	sbr.rel $0x88, $3  }
0x1: {  	(tag) =	ssettag $0x0;
	lr =	simm.s32 $0x1  }
0x2: {  	[smem:$0x3F97] =	sst lr;
	_ =	strace $0xD0000000  }
0x3: {  	_ = 	snop  }
0x4: {  	_ = 	snop  }
0x5: {  	_ = 	snop  }
0x6: {  	_ = 	snop  }
0x7: {  	_ = 	snop  }
__scs_overlays_trampoline_lowered:
0x8: {  	[smem:$0x3FA6] =	sst s0  }
0x9: {  	[smem:$0x3FA7] =	sst s1  }
0xa: {  	[smem:$0x3FA8] =	sst s2  }
0xb: {  	[smem:$0x3FA9] =	sst s3  }
0xc: {  	[smem:$0x3FAA] =	sst s4  }
0xd: {  	[smem:$0x3FAB] =	sst s5  }
0xe: {  	[smem:$0x3FAC] =	sst s6  }
0xf: {  	[smem:$0x3FAD] =	sst s7  }
0x10: {  	[smem:$0x3FAE] =	sst s8  }
0x11: {  	[smem:$0x3FAF] =	sst s9;
	s0 =	simm.s32 @!p0 $0x0  }
0x12: {  	s1 =	sld [smem:$0x3F95];
	s0 =	simm.s32 @p0 $0x1  }
0x13: {  	[smem:$0x3FB0] =	sst s0;
	s0 =	simm.s32 @!p1 $0x0  }
0x14: {  	s2 =	sld [smem:$0x3F94];
	s0 =	simm.s32 @p1 $0x1  }
0x15: {  	[smem:$0x3FB1] =	sst s0;
	s0 =	simm.s32 @!p2 $0x0  }
0x16: {  	s3 =	sld [smem:$0x3FDB];
	s0 =	simm.s32 @p2 $0x1  }
0x17: {  	s4 =	simm.s32 $0x1BF5;
	[smem:$0x3FB3] =	sst s0  }
0x18: {  	s0 =	sld [smem:$0x3F96];
	_ =	swait.ge [sflag:s4], $0x0  }
0x19: {  	s7 =	sld [smem:$0x3F97]  }
0x1a: {  	s8 =	sadd.s32 $0xFFFFE003, lr  }
0x1b: {  	s9 =	sadd.s32 $0xFFFFFEF7, lr;
	s5 =	simm.s32 $0xFFFFFFFF;
	p2 =	slt.u32 s8, $0xFFFFF086  }
0x1c: {  	p1 =	slt.u32 s9, $0xF7A;
	s5 =	simm.s32 @!p2 $0x0  }
0x1d: {  	s5 =	simm.s32 @p1 $0x1;
	p0 =	seq.s32 s7, s2  }
0x1e: {  	s7 =	smul.u32 @!p0 $0xF7A, s2;
	p2 =	seq.s32 @!p0 s5, $0x0  }
0x1f: {  	s9 =	smul.u32 $0xF7A, s1;
	s8 =	simm.s32 @!p0 $0x1BF5;
	p2 =	por !p2, p0  }
0x20: {  	[sflag:s8] =	ssyncset.s32 @!p0 $0xFFFFF086;
	s6 =	sadd.s32 @!p0 s3, s7;
	s7 =	simm.s32 @!p0 $0x108  }
0x21: {  	s3 =	sadd.s32 s3, s9;
	s6 =	sadd.s32 @!p0 $0x88, s6;
	s7 =	simm.s32 @p2 $0x1082  }
0x22: {  	[simem:s7], [sflag:s8] =	dma.local @!p0 [hbm:s6], $0xF7A  }
0x23: {  	s9 =	sor.u32 $0xD0000000, s2;
	s6 =	simm.s32 $0x108;
	_ =	swait.ge @!p0 [sflag:s8], $0x0  }
0x24: {  	s3 =	sadd.s32 $0x88, s3;
	s6 =	simm.s32 @!p1 $0x1082;
	[sflag:s4] =	ssyncset.s32 $0xFFFFF086  }
0x25: {  	[simem:s6], [sflag:s4] =	dma.local [hbm:s3], $0xF7A  }
0x26: {  	[smem:$0x3F97] =	sst s1;
	(tag) =	ssettag s2;
	_ =	strace s9  }
0x27: {  	s1 =	sld [smem:$0x3FA7]  }
0x28: {  	s2 =	sld [smem:$0x3FA8]  }
0x29: {  	s4 =	sld [smem:$0x3FAA]  }
0x2a: {  	p0 =	seq.s32 s5, $0x0;
	s5 =	sld [smem:$0x3FAB]  }
0x2b: {  	s6 =	sld [smem:$0x3FAC]  }
0x2c: {  	s7 =	sld [smem:$0x3FAD]  }
0x2d: {  	s3 =	simm.s32 $0x108;
	s8 =	sld [smem:$0x3FAE]  }
0x2e: {  	s3 =	simm.s32 @!p0 $0x1082;
	s9 =	sld [smem:$0x3FAF]  }
0x2f: {  	lr =	sadd.s32 s0, s3;
	s0 =	sld [smem:$0x3FA6]  }
0x30: {  	s3 =	sld [smem:$0x3FA9]  }
0x31: {  	[smem:$0x3FB2] =	sst s10  }
0x32: {  	s10 =	sld [smem:$0x3FB0];
	_ =	sdelay $0x3  }
0x33: {  	p0 =	seq.s32 s10, $0x1;
	s10 =	sld [smem:$0x3FB2];
	_ =	sdelay $0x3  }
0x34: {  	[smem:$0x3FB2] =	sst s10  }
0x35: {  	s10 =	sld [smem:$0x3FB1];
	_ =	sdelay $0x3  }
0x36: {  	p1 =	seq.s32 s10, $0x1;
	s10 =	sld [smem:$0x3FB2];
	_ =	sdelay $0x3  }
0x37: {  	[smem:$0x3FB2] =	sst s10  }
0x38: {  	s10 =	sld [smem:$0x3FB3]  }
0x39: {  	_ = 	snop;
	(pc) =	sbr.ind lr, $3  }
0x3a: {  	_ = 	snop  }
0x3b: {  	_ = 	snop  }
0x3c: {  	p2 =	seq.s32 s10, $0x1;
	s10 =	sld [smem:$0x3FB2]  }
0x3d: {  	_ =	shalt  }
0x3e: {  	_ =	shalt  }
0x3f: {  	_ =	shalt  }
0x40: {  	_ =	shalt  }
0x41: {  	_ =	shalt  }
0x42: {  	_ =	shalt  }
0x43: {  	_ =	shalt  }
0x44: {  	_ =	shalt  }
0x45: {  	_ =	shalt  }
0x46: {  	_ =	shalt  }
0x47: {  	_ =	shalt  }
0x48: {  	_ =	shalt  }
0x49: {  	_ =	shalt  }
0x4a: {  	_ =	shalt  }
0x4b: {  	_ =	shalt  }
0x4c: {  	_ =	shalt  }
0x4d: {  	_ =	shalt  }
0x4e: {  	_ =	shalt  }
0x4f: {  	_ =	shalt  }
0x50: {  	_ =	shalt  }
0x51: {  	_ =	shalt  }
0x52: {  	_ =	shalt  }
0x53: {  	_ =	shalt  }
0x54: {  	_ =	shalt  }
0x55: {  	_ =	shalt  }
0x56: {  	_ =	shalt  }
0x57: {  	_ =	shalt  }
0x58: {  	_ =	shalt  }
0x59: {  	_ =	shalt  }
0x5a: {  	_ =	shalt  }
0x5b: {  	_ =	shalt  }
0x5c: {  	_ =	shalt  }
0x5d: {  	_ =	shalt  }
0x5e: {  	_ =	shalt  }
0x5f: {  	_ =	shalt  }
0x60: {  	_ =	shalt  }
0x61: {  	_ =	shalt  }
0x62: {  	_ =	shalt  }
0x63: {  	_ =	shalt  }
0x64: {  	_ =	shalt  }
0x65: {  	_ =	shalt  }
0x66: {  	_ =	shalt  }
0x67: {  	_ =	shalt  }
0x68: {  	_ =	shalt  }
0x69: {  	_ =	shalt  }
0x6a: {  	_ =	shalt  }
0x6b: {  	_ =	shalt  }
0x6c: {  	_ =	shalt  }
0x6d: {  	_ =	shalt  }
0x6e: {  	_ =	shalt  }
0x6f: {  	_ =	shalt  }
0x70: {  	_ =	shalt  }
0x71: {  	_ =	shalt  }
0x72: {  	_ =	shalt  }
0x73: {  	_ =	shalt  }
0x74: {  	_ =	shalt  }
0x75: {  	_ =	shalt  }
0x76: {  	_ =	shalt  }
0x77: {  	_ =	shalt  }
0x78: {  	_ =	shalt  }
0x79: {  	_ =	shalt  }
0x7a: {  	_ =	shalt  }
0x7b: {  	_ =	shalt  }
0x7c: {  	_ =	shalt  }
0x7d: {  	_ =	shalt  }
0x7e: {  	_ =	shalt  }
0x7f: {  	_ =	shalt  }
0x80: {  	_ =	shalt  }
0x81: {  	_ =	shalt  }
0x82: {  	_ =	shalt  }
0x83: {  	_ =	shalt  }
0x84: {  	_ =	shalt  }
0x85: {  	_ =	shalt  }
0x86: {  	_ =	shalt  }
0x87: {  	_ =	shalt  }
.Lfunc_end0:
.L_simem_size_0:
called_computation_lowered:
.L_overlay_start_0:
0x88: {  	s2 =	sld [smem:$0x3FD9]  }
0x89: {  	s3 =	sld [smem:$0x3FFE];
	_ =	sdelay $0x1  }
0x8a: {  	s1 =	srdreg.scid  }
0x8b: {  	s0 =	sand.u32 $0x1, s1  }
0x8c: {  	s17 =	sshll.u32 s0, $0xA;
	s2 =	sadd.s32 s3, s2  }
0x8d: {  	s2 =	sadd.s32 s2, s17  }
0x8e: {  	[smem:$0x3FBE] =	sst s2  }
0x8f: {  	_ = 	snop  }
0x90: {  	s2 =	sld [smem:$0x3FD0];
	(tm) =	ssettm $0x1  }
0x91: {  	s18 =	sld [smem:$0x3FFB];
	_ =	sdelay $0x3  }
0x92: {  	_ =	strace s18  }
0x93: {  	s3 =	sld [smem:$0x3FFC];
	_ =	sdelay $0x3  }
0x94: {  	_ =	strace s3  }
0x95: {  	s3 =	sld [smem:$0x3FFD];
	_ =	sdelay $0x3  }
0x96: {  	_ =	strace s3  }
0x97: {  	_ =	strace $0x8FFFFFFF  }
0x98: {  	s19 =	sld [smem:$0x3FDB];
	_ =	sdelay $0x1  }
0x99: {  	s4 =	simm.s32 $_scs_section_size  }
0x9a: {  	s5 =	simm.s32 $_size__tile_overlayer_lowered;
	s6 =	simm.s32 $_tile_overlayer_lowered  }
0x9b: {  	s22 =	simm.s32 $0x1BFF;
	s21 =	sshll.u32 s6, $0x1;
	s3 =	sadd.s32 s4, s19  }
0x9c: {  	s7 =	simm.s32 $0x0;
	s20 =	sshll.u32 s5, $0x1;
	s5 =	sadd.s32 s21, s3  }
0x9d: {  	[timem:s7], [sflag:s22] =	dma.local [hbm:s5], s20  }
0x9e: {  	_ =	swait.ge [sflag:s22], s20  }
0x9f: {  	s4 =	ssub.s32 $0x0, s20;
	[sflag:s22] =	ssyncset.done $0x0  }
0xa0: {  	[sflag:s22] =	ssyncadd.s32 s4;
	_ =	sdelay $0x1  }
0xa1: {  	s23 =	simm.s32 $0x1B8B  }
0xa2: {  	_ =	swait.ge [sflag:s23], $0x1  }
0xa3: {  	[sflag:s23] =	ssyncset.done $0x0  }
0xa4: {  	s25 =	simm.s32 $0x1B8E;
	s24 =	sld [smem:$0x3FFE];
	[sflag:s23] =	ssyncadd.s32 $0xFFFFFFFF  }
0xa5: {  	s26 =	simm.s32 $execute0_lowered;
	[smem:$0x3FD2] =	sst s25  }
0xa6: {  	s5 =	sshll.u32 s26, $0x1;
	_ =	strace $0x80000046;
	[dreg:$0x1] =	wrdreg $0xFFFFFFFF  }
0xa7: {  	s28 =	simm.s32 $_size_execute0_lowered;
	s3 =	sadd.s32 s3, s5;
	[dreg:$0x0] =	wrdreg $0x0  }
0xa8: {  	s5 =	sshll.u32 s28, $0x1;
	[dreg:$0x2] =	wrdreg s3  }
0xa9: {  	[dreg:$0x3] =	wrdreg s5  }
0xaa: {  	[dreg:$0x4] =	wrdreg $0xC0  }
0xab: {  	_ =	task [dreg:s7], $0x5FFFF  }
0xac: {  	[dreg:$0x1] =	wrdreg $0xFFFFFFFF  }
0xad: {  	[dreg:$0x0] =	wrdreg $0x60  }
0xae: {  	[dreg:$0x2] =	wrdreg s24  }
0xaf: {  	[dreg:$0x3] =	wrdreg s2  }
0xb0: {  	[dreg:$0x4] =	wrdreg $0x70800  }
0xb1: {  	[dreg:$0x5] =	wrdreg $0x9  }
0xb2: {  	_ =	task.clear_ibuf [dreg:s7], $0x6FFFF;
	_ =	strace $0x90000046  }
0xb3: {  	s29 =	simm.s32 $0x9;
	_ =	strace $0x80000048  }
0xb4: {  	_ =	swait.ge [sflag:s29], $0x1  }
0xb5: {  	[sflag:s29] =	ssyncadd.s32 $0xFFFFFFFF  }
0xb6: {  	_ =	strace $0x90000048  }
0xb7: {  	_ =	sfence  }
0xb8: {  	s30 =	sld [smem:$0x0];
	_ =	sdelay $0x2  }
0xb9: {  	s31 =	sshll.u32 s1, $0xD;
	s1 =	sshrl.u32 s1, $0x2  }
0xba: {  	s3 =	sand.u32 $0x4000, s31;
	s1 =	sadd.s32 s1, s30  }
0xbb: {  	s0 =	sor.u32 s3, s0;
	s1 =	sshll.u32 s1, $0x11  }
0xbc: {  	s0 =	sor.u32 s1, s0  }
0xbd: {  	s0 =	sadd.s32 $0x8F2B, s0  }
0xbe: {  	[sflag:s0] =	ssyncadd.remote.s32 $0x1  }
0xbf: {  	_ =	sfence.sel $0xFFFF  }
0xc0: {  	[dreg:$0x0] =	wrdreg $0xFFFFFFFF;
	(pc) =	sbr.abs _section_cstart, $3  }
0xc1: {  	[dreg:$0x1] =	wrdreg $0xFFFFFFFF  }
0xc2: {  	_ =	task.clear_ibuf [dreg:s7], $0x2FFFF;
	_ =	strace $0x9FFFFFFF  }
0xc3: {  	(tm) =	ssettm $0x7FFFFFFF  }
tec
execute0_lowered:
.L_overlay_start_1:
0x0: {  	(tag) =	ssettag $0x1  }
0x1: {  	s0 =	rddreg [dreg:$0x0]  }
0x2: {  	s1 =	rddreg [dreg:$0x1]  }
0x3: {  	s2 =	rddreg [dreg:$0x2]  }
0x4: {  	s3 =	srdreg.scid;
	s4 =	simm.s32 $0x0;
	s12 =	stileid.u32  }
0x5: {  	s19 =	simm.s32 $0x7000;
	s20 =	simm.s32 $0x1;
	s21 =	simm.s32 $0x2800  }
0x6: {  	s22 =	simm.s32 $0x5000;
	s23 =	simm.s32 $0x5800;
	s24 =	simm.s32 $0x80  }
0x7: {  	s25 =	simm.s32 $0x6000;
	s26 =	simm.s32 $0x6800;
	s28 =	simm.s32 $0x0  }
0x8: {  	s3 =	sand.u32 $0x1, s3;
	[smem:$0x7FF] =	sst s4;
	s8 =	smul.u32 $0x280, s12  }
0x9: {  	s5 =	sadd.s32 $0x54C00, s0;
	s7 =	sadd.s32 $0x73600, s0;
	s9 =	smul.u32 $0x2800, s3  }
0xa: {  	_ =	strace $0x80000047;
	s11 =	ssub.s32 $0x2, s3;
	s3 =	smul.u32 $0xA00, s3  }
0xb: {  	s29 =	sshrl.u32 s11, $0x1;
	s6 =	sshrl.u32 s9, $0x3;
	s10 =	sadd.s32 s8, s9  }
0xc: {  	s8 =	sadd.s32 s8, s2;
	s18 =	ssub.s32 s11, s29;
	s15 =	sadd.s32 s6, s0  }
0xd: {  	s6 =	sadd.s32 $0x5F600, s0;
	s10 =	sshrl.u32 s10, $0x3;
	s30 =	sadd.s32 $0x80, s8  }
0xe: {  	s31 =	sadd.s32 $0x100, s8;
	s13 =	sadd.s32 $0x200, s8;
	s18 =	smax.u32 s18, $0x1  }
0xf: {  	s0 =	sadd.s32 s10, s0;
	[dreg:$0x4] =	wrdreg s30;
	s10 =	smul.u32 $0xA0, s12  }
0x10: {  	[dreg:$0x5] =	wrdreg s31;
	s12 =	sadd.s32 $0x180, s8;
	s14 =	sadd.s32 $0x53800, s15  }
0x11: {  	v1 =	vimm.f32 $0.0e+00;
	v0 =	vmov s9;
	s15 =	sadd.s32 $0x54200, s15;
	s17 =	sadd.s32 $0x5EC00, s0;
	s16 =	sadd.s32 s10, s3  }
.LBB2_1:
0x12: {  	[tilespmem:$0x7000] =	vst v1  }
0x13: {  	[tilespmem:$0x7010] =	vst v1  }
0x14: {  	[tilespmem:$0x7020] =	vst v1  }
0x15: {  	[tilespmem:$0x7030] =	vst v1  }
0x16: {  	[tilespmem:$0x7040] =	vst v1  }
0x17: {  	[tilespmem:$0x7050] =	vst v1  }
0x18: {  	[tilespmem:$0x7060] =	vst v1  }
0x19: {  	[tilespmem:$0x7070] =	vst v1  }
0x1a: {  	[spmem:s8] =	stream.linear.scatter [tilespmem:s19], [sflag:$0x1], $0x80, $0x38;
	[tilespmem:$0x7300] =	vst v63  }
0x1b: {  	_ =	swait.ge [sflag:s20], $0x80  }
0x1c: {  	[sflag:s20] =	ssyncset.done $0x0  }
0x1d: {  	s0 =	rddreg [dreg:$0x4];
	[sflag:s20] =	ssyncadd.s32 $0xFFFFFF80  }
0x1e: {  	[spmem:s0] =	stream.linear.scatter [tilespmem:s19], [sflag:$0x1], $0x80, $0x38;
	[tilespmem:$0x7300] =	vst v63  }
0x1f: {  	_ =	swait.ge [sflag:s20], $0x80  }
0x20: {  	[sflag:s20] =	ssyncset.done $0x0  }
0x21: {  	s31 =	rddreg [dreg:$0x5];
	[sflag:s20] =	ssyncadd.s32 $0xFFFFFF80  }
0x22: {  	[spmem:s31] =	stream.linear.scatter [tilespmem:s19], [sflag:$0x1], $0x80, $0x38;
	[tilespmem:$0x7300] =	vst v63  }
0x23: {  	_ =	swait.ge [sflag:s20], $0x80  }
0x24: {  	[sflag:s20] =	ssyncset.done $0x0  }
0x25: {  	[sflag:s20] =	ssyncadd.s32 $0xFFFFFF80  }
0x26: {  	[spmem:s12] =	stream.linear.scatter [tilespmem:s19], [sflag:$0x1], $0x80, $0x38;
	[tilespmem:$0x7300] =	vst v63  }
0x27: {  	_ =	swait.ge [sflag:s20], $0x80  }
0x28: {  	[sflag:s20] =	ssyncset.done $0x0  }
0x29: {  	[sflag:s20] =	ssyncadd.s32 $0xFFFFFF80  }
0x2a: {  	[spmem:s13] =	stream.linear.scatter [tilespmem:s19], [sflag:$0x1], $0x80, $0x38;
	[tilespmem:$0x7300] =	vst v63  }
0x2b: {  	_ =	swait.ge [sflag:s20], $0x80  }
0x2c: {  	[sflag:s20] =	ssyncset.done $0x0  }
0x2d: {  	[sflag:s20] =	ssyncadd.s32 $0xFFFFFF80  }
0x2e: {  	[tilespmem:s4], [sflag:$0x1] =	stream.linear.gather [hbm4b:s14+s4], $0x2800, $0x38;
	[tilespmem:$0x7300] =	vst v63  }
0x2f: {  	_ =	swait.ge [sflag:s20], $0x2800  }
0x30: {  	[sflag:s20] =	ssyncset.done $0x0  }
0x31: {  	[sflag:s20] =	ssyncadd.s32 $0xFFFFD800  }
0x32: {  	[tilespmem:s21], [sflag:$0x1] =	stream.linear.gather [hbm4b:s15+s4], $0x2800, $0x38;
	[tilespmem:$0x7300] =	vst v63  }
0x33: {  	_ =	swait.ge [sflag:s20], $0x2800  }
0x34: {  	[sflag:s20] =	ssyncset.done $0x0  }
0x35: {  	[sflag:s20] =	ssyncadd.s32 $0xFFFFD800  }
0x36: {  	s29 =	simm.s32 $0x0;
	[bflag:$0x0] =	sbarrier.arrive $0xFFFF  }
.LBB2_2:
0x37: {  	s30 =	sshll.u32 s29, $0x4  }
0x38: {  	s0 =	sadd.s32 s10, s30  }
0x39: {  	s0 =	sshll.u32 s0, $0x4  }
0x3a: {  	s9 =	simm.s32 $0x0;
	s3 =	sadd.s32 s5, s0  }
0x3b: {  	[tilespmem:s22], [sflag:$0x1] =	stream.linear.gather [hbm4b:s3+s9], $0x800, $0x38;
	[tilespmem:$0x7300] =	vst v63  }
0x3c: {  	_ =	swait.ge [sflag:s20], $0x800  }
0x3d: {  	[sflag:s20] =	ssyncset.done $0x0  }
0x3e: {  	s0 =	sadd.s32 s1, s0;
	[sflag:s20] =	ssyncadd.s32 $0xFFFFF800  }
0x3f: {  	[tilespmem:s23], [sflag:$0x1] =	stream.linear.gather [hbm4b:s0+s9], $0x800, $0x38;
	[tilespmem:$0x7300] =	vst v63  }
0x40: {  	_ =	swait.ge [sflag:s20], $0x800  }
0x41: {  	[sflag:s20] =	ssyncset.done $0x0  }
0x42: {  	s31 =	simm.s32 $0x0;
	[sflag:s20] =	ssyncadd.s32 $0xFFFFF800  }
0x43: {  	v2 =	vld [tilespmem:s31+$0x5000]  }
0x44: {  	v3 =	vld [tilespmem:s31+$0x5800];
	_ =	sdelay $0x6  }
0x45: {  	v4 =	vld.idx.msk [tilespmem:v2+s4+$0x0], $0xffff  }
0x46: {  	v3 =	vld.idx.msk [tilespmem:v3+s21+$0x0], $0xffff;
	_ =	sdelay $0x4  }
0x47: {  	v3 =	vadd.f32 v3, v4;
	_ =	sdelay $0x1  }
0x48: {  	v4 =	vmul.f32 $2.000000030e-01, v3  }
0x49: {  	vm0 =	vgt.f32 v3, $0.0e+00  }
0x4a: {  	v3 =	vsel vm0, v3, v4  }
0x4b: {  	v3 =	vmul.f32 $1.442695020e+00, v3;
	_ =	sdelay $0x1  }
0x4c: {  	(erf) = vpow2.f32 v3;
	_ =	sdelay $0x2  }
0x4d: {  	v3 =	vld [tilespmem:s31+$0x5010]  }
0x4e: {  	v57 =	vld [tilespmem:s31+$0x5810];
	_ =	sdelay $0x1  }
0x4f: {  	v2 =	vadd.s32 v0, v2;
	_ =	sdelay $0x2  }
0x50: {  	[tilespmem:s31+$0x6800] =	vst v2;
	v2 =	vpop (erf)  }
0x51: {  	[tilespmem:s31+$0x6000] =	vst v2  }
0x52: {  	v2 =	vld.idx.msk [tilespmem:v3+s4+$0x0], $0xffff  }
0x53: {  	v4 =	vld.idx.msk [tilespmem:v57+s21+$0x0], $0xffff;
	_ =	sdelay $0x4  }
0x54: {  	v2 =	vadd.f32 v4, v2;
	_ =	sdelay $0x1  }
0x55: {  	v4 =	vmul.f32 $2.000000030e-01, v2  }
0x56: {  	vm9 =	vgt.f32 v2, $0.0e+00  }
0x57: {  	v2 =	vsel vm9, v2, v4  }
0x58: {  	v2 =	vmul.f32 $1.442695020e+00, v2;
	_ =	sdelay $0x1  }
0x59: {  	(erf) = vpow2.f32 v2;
	_ =	sdelay $0x2  }
0x5a: {  	v2 =	vld [tilespmem:s31+$0x5020]  }
0x5b: {  	v58 =	vld [tilespmem:s31+$0x5820];
	_ =	sdelay $0x1  }
0x5c: {  	v3 =	vadd.s32 v0, v3;
	_ =	sdelay $0x2  }
0x5d: {  	[tilespmem:s31+$0x6810] =	vst v3;
	v3 =	vpop (erf)  }
0x5e: {  	[tilespmem:s31+$0x6010] =	vst v3  }
0x5f: {  	v3 =	vld.idx.msk [tilespmem:v2+s4+$0x0], $0xffff  }
0x60: {  	v4 =	vld.idx.msk [tilespmem:v58+s21+$0x0], $0xffff;
	_ =	sdelay $0x4  }
0x61: {  	v3 =	vadd.f32 v4, v3;
	_ =	sdelay $0x1  }
0x62: {  	v4 =	vmul.f32 $2.000000030e-01, v3  }
0x63: {  	vm10 =	vgt.f32 v3, $0.0e+00  }
0x64: {  	v3 =	vsel vm10, v3, v4  }
0x65: {  	v3 =	vmul.f32 $1.442695020e+00, v3;
	_ =	sdelay $0x1  }
0x66: {  	(erf) = vpow2.f32 v3;
	_ =	sdelay $0x2  }
0x67: {  	v3 =	vld [tilespmem:s31+$0x5030]  }
0x68: {  	v59 =	vld [tilespmem:s31+$0x5830];
	_ =	sdelay $0x1  }
0x69: {  	v2 =	vadd.s32 v0, v2;
	_ =	sdelay $0x2  }
0x6a: {  	[tilespmem:s31+$0x6820] =	vst v2;
	v2 =	vpop (erf)  }
0x6b: {  	[tilespmem:s31+$0x6020] =	vst v2  }
0x6c: {  	v2 =	vld.idx.msk [tilespmem:v3+s4+$0x0], $0xffff  }
0x6d: {  	v4 =	vld.idx.msk [tilespmem:v59+s21+$0x0], $0xffff;
	_ =	sdelay $0x4  }
0x6e: {  	v2 =	vadd.f32 v4, v2;
	_ =	sdelay $0x1  }
0x6f: {  	v4 =	vmul.f32 $2.000000030e-01, v2  }
0x70: {  	vm11 =	vgt.f32 v2, $0.0e+00  }
0x71: {  	v2 =	vsel vm11, v2, v4  }
0x72: {  	v2 =	vmul.f32 $1.442695020e+00, v2;
	_ =	sdelay $0x1  }
0x73: {  	(erf) = vpow2.f32 v2;
	_ =	sdelay $0x2  }
0x74: {  	v2 =	vld [tilespmem:s31+$0x5040]  }
0x75: {  	v60 =	vld [tilespmem:s31+$0x5840];
	_ =	sdelay $0x1  }
0x76: {  	v3 =	vadd.s32 v0, v3;
	_ =	sdelay $0x2  }
0x77: {  	[tilespmem:s31+$0x6830] =	vst v3;
	v3 =	vpop (erf)  }
0x78: {  	[tilespmem:s31+$0x6030] =	vst v3  }
0x79: {  	v3 =	vld.idx.msk [tilespmem:v2+s4+$0x0], $0xffff  }
0x7a: {  	v4 =	vld.idx.msk [tilespmem:v60+s21+$0x0], $0xffff;
	_ =	sdelay $0x4  }
0x7b: {  	v3 =	vadd.f32 v4, v3;
	_ =	sdelay $0x1  }
0x7c: {  	v4 =	vmul.f32 $2.000000030e-01, v3  }
0x7d: {  	vm12 =	vgt.f32 v3, $0.0e+00  }
0x7e: {  	v3 =	vsel vm12, v3, v4  }
0x7f: {  	v3 =	vmul.f32 $1.442695020e+00, v3;
	_ =	sdelay $0x1  }
0x80: {  	(erf) = vpow2.f32 v3;
	_ =	sdelay $0x1  }
0x81: {  	v2 =	vadd.s32 v0, v2  }
0x82: {  	[tilespmem:s31+$0x6840] =	vst v2;
	v2 =	vld [tilespmem:s31+$0x5050]  }
0x83: {  	v3 =	vld [tilespmem:s31+$0x5850];
	_ =	sdelay $0x4  }
0x84: {  	v61 =	vpop (erf)  }
0x85: {  	[tilespmem:s31+$0x6040] =	vst v61  }
0x86: {  	v4 =	vld.idx.msk [tilespmem:v2+s4+$0x0], $0xffff  }
0x87: {  	v3 =	vld.idx.msk [tilespmem:v3+s21+$0x0], $0xffff;
	_ =	sdelay $0x4  }
0x88: {  	v3 =	vadd.f32 v3, v4;
	_ =	sdelay $0x1  }
0x89: {  	v4 =	vmul.f32 $2.000000030e-01, v3  }
0x8a: {  	vm13 =	vgt.f32 v3, $0.0e+00  }
0x8b: {  	v3 =	vsel vm13, v3, v4  }
0x8c: {  	v3 =	vmul.f32 $1.442695020e+00, v3;
	_ =	sdelay $0x1  }
0x8d: {  	(erf) = vpow2.f32 v3;
	_ =	sdelay $0x1  }
0x8e: {  	v2 =	vadd.s32 v0, v2  }
0x8f: {  	[tilespmem:s31+$0x6850] =	vst v2;
	v2 =	vld [tilespmem:s31+$0x5060]  }
0x90: {  	v3 =	vld [tilespmem:s31+$0x5860];
	_ =	sdelay $0x4  }
0x91: {  	v62 =	vpop (erf)  }
0x92: {  	[tilespmem:s31+$0x6050] =	vst v62  }
0x93: {  	v4 =	vld.idx.msk [tilespmem:v2+s4+$0x0], $0xffff  }
0x94: {  	v3 =	vld.idx.msk [tilespmem:v3+s21+$0x0], $0xffff;
	_ =	sdelay $0x4  }
0x95: {  	v3 =	vadd.f32 v3, v4;
	_ =	sdelay $0x1  }
0x96: {  	v4 =	vmul.f32 $2.000000030e-01, v3  }
0x97: {  	vm14 =	vgt.f32 v3, $0.0e+00  }
0x98: {  	v3 =	vsel vm14, v3, v4  }
0x99: {  	v3 =	vmul.f32 $1.442695020e+00, v3;
	_ =	sdelay $0x1  }
0x9a: {  	(erf) = vpow2.f32 v3;
	_ =	sdelay $0x1  }
0x9b: {  	v2 =	vadd.s32 v0, v2  }
0x9c: {  	[tilespmem:s31+$0x6860] =	vst v2;
	v2 =	vld [tilespmem:s31+$0x5070]  }
0x9d: {  	v3 =	vld [tilespmem:s31+$0x5870];
	_ =	sdelay $0x4  }
0x9e: {  	v63 =	vpop (erf)  }
0x9f: {  	[tilespmem:s31+$0x6060] =	vst v63  }
0xa0: {  	v4 =	vld.idx.msk [tilespmem:v2+s4+$0x0], $0xffff  }
0xa1: {  	v3 =	vld.idx.msk [tilespmem:v3+s21+$0x0], $0xffff;
	_ =	sdelay $0x4  }
0xa2: {  	v3 =	vadd.f32 v3, v4;
	_ =	sdelay $0x1  }
0xa3: {  	v4 =	vmul.f32 $2.000000030e-01, v3  }
0xa4: {  	vm15 =	vgt.f32 v3, $0.0e+00  }
0xa5: {  	v3 =	vsel vm15, v3, v4  }
0xa6: {  	v3 =	vmul.f32 $1.442695020e+00, v3;
	_ =	sdelay $0x1  }
0xa7: {  	(erf) = vpow2.f32 v3  }
0xa8: {  	v2 =	vadd.s32 v0, v2  }
0xa9: {  	s3 =	simm.s32 $0x5800;
	s0 =	simm.s32 $0x200;
	s9 =	simm.s32 $0x6000;
	[tilespmem:s31+$0x6870] =	vst v2  }
.LBB2_3:
0xaa: {  	_ =	sdelay $0x2  }
0xab: {  	p0 =	sne.s32 s0, $0x1E00;
	s11 =	smov.u32 s0;
	s0 =	sadd.s32 $0x200, s0  }
0xac: {  	_ =	sdelay $0x1  }
0xad: {  	v2 =	vpop (erf)  }
0xae: {  	[tilespmem:s31+$0x6070] =	vst v2  }
0xaf: {  	[spmem:s2] =	stream.indirect.scatter.add.f32 [tilespmem:s9], [sflag:$0x1], $0x1, s3, s24, $0xb8;
	[tilespmem:$0x7300] =	vst v63  }
0xb0: {  	_ =	swait.ge [sflag:s20], $0x80  }
0xb1: {  	[sflag:s20] =	ssyncset.done $0x0  }
0xb2: {  	s31 =	sshra.s32 s11, $0x2;
	[sflag:s20] =	ssyncadd.s32 $0xFFFFFF80  }
0xb3: {  	v2 =	vld [tilespmem:s31+$0x5000]  }
0xb4: {  	v3 =	vld [tilespmem:s31+$0x5800];
	_ =	sdelay $0x6  }
0xb5: {  	v4 =	vld.idx.msk [tilespmem:v2+s4+$0x0], $0xffff  }
0xb6: {  	v3 =	vld.idx.msk [tilespmem:v3+s21+$0x0], $0xffff;
	_ =	sdelay $0x5  }
0xb7: {  	v3 =	vadd.f32 v3, v4;
	_ =	sdelay $0x1  }
0xb8: {  	vm0 =	vgt.f32 v3, $0.0e+00;
	v4 =	vmul.f32 $2.000000030e-01, v3;
	_ =	sdelay $0x1  }
0xb9: {  	v3 =	vsel vm0, v3, v4  }
0xba: {  	v3 =	vmul.f32 $1.442695020e+00, v3;
	_ =	sdelay $0x1  }
0xbb: {  	(erf) = vpow2.f32 v3;
	_ =	sdelay $0x1  }
0xbc: {  	v3 =	vld [tilespmem:s31+$0x5810]  }
0xbd: {  	v4 =	vld [tilespmem:s31+$0x5010];
	_ =	sdelay $0x4  }
0xbe: {  	v5 =	vadd.s32 v0, v2  }
0xbf: {  	[tilespmem:s31+$0x6800] =	vst v5;
	v2 =	vpop (erf)  }
0xc0: {  	[tilespmem:s31+$0x6000] =	vst v2  }
0xc1: {  	v2 =	vld.idx.msk [tilespmem:v4+s4+$0x0], $0xffff  }
0xc2: {  	v3 =	vld.idx.msk [tilespmem:v3+s21+$0x0], $0xffff;
	_ =	sdelay $0x5  }
0xc3: {  	v2 =	vadd.f32 v3, v2;
	_ =	sdelay $0x1  }
0xc4: {  	vm0 =	vgt.f32 v2, $0.0e+00;
	v3 =	vmul.f32 $2.000000030e-01, v2;
	_ =	sdelay $0x1  }
0xc5: {  	v2 =	vsel vm0, v2, v3  }
0xc6: {  	v2 =	vmul.f32 $1.442695020e+00, v2;
	_ =	sdelay $0x1  }
0xc7: {  	(erf) = vpow2.f32 v2;
	_ =	sdelay $0x1  }
0xc8: {  	v2 =	vld [tilespmem:s31+$0x5820]  }
0xc9: {  	v3 =	vld [tilespmem:s31+$0x5020];
	_ =	sdelay $0x4  }
0xca: {  	v5 =	vadd.s32 v0, v4  }
0xcb: {  	[tilespmem:s31+$0x6810] =	vst v5;
	v4 =	vpop (erf)  }
0xcc: {  	[tilespmem:s31+$0x6010] =	vst v4  }
0xcd: {  	v4 =	vld.idx.msk [tilespmem:v3+s4+$0x0], $0xffff  }
0xce: {  	v2 =	vld.idx.msk [tilespmem:v2+s21+$0x0], $0xffff;
	_ =	sdelay $0x5  }
0xcf: {  	v2 =	vadd.f32 v2, v4;
	_ =	sdelay $0x1  }
0xd0: {  	vm0 =	vgt.f32 v2, $0.0e+00;
	v4 =	vmul.f32 $2.000000030e-01, v2;
	_ =	sdelay $0x1  }
0xd1: {  	v2 =	vsel vm0, v2, v4  }
0xd2: {  	v2 =	vmul.f32 $1.442695020e+00, v2;
	_ =	sdelay $0x1  }
0xd3: {  	(erf) = vpow2.f32 v2;
	_ =	sdelay $0x1  }
0xd4: {  	v2 =	vld [tilespmem:s31+$0x5830]  }
0xd5: {  	v4 =	vld [tilespmem:s31+$0x5030];
	_ =	sdelay $0x4  }
0xd6: {  	v5 =	vadd.s32 v0, v3  }
0xd7: {  	[tilespmem:s31+$0x6820] =	vst v5;
	v3 =	vpop (erf)  }
0xd8: {  	[tilespmem:s31+$0x6020] =	vst v3  }
0xd9: {  	v3 =	vld.idx.msk [tilespmem:v4+s4+$0x0], $0xffff  }
0xda: {  	v2 =	vld.idx.msk [tilespmem:v2+s21+$0x0], $0xffff;
	_ =	sdelay $0x5  }
0xdb: {  	v2 =	vadd.f32 v2, v3;
	_ =	sdelay $0x1  }
0xdc: {  	vm0 =	vgt.f32 v2, $0.0e+00;
	v3 =	vmul.f32 $2.000000030e-01, v2;
	_ =	sdelay $0x1  }
0xdd: {  	v2 =	vsel vm0, v2, v3  }
0xde: {  	v2 =	vmul.f32 $1.442695020e+00, v2;
	_ =	sdelay $0x1  }
0xdf: {  	(erf) = vpow2.f32 v2;
	_ =	sdelay $0x1  }
0xe0: {  	v2 =	vld [tilespmem:s31+$0x5840]  }
0xe1: {  	v3 =	vld [tilespmem:s31+$0x5040];
	_ =	sdelay $0x4  }
0xe2: {  	v5 =	vadd.s32 v0, v4  }
0xe3: {  	[tilespmem:s31+$0x6830] =	vst v5;
	v4 =	vpop (erf)  }
0xe4: {  	[tilespmem:s31+$0x6030] =	vst v4  }
0xe5: {  	v4 =	vld.idx.msk [tilespmem:v3+s4+$0x0], $0xffff  }
0xe6: {  	v3 =	vadd.s32 v0, v3;
	v2 =	vld.idx.msk [tilespmem:v2+s21+$0x0], $0xffff  }
0xe7: {  	[tilespmem:s31+$0x6840] =	vst v3;
	_ =	sdelay $0x4  }
0xe8: {  	v2 =	vadd.f32 v2, v4;
	_ =	sdelay $0x1  }
0xe9: {  	vm0 =	vgt.f32 v2, $0.0e+00;
	v3 =	vmul.f32 $2.000000030e-01, v2;
	_ =	sdelay $0x1  }
0xea: {  	v2 =	vsel vm0, v2, v3  }
0xeb: {  	v2 =	vmul.f32 $1.442695020e+00, v2;
	_ =	sdelay $0x1  }
0xec: {  	(erf) = vpow2.f32 v2;
	_ =	sdelay $0x1  }
0xed: {  	v2 =	vld [tilespmem:s31+$0x5850]  }
0xee: {  	v3 =	vld [tilespmem:s31+$0x5050];
	_ =	sdelay $0x5  }
0xef: {  	v4 =	vpop (erf)  }
0xf0: {  	[tilespmem:s31+$0x6040] =	vst v4  }
0xf1: {  	v4 =	vld.idx.msk [tilespmem:v3+s4+$0x0], $0xffff  }
0xf2: {  	v3 =	vadd.s32 v0, v3;
	v2 =	vld.idx.msk [tilespmem:v2+s21+$0x0], $0xffff  }
0xf3: {  	[tilespmem:s31+$0x6850] =	vst v3;
	_ =	sdelay $0x4  }
0xf4: {  	v2 =	vadd.f32 v2, v4;
	_ =	sdelay $0x1  }
0xf5: {  	vm0 =	vgt.f32 v2, $0.0e+00;
	v3 =	vmul.f32 $2.000000030e-01, v2;
	_ =	sdelay $0x1  }
0xf6: {  	v2 =	vsel vm0, v2, v3  }
0xf7: {  	v2 =	vmul.f32 $1.442695020e+00, v2;
	_ =	sdelay $0x1  }
0xf8: {  	(erf) = vpow2.f32 v2;
	_ =	sdelay $0x1  }
0xf9: {  	v2 =	vld [tilespmem:s31+$0x5860]  }
0xfa: {  	v3 =	vld [tilespmem:s31+$0x5060];
	_ =	sdelay $0x5  }
0xfb: {  	v4 =	vpop (erf)  }
0xfc: {  	[tilespmem:s31+$0x6050] =	vst v4  }
0xfd: {  	v4 =	vld.idx.msk [tilespmem:v3+s4+$0x0], $0xffff  }
0xfe: {  	v3 =	vadd.s32 v0, v3;
	v2 =	vld.idx.msk [tilespmem:v2+s21+$0x0], $0xffff  }
0xff: {  	[tilespmem:s31+$0x6860] =	vst v3;
	_ =	sdelay $0x4  }
0x100: {  	v2 =	vadd.f32 v2, v4;
	_ =	sdelay $0x1  }
0x101: {  	vm0 =	vgt.f32 v2, $0.0e+00;
	v3 =	vmul.f32 $2.000000030e-01, v2;
	_ =	sdelay $0x1  }
0x102: {  	v2 =	vsel vm0, v2, v3  }
0x103: {  	v2 =	vmul.f32 $1.442695020e+00, v2;
	_ =	sdelay $0x1  }
0x104: {  	(erf) = vpow2.f32 v2;
	_ =	sdelay $0x1  }
0x105: {  	v2 =	vld [tilespmem:s31+$0x5870]  }
0x106: {  	v3 =	vld [tilespmem:s31+$0x5070];
	_ =	sdelay $0x5  }
0x107: {  	v4 =	vpop (erf)  }
0x108: {  	[tilespmem:s31+$0x6060] =	vst v4  }
0x109: {  	v4 =	vld.idx.msk [tilespmem:v3+s4+$0x0], $0xffff  }
0x10a: {  	v3 =	vadd.s32 v0, v3;
	v2 =	vld.idx.msk [tilespmem:v2+s21+$0x0], $0xffff  }
0x10b: {  	[tilespmem:s31+$0x6870] =	vst v3;
	_ =	sdelay $0x4  }
0x10c: {  	v2 =	vadd.f32 v2, v4;
	_ =	sdelay $0x1  }
0x10d: {  	vm0 =	vgt.f32 v2, $0.0e+00;
	v3 =	vmul.f32 $2.000000030e-01, v2;
	_ =	sdelay $0x1  }
0x10e: {  	v2 =	vsel vm0, v2, v3  }
.Ltmp0:
0x10f: {  	v2 =	vmul.f32 $1.442695020e+00, v2;
	(pc) =	sbr.rel @p0 .LBB2_3-.Ltmp0, $3  }
0x110: {  	_ = 	snop  }
0x111: {  	(erf) = vpow2.f32 v2;
	_ =	sdelay $0x1  }
0x112: {  	s3 =	sadd.s32 $0x5800, s31;
	s9 =	sadd.s32 $0x6000, s31  }
0x113: {  	_ =	sdelay $0x5  }
0x114: {  	v2 =	vpop (erf)  }
0x115: {  	[tilespmem:s31+$0x6070] =	vst v2  }
0x116: {  	[spmem:s2] =	stream.indirect.scatter.add.f32 [tilespmem:s9], [sflag:$0x1], $0x1, s3, s24, $0xb8;
	[tilespmem:$0x7300] =	vst v63  }
0x117: {  	s0 =	sadd.s32 s30, s16;
	_ =	swait.ge [sflag:s20], $0x80  }
0x118: {  	s0 =	sshll.u32 s0, $0x4;
	[sflag:s20] =	ssyncset.done $0x0  }
0x119: {  	s31 =	sadd.s32 s6, s0;
	[sflag:s20] =	ssyncadd.s32 $0xFFFFFF80  }
0x11a: {  	[hbm4b:s31+s4] =	stream.linear.scatter [tilespmem:s25], [sflag:$0x1], $0x800, $0x38;
	[tilespmem:$0x7300] =	vst v63  }
0x11b: {  	s29 =	sadd.s32 $0x1, s29;
	_ =	swait.ge [sflag:s20], $0x800  }
0x11c: {  	p0 =	sne.s32 s29, $0xA;
	[sflag:s20] =	ssyncset.done $0x0  }
.Ltmp1:
0x11d: {  	s0 =	sadd.s32 s7, s0;
	[sflag:s20] =	ssyncadd.s32 $0xFFFFF800;
	(pc) =	sbr.rel @p0 .LBB2_2-.Ltmp1, $4  }
0x11e: {  	[hbm4b:s0+s4] =	stream.linear.scatter [tilespmem:s26], [sflag:$0x1], $0x800, $0x38;
	[tilespmem:$0x7300] =	vst v63  }
0x11f: {  	_ =	swait.ge [sflag:s20], $0x800  }
0x120: {  	[sflag:s20] =	ssyncset.done $0x0  }
0x121: {  	[sflag:s20] =	ssyncadd.s32 $0xFFFFF800  }
0x122: {  	s0 =	stileid.u32;
	s28 =	sadd.s32 $0x1, s28  }
0x123: {  	[bflag:$0x0] =	sbarrier.arrive $0xFFFF;
	s0 =	sshll.u32 s0, $0x6;
	p0 =	sne.s32 s28, s18  }
.Ltmp2:
0x124: {  	s3 =	sshrl.u32 s8, $0x3;
	s0 =	sor.u32 $0x1C01, s0;
	(pc) =	sbr.rel @p0 .LBB2_1-.Ltmp2, $4  }
0x125: {  	[hbm:s17], [sflag:s0] =	dma.local [spmem:s3], $0x50  }
0x126: {  	_ =	swait.ge [sflag:s20], $0x50  }
0x127: {  	[sflag:s20] =	ssyncset.done $0x0  }
0x128: {  	[sflag:s20] =	ssyncadd.s32 $0xFFFFFFB0  }
0x129: {  	_ =	sfence.sel $0x180000  }
0x12a: {  	[bflag:$0x0] =	sbarrier.arrive $0xFFFF  }
0x12b: {  	_ =	strace $0x90000047  }
0x12c: {  	s0 =	stileid.u32;
	[bflag:$0x2] =	sbarrier.arrive $0xFFFF  }
0x12d: {  	p0 =	sne.s32 s0, $0x0;
	s0 =	rddreg [dreg:$0x3]  }
0x12e: {  	s0 =	sadd.s32 @!p0 $0x100000, s0  }
0x12f: {  	[sflag:s0] =	ssyncadd.tile.s32 @!p0 $0x1;
	_ =	shalt  }
.Lfunc_end2:
_tile_overlayer_lowered:
.L_overlay_start_2:
0x130: {  	(tag) =	ssettag $0x2  }
0x131: {  	s0 =	rddreg [dreg:$0x0];
	s2 =	stileid.u32  }
0x132: {  	s1 =	rddreg [dreg:$0x1];
	p0 =	sne.s32 s2, $0x0  }
0x133: {  	s3 =	rddreg [dreg:$0x2];
	[bflag:$0x3] =	sbarrier.arrive $0xFFFF;
	s2 =	simm.s32 @!p0 $0x1C01  }
0x134: {  	[timem:s3], [sflag:s2] =	dma.local @!p0 [hbm:s0], s1  }
0x135: {  	s0 =	simm.s32 @!p0 $0x1  }
0x136: {  	_ =	swait.ge @!p0 [sflag:s0], s1  }
0x137: {  	s1 =	ssub.s32 @!p0 $0x0, s1;
	[sflag:s0] =	ssyncset.done @!p0 $0x0  }
0x138: {  	[sflag:s0] =	ssyncadd.s32 @!p0 s1  }
0x139: {  	[bflag:$0x3] =	sbarrier.arrive $0xFFFF  }
0x13a: {  	_ =	shalt  }

</sc_bundles>
